<compile_context>
chip_gen: v7x
topology: tpu7x:2x2x1
jax: 0.10.2.dev20260603
libtpu: 0.0.44.dev20260713+nightly
codegen_flags: <defaults>
</compile_context>

<pallas_src>
import jax
import jax.numpy as jnp
from jax import lax
from jax.experimental import pallas as pl
from jax.experimental.pallas import tpu as pltpu
from jax.experimental.pallas import tpu_sc as plsc

N = 10000
E = 320000
D = 128
H = 64
O = 2

NC = 2
NS = 16
NW = NC * NS
EPW = E // NW
C = 80
NCH = EPW // C
NP = 10240
RPT = NP // NS
ZB = 128

_f32 = jnp.float32


def _seg_kernel(width):
    mesh = plsc.VectorSubcoreMesh(core_axis_name="c", subcore_axis_name="s")
    gpr = width // 16

    def body(p_hbm, src_hbm, dst_hbm, out_hbm, idx_s, idx_d, rows, zbuf, table,
             isem, gsem, ssem):
        c = lax.axis_index("c")
        s = lax.axis_index("s")
        wid = c * NS + s

        pltpu.async_copy(src_hbm.at[wid], idx_s, isem)
        pltpu.async_copy(dst_hbm.at[wid], idx_d, isem)

        def zs(t, carry):
            zbuf[t // gpr, pl.ds((t % gpr) * 16, 16)] = jnp.zeros((16,), _f32)
            return carry

        lax.fori_loop(0, ZB * gpr, zs, 0)
        base_r = s * RPT
        for z in range(RPT // ZB):
            pltpu.sync_copy(zbuf, table.at[pl.ds(base_r + z * ZB, ZB)])
        pltpu.make_async_copy(src_hbm.at[wid], idx_s, isem).wait()
        pltpu.make_async_copy(dst_hbm.at[wid], idx_d, isem).wait()
        plsc.subcore_barrier()

        pltpu.async_copy(p_hbm.at[idx_s.at[0]], rows.at[0], gsem)
        pltpu.async_copy(p_hbm.at[idx_s.at[1]], rows.at[1], gsem)

        def trip(m, carry):
            for b in range(3):
                j = 3 * m + b

                @pl.when(j < NCH)
                def _():
                    pltpu.make_async_copy(
                        p_hbm.at[pl.ds(0, C)], rows.at[b], gsem).wait()

                    @pl.when(j >= 1)
                    def _():
                        pltpu.make_async_copy(
                            rows.at[b], table.at[pl.ds(0, C)], ssem).wait()

                    @pl.when(j + 2 < NCH)
                    def _():
                        pltpu.async_copy(
                            p_hbm.at[idx_s.at[j + 2]],
                            rows.at[(b + 2) % 3], gsem)

                    pltpu.async_copy(
                        rows.at[b], table.at[idx_d.at[j]], ssem, add=True)
            return carry

        lax.fori_loop(0, (NCH + 2) // 3, trip, 0)
        pltpu.make_async_copy(
            rows.at[0], table.at[pl.ds(0, C)], ssem).wait()
        plsc.subcore_barrier()
        pltpu.sync_copy(table.at[pl.ds(base_r, RPT)],
                        out_hbm.at[c, pl.ds(base_r, RPT)])

    return pl.kernel(
        body,
        out_type=jax.ShapeDtypeStruct((NC, NP, width), _f32),
        mesh=mesh,
        compiler_params=pltpu.CompilerParams(use_tc_tiling_on_sc=False),
        scratch_types=[
            pltpu.VMEM((NCH, C), jnp.int32),
            pltpu.VMEM((NCH, C), jnp.int32),
            pltpu.VMEM((3, C, width), _f32),
            pltpu.VMEM((ZB, width), _f32),
            pltpu.VMEM_SHARED((NP, width), _f32),
            pltpu.SemaphoreType.DMA,
            pltpu.SemaphoreType.DMA,
            pltpu.SemaphoreType.DMA,
        ],
    )


def _edge_kernel():
    mesh = plsc.VectorSubcoreMesh(core_axis_name="c", subcore_axis_name="s")

    def body(ab_hbm, src_hbm, dst_hbm, wm2t_hbm, bm2_hbm, out_hbm,
             idx_s, idx_d, ra, rb, lg, wv, bv, gsem, wsem):
        c = lax.axis_index("c")
        s = lax.axis_index("s")
        wid = c * NS + s
        pltpu.sync_copy(wm2t_hbm, wv)
        pltpu.sync_copy(bm2_hbm, bv)
        pltpu.sync_copy(src_hbm.at[wid], idx_s)
        pltpu.sync_copy(dst_hbm.at[wid], idx_d)

        w0 = [wv[0, pl.ds(k * 16, 16)] for k in range(H // 16)]
        w1 = [wv[1, pl.ds(k * 16, 16)] for k in range(H // 16)]
        io = lax.iota(jnp.int32, 16)
        io_lt8 = io < 8
        px8 = io ^ 8
        px4 = io ^ 4
        px2 = io ^ 2
        px1 = io ^ 1
        lo4 = (io & 4) == 0
        msk4 = (io & 3) == 0
        rowd = (io >> 2) & 1
        cold = io >> 3

        def tk(v, p):
            return lax.gather(
                v, p[:, None],
                dimension_numbers=lax.GatherDimensionNumbers(
                    offset_dims=(), collapsed_slice_dims=(0,),
                    start_index_map=(0,)),
                slice_sizes=(1,),
                mode=lax.GatherScatterMode.PROMISE_IN_BOUNDS)

        bvec = bv[pl.ds(0, 16)]
        bvec2 = tk(bvec, cold)

        pltpu.async_copy(ab_hbm.at[idx_s.at[0]], ra.at[0], gsem)
        pltpu.async_copy(ab_hbm.at[idx_d.at[0]], rb.at[0], gsem)
        pltpu.async_copy(ab_hbm.at[idx_s.at[1]], ra.at[1], gsem)
        pltpu.async_copy(ab_hbm.at[idx_d.at[1]], rb.at[1], gsem)

        def pair(m, carry):
            for b in range(3):
                j = 3 * m + b

                @pl.when(j < NCH)
                def _():
                    pltpu.make_async_copy(
                        ab_hbm.at[pl.ds(0, C)], ra.at[b], gsem).wait()
                    pltpu.make_async_copy(
                        ab_hbm.at[pl.ds(0, C)], rb.at[b], gsem).wait()

                    @pl.when(j >= 3)
                    def _():
                        pltpu.make_async_copy(
                            lg.at[b], out_hbm.at[pl.ds(0, C)],
                            wsem).wait()

                    @pl.when(j + 2 < NCH)
                    def _():
                        pltpu.async_copy(
                            ab_hbm.at[idx_s.at[j + 2]], ra.at[(b + 2) % 3],
                            gsem)
                        pltpu.async_copy(
                            ab_hbm.at[idx_d.at[j + 2]], rb.at[(b + 2) % 3],
                            gsem)

                    rab = ra.at[b]
                    rbb = rb.at[b]
                    lgb = lg.at[b]

                    def vop(i2, cc):
                        acc = []
                        for u in range(2):
                            i = 2 * i2 + u
                            g = [jnp.maximum(
                                     rab[i, pl.ds(k * 16, 16)]
                                     + rbb[i, pl.ds(H + k * 16, 16)], 0.0)
                                 for k in range(H // 16)]
                            s0 = g[0] * w0[0]
                            s1 = g[0] * w1[0]
                            for k in range(1, H // 16):
                                s0 = s0 + g[k] * w0[k]
                                s1 = s1 + g[k] * w1[k]
                            f0 = s0 + tk(s0, px8)
                            f1 = s1 + tk(s1, px8)
                            m = jnp.where(io_lt8, f0, tk(f1, px8))
                            acc.append(m + tk(m, px4))
                        mm = jnp.where(lo4, acc[0], tk(acc[1], px4))
                        mm = mm + tk(mm, px2)
                        mm = mm + tk(mm, px1)
                        v = mm + bvec2
                        plsc.store_scatter(lgb, [2 * i2 + rowd, cold], v,
                                           mask=msk4)
                        return cc

                    lax.fori_loop(0, C // 2, vop, 0)
                    pltpu.async_copy(
                        lgb, out_hbm.at[pl.ds(wid * EPW + j * C, C)],
                        wsem)
            return carry

        lax.fori_loop(0, (NCH + 2) // 3, pair, 0)
        for _d in range(3):
            pltpu.make_async_copy(
                lg.at[_d], out_hbm.at[pl.ds(0, C)], wsem).wait()

    return pl.kernel(
        body,
        out_type=jax.ShapeDtypeStruct((E, O), _f32),
        mesh=mesh,
        compiler_params=pltpu.CompilerParams(needs_layout_passes=False),
        scratch_types=[
            pltpu.VMEM((NCH, C), jnp.int32),
            pltpu.VMEM((NCH, C), jnp.int32),
            pltpu.VMEM((3, C, 2 * H), _f32),
            pltpu.VMEM((3, C, 2 * H), _f32),
            pltpu.VMEM((3, C, O), _f32),
            pltpu.VMEM((O, H), _f32),
            pltpu.VMEM((16,), _f32),
            pltpu.SemaphoreType.DMA,
            pltpu.SemaphoreType.DMA,
        ],
    )


_seg80 = _seg_kernel(H + 16)
_seg64 = _seg_kernel(H)
_edge = _edge_kernel()

RB = 2000


def _t1_body(x_ref, w1l_ref, w1r_ref, paug_ref, r1_ref):
    xb = x_ref[...]
    p1 = jnp.dot(xb, w1l_ref[...], preferred_element_type=_f32)
    paug_ref[...] = jnp.concatenate(
        [p1, jnp.ones((xb.shape[0], 16), _f32)], axis=1)
    r1_ref[...] = jnp.dot(xb, w1r_ref[...], preferred_element_type=_f32)


_t1 = pl.pallas_call(
    _t1_body,
    grid=(N // RB,),
    in_specs=[
        pl.BlockSpec((RB, D), lambda i: (i, 0)),
        pl.BlockSpec((D, H), lambda i: (0, 0)),
        pl.BlockSpec((D, H), lambda i: (0, 0)),
    ],
    out_specs=[
        pl.BlockSpec((RB, H + 16), lambda i: (i, 0)),
        pl.BlockSpec((RB, H), lambda i: (i, 0)),
    ],
    out_shape=[
        jax.ShapeDtypeStruct((N, H + 16), _f32),
        jax.ShapeDtypeStruct((N, H), _f32),
    ],
)


def _t2_body(tab_ref, r1_ref, b1l_ref, w2l_ref, w2r_ref, p2_ref, r2_ref, inv_ref):
    tab = tab_ref[...]
    agg = tab[0, :, :H] + tab[1, :, :H]
    cnt = tab[0, :, H:H + 1] + tab[1, :, H:H + 1]
    inv = 1.0 / jnp.maximum(cnt, 1.0)
    h1 = jnp.maximum(agg * inv + b1l_ref[...][None, :] + r1_ref[...], 0.0)
    p2_ref[...] = jnp.dot(h1, w2l_ref[...], preferred_element_type=_f32)
    r2_ref[...] = jnp.dot(h1, w2r_ref[...], preferred_element_type=_f32)
    inv_ref[...] = jnp.broadcast_to(inv, (inv.shape[0], 8))


_t2 = pl.pallas_call(
    _t2_body,
    grid=(N // RB,),
    in_specs=[
        pl.BlockSpec((NC, RB, H + 16), lambda i: (0, i, 0)),
        pl.BlockSpec((RB, H), lambda i: (i, 0)),
        pl.BlockSpec((H,), lambda i: (0,)),
        pl.BlockSpec((H, H), lambda i: (0, 0)),
        pl.BlockSpec((H, H), lambda i: (0, 0)),
    ],
    out_specs=[
        pl.BlockSpec((RB, H), lambda i: (i, 0)),
        pl.BlockSpec((RB, H), lambda i: (i, 0)),
        pl.BlockSpec((RB, 8), lambda i: (i, 0)),
    ],
    out_shape=[
        jax.ShapeDtypeStruct((N, H), _f32),
        jax.ShapeDtypeStruct((N, H), _f32),
        jax.ShapeDtypeStruct((N, 8), _f32),
    ],
)


def _t3_body(tab_ref, r2_ref, inv_ref, b2l_ref, wm1_ref, bm1_ref, ab_ref):
    tab = tab_ref[...]
    agg = tab[0] + tab[1]
    inv = inv_ref[...][:, :1]
    h2 = jnp.maximum(agg * inv + b2l_ref[...][None, :] + r2_ref[...], 0.0)
    wm1 = wm1_ref[...]
    a = jnp.dot(h2, wm1[:H], preferred_element_type=_f32) \
        + bm1_ref[...][None, :]
    b = jnp.dot(h2, wm1[H:], preferred_element_type=_f32)
    ab_ref[...] = jnp.concatenate([a, b], axis=1)


_t3 = pl.pallas_call(
    _t3_body,
    grid=(N // RB,),
    in_specs=[
        pl.BlockSpec((NC, RB, H), lambda i: (0, i, 0)),
        pl.BlockSpec((RB, H), lambda i: (i, 0)),
        pl.BlockSpec((RB, 8), lambda i: (i, 0)),
        pl.BlockSpec((H,), lambda i: (0,)),
        pl.BlockSpec((2 * H, H), lambda i: (0, 0)),
        pl.BlockSpec((H,), lambda i: (0,)),
    ],
    out_specs=pl.BlockSpec((RB, 2 * H), lambda i: (i, 0)),
    out_shape=jax.ShapeDtypeStruct((N, 2 * H), _f32),
)


def kernel(x, edge_index, W1l, b1l, W1r, W2l, b2l, W2r, Wm1, bm1, Wm2, bm2):
    src = edge_index[0].reshape(NW, NCH, C)
    dst = edge_index[1].reshape(NW, NCH, C)
    paug, r1 = _t1(x, W1l, W1r)
    tab1 = _seg80(paug, src, dst)
    p2, r2, inv8 = _t2(tab1, r1, b1l, W2l, W2r)
    tab2 = _seg64(p2, src, dst)
    ab = _t3(tab2, r2, inv8, b2l, Wm1, bm1)
    return _edge(ab, src, dst, Wm2.T, jnp.pad(bm2, (0, 14)))

# --- scband reference (transcript-rebuilt; emitter-appended) ---
"""Pipeline reference for scband-edge-classifier-gnn-54820962566504 (READ-ONLY COPY).

The authoritative reference and input builder live on the scoring server;
editing this copy changes nothing except your own understanding.
"""

import jax, jax.numpy as jnp
import numpy as np

N = 10000
E = 320000
D = 128
H = 64
O = 2


def setup_inputs(seed: int = 0) -> dict:
    key = jax.random.key(seed)
    ks = jax.random.split(key, 12)
    x = jax.random.normal(ks[0], (N, D), dtype=jnp.float32)
    edge_index = jax.random.randint(ks[1], (2, E), 0, N, dtype=jnp.int32)
    def lin(k, fin, fout):
        return jax.random.normal(k, (fin, fout), dtype=jnp.float32) * (1.0 / np.sqrt(fin))
    W1l = lin(ks[2], D, H)
    b1l = jnp.zeros((H,), jnp.float32)
    W1r = lin(ks[3], D, H)
    W2l = lin(ks[4], H, H)
    b2l = jnp.zeros((H,), jnp.float32)
    W2r = lin(ks[5], H, H)
    Wm1 = lin(ks[6], 2 * H, H)
    bm1 = jnp.zeros((H,), jnp.float32)
    Wm2 = lin(ks[7], H, O)
    bm2 = jnp.zeros((O,), jnp.float32)
    return {"x": x, "edge_index": edge_index, "W1l": W1l, "b1l": b1l, "W1r": W1r,
            "W2l": W2l, "b2l": b2l, "W2r": W2r, "Wm1": Wm1, "bm1": bm1, "Wm2": Wm2, "bm2": bm2}


def _sage(x, edge_index, Wl, bl, Wr):
    # PyG SAGEConv: mean-aggregate neighbor (src) features onto dst, lin_l(aggr) + lin_r(x)
    src = edge_index[0]
    dst = edge_index[1]
    msgs = jnp.take(x, src, axis=0)
    agg = jax.ops.segment_sum(msgs, dst, num_segments=x.shape[0])
    cnt = jax.ops.segment_sum(jnp.ones((edge_index.shape[1],), x.dtype), dst, num_segments=x.shape[0])
    mean = agg / jnp.clip(cnt, 1.0)[:, None]
    return mean @ Wl + bl + x @ Wr


def reference(x, edge_index, W1l, b1l, W1r, W2l, b2l, W2r, Wm1, bm1, Wm2, bm2):
    h = jax.nn.relu(_sage(x, edge_index, W1l, b1l, W1r))
    h = jax.nn.relu(_sage(h, edge_index, W2l, b2l, W2r))
    src = edge_index[0]
    dst = edge_index[1]
    edge_reps = jnp.concatenate([jnp.take(h, src, axis=0), jnp.take(h, dst, axis=0)], axis=1)
    hidden = jax.nn.relu(edge_reps @ Wm1 + bm1)
    logits = hidden @ Wm2 + bm2
    return logits

if __name__ == "__main__":
    import jax
    _d = setup_inputs()
    print(jax.jit(kernel)(*tuple(_d.values())))

</pallas_src>

<mosaic_0001>
#map = affine_map<(d0, d1) -> (0, 0)>
#map1 = affine_map<(d0, d1) -> (0, 0, 0)>
module attributes {stable_mosaic.version = 14 : i64} {
  func.func @body(%arg0: i32, %arg1: i32, %arg2: memref<10000x64xf32, #tpu.memory_space<hbm>>, %arg3: memref<32x125x80xi32, #tpu.memory_space<hbm>>, %arg4: memref<32x125x80xi32, #tpu.memory_space<hbm>>, %arg5: memref<2x10240x64xf32, #tpu.memory_space<hbm>>, %arg6: memref<125x80xi32, #tpu.memory_space<vmem>>, %arg7: memref<125x80xi32, #tpu.memory_space<vmem>>, %arg8: memref<3x80x64xf32, #tpu.memory_space<vmem>>, %arg9: memref<128x64xf32, #tpu.memory_space<vmem>>, %arg10: memref<10240x64xf32, #tpu.memory_space<vmem_shared>>, %arg11: memref<!tpu.dma_semaphore, #tpu.memory_space<semaphore_mem>>, %arg12: memref<!tpu.dma_semaphore, #tpu.memory_space<semaphore_mem>>, %arg13: memref<!tpu.dma_semaphore, #tpu.memory_space<semaphore_mem>>) attributes {dimension_semantics = [#tpu.dimension_semantics<core_parallel>, #tpu.dimension_semantics<subcore_parallel>], iteration_bounds = array<i64: 2, 16>, scalar_prefetch = 0 : i64, scratch_operands = 8 : i64, tpu.core_type = #tpu.core_type<sc_vector_subcore>, window_params = [{transform_indices = #map}, {transform_indices = #map1}, {transform_indices = #map1}, {transform_indices = #map1}]} {
    %mul3A = arith.constant 16 : i32
    %mul3A_0 = arith.muli %arg0, %mul3A : i32
    %add3A = arith.addi %mul3A_0, %arg1 : i32
    %dma_start3A = arith.constant 0 : i32
    %dma_start3A_1 = arith.constant 0 : i32
    %dma_start3A_2 = tpu.memref_slice %arg3[%add3A, %dma_start3A, %dma_start3A_1] : memref<32x125x80xi32, #tpu.memory_space<hbm>> -> memref<1x125x80xi32, #tpu.memory_space<hbm>>
    %dma_start3A_3 = tpu.memref_squeeze %dma_start3A_2 : memref<1x125x80xi32, #tpu.memory_space<hbm>> -> memref<125x80xi32, #tpu.memory_space<hbm>>
    %dma_start3A_4 = arith.constant 0 : i32
    %dma_start3A_5 = arith.constant 0 : i32
    %dma_start3A_6 = tpu.memref_slice %arg3[%add3A, %dma_start3A_4, %dma_start3A_5] : memref<32x125x80xi32, #tpu.memory_space<hbm>> -> memref<1x125x80xi32, #tpu.memory_space<hbm>>
    %dma_start3A_7 = tpu.memref_squeeze %dma_start3A_6 : memref<1x125x80xi32, #tpu.memory_space<hbm>> -> memref<125x80xi32, #tpu.memory_space<hbm>>
    tpu.enqueue_dma source(%dma_start3A_7 : memref<125x80xi32, #tpu.memory_space<hbm>>) target(%arg6 : memref<125x80xi32, #tpu.memory_space<vmem>>) target_semaphore(%arg11 : memref<!tpu.dma_semaphore, #tpu.memory_space<semaphore_mem>>)
    %dma_start3A_8 = arith.constant 0 : i32
    %dma_start3A_9 = arith.constant 0 : i32
    %dma_start3A_10 = tpu.memref_slice %arg4[%add3A, %dma_start3A_8, %dma_start3A_9] : memref<32x125x80xi32, #tpu.memory_space<hbm>> -> memref<1x125x80xi32, #tpu.memory_space<hbm>>
    %dma_start3A_11 = tpu.memref_squeeze %dma_start3A_10 : memref<1x125x80xi32, #tpu.memory_space<hbm>> -> memref<125x80xi32, #tpu.memory_space<hbm>>
    %dma_start3A_12 = arith.constant 0 : i32
    %dma_start3A_13 = arith.constant 0 : i32
    %dma_start3A_14 = tpu.memref_slice %arg4[%add3A, %dma_start3A_12, %dma_start3A_13] : memref<32x125x80xi32, #tpu.memory_space<hbm>> -> memref<1x125x80xi32, #tpu.memory_space<hbm>>
    %dma_start3A_15 = tpu.memref_squeeze %dma_start3A_14 : memref<1x125x80xi32, #tpu.memory_space<hbm>> -> memref<125x80xi32, #tpu.memory_space<hbm>>
    tpu.enqueue_dma source(%dma_start3A_15 : memref<125x80xi32, #tpu.memory_space<hbm>>) target(%arg7 : memref<125x80xi32, #tpu.memory_space<vmem>>) target_semaphore(%arg11 : memref<!tpu.dma_semaphore, #tpu.memory_space<semaphore_mem>>)
    %scan3A = arith.constant 0 : i32
    %scan3A_16 = arith.constant 0 : i32
    %scan3A_17 = arith.constant 512 : i32
    %scan3A_18 = arith.addi %scan3A_16, %scan3A_17 : i32
    %scan3A_19 = arith.constant 1 : i32
    scf.for %scan3A_94 = %scan3A_16 to %scan3A_18 step %scan3A_19  : i32 {
      %broadcast_in_dim3A = arith.constant 0.000000e+00 : f32
      %broadcast_in_dim3A_95 = vector.broadcast %broadcast_in_dim3A : f32 to vector<16xf32>
      %jit3A = arith.constant 4 : i32
      %div3A = arith.divsi %scan3A_94, %jit3A : i32
      %sign3A = arith.constant 0 : i32
      %sign3A_96 = arith.cmpi sgt, %scan3A_94, %sign3A : i32
      %sign3A_97 = arith.extui %sign3A_96 : i1 to i32
      %sign3A_98 = arith.constant 0 : i32
      %sign3A_99 = arith.cmpi slt, %scan3A_94, %sign3A_98 : i32
      %sign3A_100 = arith.extui %sign3A_99 : i1 to i32
      %sign3A_101 = arith.subi %sign3A_97, %sign3A_100 : i32
      %sign3A_102 = arith.constant 0 : i32
      %sign3A_103 = arith.cmpi sgt, %jit3A, %sign3A_102 : i32
      %sign3A_104 = arith.extui %sign3A_103 : i1 to i32
      %sign3A_105 = arith.constant 0 : i32
      %sign3A_106 = arith.cmpi slt, %jit3A, %sign3A_105 : i32
      %sign3A_107 = arith.extui %sign3A_106 : i1 to i32
      %sign3A_108 = arith.subi %sign3A_104, %sign3A_107 : i32
      %ne3A = arith.cmpi ne, %sign3A_101, %sign3A_108 : i32
      %rem3A = arith.remsi %scan3A_94, %jit3A : i32
      %ne3A_109 = arith.constant 0 : i32
      %ne3A_110 = arith.cmpi ne, %rem3A, %ne3A_109 : i32
      %and3A = arith.andi %ne3A, %ne3A_110 : i1
      %sub3A = arith.constant 1 : i32
      %sub3A_111 = arith.subi %div3A, %sub3A : i32
      %select_n3A = arith.select %and3A, %sub3A_111, %div3A : i32
      %jit3A_112 = arith.constant 4 : i32
      %eq3A = arith.constant 0 : i32
      %eq3A_113 = arith.cmpi eq, %jit3A_112, %eq3A : i32
      %jit3A_114 = arith.constant 1 : i32
      %select_n3A_115 = arith.select %eq3A_113, %jit3A_114, %jit3A_112 : i32
      %rem3A_116 = arith.remsi %scan3A_94, %select_n3A_115 : i32
      %ne3A_117 = arith.constant 0 : i32
      %ne3A_118 = arith.cmpi ne, %rem3A_116, %ne3A_117 : i32
      %lt3A = arith.constant 0 : i32
      %lt3A_119 = arith.cmpi slt, %rem3A_116, %lt3A : i32
      %lt3A_120 = arith.constant 0 : i32
      %lt3A_121 = arith.cmpi slt, %select_n3A_115, %lt3A_120 : i32
      %ne3A_122 = arith.xori %lt3A_119, %lt3A_121 : i1
      %and3A_123 = arith.andi %ne3A_122, %ne3A_118 : i1
      %add3A_124 = arith.addi %rem3A_116, %select_n3A_115 : i32
      %select_n3A_125 = arith.select %and3A_123, %add3A_124, %rem3A_116 : i32
      %mul3A_126 = arith.constant 16 : i32
      %mul3A_127 = arith.muli %select_n3A_125, %mul3A_126 : i32
      %swap3A = arith.index_cast %select_n3A : i32 to index
      %swap3A_128 = arith.index_cast %mul3A_127 : i32 to index
      %swap3A_129 = tpu.vector_load %arg9[%swap3A, %swap3A_128] {strides = array<i32>} : memref<128x64xf32, #tpu.memory_space<vmem>>, vector<1x16xf32>,
      %swap3A_130 = vector.shape_cast %swap3A_129 : vector<1x16xf32> to vector<16xf32>
      %swap3A_131 = vector.shape_cast %broadcast_in_dim3A_95 : vector<16xf32> to vector<1x16xf32>
      tpu.vector_store %arg9[%swap3A, %swap3A_128], %swap3A_131 {strides = array<i32>} : memref<128x64xf32, #tpu.memory_space<vmem>>, vector<1x16xf32>,
    }
    %scan3A_20 = arith.constant 512 : i32
    %mul3A_21 = arith.constant 640 : i32
    %mul3A_22 = arith.muli %arg1, %mul3A_21 : i32
    %add3A_23 = arith.constant 0 : i32
    %add3A_24 = arith.addi %mul3A_22, %add3A_23 : i32
    "tpu.region"() ({
      %run_scoped3A = tpu.sem_alloc : memref<!tpu.dma_semaphore, #tpu.memory_space<semaphore_mem>>
      %dma_start3A_94 = arith.constant 0 : i32
      %dma_start3A_95 = tpu.memref_slice %arg10[%add3A_24, %dma_start3A_94] : memref<10240x64xf32, #tpu.memory_space<vmem_shared>> -> memref<128x64xf32, #tpu.memory_space<vmem_shared>>
      %dma_start3A_96 = arith.constant 0 : i32
      %dma_start3A_97 = tpu.memref_slice %arg10[%add3A_24, %dma_start3A_96] : memref<10240x64xf32, #tpu.memory_space<vmem_shared>> -> memref<128x64xf32, #tpu.memory_space<vmem_shared>>
      tpu.enqueue_dma source(%arg9 : memref<128x64xf32, #tpu.memory_space<vmem>>) target(%dma_start3A_97 : memref<128x64xf32, #tpu.memory_space<vmem_shared>>) target_semaphore(%run_scoped3A : memref<!tpu.dma_semaphore, #tpu.memory_space<semaphore_mem>>)
      %dma_wait3A_98 = arith.constant 0 : i32
      %dma_wait3A_99 = tpu.memref_slice %arg10[%add3A_24, %dma_wait3A_98] : memref<10240x64xf32, #tpu.memory_space<vmem_shared>> -> memref<128x64xf32, #tpu.memory_space<vmem_shared>>
      %dma_wait3A_100 = arith.constant 0 : i32
      %dma_wait3A_101 = tpu.memref_slice %arg10[%add3A_24, %dma_wait3A_100] : memref<10240x64xf32, #tpu.memory_space<vmem_shared>> -> memref<128x64xf32, #tpu.memory_space<vmem_shared>>
      tpu.wait_dma2 semaphore(%run_scoped3A : memref<!tpu.dma_semaphore, #tpu.memory_space<semaphore_mem>>) src(%arg9 : memref<128x64xf32, #tpu.memory_space<vmem>>) dst(%dma_wait3A_101 : memref<128x64xf32, #tpu.memory_space<vmem_shared>>)
      tpu.yield
    }) : () -> ()
    %add3A_25 = arith.constant 128 : i32
    %add3A_26 = arith.addi %mul3A_22, %add3A_25 : i32
    "tpu.region"() ({
      %run_scoped3A = tpu.sem_alloc : memref<!tpu.dma_semaphore, #tpu.memory_space<semaphore_mem>>
      %dma_start3A_94 = arith.constant 0 : i32
      %dma_start3A_95 = tpu.memref_slice %arg10[%add3A_26, %dma_start3A_94] : memref<10240x64xf32, #tpu.memory_space<vmem_shared>> -> memref<128x64xf32, #tpu.memory_space<vmem_shared>>
      %dma_start3A_96 = arith.constant 0 : i32
      %dma_start3A_97 = tpu.memref_slice %arg10[%add3A_26, %dma_start3A_96] : memref<10240x64xf32, #tpu.memory_space<vmem_shared>> -> memref<128x64xf32, #tpu.memory_space<vmem_shared>>
      tpu.enqueue_dma source(%arg9 : memref<128x64xf32, #tpu.memory_space<vmem>>) target(%dma_start3A_97 : memref<128x64xf32, #tpu.memory_space<vmem_shared>>) target_semaphore(%run_scoped3A : memref<!tpu.dma_semaphore, #tpu.memory_space<semaphore_mem>>)
      %dma_wait3A_98 = arith.constant 0 : i32
      %dma_wait3A_99 = tpu.memref_slice %arg10[%add3A_26, %dma_wait3A_98] : memref<10240x64xf32, #tpu.memory_space<vmem_shared>> -> memref<128x64xf32, #tpu.memory_space<vmem_shared>>
      %dma_wait3A_100 = arith.constant 0 : i32
      %dma_wait3A_101 = tpu.memref_slice %arg10[%add3A_26, %dma_wait3A_100] : memref<10240x64xf32, #tpu.memory_space<vmem_shared>> -> memref<128x64xf32, #tpu.memory_space<vmem_shared>>
      tpu.wait_dma2 semaphore(%run_scoped3A : memref<!tpu.dma_semaphore, #tpu.memory_space<semaphore_mem>>) src(%arg9 : memref<128x64xf32, #tpu.memory_space<vmem>>) dst(%dma_wait3A_101 : memref<128x64xf32, #tpu.memory_space<vmem_shared>>)
      tpu.yield
    }) : () -> ()
    %add3A_27 = arith.constant 256 : i32
    %add3A_28 = arith.addi %mul3A_22, %add3A_27 : i32
    "tpu.region"() ({
      %run_scoped3A = tpu.sem_alloc : memref<!tpu.dma_semaphore, #tpu.memory_space<semaphore_mem>>
      %dma_start3A_94 = arith.constant 0 : i32
      %dma_start3A_95 = tpu.memref_slice %arg10[%add3A_28, %dma_start3A_94] : memref<10240x64xf32, #tpu.memory_space<vmem_shared>> -> memref<128x64xf32, #tpu.memory_space<vmem_shared>>
      %dma_start3A_96 = arith.constant 0 : i32
      %dma_start3A_97 = tpu.memref_slice %arg10[%add3A_28, %dma_start3A_96] : memref<10240x64xf32, #tpu.memory_space<vmem_shared>> -> memref<128x64xf32, #tpu.memory_space<vmem_shared>>
      tpu.enqueue_dma source(%arg9 : memref<128x64xf32, #tpu.memory_space<vmem>>) target(%dma_start3A_97 : memref<128x64xf32, #tpu.memory_space<vmem_shared>>) target_semaphore(%run_scoped3A : memref<!tpu.dma_semaphore, #tpu.memory_space<semaphore_mem>>)
      %dma_wait3A_98 = arith.constant 0 : i32
      %dma_wait3A_99 = tpu.memref_slice %arg10[%add3A_28, %dma_wait3A_98] : memref<10240x64xf32, #tpu.memory_space<vmem_shared>> -> memref<128x64xf32, #tpu.memory_space<vmem_shared>>
      %dma_wait3A_100 = arith.constant 0 : i32
      %dma_wait3A_101 = tpu.memref_slice %arg10[%add3A_28, %dma_wait3A_100] : memref<10240x64xf32, #tpu.memory_space<vmem_shared>> -> memref<128x64xf32, #tpu.memory_space<vmem_shared>>
      tpu.wait_dma2 semaphore(%run_scoped3A : memref<!tpu.dma_semaphore, #tpu.memory_space<semaphore_mem>>) src(%arg9 : memref<128x64xf32, #tpu.memory_space<vmem>>) dst(%dma_wait3A_101 : memref<128x64xf32, #tpu.memory_space<vmem_shared>>)
      tpu.yield
    }) : () -> ()
    %add3A_29 = arith.constant 384 : i32
    %add3A_30 = arith.addi %mul3A_22, %add3A_29 : i32
    "tpu.region"() ({
      %run_scoped3A = tpu.sem_alloc : memref<!tpu.dma_semaphore, #tpu.memory_space<semaphore_mem>>
      %dma_start3A_94 = arith.constant 0 : i32
      %dma_start3A_95 = tpu.memref_slice %arg10[%add3A_30, %dma_start3A_94] : memref<10240x64xf32, #tpu.memory_space<vmem_shared>> -> memref<128x64xf32, #tpu.memory_space<vmem_shared>>
      %dma_start3A_96 = arith.constant 0 : i32
      %dma_start3A_97 = tpu.memref_slice %arg10[%add3A_30, %dma_start3A_96] : memref<10240x64xf32, #tpu.memory_space<vmem_shared>> -> memref<128x64xf32, #tpu.memory_space<vmem_shared>>
      tpu.enqueue_dma source(%arg9 : memref<128x64xf32, #tpu.memory_space<vmem>>) target(%dma_start3A_97 : memref<128x64xf32, #tpu.memory_space<vmem_shared>>) target_semaphore(%run_scoped3A : memref<!tpu.dma_semaphore, #tpu.memory_space<semaphore_mem>>)
      %dma_wait3A_98 = arith.constant 0 : i32
      %dma_wait3A_99 = tpu.memref_slice %arg10[%add3A_30, %dma_wait3A_98] : memref<10240x64xf32, #tpu.memory_space<vmem_shared>> -> memref<128x64xf32, #tpu.memory_space<vmem_shared>>
      %dma_wait3A_100 = arith.constant 0 : i32
      %dma_wait3A_101 = tpu.memref_slice %arg10[%add3A_30, %dma_wait3A_100] : memref<10240x64xf32, #tpu.memory_space<vmem_shared>> -> memref<128x64xf32, #tpu.memory_space<vmem_shared>>
      tpu.wait_dma2 semaphore(%run_scoped3A : memref<!tpu.dma_semaphore, #tpu.memory_space<semaphore_mem>>) src(%arg9 : memref<128x64xf32, #tpu.memory_space<vmem>>) dst(%dma_wait3A_101 : memref<128x64xf32, #tpu.memory_space<vmem_shared>>)
      tpu.yield
    }) : () -> ()
    %add3A_31 = arith.constant 512 : i32
    %add3A_32 = arith.addi %mul3A_22, %add3A_31 : i32
    "tpu.region"() ({
      %run_scoped3A = tpu.sem_alloc : memref<!tpu.dma_semaphore, #tpu.memory_space<semaphore_mem>>
      %dma_start3A_94 = arith.constant 0 : i32
      %dma_start3A_95 = tpu.memref_slice %arg10[%add3A_32, %dma_start3A_94] : memref<10240x64xf32, #tpu.memory_space<vmem_shared>> -> memref<128x64xf32, #tpu.memory_space<vmem_shared>>
      %dma_start3A_96 = arith.constant 0 : i32
      %dma_start3A_97 = tpu.memref_slice %arg10[%add3A_32, %dma_start3A_96] : memref<10240x64xf32, #tpu.memory_space<vmem_shared>> -> memref<128x64xf32, #tpu.memory_space<vmem_shared>>
      tpu.enqueue_dma source(%arg9 : memref<128x64xf32, #tpu.memory_space<vmem>>) target(%dma_start3A_97 : memref<128x64xf32, #tpu.memory_space<vmem_shared>>) target_semaphore(%run_scoped3A : memref<!tpu.dma_semaphore, #tpu.memory_space<semaphore_mem>>)
      %dma_wait3A_98 = arith.constant 0 : i32
      %dma_wait3A_99 = tpu.memref_slice %arg10[%add3A_32, %dma_wait3A_98] : memref<10240x64xf32, #tpu.memory_space<vmem_shared>> -> memref<128x64xf32, #tpu.memory_space<vmem_shared>>
      %dma_wait3A_100 = arith.constant 0 : i32
      %dma_wait3A_101 = tpu.memref_slice %arg10[%add3A_32, %dma_wait3A_100] : memref<10240x64xf32, #tpu.memory_space<vmem_shared>> -> memref<128x64xf32, #tpu.memory_space<vmem_shared>>
      tpu.wait_dma2 semaphore(%run_scoped3A : memref<!tpu.dma_semaphore, #tpu.memory_space<semaphore_mem>>) src(%arg9 : memref<128x64xf32, #tpu.memory_space<vmem>>) dst(%dma_wait3A_101 : memref<128x64xf32, #tpu.memory_space<vmem_shared>>)
      tpu.yield
    }) : () -> ()
    %dma_wait3A = arith.constant 0 : i32
    %dma_wait3A_33 = arith.constant 0 : i32
    %dma_wait3A_34 = tpu.memref_slice %arg3[%add3A, %dma_wait3A, %dma_wait3A_33] : memref<32x125x80xi32, #tpu.memory_space<hbm>> -> memref<1x125x80xi32, #tpu.memory_space<hbm>>
    %dma_wait3A_35 = tpu.memref_squeeze %dma_wait3A_34 : memref<1x125x80xi32, #tpu.memory_space<hbm>> -> memref<125x80xi32, #tpu.memory_space<hbm>>
    %dma_wait3A_36 = arith.constant 0 : i32
    %dma_wait3A_37 = arith.constant 0 : i32
    %dma_wait3A_38 = tpu.memref_slice %arg3[%add3A, %dma_wait3A_36, %dma_wait3A_37] : memref<32x125x80xi32, #tpu.memory_space<hbm>> -> memref<1x125x80xi32, #tpu.memory_space<hbm>>
    %dma_wait3A_39 = tpu.memref_squeeze %dma_wait3A_38 : memref<1x125x80xi32, #tpu.memory_space<hbm>> -> memref<125x80xi32, #tpu.memory_space<hbm>>
    tpu.wait_dma2 semaphore(%arg11 : memref<!tpu.dma_semaphore, #tpu.memory_space<semaphore_mem>>) src(%dma_wait3A_39 : memref<125x80xi32, #tpu.memory_space<hbm>>) dst(%arg6 : memref<125x80xi32, #tpu.memory_space<vmem>>)
    %dma_wait3A_40 = arith.constant 0 : i32
    %dma_wait3A_41 = arith.constant 0 : i32
    %dma_wait3A_42 = tpu.memref_slice %arg4[%add3A, %dma_wait3A_40, %dma_wait3A_41] : memref<32x125x80xi32, #tpu.memory_space<hbm>> -> memref<1x125x80xi32, #tpu.memory_space<hbm>>
    %dma_wait3A_43 = tpu.memref_squeeze %dma_wait3A_42 : memref<1x125x80xi32, #tpu.memory_space<hbm>> -> memref<125x80xi32, #tpu.memory_space<hbm>>
    %dma_wait3A_44 = arith.constant 0 : i32
    %dma_wait3A_45 = arith.constant 0 : i32
    %dma_wait3A_46 = tpu.memref_slice %arg4[%add3A, %dma_wait3A_44, %dma_wait3A_45] : memref<32x125x80xi32, #tpu.memory_space<hbm>> -> memref<1x125x80xi32, #tpu.memory_space<hbm>>
    %dma_wait3A_47 = tpu.memref_squeeze %dma_wait3A_46 : memref<1x125x80xi32, #tpu.memory_space<hbm>> -> memref<125x80xi32, #tpu.memory_space<hbm>>
    tpu.wait_dma2 semaphore(%arg11 : memref<!tpu.dma_semaphore, #tpu.memory_space<semaphore_mem>>) src(%dma_wait3A_47 : memref<125x80xi32, #tpu.memory_space<hbm>>) dst(%arg7 : memref<125x80xi32, #tpu.memory_space<vmem>>)
    %barrier3A = arith.constant 0 : index
    tpu.barrier barrier_id(%barrier3A)
    %dma_start3A_48 = arith.constant 0 : i32
    %dma_start3A_49 = arith.constant 0 : i32
    %dma_start3A_50 = arith.constant 0 : i32
    %dma_start3A_51 = arith.constant 0 : i32
    %dma_start3A_52 = tpu.memref_slice %arg8[%dma_start3A_49, %dma_start3A_50, %dma_start3A_51] : memref<3x80x64xf32, #tpu.memory_space<vmem>> -> memref<1x80x64xf32, #tpu.memory_space<vmem>>
    %dma_start3A_53 = tpu.memref_squeeze %dma_start3A_52 : memref<1x80x64xf32, #tpu.memory_space<vmem>> -> memref<80x64xf32, #tpu.memory_space<vmem>>
    %dma_start3A_54 = arith.constant 0 : i32
    %dma_start3A_55 = tpu.memref_slice %arg6[%dma_start3A_48, %dma_start3A_54] : memref<125x80xi32, #tpu.memory_space<vmem>> -> memref<1x80xi32, #tpu.memory_space<vmem>>
    %dma_start3A_56 = tpu.memref_squeeze %dma_start3A_55 : memref<1x80xi32, #tpu.memory_space<vmem>> -> memref<80xi32, #tpu.memory_space<vmem>>
    %dma_start3A_57 = arith.constant 0 : i32
    %dma_start3A_58 = arith.constant 0 : i32
    %dma_start3A_59 = tpu.memref_slice %arg2[%dma_start3A_57, %dma_start3A_58] : memref<10000x64xf32, #tpu.memory_space<hbm>> -> memref<10000x64xf32, #tpu.memory_space<hbm>>
    tpu.enqueue_indirect_dma source(%dma_start3A_59 : memref<10000x64xf32, #tpu.memory_space<hbm>>) target(%dma_start3A_53 : memref<80x64xf32, #tpu.memory_space<vmem>>) offsets(%dma_start3A_56 : memref<80xi32, #tpu.memory_space<vmem>>) semaphore(%arg12 : memref<!tpu.dma_semaphore, #tpu.memory_space<semaphore_mem>>)
    %dma_start3A_60 = arith.constant 1 : i32
    %dma_start3A_61 = arith.constant 1 : i32
    %dma_start3A_62 = arith.constant 0 : i32
    %dma_start3A_63 = arith.constant 0 : i32
    %dma_start3A_64 = tpu.memref_slice %arg8[%dma_start3A_61, %dma_start3A_62, %dma_start3A_63] : memref<3x80x64xf32, #tpu.memory_space<vmem>> -> memref<1x80x64xf32, #tpu.memory_space<vmem>>
    %dma_start3A_65 = tpu.memref_squeeze %dma_start3A_64 : memref<1x80x64xf32, #tpu.memory_space<vmem>> -> memref<80x64xf32, #tpu.memory_space<vmem>>
    %dma_start3A_66 = arith.constant 0 : i32
    %dma_start3A_67 = tpu.memref_slice %arg6[%dma_start3A_60, %dma_start3A_66] : memref<125x80xi32, #tpu.memory_space<vmem>> -> memref<1x80xi32, #tpu.memory_space<vmem>>
    %dma_start3A_68 = tpu.memref_squeeze %dma_start3A_67 : memref<1x80xi32, #tpu.memory_space<vmem>> -> memref<80xi32, #tpu.memory_space<vmem>>
    %dma_start3A_69 = arith.constant 0 : i32
    %dma_start3A_70 = arith.constant 0 : i32
    %dma_start3A_71 = tpu.memref_slice %arg2[%dma_start3A_69, %dma_start3A_70] : memref<10000x64xf32, #tpu.memory_space<hbm>> -> memref<10000x64xf32, #tpu.memory_space<hbm>>
    tpu.enqueue_indirect_dma source(%dma_start3A_71 : memref<10000x64xf32, #tpu.memory_space<hbm>>) target(%dma_start3A_65 : memref<80x64xf32, #tpu.memory_space<vmem>>) offsets(%dma_start3A_68 : memref<80xi32, #tpu.memory_space<vmem>>) semaphore(%arg12 : memref<!tpu.dma_semaphore, #tpu.memory_space<semaphore_mem>>)
    %scan3A_72 = arith.constant 0 : i32
    %scan3A_73 = arith.constant 0 : i32
    %scan3A_74 = arith.constant 42 : i32
    %scan3A_75 = arith.addi %scan3A_73, %scan3A_74 : i32
    %scan3A_76 = arith.constant 1 : i32
    scf.for %scan3A_94 = %scan3A_73 to %scan3A_75 step %scan3A_76  : i32 {
      %mul3A_95 = arith.constant 3 : i32
      %mul3A_96 = arith.muli %mul3A_95, %scan3A_94 : i32
      %add3A_97 = arith.constant 0 : i32
      %add3A_98 = arith.addi %mul3A_96, %add3A_97 : i32
      %lt3A = arith.constant 125 : i32
      %lt3A_99 = arith.cmpi slt, %add3A_98, %lt3A : i32
      %convert_element_type3A = arith.extui %lt3A_99 : i1 to i32
      %cond3A = arith.constant 0 : i32
      %cond3A_100 = arith.cmpi ne, %convert_element_type3A, %cond3A : i32
      scf.if %cond3A_100 {
        %dma_wait3A_119 = arith.constant 0 : i32
        %dma_wait3A_120 = arith.constant 0 : i32
        %dma_wait3A_121 = arith.constant 0 : i32
        %dma_wait3A_122 = tpu.memref_slice %arg8[%dma_wait3A_119, %dma_wait3A_120, %dma_wait3A_121] : memref<3x80x64xf32, #tpu.memory_space<vmem>> -> memref<1x80x64xf32, #tpu.memory_space<vmem>>
        %dma_wait3A_123 = tpu.memref_squeeze %dma_wait3A_122 : memref<1x80x64xf32, #tpu.memory_space<vmem>> -> memref<80x64xf32, #tpu.memory_space<vmem>>
        %dma_wait3A_124 = arith.constant 0 : i32
        %dma_wait3A_125 = arith.constant 0 : i32
        %dma_wait3A_126 = tpu.memref_slice %arg2[%dma_wait3A_124, %dma_wait3A_125] : memref<10000x64xf32, #tpu.memory_space<hbm>> -> memref<80x64xf32, #tpu.memory_space<hbm>>
        %dma_wait3A_127 = arith.constant 0 : i32
        %dma_wait3A_128 = arith.constant 0 : i32
        %dma_wait3A_129 = tpu.memref_slice %arg8[%dma_wait3A_119, %dma_wait3A_127, %dma_wait3A_128] : memref<3x80x64xf32, #tpu.memory_space<vmem>> -> memref<1x80x64xf32, #tpu.memory_space<vmem>>
        %dma_wait3A_130 = tpu.memref_squeeze %dma_wait3A_129 : memref<1x80x64xf32, #tpu.memory_space<vmem>> -> memref<80x64xf32, #tpu.memory_space<vmem>>
        %dma_wait3A_131 = arith.constant 0 : i32
        %dma_wait3A_132 = arith.constant 0 : i32
        %dma_wait3A_133 = tpu.memref_slice %arg2[%dma_wait3A_131, %dma_wait3A_132] : memref<10000x64xf32, #tpu.memory_space<hbm>> -> memref<80x64xf32, #tpu.memory_space<hbm>>
        tpu.wait_dma2 semaphore(%arg12 : memref<!tpu.dma_semaphore, #tpu.memory_space<semaphore_mem>>) src(%dma_wait3A_133 : memref<80x64xf32, #tpu.memory_space<hbm>>) dst(%dma_wait3A_130 : memref<80x64xf32, #tpu.memory_space<vmem>>)
        %ge3A = arith.constant 1 : i32
        %ge3A_134 = arith.cmpi sge, %add3A_98, %ge3A : i32
        %convert_element_type3A_135 = arith.extui %ge3A_134 : i1 to i32
        %cond3A_136 = arith.constant 0 : i32
        %cond3A_137 = arith.cmpi ne, %convert_element_type3A_135, %cond3A_136 : i32
        scf.if %cond3A_137 {
          %dma_wait3A_156 = arith.constant 0 : i32
          %dma_wait3A_157 = arith.constant 0 : i32
          %dma_wait3A_158 = arith.constant 0 : i32
          %dma_wait3A_159 = tpu.memref_slice %arg8[%dma_wait3A_156, %dma_wait3A_157, %dma_wait3A_158] : memref<3x80x64xf32, #tpu.memory_space<vmem>> -> memref<1x80x64xf32, #tpu.memory_space<vmem>>
          %dma_wait3A_160 = tpu.memref_squeeze %dma_wait3A_159 : memref<1x80x64xf32, #tpu.memory_space<vmem>> -> memref<80x64xf32, #tpu.memory_space<vmem>>
          %dma_wait3A_161 = arith.constant 0 : i32
          %dma_wait3A_162 = arith.constant 0 : i32
          %dma_wait3A_163 = tpu.memref_slice %arg10[%dma_wait3A_161, %dma_wait3A_162] : memref<10240x64xf32, #tpu.memory_space<vmem_shared>> -> memref<80x64xf32, #tpu.memory_space<vmem_shared>>
          %dma_wait3A_164 = arith.constant 0 : i32
          %dma_wait3A_165 = arith.constant 0 : i32
          %dma_wait3A_166 = tpu.memref_slice %arg10[%dma_wait3A_164, %dma_wait3A_165] : memref<10240x64xf32, #tpu.memory_space<vmem_shared>> -> memref<80x64xf32, #tpu.memory_space<vmem_shared>>
          %dma_wait3A_167 = arith.constant 0 : i32
          %dma_wait3A_168 = arith.constant 0 : i32
          %dma_wait3A_169 = tpu.memref_slice %arg8[%dma_wait3A_156, %dma_wait3A_167, %dma_wait3A_168] : memref<3x80x64xf32, #tpu.memory_space<vmem>> -> memref<1x80x64xf32, #tpu.memory_space<vmem>>
          %dma_wait3A_170 = tpu.memref_squeeze %dma_wait3A_169 : memref<1x80x64xf32, #tpu.memory_space<vmem>> -> memref<80x64xf32, #tpu.memory_space<vmem>>
          tpu.wait_dma2 semaphore(%arg13 : memref<!tpu.dma_semaphore, #tpu.memory_space<semaphore_mem>>) src(%dma_wait3A_170 : memref<80x64xf32, #tpu.memory_space<vmem>>) dst(%dma_wait3A_166 : memref<80x64xf32, #tpu.memory_space<vmem_shared>>)
        } else {
        }
        %add3A_138 = arith.constant 2 : i32
        %add3A_139 = arith.addi %add3A_98, %add3A_138 : i32
        %lt3A_140 = arith.constant 125 : i32
        %lt3A_141 = arith.cmpi slt, %add3A_139, %lt3A_140 : i32
        %convert_element_type3A_142 = arith.extui %lt3A_141 : i1 to i32
        %cond3A_143 = arith.constant 0 : i32
        %cond3A_144 = arith.cmpi ne, %convert_element_type3A_142, %cond3A_143 : i32
        scf.if %cond3A_144 {
          %add3A_156 = arith.constant 2 : i32
          %add3A_157 = arith.addi %add3A_98, %add3A_156 : i32
          %dma_start3A_158 = arith.constant 2 : i32
          %dma_start3A_159 = arith.constant 0 : i32
          %dma_start3A_160 = arith.constant 0 : i32
          %dma_start3A_161 = tpu.memref_slice %arg8[%dma_start3A_158, %dma_start3A_159, %dma_start3A_160] : memref<3x80x64xf32, #tpu.memory_space<vmem>> -> memref<1x80x64xf32, #tpu.memory_space<vmem>>
          %dma_start3A_162 = tpu.memref_squeeze %dma_start3A_161 : memref<1x80x64xf32, #tpu.memory_space<vmem>> -> memref<80x64xf32, #tpu.memory_space<vmem>>
          %dma_start3A_163 = arith.constant 0 : i32
          %dma_start3A_164 = tpu.memref_slice %arg6[%add3A_157, %dma_start3A_163] : memref<125x80xi32, #tpu.memory_space<vmem>> -> memref<1x80xi32, #tpu.memory_space<vmem>>
          %dma_start3A_165 = tpu.memref_squeeze %dma_start3A_164 : memref<1x80xi32, #tpu.memory_space<vmem>> -> memref<80xi32, #tpu.memory_space<vmem>>
          %dma_start3A_166 = arith.constant 0 : i32
          %dma_start3A_167 = arith.constant 0 : i32
          %dma_start3A_168 = tpu.memref_slice %arg2[%dma_start3A_166, %dma_start3A_167] : memref<10000x64xf32, #tpu.memory_space<hbm>> -> memref<10000x64xf32, #tpu.memory_space<hbm>>
          tpu.enqueue_indirect_dma source(%dma_start3A_168 : memref<10000x64xf32, #tpu.memory_space<hbm>>) target(%dma_start3A_162 : memref<80x64xf32, #tpu.memory_space<vmem>>) offsets(%dma_start3A_165 : memref<80xi32, #tpu.memory_space<vmem>>) semaphore(%arg12 : memref<!tpu.dma_semaphore, #tpu.memory_space<semaphore_mem>>)
        } else {
        }
        %dma_start3A_145 = arith.constant 0 : i32
        %dma_start3A_146 = arith.constant 0 : i32
        %dma_start3A_147 = arith.constant 0 : i32
        %dma_start3A_148 = tpu.memref_slice %arg8[%dma_start3A_145, %dma_start3A_146, %dma_start3A_147] : memref<3x80x64xf32, #tpu.memory_space<vmem>> -> memref<1x80x64xf32, #tpu.memory_space<vmem>>
        %dma_start3A_149 = tpu.memref_squeeze %dma_start3A_148 : memref<1x80x64xf32, #tpu.memory_space<vmem>> -> memref<80x64xf32, #tpu.memory_space<vmem>>
        %dma_start3A_150 = arith.constant 0 : i32
        %dma_start3A_151 = tpu.memref_slice %arg7[%add3A_98, %dma_start3A_150] : memref<125x80xi32, #tpu.memory_space<vmem>> -> memref<1x80xi32, #tpu.memory_space<vmem>>
        %dma_start3A_152 = tpu.memref_squeeze %dma_start3A_151 : memref<1x80xi32, #tpu.memory_space<vmem>> -> memref<80xi32, #tpu.memory_space<vmem>>
        %dma_start3A_153 = arith.constant 0 : i32
        %dma_start3A_154 = arith.constant 0 : i32
        %dma_start3A_155 = tpu.memref_slice %arg10[%dma_start3A_153, %dma_start3A_154] : memref<10240x64xf32, #tpu.memory_space<vmem_shared>> -> memref<10240x64xf32, #tpu.memory_space<vmem_shared>>
        tpu.enqueue_indirect_dma source(%dma_start3A_149 : memref<80x64xf32, #tpu.memory_space<vmem>>) target(%dma_start3A_155 : memref<10240x64xf32, #tpu.memory_space<vmem_shared>>) offsets(%dma_start3A_152 : memref<80xi32, #tpu.memory_space<vmem>>) semaphore(%arg13 : memref<!tpu.dma_semaphore, #tpu.memory_space<semaphore_mem>>) {add = true}
      } else {
      }
      %mul3A_101 = arith.constant 3 : i32
      %mul3A_102 = arith.muli %mul3A_101, %scan3A_94 : i32
      %add3A_103 = arith.constant 1 : i32
      %add3A_104 = arith.addi %mul3A_102, %add3A_103 : i32
      %lt3A_105 = arith.constant 125 : i32
      %lt3A_106 = arith.cmpi slt, %add3A_104, %lt3A_105 : i32
      %convert_element_type3A_107 = arith.extui %lt3A_106 : i1 to i32
      %cond3A_108 = arith.constant 0 : i32
      %cond3A_109 = arith.cmpi ne, %convert_element_type3A_107, %cond3A_108 : i32
      scf.if %cond3A_109 {
        %dma_wait3A_119 = arith.constant 1 : i32
        %dma_wait3A_120 = arith.constant 0 : i32
        %dma_wait3A_121 = arith.constant 0 : i32
        %dma_wait3A_122 = tpu.memref_slice %arg8[%dma_wait3A_119, %dma_wait3A_120, %dma_wait3A_121] : memref<3x80x64xf32, #tpu.memory_space<vmem>> -> memref<1x80x64xf32, #tpu.memory_space<vmem>>
        %dma_wait3A_123 = tpu.memref_squeeze %dma_wait3A_122 : memref<1x80x64xf32, #tpu.memory_space<vmem>> -> memref<80x64xf32, #tpu.memory_space<vmem>>
        %dma_wait3A_124 = arith.constant 0 : i32
        %dma_wait3A_125 = arith.constant 0 : i32
        %dma_wait3A_126 = tpu.memref_slice %arg2[%dma_wait3A_124, %dma_wait3A_125] : memref<10000x64xf32, #tpu.memory_space<hbm>> -> memref<80x64xf32, #tpu.memory_space<hbm>>
        %dma_wait3A_127 = arith.constant 0 : i32
        %dma_wait3A_128 = arith.constant 0 : i32
        %dma_wait3A_129 = tpu.memref_slice %arg8[%dma_wait3A_119, %dma_wait3A_127, %dma_wait3A_128] : memref<3x80x64xf32, #tpu.memory_space<vmem>> -> memref<1x80x64xf32, #tpu.memory_space<vmem>>
        %dma_wait3A_130 = tpu.memref_squeeze %dma_wait3A_129 : memref<1x80x64xf32, #tpu.memory_space<vmem>> -> memref<80x64xf32, #tpu.memory_space<vmem>>
        %dma_wait3A_131 = arith.constant 0 : i32
        %dma_wait3A_132 = arith.constant 0 : i32
        %dma_wait3A_133 = tpu.memref_slice %arg2[%dma_wait3A_131, %dma_wait3A_132] : memref<10000x64xf32, #tpu.memory_space<hbm>> -> memref<80x64xf32, #tpu.memory_space<hbm>>
        tpu.wait_dma2 semaphore(%arg12 : memref<!tpu.dma_semaphore, #tpu.memory_space<semaphore_mem>>) src(%dma_wait3A_133 : memref<80x64xf32, #tpu.memory_space<hbm>>) dst(%dma_wait3A_130 : memref<80x64xf32, #tpu.memory_space<vmem>>)
        %ge3A = arith.constant 1 : i32
        %ge3A_134 = arith.cmpi sge, %add3A_104, %ge3A : i32
        %convert_element_type3A_135 = arith.extui %ge3A_134 : i1 to i32
        %cond3A_136 = arith.constant 0 : i32
        %cond3A_137 = arith.cmpi ne, %convert_element_type3A_135, %cond3A_136 : i32
        scf.if %cond3A_137 {
          %dma_wait3A_156 = arith.constant 1 : i32
          %dma_wait3A_157 = arith.constant 0 : i32
          %dma_wait3A_158 = arith.constant 0 : i32
          %dma_wait3A_159 = tpu.memref_slice %arg8[%dma_wait3A_156, %dma_wait3A_157, %dma_wait3A_158] : memref<3x80x64xf32, #tpu.memory_space<vmem>> -> memref<1x80x64xf32, #tpu.memory_space<vmem>>
          %dma_wait3A_160 = tpu.memref_squeeze %dma_wait3A_159 : memref<1x80x64xf32, #tpu.memory_space<vmem>> -> memref<80x64xf32, #tpu.memory_space<vmem>>
          %dma_wait3A_161 = arith.constant 0 : i32
          %dma_wait3A_162 = arith.constant 0 : i32
          %dma_wait3A_163 = tpu.memref_slice %arg10[%dma_wait3A_161, %dma_wait3A_162] : memref<10240x64xf32, #tpu.memory_space<vmem_shared>> -> memref<80x64xf32, #tpu.memory_space<vmem_shared>>
          %dma_wait3A_164 = arith.constant 0 : i32
          %dma_wait3A_165 = arith.constant 0 : i32
          %dma_wait3A_166 = tpu.memref_slice %arg10[%dma_wait3A_164, %dma_wait3A_165] : memref<10240x64xf32, #tpu.memory_space<vmem_shared>> -> memref<80x64xf32, #tpu.memory_space<vmem_shared>>
          %dma_wait3A_167 = arith.constant 0 : i32
          %dma_wait3A_168 = arith.constant 0 : i32
          %dma_wait3A_169 = tpu.memref_slice %arg8[%dma_wait3A_156, %dma_wait3A_167, %dma_wait3A_168] : memref<3x80x64xf32, #tpu.memory_space<vmem>> -> memref<1x80x64xf32, #tpu.memory_space<vmem>>
          %dma_wait3A_170 = tpu.memref_squeeze %dma_wait3A_169 : memref<1x80x64xf32, #tpu.memory_space<vmem>> -> memref<80x64xf32, #tpu.memory_space<vmem>>
          tpu.wait_dma2 semaphore(%arg13 : memref<!tpu.dma_semaphore, #tpu.memory_space<semaphore_mem>>) src(%dma_wait3A_170 : memref<80x64xf32, #tpu.memory_space<vmem>>) dst(%dma_wait3A_166 : memref<80x64xf32, #tpu.memory_space<vmem_shared>>)
        } else {
        }
        %add3A_138 = arith.constant 2 : i32
        %add3A_139 = arith.addi %add3A_104, %add3A_138 : i32
        %lt3A_140 = arith.constant 125 : i32
        %lt3A_141 = arith.cmpi slt, %add3A_139, %lt3A_140 : i32
        %convert_element_type3A_142 = arith.extui %lt3A_141 : i1 to i32
        %cond3A_143 = arith.constant 0 : i32
        %cond3A_144 = arith.cmpi ne, %convert_element_type3A_142, %cond3A_143 : i32
        scf.if %cond3A_144 {
          %add3A_156 = arith.constant 2 : i32
          %add3A_157 = arith.addi %add3A_104, %add3A_156 : i32
          %dma_start3A_158 = arith.constant 0 : i32
          %dma_start3A_159 = arith.constant 0 : i32
          %dma_start3A_160 = arith.constant 0 : i32
          %dma_start3A_161 = tpu.memref_slice %arg8[%dma_start3A_158, %dma_start3A_159, %dma_start3A_160] : memref<3x80x64xf32, #tpu.memory_space<vmem>> -> memref<1x80x64xf32, #tpu.memory_space<vmem>>
          %dma_start3A_162 = tpu.memref_squeeze %dma_start3A_161 : memref<1x80x64xf32, #tpu.memory_space<vmem>> -> memref<80x64xf32, #tpu.memory_space<vmem>>
          %dma_start3A_163 = arith.constant 0 : i32
          %dma_start3A_164 = tpu.memref_slice %arg6[%add3A_157, %dma_start3A_163] : memref<125x80xi32, #tpu.memory_space<vmem>> -> memref<1x80xi32, #tpu.memory_space<vmem>>
          %dma_start3A_165 = tpu.memref_squeeze %dma_start3A_164 : memref<1x80xi32, #tpu.memory_space<vmem>> -> memref<80xi32, #tpu.memory_space<vmem>>
          %dma_start3A_166 = arith.constant 0 : i32
          %dma_start3A_167 = arith.constant 0 : i32
          %dma_start3A_168 = tpu.memref_slice %arg2[%dma_start3A_166, %dma_start3A_167] : memref<10000x64xf32, #tpu.memory_space<hbm>> -> memref<10000x64xf32, #tpu.memory_space<hbm>>
          tpu.enqueue_indirect_dma source(%dma_start3A_168 : memref<10000x64xf32, #tpu.memory_space<hbm>>) target(%dma_start3A_162 : memref<80x64xf32, #tpu.memory_space<vmem>>) offsets(%dma_start3A_165 : memref<80xi32, #tpu.memory_space<vmem>>) semaphore(%arg12 : memref<!tpu.dma_semaphore, #tpu.memory_space<semaphore_mem>>)
        } else {
        }
        %dma_start3A_145 = arith.constant 1 : i32
        %dma_start3A_146 = arith.constant 0 : i32
        %dma_start3A_147 = arith.constant 0 : i32
        %dma_start3A_148 = tpu.memref_slice %arg8[%dma_start3A_145, %dma_start3A_146, %dma_start3A_147] : memref<3x80x64xf32, #tpu.memory_space<vmem>> -> memref<1x80x64xf32, #tpu.memory_space<vmem>>
        %dma_start3A_149 = tpu.memref_squeeze %dma_start3A_148 : memref<1x80x64xf32, #tpu.memory_space<vmem>> -> memref<80x64xf32, #tpu.memory_space<vmem>>
        %dma_start3A_150 = arith.constant 0 : i32
        %dma_start3A_151 = tpu.memref_slice %arg7[%add3A_104, %dma_start3A_150] : memref<125x80xi32, #tpu.memory_space<vmem>> -> memref<1x80xi32, #tpu.memory_space<vmem>>
        %dma_start3A_152 = tpu.memref_squeeze %dma_start3A_151 : memref<1x80xi32, #tpu.memory_space<vmem>> -> memref<80xi32, #tpu.memory_space<vmem>>
        %dma_start3A_153 = arith.constant 0 : i32
        %dma_start3A_154 = arith.constant 0 : i32
        %dma_start3A_155 = tpu.memref_slice %arg10[%dma_start3A_153, %dma_start3A_154] : memref<10240x64xf32, #tpu.memory_space<vmem_shared>> -> memref<10240x64xf32, #tpu.memory_space<vmem_shared>>
        tpu.enqueue_indirect_dma source(%dma_start3A_149 : memref<80x64xf32, #tpu.memory_space<vmem>>) target(%dma_start3A_155 : memref<10240x64xf32, #tpu.memory_space<vmem_shared>>) offsets(%dma_start3A_152 : memref<80xi32, #tpu.memory_space<vmem>>) semaphore(%arg13 : memref<!tpu.dma_semaphore, #tpu.memory_space<semaphore_mem>>) {add = true}
      } else {
      }
      %mul3A_110 = arith.constant 3 : i32
      %mul3A_111 = arith.muli %mul3A_110, %scan3A_94 : i32
      %add3A_112 = arith.constant 2 : i32
      %add3A_113 = arith.addi %mul3A_111, %add3A_112 : i32
      %lt3A_114 = arith.constant 125 : i32
      %lt3A_115 = arith.cmpi slt, %add3A_113, %lt3A_114 : i32
      %convert_element_type3A_116 = arith.extui %lt3A_115 : i1 to i32
      %cond3A_117 = arith.constant 0 : i32
      %cond3A_118 = arith.cmpi ne, %convert_element_type3A_116, %cond3A_117 : i32
      scf.if %cond3A_118 {
        %dma_wait3A_119 = arith.constant 2 : i32
        %dma_wait3A_120 = arith.constant 0 : i32
        %dma_wait3A_121 = arith.constant 0 : i32
        %dma_wait3A_122 = tpu.memref_slice %arg8[%dma_wait3A_119, %dma_wait3A_120, %dma_wait3A_121] : memref<3x80x64xf32, #tpu.memory_space<vmem>> -> memref<1x80x64xf32, #tpu.memory_space<vmem>>
        %dma_wait3A_123 = tpu.memref_squeeze %dma_wait3A_122 : memref<1x80x64xf32, #tpu.memory_space<vmem>> -> memref<80x64xf32, #tpu.memory_space<vmem>>
        %dma_wait3A_124 = arith.constant 0 : i32
        %dma_wait3A_125 = arith.constant 0 : i32
        %dma_wait3A_126 = tpu.memref_slice %arg2[%dma_wait3A_124, %dma_wait3A_125] : memref<10000x64xf32, #tpu.memory_space<hbm>> -> memref<80x64xf32, #tpu.memory_space<hbm>>
        %dma_wait3A_127 = arith.constant 0 : i32
        %dma_wait3A_128 = arith.constant 0 : i32
        %dma_wait3A_129 = tpu.memref_slice %arg8[%dma_wait3A_119, %dma_wait3A_127, %dma_wait3A_128] : memref<3x80x64xf32, #tpu.memory_space<vmem>> -> memref<1x80x64xf32, #tpu.memory_space<vmem>>
        %dma_wait3A_130 = tpu.memref_squeeze %dma_wait3A_129 : memref<1x80x64xf32, #tpu.memory_space<vmem>> -> memref<80x64xf32, #tpu.memory_space<vmem>>
        %dma_wait3A_131 = arith.constant 0 : i32
        %dma_wait3A_132 = arith.constant 0 : i32
        %dma_wait3A_133 = tpu.memref_slice %arg2[%dma_wait3A_131, %dma_wait3A_132] : memref<10000x64xf32, #tpu.memory_space<hbm>> -> memref<80x64xf32, #tpu.memory_space<hbm>>
        tpu.wait_dma2 semaphore(%arg12 : memref<!tpu.dma_semaphore, #tpu.memory_space<semaphore_mem>>) src(%dma_wait3A_133 : memref<80x64xf32, #tpu.memory_space<hbm>>) dst(%dma_wait3A_130 : memref<80x64xf32, #tpu.memory_space<vmem>>)
        %ge3A = arith.constant 1 : i32
        %ge3A_134 = arith.cmpi sge, %add3A_113, %ge3A : i32
        %convert_element_type3A_135 = arith.extui %ge3A_134 : i1 to i32
        %cond3A_136 = arith.constant 0 : i32
        %cond3A_137 = arith.cmpi ne, %convert_element_type3A_135, %cond3A_136 : i32
        scf.if %cond3A_137 {
          %dma_wait3A_156 = arith.constant 2 : i32
          %dma_wait3A_157 = arith.constant 0 : i32
          %dma_wait3A_158 = arith.constant 0 : i32
          %dma_wait3A_159 = tpu.memref_slice %arg8[%dma_wait3A_156, %dma_wait3A_157, %dma_wait3A_158] : memref<3x80x64xf32, #tpu.memory_space<vmem>> -> memref<1x80x64xf32, #tpu.memory_space<vmem>>
          %dma_wait3A_160 = tpu.memref_squeeze %dma_wait3A_159 : memref<1x80x64xf32, #tpu.memory_space<vmem>> -> memref<80x64xf32, #tpu.memory_space<vmem>>
          %dma_wait3A_161 = arith.constant 0 : i32
          %dma_wait3A_162 = arith.constant 0 : i32
          %dma_wait3A_163 = tpu.memref_slice %arg10[%dma_wait3A_161, %dma_wait3A_162] : memref<10240x64xf32, #tpu.memory_space<vmem_shared>> -> memref<80x64xf32, #tpu.memory_space<vmem_shared>>
          %dma_wait3A_164 = arith.constant 0 : i32
          %dma_wait3A_165 = arith.constant 0 : i32
          %dma_wait3A_166 = tpu.memref_slice %arg10[%dma_wait3A_164, %dma_wait3A_165] : memref<10240x64xf32, #tpu.memory_space<vmem_shared>> -> memref<80x64xf32, #tpu.memory_space<vmem_shared>>
          %dma_wait3A_167 = arith.constant 0 : i32
          %dma_wait3A_168 = arith.constant 0 : i32
          %dma_wait3A_169 = tpu.memref_slice %arg8[%dma_wait3A_156, %dma_wait3A_167, %dma_wait3A_168] : memref<3x80x64xf32, #tpu.memory_space<vmem>> -> memref<1x80x64xf32, #tpu.memory_space<vmem>>
          %dma_wait3A_170 = tpu.memref_squeeze %dma_wait3A_169 : memref<1x80x64xf32, #tpu.memory_space<vmem>> -> memref<80x64xf32, #tpu.memory_space<vmem>>
          tpu.wait_dma2 semaphore(%arg13 : memref<!tpu.dma_semaphore, #tpu.memory_space<semaphore_mem>>) src(%dma_wait3A_170 : memref<80x64xf32, #tpu.memory_space<vmem>>) dst(%dma_wait3A_166 : memref<80x64xf32, #tpu.memory_space<vmem_shared>>)
        } else {
        }
        %add3A_138 = arith.constant 2 : i32
        %add3A_139 = arith.addi %add3A_113, %add3A_138 : i32
        %lt3A_140 = arith.constant 125 : i32
        %lt3A_141 = arith.cmpi slt, %add3A_139, %lt3A_140 : i32
        %convert_element_type3A_142 = arith.extui %lt3A_141 : i1 to i32
        %cond3A_143 = arith.constant 0 : i32
        %cond3A_144 = arith.cmpi ne, %convert_element_type3A_142, %cond3A_143 : i32
        scf.if %cond3A_144 {
          %add3A_156 = arith.constant 2 : i32
          %add3A_157 = arith.addi %add3A_113, %add3A_156 : i32
          %dma_start3A_158 = arith.constant 1 : i32
          %dma_start3A_159 = arith.constant 0 : i32
          %dma_start3A_160 = arith.constant 0 : i32
          %dma_start3A_161 = tpu.memref_slice %arg8[%dma_start3A_158, %dma_start3A_159, %dma_start3A_160] : memref<3x80x64xf32, #tpu.memory_space<vmem>> -> memref<1x80x64xf32, #tpu.memory_space<vmem>>
          %dma_start3A_162 = tpu.memref_squeeze %dma_start3A_161 : memref<1x80x64xf32, #tpu.memory_space<vmem>> -> memref<80x64xf32, #tpu.memory_space<vmem>>
          %dma_start3A_163 = arith.constant 0 : i32
          %dma_start3A_164 = tpu.memref_slice %arg6[%add3A_157, %dma_start3A_163] : memref<125x80xi32, #tpu.memory_space<vmem>> -> memref<1x80xi32, #tpu.memory_space<vmem>>
          %dma_start3A_165 = tpu.memref_squeeze %dma_start3A_164 : memref<1x80xi32, #tpu.memory_space<vmem>> -> memref<80xi32, #tpu.memory_space<vmem>>
          %dma_start3A_166 = arith.constant 0 : i32
          %dma_start3A_167 = arith.constant 0 : i32
          %dma_start3A_168 = tpu.memref_slice %arg2[%dma_start3A_166, %dma_start3A_167] : memref<10000x64xf32, #tpu.memory_space<hbm>> -> memref<10000x64xf32, #tpu.memory_space<hbm>>
          tpu.enqueue_indirect_dma source(%dma_start3A_168 : memref<10000x64xf32, #tpu.memory_space<hbm>>) target(%dma_start3A_162 : memref<80x64xf32, #tpu.memory_space<vmem>>) offsets(%dma_start3A_165 : memref<80xi32, #tpu.memory_space<vmem>>) semaphore(%arg12 : memref<!tpu.dma_semaphore, #tpu.memory_space<semaphore_mem>>)
        } else {
        }
        %dma_start3A_145 = arith.constant 2 : i32
        %dma_start3A_146 = arith.constant 0 : i32
        %dma_start3A_147 = arith.constant 0 : i32
        %dma_start3A_148 = tpu.memref_slice %arg8[%dma_start3A_145, %dma_start3A_146, %dma_start3A_147] : memref<3x80x64xf32, #tpu.memory_space<vmem>> -> memref<1x80x64xf32, #tpu.memory_space<vmem>>
        %dma_start3A_149 = tpu.memref_squeeze %dma_start3A_148 : memref<1x80x64xf32, #tpu.memory_space<vmem>> -> memref<80x64xf32, #tpu.memory_space<vmem>>
        %dma_start3A_150 = arith.constant 0 : i32
        %dma_start3A_151 = tpu.memref_slice %arg7[%add3A_113, %dma_start3A_150] : memref<125x80xi32, #tpu.memory_space<vmem>> -> memref<1x80xi32, #tpu.memory_space<vmem>>
        %dma_start3A_152 = tpu.memref_squeeze %dma_start3A_151 : memref<1x80xi32, #tpu.memory_space<vmem>> -> memref<80xi32, #tpu.memory_space<vmem>>
        %dma_start3A_153 = arith.constant 0 : i32
        %dma_start3A_154 = arith.constant 0 : i32
        %dma_start3A_155 = tpu.memref_slice %arg10[%dma_start3A_153, %dma_start3A_154] : memref<10240x64xf32, #tpu.memory_space<vmem_shared>> -> memref<10240x64xf32, #tpu.memory_space<vmem_shared>>
        tpu.enqueue_indirect_dma source(%dma_start3A_149 : memref<80x64xf32, #tpu.memory_space<vmem>>) target(%dma_start3A_155 : memref<10240x64xf32, #tpu.memory_space<vmem_shared>>) offsets(%dma_start3A_152 : memref<80xi32, #tpu.memory_space<vmem>>) semaphore(%arg13 : memref<!tpu.dma_semaphore, #tpu.memory_space<semaphore_mem>>) {add = true}
      } else {
      }
    }
    %scan3A_77 = arith.constant 42 : i32
    %dma_wait3A_78 = arith.constant 0 : i32
    %dma_wait3A_79 = arith.constant 0 : i32
    %dma_wait3A_80 = arith.constant 0 : i32
    %dma_wait3A_81 = tpu.memref_slice %arg8[%dma_wait3A_78, %dma_wait3A_79, %dma_wait3A_80] : memref<3x80x64xf32, #tpu.memory_space<vmem>> -> memref<1x80x64xf32, #tpu.memory_space<vmem>>
    %dma_wait3A_82 = tpu.memref_squeeze %dma_wait3A_81 : memref<1x80x64xf32, #tpu.memory_space<vmem>> -> memref<80x64xf32, #tpu.memory_space<vmem>>
    %dma_wait3A_83 = arith.constant 0 : i32
    %dma_wait3A_84 = arith.constant 0 : i32
    %dma_wait3A_85 = tpu.memref_slice %arg10[%dma_wait3A_83, %dma_wait3A_84] : memref<10240x64xf32, #tpu.memory_space<vmem_shared>> -> memref<80x64xf32, #tpu.memory_space<vmem_shared>>
    %dma_wait3A_86 = arith.constant 0 : i32
    %dma_wait3A_87 = arith.constant 0 : i32
    %dma_wait3A_88 = tpu.memref_slice %arg10[%dma_wait3A_86, %dma_wait3A_87] : memref<10240x64xf32, #tpu.memory_space<vmem_shared>> -> memref<80x64xf32, #tpu.memory_space<vmem_shared>>
    %dma_wait3A_89 = arith.constant 0 : i32
    %dma_wait3A_90 = arith.constant 0 : i32
    %dma_wait3A_91 = tpu.memref_slice %arg8[%dma_wait3A_78, %dma_wait3A_89, %dma_wait3A_90] : memref<3x80x64xf32, #tpu.memory_space<vmem>> -> memref<1x80x64xf32, #tpu.memory_space<vmem>>
    %dma_wait3A_92 = tpu.memref_squeeze %dma_wait3A_91 : memref<1x80x64xf32, #tpu.memory_space<vmem>> -> memref<80x64xf32, #tpu.memory_space<vmem>>
    tpu.wait_dma2 semaphore(%arg13 : memref<!tpu.dma_semaphore, #tpu.memory_space<semaphore_mem>>) src(%dma_wait3A_92 : memref<80x64xf32, #tpu.memory_space<vmem>>) dst(%dma_wait3A_88 : memref<80x64xf32, #tpu.memory_space<vmem_shared>>)
    %barrier3A_93 = arith.constant 0 : index
    tpu.barrier barrier_id(%barrier3A_93)
    "tpu.region"() ({
      %run_scoped3A = tpu.sem_alloc : memref<!tpu.dma_semaphore, #tpu.memory_space<semaphore_mem>>
      %dma_start3A_94 = arith.constant 0 : i32
      %dma_start3A_95 = tpu.memref_slice %arg5[%arg0, %mul3A_22, %dma_start3A_94] : memref<2x10240x64xf32, #tpu.memory_space<hbm>> -> memref<1x640x64xf32, #tpu.memory_space<hbm>>
      %dma_start3A_96 = tpu.memref_squeeze %dma_start3A_95 : memref<1x640x64xf32, #tpu.memory_space<hbm>> -> memref<640x64xf32, #tpu.memory_space<hbm>>
      %dma_start3A_97 = arith.constant 0 : i32
      %dma_start3A_98 = tpu.memref_slice %arg10[%mul3A_22, %dma_start3A_97] : memref<10240x64xf32, #tpu.memory_space<vmem_shared>> -> memref<640x64xf32, #tpu.memory_space<vmem_shared>>
      tpu.enqueue_dma source(%dma_start3A_98 : memref<640x64xf32, #tpu.memory_space<vmem_shared>>) target(%dma_start3A_96 : memref<640x64xf32, #tpu.memory_space<hbm>>) target_semaphore(%run_scoped3A : memref<!tpu.dma_semaphore, #tpu.memory_space<semaphore_mem>>)
      %dma_wait3A_99 = arith.constant 0 : i32
      %dma_wait3A_100 = tpu.memref_slice %arg5[%arg0, %mul3A_22, %dma_wait3A_99] : memref<2x10240x64xf32, #tpu.memory_space<hbm>> -> memref<1x640x64xf32, #tpu.memory_space<hbm>>
      %dma_wait3A_101 = tpu.memref_squeeze %dma_wait3A_100 : memref<1x640x64xf32, #tpu.memory_space<hbm>> -> memref<640x64xf32, #tpu.memory_space<hbm>>
      %dma_wait3A_102 = arith.constant 0 : i32
      %dma_wait3A_103 = tpu.memref_slice %arg10[%mul3A_22, %dma_wait3A_102] : memref<10240x64xf32, #tpu.memory_space<vmem_shared>> -> memref<640x64xf32, #tpu.memory_space<vmem_shared>>
      tpu.wait_dma2 semaphore(%run_scoped3A : memref<!tpu.dma_semaphore, #tpu.memory_space<semaphore_mem>>) src(%dma_wait3A_103 : memref<640x64xf32, #tpu.memory_space<vmem_shared>>) dst(%dma_wait3A_101 : memref<640x64xf32, #tpu.memory_space<hbm>>)
      tpu.yield
    }) : () -> ()
    return
  }
}

#map = affine_map<(d0, d1) -> (0, 0)>
#map1 = affine_map<(d0, d1) -> (0, 0, 0)>
module attributes {stable_mosaic.version = 14 : i64} {
  func.func @body(%arg0: i32, %arg1: i32, %arg2: memref<10000x80xf32, #tpu.memory_space<hbm>>, %arg3: memref<32x125x80xi32, #tpu.memory_space<hbm>>, %arg4: memref<32x125x80xi32, #tpu.memory_space<hbm>>, %arg5: memref<2x10240x80xf32, #tpu.memory_space<hbm>>, %arg6: memref<125x80xi32, #tpu.memory_space<vmem>>, %arg7: memref<125x80xi32, #tpu.memory_space<vmem>>, %arg8: memref<3x80x80xf32, #tpu.memory_space<vmem>>, %arg9: memref<128x80xf32, #tpu.memory_space<vmem>>, %arg10: memref<10240x80xf32, #tpu.memory_space<vmem_shared>>, %arg11: memref<!tpu.dma_semaphore, #tpu.memory_space<semaphore_mem>>, %arg12: memref<!tpu.dma_semaphore, #tpu.memory_space<semaphore_mem>>, %arg13: memref<!tpu.dma_semaphore, #tpu.memory_space<semaphore_mem>>) attributes {dimension_semantics = [#tpu.dimension_semantics<core_parallel>, #tpu.dimension_semantics<subcore_parallel>], iteration_bounds = array<i64: 2, 16>, scalar_prefetch = 0 : i64, scratch_operands = 8 : i64, tpu.core_type = #tpu.core_type<sc_vector_subcore>, window_params = [{transform_indices = #map}, {transform_indices = #map1}, {transform_indices = #map1}, {transform_indices = #map1}]} {
    %mul3A = arith.constant 16 : i32
    %mul3A_0 = arith.muli %arg0, %mul3A : i32
    %add3A = arith.addi %mul3A_0, %arg1 : i32
    %dma_start3A = arith.constant 0 : i32
    %dma_start3A_1 = arith.constant 0 : i32
    %dma_start3A_2 = tpu.memref_slice %arg3[%add3A, %dma_start3A, %dma_start3A_1] : memref<32x125x80xi32, #tpu.memory_space<hbm>> -> memref<1x125x80xi32, #tpu.memory_space<hbm>>
    %dma_start3A_3 = tpu.memref_squeeze %dma_start3A_2 : memref<1x125x80xi32, #tpu.memory_space<hbm>> -> memref<125x80xi32, #tpu.memory_space<hbm>>
    %dma_start3A_4 = arith.constant 0 : i32
    %dma_start3A_5 = arith.constant 0 : i32
    %dma_start3A_6 = tpu.memref_slice %arg3[%add3A, %dma_start3A_4, %dma_start3A_5] : memref<32x125x80xi32, #tpu.memory_space<hbm>> -> memref<1x125x80xi32, #tpu.memory_space<hbm>>
    %dma_start3A_7 = tpu.memref_squeeze %dma_start3A_6 : memref<1x125x80xi32, #tpu.memory_space<hbm>> -> memref<125x80xi32, #tpu.memory_space<hbm>>
    tpu.enqueue_dma source(%dma_start3A_7 : memref<125x80xi32, #tpu.memory_space<hbm>>) target(%arg6 : memref<125x80xi32, #tpu.memory_space<vmem>>) target_semaphore(%arg11 : memref<!tpu.dma_semaphore, #tpu.memory_space<semaphore_mem>>)
    %dma_start3A_8 = arith.constant 0 : i32
    %dma_start3A_9 = arith.constant 0 : i32
    %dma_start3A_10 = tpu.memref_slice %arg4[%add3A, %dma_start3A_8, %dma_start3A_9] : memref<32x125x80xi32, #tpu.memory_space<hbm>> -> memref<1x125x80xi32, #tpu.memory_space<hbm>>
    %dma_start3A_11 = tpu.memref_squeeze %dma_start3A_10 : memref<1x125x80xi32, #tpu.memory_space<hbm>> -> memref<125x80xi32, #tpu.memory_space<hbm>>
    %dma_start3A_12 = arith.constant 0 : i32
    %dma_start3A_13 = arith.constant 0 : i32
    %dma_start3A_14 = tpu.memref_slice %arg4[%add3A, %dma_start3A_12, %dma_start3A_13] : memref<32x125x80xi32, #tpu.memory_space<hbm>> -> memref<1x125x80xi32, #tpu.memory_space<hbm>>
    %dma_start3A_15 = tpu.memref_squeeze %dma_start3A_14 : memref<1x125x80xi32, #tpu.memory_space<hbm>> -> memref<125x80xi32, #tpu.memory_space<hbm>>
    tpu.enqueue_dma source(%dma_start3A_15 : memref<125x80xi32, #tpu.memory_space<hbm>>) target(%arg7 : memref<125x80xi32, #tpu.memory_space<vmem>>) target_semaphore(%arg11 : memref<!tpu.dma_semaphore, #tpu.memory_space<semaphore_mem>>)
    %scan3A = arith.constant 0 : i32
    %scan3A_16 = arith.constant 0 : i32
    %scan3A_17 = arith.constant 640 : i32
    %scan3A_18 = arith.addi %scan3A_16, %scan3A_17 : i32
    %scan3A_19 = arith.constant 1 : i32
    scf.for %scan3A_94 = %scan3A_16 to %scan3A_18 step %scan3A_19  : i32 {
      %broadcast_in_dim3A = arith.constant 0.000000e+00 : f32
      %broadcast_in_dim3A_95 = vector.broadcast %broadcast_in_dim3A : f32 to vector<16xf32>
      %jit3A = arith.constant 5 : i32
      %div3A = arith.divsi %scan3A_94, %jit3A : i32
      %sign3A = arith.constant 0 : i32
      %sign3A_96 = arith.cmpi sgt, %scan3A_94, %sign3A : i32
      %sign3A_97 = arith.extui %sign3A_96 : i1 to i32
      %sign3A_98 = arith.constant 0 : i32
      %sign3A_99 = arith.cmpi slt, %scan3A_94, %sign3A_98 : i32
      %sign3A_100 = arith.extui %sign3A_99 : i1 to i32
      %sign3A_101 = arith.subi %sign3A_97, %sign3A_100 : i32
      %sign3A_102 = arith.constant 0 : i32
      %sign3A_103 = arith.cmpi sgt, %jit3A, %sign3A_102 : i32
      %sign3A_104 = arith.extui %sign3A_103 : i1 to i32
      %sign3A_105 = arith.constant 0 : i32
      %sign3A_106 = arith.cmpi slt, %jit3A, %sign3A_105 : i32
      %sign3A_107 = arith.extui %sign3A_106 : i1 to i32
      %sign3A_108 = arith.subi %sign3A_104, %sign3A_107 : i32
      %ne3A = arith.cmpi ne, %sign3A_101, %sign3A_108 : i32
      %rem3A = arith.remsi %scan3A_94, %jit3A : i32
      %ne3A_109 = arith.constant 0 : i32
      %ne3A_110 = arith.cmpi ne, %rem3A, %ne3A_109 : i32
      %and3A = arith.andi %ne3A, %ne3A_110 : i1
      %sub3A = arith.constant 1 : i32
      %sub3A_111 = arith.subi %div3A, %sub3A : i32
      %select_n3A = arith.select %and3A, %sub3A_111, %div3A : i32
      %jit3A_112 = arith.constant 5 : i32
      %eq3A = arith.constant 0 : i32
      %eq3A_113 = arith.cmpi eq, %jit3A_112, %eq3A : i32
      %jit3A_114 = arith.constant 1 : i32
      %select_n3A_115 = arith.select %eq3A_113, %jit3A_114, %jit3A_112 : i32
      %rem3A_116 = arith.remsi %scan3A_94, %select_n3A_115 : i32
      %ne3A_117 = arith.constant 0 : i32
      %ne3A_118 = arith.cmpi ne, %rem3A_116, %ne3A_117 : i32
      %lt3A = arith.constant 0 : i32
      %lt3A_119 = arith.cmpi slt, %rem3A_116, %lt3A : i32
      %lt3A_120 = arith.constant 0 : i32
      %lt3A_121 = arith.cmpi slt, %select_n3A_115, %lt3A_120 : i32
      %ne3A_122 = arith.xori %lt3A_119, %lt3A_121 : i1
      %and3A_123 = arith.andi %ne3A_122, %ne3A_118 : i1
      %add3A_124 = arith.addi %rem3A_116, %select_n3A_115 : i32
      %select_n3A_125 = arith.select %and3A_123, %add3A_124, %rem3A_116 : i32
      %mul3A_126 = arith.constant 16 : i32
      %mul3A_127 = arith.muli %select_n3A_125, %mul3A_126 : i32
      %swap3A = arith.index_cast %select_n3A : i32 to index
      %swap3A_128 = arith.index_cast %mul3A_127 : i32 to index
      %swap3A_129 = tpu.vector_load %arg9[%swap3A, %swap3A_128] {strides = array<i32>} : memref<128x80xf32, #tpu.memory_space<vmem>>, vector<1x16xf32>,
      %swap3A_130 = vector.shape_cast %swap3A_129 : vector<1x16xf32> to vector<16xf32>
      %swap3A_131 = vector.shape_cast %broadcast_in_dim3A_95 : vector<16xf32> to vector<1x16xf32>
      tpu.vector_store %arg9[%swap3A, %swap3A_128], %swap3A_131 {strides = array<i32>} : memref<128x80xf32, #tpu.memory_space<vmem>>, vector<1x16xf32>,
    }
    %scan3A_20 = arith.constant 640 : i32
    %mul3A_21 = arith.constant 640 : i32
    %mul3A_22 = arith.muli %arg1, %mul3A_21 : i32
    %add3A_23 = arith.constant 0 : i32
    %add3A_24 = arith.addi %mul3A_22, %add3A_23 : i32
    "tpu.region"() ({
      %run_scoped3A = tpu.sem_alloc : memref<!tpu.dma_semaphore, #tpu.memory_space<semaphore_mem>>
      %dma_start3A_94 = arith.constant 0 : i32
      %dma_start3A_95 = tpu.memref_slice %arg10[%add3A_24, %dma_start3A_94] : memref<10240x80xf32, #tpu.memory_space<vmem_shared>> -> memref<128x80xf32, #tpu.memory_space<vmem_shared>>
      %dma_start3A_96 = arith.constant 0 : i32
      %dma_start3A_97 = tpu.memref_slice %arg10[%add3A_24, %dma_start3A_96] : memref<10240x80xf32, #tpu.memory_space<vmem_shared>> -> memref<128x80xf32, #tpu.memory_space<vmem_shared>>
      tpu.enqueue_dma source(%arg9 : memref<128x80xf32, #tpu.memory_space<vmem>>) target(%dma_start3A_97 : memref<128x80xf32, #tpu.memory_space<vmem_shared>>) target_semaphore(%run_scoped3A : memref<!tpu.dma_semaphore, #tpu.memory_space<semaphore_mem>>)
      %dma_wait3A_98 = arith.constant 0 : i32
      %dma_wait3A_99 = tpu.memref_slice %arg10[%add3A_24, %dma_wait3A_98] : memref<10240x80xf32, #tpu.memory_space<vmem_shared>> -> memref<128x80xf32, #tpu.memory_space<vmem_shared>>
      %dma_wait3A_100 = arith.constant 0 : i32
      %dma_wait3A_101 = tpu.memref_slice %arg10[%add3A_24, %dma_wait3A_100] : memref<10240x80xf32, #tpu.memory_space<vmem_shared>> -> memref<128x80xf32, #tpu.memory_space<vmem_shared>>
      tpu.wait_dma2 semaphore(%run_scoped3A : memref<!tpu.dma_semaphore, #tpu.memory_space<semaphore_mem>>) src(%arg9 : memref<128x80xf32, #tpu.memory_space<vmem>>) dst(%dma_wait3A_101 : memref<128x80xf32, #tpu.memory_space<vmem_shared>>)
      tpu.yield
    }) : () -> ()
    %add3A_25 = arith.constant 128 : i32
    %add3A_26 = arith.addi %mul3A_22, %add3A_25 : i32
    "tpu.region"() ({
      %run_scoped3A = tpu.sem_alloc : memref<!tpu.dma_semaphore, #tpu.memory_space<semaphore_mem>>
      %dma_start3A_94 = arith.constant 0 : i32
      %dma_start3A_95 = tpu.memref_slice %arg10[%add3A_26, %dma_start3A_94] : memref<10240x80xf32, #tpu.memory_space<vmem_shared>> -> memref<128x80xf32, #tpu.memory_space<vmem_shared>>
      %dma_start3A_96 = arith.constant 0 : i32
      %dma_start3A_97 = tpu.memref_slice %arg10[%add3A_26, %dma_start3A_96] : memref<10240x80xf32, #tpu.memory_space<vmem_shared>> -> memref<128x80xf32, #tpu.memory_space<vmem_shared>>
      tpu.enqueue_dma source(%arg9 : memref<128x80xf32, #tpu.memory_space<vmem>>) target(%dma_start3A_97 : memref<128x80xf32, #tpu.memory_space<vmem_shared>>) target_semaphore(%run_scoped3A : memref<!tpu.dma_semaphore, #tpu.memory_space<semaphore_mem>>)
      %dma_wait3A_98 = arith.constant 0 : i32
      %dma_wait3A_99 = tpu.memref_slice %arg10[%add3A_26, %dma_wait3A_98] : memref<10240x80xf32, #tpu.memory_space<vmem_shared>> -> memref<128x80xf32, #tpu.memory_space<vmem_shared>>
      %dma_wait3A_100 = arith.constant 0 : i32
      %dma_wait3A_101 = tpu.memref_slice %arg10[%add3A_26, %dma_wait3A_100] : memref<10240x80xf32, #tpu.memory_space<vmem_shared>> -> memref<128x80xf32, #tpu.memory_space<vmem_shared>>
      tpu.wait_dma2 semaphore(%run_scoped3A : memref<!tpu.dma_semaphore, #tpu.memory_space<semaphore_mem>>) src(%arg9 : memref<128x80xf32, #tpu.memory_space<vmem>>) dst(%dma_wait3A_101 : memref<128x80xf32, #tpu.memory_space<vmem_shared>>)
      tpu.yield
    }) : () -> ()
    %add3A_27 = arith.constant 256 : i32
    %add3A_28 = arith.addi %mul3A_22, %add3A_27 : i32
    "tpu.region"() ({
      %run_scoped3A = tpu.sem_alloc : memref<!tpu.dma_semaphore, #tpu.memory_space<semaphore_mem>>
      %dma_start3A_94 = arith.constant 0 : i32
      %dma_start3A_95 = tpu.memref_slice %arg10[%add3A_28, %dma_start3A_94] : memref<10240x80xf32, #tpu.memory_space<vmem_shared>> -> memref<128x80xf32, #tpu.memory_space<vmem_shared>>
      %dma_start3A_96 = arith.constant 0 : i32
      %dma_start3A_97 = tpu.memref_slice %arg10[%add3A_28, %dma_start3A_96] : memref<10240x80xf32, #tpu.memory_space<vmem_shared>> -> memref<128x80xf32, #tpu.memory_space<vmem_shared>>
      tpu.enqueue_dma source(%arg9 : memref<128x80xf32, #tpu.memory_space<vmem>>) target(%dma_start3A_97 : memref<128x80xf32, #tpu.memory_space<vmem_shared>>) target_semaphore(%run_scoped3A : memref<!tpu.dma_semaphore, #tpu.memory_space<semaphore_mem>>)
      %dma_wait3A_98 = arith.constant 0 : i32
      %dma_wait3A_99 = tpu.memref_slice %arg10[%add3A_28, %dma_wait3A_98] : memref<10240x80xf32, #tpu.memory_space<vmem_shared>> -> memref<128x80xf32, #tpu.memory_space<vmem_shared>>
      %dma_wait3A_100 = arith.constant 0 : i32
      %dma_wait3A_101 = tpu.memref_slice %arg10[%add3A_28, %dma_wait3A_100] : memref<10240x80xf32, #tpu.memory_space<vmem_shared>> -> memref<128x80xf32, #tpu.memory_space<vmem_shared>>
      tpu.wait_dma2 semaphore(%run_scoped3A : memref<!tpu.dma_semaphore, #tpu.memory_space<semaphore_mem>>) src(%arg9 : memref<128x80xf32, #tpu.memory_space<vmem>>) dst(%dma_wait3A_101 : memref<128x80xf32, #tpu.memory_space<vmem_shared>>)
      tpu.yield
    }) : () -> ()
    %add3A_29 = arith.constant 384 : i32
    %add3A_30 = arith.addi %mul3A_22, %add3A_29 : i32
    "tpu.region"() ({
      %run_scoped3A = tpu.sem_alloc : memref<!tpu.dma_semaphore, #tpu.memory_space<semaphore_mem>>
      %dma_start3A_94 = arith.constant 0 : i32
      %dma_start3A_95 = tpu.memref_slice %arg10[%add3A_30, %dma_start3A_94] : memref<10240x80xf32, #tpu.memory_space<vmem_shared>> -> memref<128x80xf32, #tpu.memory_space<vmem_shared>>
      %dma_start3A_96 = arith.constant 0 : i32
      %dma_start3A_97 = tpu.memref_slice %arg10[%add3A_30, %dma_start3A_96] : memref<10240x80xf32, #tpu.memory_space<vmem_shared>> -> memref<128x80xf32, #tpu.memory_space<vmem_shared>>
      tpu.enqueue_dma source(%arg9 : memref<128x80xf32, #tpu.memory_space<vmem>>) target(%dma_start3A_97 : memref<128x80xf32, #tpu.memory_space<vmem_shared>>) target_semaphore(%run_scoped3A : memref<!tpu.dma_semaphore, #tpu.memory_space<semaphore_mem>>)
      %dma_wait3A_98 = arith.constant 0 : i32
      %dma_wait3A_99 = tpu.memref_slice %arg10[%add3A_30, %dma_wait3A_98] : memref<10240x80xf32, #tpu.memory_space<vmem_shared>> -> memref<128x80xf32, #tpu.memory_space<vmem_shared>>
      %dma_wait3A_100 = arith.constant 0 : i32
      %dma_wait3A_101 = tpu.memref_slice %arg10[%add3A_30, %dma_wait3A_100] : memref<10240x80xf32, #tpu.memory_space<vmem_shared>> -> memref<128x80xf32, #tpu.memory_space<vmem_shared>>
      tpu.wait_dma2 semaphore(%run_scoped3A : memref<!tpu.dma_semaphore, #tpu.memory_space<semaphore_mem>>) src(%arg9 : memref<128x80xf32, #tpu.memory_space<vmem>>) dst(%dma_wait3A_101 : memref<128x80xf32, #tpu.memory_space<vmem_shared>>)
      tpu.yield
    }) : () -> ()
    %add3A_31 = arith.constant 512 : i32
    %add3A_32 = arith.addi %mul3A_22, %add3A_31 : i32
    "tpu.region"() ({
      %run_scoped3A = tpu.sem_alloc : memref<!tpu.dma_semaphore, #tpu.memory_space<semaphore_mem>>
      %dma_start3A_94 = arith.constant 0 : i32
      %dma_start3A_95 = tpu.memref_slice %arg10[%add3A_32, %dma_start3A_94] : memref<10240x80xf32, #tpu.memory_space<vmem_shared>> -> memref<128x80xf32, #tpu.memory_space<vmem_shared>>
      %dma_start3A_96 = arith.constant 0 : i32
      %dma_start3A_97 = tpu.memref_slice %arg10[%add3A_32, %dma_start3A_96] : memref<10240x80xf32, #tpu.memory_space<vmem_shared>> -> memref<128x80xf32, #tpu.memory_space<vmem_shared>>
      tpu.enqueue_dma source(%arg9 : memref<128x80xf32, #tpu.memory_space<vmem>>) target(%dma_start3A_97 : memref<128x80xf32, #tpu.memory_space<vmem_shared>>) target_semaphore(%run_scoped3A : memref<!tpu.dma_semaphore, #tpu.memory_space<semaphore_mem>>)
      %dma_wait3A_98 = arith.constant 0 : i32
      %dma_wait3A_99 = tpu.memref_slice %arg10[%add3A_32, %dma_wait3A_98] : memref<10240x80xf32, #tpu.memory_space<vmem_shared>> -> memref<128x80xf32, #tpu.memory_space<vmem_shared>>
      %dma_wait3A_100 = arith.constant 0 : i32
      %dma_wait3A_101 = tpu.memref_slice %arg10[%add3A_32, %dma_wait3A_100] : memref<10240x80xf32, #tpu.memory_space<vmem_shared>> -> memref<128x80xf32, #tpu.memory_space<vmem_shared>>
      tpu.wait_dma2 semaphore(%run_scoped3A : memref<!tpu.dma_semaphore, #tpu.memory_space<semaphore_mem>>) src(%arg9 : memref<128x80xf32, #tpu.memory_space<vmem>>) dst(%dma_wait3A_101 : memref<128x80xf32, #tpu.memory_space<vmem_shared>>)
      tpu.yield
    }) : () -> ()
    %dma_wait3A = arith.constant 0 : i32
    %dma_wait3A_33 = arith.constant 0 : i32
    %dma_wait3A_34 = tpu.memref_slice %arg3[%add3A, %dma_wait3A, %dma_wait3A_33] : memref<32x125x80xi32, #tpu.memory_space<hbm>> -> memref<1x125x80xi32, #tpu.memory_space<hbm>>
    %dma_wait3A_35 = tpu.memref_squeeze %dma_wait3A_34 : memref<1x125x80xi32, #tpu.memory_space<hbm>> -> memref<125x80xi32, #tpu.memory_space<hbm>>
    %dma_wait3A_36 = arith.constant 0 : i32
    %dma_wait3A_37 = arith.constant 0 : i32
    %dma_wait3A_38 = tpu.memref_slice %arg3[%add3A, %dma_wait3A_36, %dma_wait3A_37] : memref<32x125x80xi32, #tpu.memory_space<hbm>> -> memref<1x125x80xi32, #tpu.memory_space<hbm>>
    %dma_wait3A_39 = tpu.memref_squeeze %dma_wait3A_38 : memref<1x125x80xi32, #tpu.memory_space<hbm>> -> memref<125x80xi32, #tpu.memory_space<hbm>>
    tpu.wait_dma2 semaphore(%arg11 : memref<!tpu.dma_semaphore, #tpu.memory_space<semaphore_mem>>) src(%dma_wait3A_39 : memref<125x80xi32, #tpu.memory_space<hbm>>) dst(%arg6 : memref<125x80xi32, #tpu.memory_space<vmem>>)
    %dma_wait3A_40 = arith.constant 0 : i32
    %dma_wait3A_41 = arith.constant 0 : i32
    %dma_wait3A_42 = tpu.memref_slice %arg4[%add3A, %dma_wait3A_40, %dma_wait3A_41] : memref<32x125x80xi32, #tpu.memory_space<hbm>> -> memref<1x125x80xi32, #tpu.memory_space<hbm>>
    %dma_wait3A_43 = tpu.memref_squeeze %dma_wait3A_42 : memref<1x125x80xi32, #tpu.memory_space<hbm>> -> memref<125x80xi32, #tpu.memory_space<hbm>>
    %dma_wait3A_44 = arith.constant 0 : i32
    %dma_wait3A_45 = arith.constant 0 : i32
    %dma_wait3A_46 = tpu.memref_slice %arg4[%add3A, %dma_wait3A_44, %dma_wait3A_45] : memref<32x125x80xi32, #tpu.memory_space<hbm>> -> memref<1x125x80xi32, #tpu.memory_space<hbm>>
    %dma_wait3A_47 = tpu.memref_squeeze %dma_wait3A_46 : memref<1x125x80xi32, #tpu.memory_space<hbm>> -> memref<125x80xi32, #tpu.memory_space<hbm>>
    tpu.wait_dma2 semaphore(%arg11 : memref<!tpu.dma_semaphore, #tpu.memory_space<semaphore_mem>>) src(%dma_wait3A_47 : memref<125x80xi32, #tpu.memory_space<hbm>>) dst(%arg7 : memref<125x80xi32, #tpu.memory_space<vmem>>)
    %barrier3A = arith.constant 0 : index
    tpu.barrier barrier_id(%barrier3A)
    %dma_start3A_48 = arith.constant 0 : i32
    %dma_start3A_49 = arith.constant 0 : i32
    %dma_start3A_50 = arith.constant 0 : i32
    %dma_start3A_51 = arith.constant 0 : i32
    %dma_start3A_52 = tpu.memref_slice %arg8[%dma_start3A_49, %dma_start3A_50, %dma_start3A_51] : memref<3x80x80xf32, #tpu.memory_space<vmem>> -> memref<1x80x80xf32, #tpu.memory_space<vmem>>
    %dma_start3A_53 = tpu.memref_squeeze %dma_start3A_52 : memref<1x80x80xf32, #tpu.memory_space<vmem>> -> memref<80x80xf32, #tpu.memory_space<vmem>>
    %dma_start3A_54 = arith.constant 0 : i32
    %dma_start3A_55 = tpu.memref_slice %arg6[%dma_start3A_48, %dma_start3A_54] : memref<125x80xi32, #tpu.memory_space<vmem>> -> memref<1x80xi32, #tpu.memory_space<vmem>>
    %dma_start3A_56 = tpu.memref_squeeze %dma_start3A_55 : memref<1x80xi32, #tpu.memory_space<vmem>> -> memref<80xi32, #tpu.memory_space<vmem>>
    %dma_start3A_57 = arith.constant 0 : i32
    %dma_start3A_58 = arith.constant 0 : i32
    %dma_start3A_59 = tpu.memref_slice %arg2[%dma_start3A_57, %dma_start3A_58] : memref<10000x80xf32, #tpu.memory_space<hbm>> -> memref<10000x80xf32, #tpu.memory_space<hbm>>
    tpu.enqueue_indirect_dma source(%dma_start3A_59 : memref<10000x80xf32, #tpu.memory_space<hbm>>) target(%dma_start3A_53 : memref<80x80xf32, #tpu.memory_space<vmem>>) offsets(%dma_start3A_56 : memref<80xi32, #tpu.memory_space<vmem>>) semaphore(%arg12 : memref<!tpu.dma_semaphore, #tpu.memory_space<semaphore_mem>>)
    %dma_start3A_60 = arith.constant 1 : i32
    %dma_start3A_61 = arith.constant 1 : i32
    %dma_start3A_62 = arith.constant 0 : i32
    %dma_start3A_63 = arith.constant 0 : i32
    %dma_start3A_64 = tpu.memref_slice %arg8[%dma_start3A_61, %dma_start3A_62, %dma_start3A_63] : memref<3x80x80xf32, #tpu.memory_space<vmem>> -> memref<1x80x80xf32, #tpu.memory_space<vmem>>
    %dma_start3A_65 = tpu.memref_squeeze %dma_start3A_64 : memref<1x80x80xf32, #tpu.memory_space<vmem>> -> memref<80x80xf32, #tpu.memory_space<vmem>>
    %dma_start3A_66 = arith.constant 0 : i32
    %dma_start3A_67 = tpu.memref_slice %arg6[%dma_start3A_60, %dma_start3A_66] : memref<125x80xi32, #tpu.memory_space<vmem>> -> memref<1x80xi32, #tpu.memory_space<vmem>>
    %dma_start3A_68 = tpu.memref_squeeze %dma_start3A_67 : memref<1x80xi32, #tpu.memory_space<vmem>> -> memref<80xi32, #tpu.memory_space<vmem>>
    %dma_start3A_69 = arith.constant 0 : i32
    %dma_start3A_70 = arith.constant 0 : i32
    %dma_start3A_71 = tpu.memref_slice %arg2[%dma_start3A_69, %dma_start3A_70] : memref<10000x80xf32, #tpu.memory_space<hbm>> -> memref<10000x80xf32, #tpu.memory_space<hbm>>
    tpu.enqueue_indirect_dma source(%dma_start3A_71 : memref<10000x80xf32, #tpu.memory_space<hbm>>) target(%dma_start3A_65 : memref<80x80xf32, #tpu.memory_space<vmem>>) offsets(%dma_start3A_68 : memref<80xi32, #tpu.memory_space<vmem>>) semaphore(%arg12 : memref<!tpu.dma_semaphore, #tpu.memory_space<semaphore_mem>>)
    %scan3A_72 = arith.constant 0 : i32
    %scan3A_73 = arith.constant 0 : i32
    %scan3A_74 = arith.constant 42 : i32
    %scan3A_75 = arith.addi %scan3A_73, %scan3A_74 : i32
    %scan3A_76 = arith.constant 1 : i32
    scf.for %scan3A_94 = %scan3A_73 to %scan3A_75 step %scan3A_76  : i32 {
      %mul3A_95 = arith.constant 3 : i32
      %mul3A_96 = arith.muli %mul3A_95, %scan3A_94 : i32
      %add3A_97 = arith.constant 0 : i32
      %add3A_98 = arith.addi %mul3A_96, %add3A_97 : i32
      %lt3A = arith.constant 125 : i32
      %lt3A_99 = arith.cmpi slt, %add3A_98, %lt3A : i32
      %convert_element_type3A = arith.extui %lt3A_99 : i1 to i32
      %cond3A = arith.constant 0 : i32
      %cond3A_100 = arith.cmpi ne, %convert_element_type3A, %cond3A : i32
      scf.if %cond3A_100 {
        %dma_wait3A_119 = arith.constant 0 : i32
        %dma_wait3A_120 = arith.constant 0 : i32
        %dma_wait3A_121 = arith.constant 0 : i32
        %dma_wait3A_122 = tpu.memref_slice %arg8[%dma_wait3A_119, %dma_wait3A_120, %dma_wait3A_121] : memref<3x80x80xf32, #tpu.memory_space<vmem>> -> memref<1x80x80xf32, #tpu.memory_space<vmem>>
        %dma_wait3A_123 = tpu.memref_squeeze %dma_wait3A_122 : memref<1x80x80xf32, #tpu.memory_space<vmem>> -> memref<80x80xf32, #tpu.memory_space<vmem>>
        %dma_wait3A_124 = arith.constant 0 : i32
        %dma_wait3A_125 = arith.constant 0 : i32
        %dma_wait3A_126 = tpu.memref_slice %arg2[%dma_wait3A_124, %dma_wait3A_125] : memref<10000x80xf32, #tpu.memory_space<hbm>> -> memref<80x80xf32, #tpu.memory_space<hbm>>
        %dma_wait3A_127 = arith.constant 0 : i32
        %dma_wait3A_128 = arith.constant 0 : i32
        %dma_wait3A_129 = tpu.memref_slice %arg8[%dma_wait3A_119, %dma_wait3A_127, %dma_wait3A_128] : memref<3x80x80xf32, #tpu.memory_space<vmem>> -> memref<1x80x80xf32, #tpu.memory_space<vmem>>
        %dma_wait3A_130 = tpu.memref_squeeze %dma_wait3A_129 : memref<1x80x80xf32, #tpu.memory_space<vmem>> -> memref<80x80xf32, #tpu.memory_space<vmem>>
        %dma_wait3A_131 = arith.constant 0 : i32
        %dma_wait3A_132 = arith.constant 0 : i32
        %dma_wait3A_133 = tpu.memref_slice %arg2[%dma_wait3A_131, %dma_wait3A_132] : memref<10000x80xf32, #tpu.memory_space<hbm>> -> memref<80x80xf32, #tpu.memory_space<hbm>>
        tpu.wait_dma2 semaphore(%arg12 : memref<!tpu.dma_semaphore, #tpu.memory_space<semaphore_mem>>) src(%dma_wait3A_133 : memref<80x80xf32, #tpu.memory_space<hbm>>) dst(%dma_wait3A_130 : memref<80x80xf32, #tpu.memory_space<vmem>>)
        %ge3A = arith.constant 1 : i32
        %ge3A_134 = arith.cmpi sge, %add3A_98, %ge3A : i32
        %convert_element_type3A_135 = arith.extui %ge3A_134 : i1 to i32
        %cond3A_136 = arith.constant 0 : i32
        %cond3A_137 = arith.cmpi ne, %convert_element_type3A_135, %cond3A_136 : i32
        scf.if %cond3A_137 {
          %dma_wait3A_156 = arith.constant 0 : i32
          %dma_wait3A_157 = arith.constant 0 : i32
          %dma_wait3A_158 = arith.constant 0 : i32
          %dma_wait3A_159 = tpu.memref_slice %arg8[%dma_wait3A_156, %dma_wait3A_157, %dma_wait3A_158] : memref<3x80x80xf32, #tpu.memory_space<vmem>> -> memref<1x80x80xf32, #tpu.memory_space<vmem>>
          %dma_wait3A_160 = tpu.memref_squeeze %dma_wait3A_159 : memref<1x80x80xf32, #tpu.memory_space<vmem>> -> memref<80x80xf32, #tpu.memory_space<vmem>>
          %dma_wait3A_161 = arith.constant 0 : i32
          %dma_wait3A_162 = arith.constant 0 : i32
          %dma_wait3A_163 = tpu.memref_slice %arg10[%dma_wait3A_161, %dma_wait3A_162] : memref<10240x80xf32, #tpu.memory_space<vmem_shared>> -> memref<80x80xf32, #tpu.memory_space<vmem_shared>>
          %dma_wait3A_164 = arith.constant 0 : i32
          %dma_wait3A_165 = arith.constant 0 : i32
          %dma_wait3A_166 = tpu.memref_slice %arg10[%dma_wait3A_164, %dma_wait3A_165] : memref<10240x80xf32, #tpu.memory_space<vmem_shared>> -> memref<80x80xf32, #tpu.memory_space<vmem_shared>>
          %dma_wait3A_167 = arith.constant 0 : i32
          %dma_wait3A_168 = arith.constant 0 : i32
          %dma_wait3A_169 = tpu.memref_slice %arg8[%dma_wait3A_156, %dma_wait3A_167, %dma_wait3A_168] : memref<3x80x80xf32, #tpu.memory_space<vmem>> -> memref<1x80x80xf32, #tpu.memory_space<vmem>>
          %dma_wait3A_170 = tpu.memref_squeeze %dma_wait3A_169 : memref<1x80x80xf32, #tpu.memory_space<vmem>> -> memref<80x80xf32, #tpu.memory_space<vmem>>
          tpu.wait_dma2 semaphore(%arg13 : memref<!tpu.dma_semaphore, #tpu.memory_space<semaphore_mem>>) src(%dma_wait3A_170 : memref<80x80xf32, #tpu.memory_space<vmem>>) dst(%dma_wait3A_166 : memref<80x80xf32, #tpu.memory_space<vmem_shared>>)
        } else {
        }
        %add3A_138 = arith.constant 2 : i32
        %add3A_139 = arith.addi %add3A_98, %add3A_138 : i32
        %lt3A_140 = arith.constant 125 : i32
        %lt3A_141 = arith.cmpi slt, %add3A_139, %lt3A_140 : i32
        %convert_element_type3A_142 = arith.extui %lt3A_141 : i1 to i32
        %cond3A_143 = arith.constant 0 : i32
        %cond3A_144 = arith.cmpi ne, %convert_element_type3A_142, %cond3A_143 : i32
        scf.if %cond3A_144 {
          %add3A_156 = arith.constant 2 : i32
          %add3A_157 = arith.addi %add3A_98, %add3A_156 : i32
          %dma_start3A_158 = arith.constant 2 : i32
          %dma_start3A_159 = arith.constant 0 : i32
          %dma_start3A_160 = arith.constant 0 : i32
          %dma_start3A_161 = tpu.memref_slice %arg8[%dma_start3A_158, %dma_start3A_159, %dma_start3A_160] : memref<3x80x80xf32, #tpu.memory_space<vmem>> -> memref<1x80x80xf32, #tpu.memory_space<vmem>>
          %dma_start3A_162 = tpu.memref_squeeze %dma_start3A_161 : memref<1x80x80xf32, #tpu.memory_space<vmem>> -> memref<80x80xf32, #tpu.memory_space<vmem>>
          %dma_start3A_163 = arith.constant 0 : i32
          %dma_start3A_164 = tpu.memref_slice %arg6[%add3A_157, %dma_start3A_163] : memref<125x80xi32, #tpu.memory_space<vmem>> -> memref<1x80xi32, #tpu.memory_space<vmem>>
          %dma_start3A_165 = tpu.memref_squeeze %dma_start3A_164 : memref<1x80xi32, #tpu.memory_space<vmem>> -> memref<80xi32, #tpu.memory_space<vmem>>
          %dma_start3A_166 = arith.constant 0 : i32
          %dma_start3A_167 = arith.constant 0 : i32
          %dma_start3A_168 = tpu.memref_slice %arg2[%dma_start3A_166, %dma_start3A_167] : memref<10000x80xf32, #tpu.memory_space<hbm>> -> memref<10000x80xf32, #tpu.memory_space<hbm>>
          tpu.enqueue_indirect_dma source(%dma_start3A_168 : memref<10000x80xf32, #tpu.memory_space<hbm>>) target(%dma_start3A_162 : memref<80x80xf32, #tpu.memory_space<vmem>>) offsets(%dma_start3A_165 : memref<80xi32, #tpu.memory_space<vmem>>) semaphore(%arg12 : memref<!tpu.dma_semaphore, #tpu.memory_space<semaphore_mem>>)
        } else {
        }
        %dma_start3A_145 = arith.constant 0 : i32
        %dma_start3A_146 = arith.constant 0 : i32
        %dma_start3A_147 = arith.constant 0 : i32
        %dma_start3A_148 = tpu.memref_slice %arg8[%dma_start3A_145, %dma_start3A_146, %dma_start3A_147] : memref<3x80x80xf32, #tpu.memory_space<vmem>> -> memref<1x80x80xf32, #tpu.memory_space<vmem>>
        %dma_start3A_149 = tpu.memref_squeeze %dma_start3A_148 : memref<1x80x80xf32, #tpu.memory_space<vmem>> -> memref<80x80xf32, #tpu.memory_space<vmem>>
        %dma_start3A_150 = arith.constant 0 : i32
        %dma_start3A_151 = tpu.memref_slice %arg7[%add3A_98, %dma_start3A_150] : memref<125x80xi32, #tpu.memory_space<vmem>> -> memref<1x80xi32, #tpu.memory_space<vmem>>
        %dma_start3A_152 = tpu.memref_squeeze %dma_start3A_151 : memref<1x80xi32, #tpu.memory_space<vmem>> -> memref<80xi32, #tpu.memory_space<vmem>>
        %dma_start3A_153 = arith.constant 0 : i32
        %dma_start3A_154 = arith.constant 0 : i32
        %dma_start3A_155 = tpu.memref_slice %arg10[%dma_start3A_153, %dma_start3A_154] : memref<10240x80xf32, #tpu.memory_space<vmem_shared>> -> memref<10240x80xf32, #tpu.memory_space<vmem_shared>>
        tpu.enqueue_indirect_dma source(%dma_start3A_149 : memref<80x80xf32, #tpu.memory_space<vmem>>) target(%dma_start3A_155 : memref<10240x80xf32, #tpu.memory_space<vmem_shared>>) offsets(%dma_start3A_152 : memref<80xi32, #tpu.memory_space<vmem>>) semaphore(%arg13 : memref<!tpu.dma_semaphore, #tpu.memory_space<semaphore_mem>>) {add = true}
      } else {
      }
      %mul3A_101 = arith.constant 3 : i32
      %mul3A_102 = arith.muli %mul3A_101, %scan3A_94 : i32
      %add3A_103 = arith.constant 1 : i32
      %add3A_104 = arith.addi %mul3A_102, %add3A_103 : i32
      %lt3A_105 = arith.constant 125 : i32
      %lt3A_106 = arith.cmpi slt, %add3A_104, %lt3A_105 : i32
      %convert_element_type3A_107 = arith.extui %lt3A_106 : i1 to i32
      %cond3A_108 = arith.constant 0 : i32
      %cond3A_109 = arith.cmpi ne, %convert_element_type3A_107, %cond3A_108 : i32
      scf.if %cond3A_109 {
        %dma_wait3A_119 = arith.constant 1 : i32
        %dma_wait3A_120 = arith.constant 0 : i32
        %dma_wait3A_121 = arith.constant 0 : i32
        %dma_wait3A_122 = tpu.memref_slice %arg8[%dma_wait3A_119, %dma_wait3A_120, %dma_wait3A_121] : memref<3x80x80xf32, #tpu.memory_space<vmem>> -> memref<1x80x80xf32, #tpu.memory_space<vmem>>
        %dma_wait3A_123 = tpu.memref_squeeze %dma_wait3A_122 : memref<1x80x80xf32, #tpu.memory_space<vmem>> -> memref<80x80xf32, #tpu.memory_space<vmem>>
        %dma_wait3A_124 = arith.constant 0 : i32
        %dma_wait3A_125 = arith.constant 0 : i32
        %dma_wait3A_126 = tpu.memref_slice %arg2[%dma_wait3A_124, %dma_wait3A_125] : memref<10000x80xf32, #tpu.memory_space<hbm>> -> memref<80x80xf32, #tpu.memory_space<hbm>>
        %dma_wait3A_127 = arith.constant 0 : i32
        %dma_wait3A_128 = arith.constant 0 : i32
        %dma_wait3A_129 = tpu.memref_slice %arg8[%dma_wait3A_119, %dma_wait3A_127, %dma_wait3A_128] : memref<3x80x80xf32, #tpu.memory_space<vmem>> -> memref<1x80x80xf32, #tpu.memory_space<vmem>>
        %dma_wait3A_130 = tpu.memref_squeeze %dma_wait3A_129 : memref<1x80x80xf32, #tpu.memory_space<vmem>> -> memref<80x80xf32, #tpu.memory_space<vmem>>
        %dma_wait3A_131 = arith.constant 0 : i32
        %dma_wait3A_132 = arith.constant 0 : i32
        %dma_wait3A_133 = tpu.memref_slice %arg2[%dma_wait3A_131, %dma_wait3A_132] : memref<10000x80xf32, #tpu.memory_space<hbm>> -> memref<80x80xf32, #tpu.memory_space<hbm>>
        tpu.wait_dma2 semaphore(%arg12 : memref<!tpu.dma_semaphore, #tpu.memory_space<semaphore_mem>>) src(%dma_wait3A_133 : memref<80x80xf32, #tpu.memory_space<hbm>>) dst(%dma_wait3A_130 : memref<80x80xf32, #tpu.memory_space<vmem>>)
        %ge3A = arith.constant 1 : i32
        %ge3A_134 = arith.cmpi sge, %add3A_104, %ge3A : i32
        %convert_element_type3A_135 = arith.extui %ge3A_134 : i1 to i32
        %cond3A_136 = arith.constant 0 : i32
        %cond3A_137 = arith.cmpi ne, %convert_element_type3A_135, %cond3A_136 : i32
        scf.if %cond3A_137 {
          %dma_wait3A_156 = arith.constant 1 : i32
          %dma_wait3A_157 = arith.constant 0 : i32
          %dma_wait3A_158 = arith.constant 0 : i32
          %dma_wait3A_159 = tpu.memref_slice %arg8[%dma_wait3A_156, %dma_wait3A_157, %dma_wait3A_158] : memref<3x80x80xf32, #tpu.memory_space<vmem>> -> memref<1x80x80xf32, #tpu.memory_space<vmem>>
          %dma_wait3A_160 = tpu.memref_squeeze %dma_wait3A_159 : memref<1x80x80xf32, #tpu.memory_space<vmem>> -> memref<80x80xf32, #tpu.memory_space<vmem>>
          %dma_wait3A_161 = arith.constant 0 : i32
          %dma_wait3A_162 = arith.constant 0 : i32
          %dma_wait3A_163 = tpu.memref_slice %arg10[%dma_wait3A_161, %dma_wait3A_162] : memref<10240x80xf32, #tpu.memory_space<vmem_shared>> -> memref<80x80xf32, #tpu.memory_space<vmem_shared>>
          %dma_wait3A_164 = arith.constant 0 : i32
          %dma_wait3A_165 = arith.constant 0 : i32
          %dma_wait3A_166 = tpu.memref_slice %arg10[%dma_wait3A_164, %dma_wait3A_165] : memref<10240x80xf32, #tpu.memory_space<vmem_shared>> -> memref<80x80xf32, #tpu.memory_space<vmem_shared>>
          %dma_wait3A_167 = arith.constant 0 : i32
          %dma_wait3A_168 = arith.constant 0 : i32
          %dma_wait3A_169 = tpu.memref_slice %arg8[%dma_wait3A_156, %dma_wait3A_167, %dma_wait3A_168] : memref<3x80x80xf32, #tpu.memory_space<vmem>> -> memref<1x80x80xf32, #tpu.memory_space<vmem>>
          %dma_wait3A_170 = tpu.memref_squeeze %dma_wait3A_169 : memref<1x80x80xf32, #tpu.memory_space<vmem>> -> memref<80x80xf32, #tpu.memory_space<vmem>>
          tpu.wait_dma2 semaphore(%arg13 : memref<!tpu.dma_semaphore, #tpu.memory_space<semaphore_mem>>) src(%dma_wait3A_170 : memref<80x80xf32, #tpu.memory_space<vmem>>) dst(%dma_wait3A_166 : memref<80x80xf32, #tpu.memory_space<vmem_shared>>)
        } else {
        }
        %add3A_138 = arith.constant 2 : i32
        %add3A_139 = arith.addi %add3A_104, %add3A_138 : i32
        %lt3A_140 = arith.constant 125 : i32
        %lt3A_141 = arith.cmpi slt, %add3A_139, %lt3A_140 : i32
        %convert_element_type3A_142 = arith.extui %lt3A_141 : i1 to i32
        %cond3A_143 = arith.constant 0 : i32
        %cond3A_144 = arith.cmpi ne, %convert_element_type3A_142, %cond3A_143 : i32
        scf.if %cond3A_144 {
          %add3A_156 = arith.constant 2 : i32
          %add3A_157 = arith.addi %add3A_104, %add3A_156 : i32
          %dma_start3A_158 = arith.constant 0 : i32
          %dma_start3A_159 = arith.constant 0 : i32
          %dma_start3A_160 = arith.constant 0 : i32
          %dma_start3A_161 = tpu.memref_slice %arg8[%dma_start3A_158, %dma_start3A_159, %dma_start3A_160] : memref<3x80x80xf32, #tpu.memory_space<vmem>> -> memref<1x80x80xf32, #tpu.memory_space<vmem>>
          %dma_start3A_162 = tpu.memref_squeeze %dma_start3A_161 : memref<1x80x80xf32, #tpu.memory_space<vmem>> -> memref<80x80xf32, #tpu.memory_space<vmem>>
          %dma_start3A_163 = arith.constant 0 : i32
          %dma_start3A_164 = tpu.memref_slice %arg6[%add3A_157, %dma_start3A_163] : memref<125x80xi32, #tpu.memory_space<vmem>> -> memref<1x80xi32, #tpu.memory_space<vmem>>
          %dma_start3A_165 = tpu.memref_squeeze %dma_start3A_164 : memref<1x80xi32, #tpu.memory_space<vmem>> -> memref<80xi32, #tpu.memory_space<vmem>>
          %dma_start3A_166 = arith.constant 0 : i32
          %dma_start3A_167 = arith.constant 0 : i32
          %dma_start3A_168 = tpu.memref_slice %arg2[%dma_start3A_166, %dma_start3A_167] : memref<10000x80xf32, #tpu.memory_space<hbm>> -> memref<10000x80xf32, #tpu.memory_space<hbm>>
          tpu.enqueue_indirect_dma source(%dma_start3A_168 : memref<10000x80xf32, #tpu.memory_space<hbm>>) target(%dma_start3A_162 : memref<80x80xf32, #tpu.memory_space<vmem>>) offsets(%dma_start3A_165 : memref<80xi32, #tpu.memory_space<vmem>>) semaphore(%arg12 : memref<!tpu.dma_semaphore, #tpu.memory_space<semaphore_mem>>)
        } else {
        }
        %dma_start3A_145 = arith.constant 1 : i32
        %dma_start3A_146 = arith.constant 0 : i32
        %dma_start3A_147 = arith.constant 0 : i32
        %dma_start3A_148 = tpu.memref_slice %arg8[%dma_start3A_145, %dma_start3A_146, %dma_start3A_147] : memref<3x80x80xf32, #tpu.memory_space<vmem>> -> memref<1x80x80xf32, #tpu.memory_space<vmem>>
        %dma_start3A_149 = tpu.memref_squeeze %dma_start3A_148 : memref<1x80x80xf32, #tpu.memory_space<vmem>> -> memref<80x80xf32, #tpu.memory_space<vmem>>
        %dma_start3A_150 = arith.constant 0 : i32
        %dma_start3A_151 = tpu.memref_slice %arg7[%add3A_104, %dma_start3A_150] : memref<125x80xi32, #tpu.memory_space<vmem>> -> memref<1x80xi32, #tpu.memory_space<vmem>>
        %dma_start3A_152 = tpu.memref_squeeze %dma_start3A_151 : memref<1x80xi32, #tpu.memory_space<vmem>> -> memref<80xi32, #tpu.memory_space<vmem>>
        %dma_start3A_153 = arith.constant 0 : i32
        %dma_start3A_154 = arith.constant 0 : i32
        %dma_start3A_155 = tpu.memref_slice %arg10[%dma_start3A_153, %dma_start3A_154] : memref<10240x80xf32, #tpu.memory_space<vmem_shared>> -> memref<10240x80xf32, #tpu.memory_space<vmem_shared>>
        tpu.enqueue_indirect_dma source(%dma_start3A_149 : memref<80x80xf32, #tpu.memory_space<vmem>>) target(%dma_start3A_155 : memref<10240x80xf32, #tpu.memory_space<vmem_shared>>) offsets(%dma_start3A_152 : memref<80xi32, #tpu.memory_space<vmem>>) semaphore(%arg13 : memref<!tpu.dma_semaphore, #tpu.memory_space<semaphore_mem>>) {add = true}
      } else {
      }
      %mul3A_110 = arith.constant 3 : i32
      %mul3A_111 = arith.muli %mul3A_110, %scan3A_94 : i32
      %add3A_112 = arith.constant 2 : i32
      %add3A_113 = arith.addi %mul3A_111, %add3A_112 : i32
      %lt3A_114 = arith.constant 125 : i32
      %lt3A_115 = arith.cmpi slt, %add3A_113, %lt3A_114 : i32
      %convert_element_type3A_116 = arith.extui %lt3A_115 : i1 to i32
      %cond3A_117 = arith.constant 0 : i32
      %cond3A_118 = arith.cmpi ne, %convert_element_type3A_116, %cond3A_117 : i32
      scf.if %cond3A_118 {
        %dma_wait3A_119 = arith.constant 2 : i32
        %dma_wait3A_120 = arith.constant 0 : i32
        %dma_wait3A_121 = arith.constant 0 : i32
        %dma_wait3A_122 = tpu.memref_slice %arg8[%dma_wait3A_119, %dma_wait3A_120, %dma_wait3A_121] : memref<3x80x80xf32, #tpu.memory_space<vmem>> -> memref<1x80x80xf32, #tpu.memory_space<vmem>>
        %dma_wait3A_123 = tpu.memref_squeeze %dma_wait3A_122 : memref<1x80x80xf32, #tpu.memory_space<vmem>> -> memref<80x80xf32, #tpu.memory_space<vmem>>
        %dma_wait3A_124 = arith.constant 0 : i32
        %dma_wait3A_125 = arith.constant 0 : i32
        %dma_wait3A_126 = tpu.memref_slice %arg2[%dma_wait3A_124, %dma_wait3A_125] : memref<10000x80xf32, #tpu.memory_space<hbm>> -> memref<80x80xf32, #tpu.memory_space<hbm>>
        %dma_wait3A_127 = arith.constant 0 : i32
        %dma_wait3A_128 = arith.constant 0 : i32
        %dma_wait3A_129 = tpu.memref_slice %arg8[%dma_wait3A_119, %dma_wait3A_127, %dma_wait3A_128] : memref<3x80x80xf32, #tpu.memory_space<vmem>> -> memref<1x80x80xf32, #tpu.memory_space<vmem>>
        %dma_wait3A_130 = tpu.memref_squeeze %dma_wait3A_129 : memref<1x80x80xf32, #tpu.memory_space<vmem>> -> memref<80x80xf32, #tpu.memory_space<vmem>>
        %dma_wait3A_131 = arith.constant 0 : i32
        %dma_wait3A_132 = arith.constant 0 : i32
        %dma_wait3A_133 = tpu.memref_slice %arg2[%dma_wait3A_131, %dma_wait3A_132] : memref<10000x80xf32, #tpu.memory_space<hbm>> -> memref<80x80xf32, #tpu.memory_space<hbm>>
        tpu.wait_dma2 semaphore(%arg12 : memref<!tpu.dma_semaphore, #tpu.memory_space<semaphore_mem>>) src(%dma_wait3A_133 : memref<80x80xf32, #tpu.memory_space<hbm>>) dst(%dma_wait3A_130 : memref<80x80xf32, #tpu.memory_space<vmem>>)
        %ge3A = arith.constant 1 : i32
        %ge3A_134 = arith.cmpi sge, %add3A_113, %ge3A : i32
        %convert_element_type3A_135 = arith.extui %ge3A_134 : i1 to i32
        %cond3A_136 = arith.constant 0 : i32
        %cond3A_137 = arith.cmpi ne, %convert_element_type3A_135, %cond3A_136 : i32
        scf.if %cond3A_137 {
          %dma_wait3A_156 = arith.constant 2 : i32
          %dma_wait3A_157 = arith.constant 0 : i32
          %dma_wait3A_158 = arith.constant 0 : i32
          %dma_wait3A_159 = tpu.memref_slice %arg8[%dma_wait3A_156, %dma_wait3A_157, %dma_wait3A_158] : memref<3x80x80xf32, #tpu.memory_space<vmem>> -> memref<1x80x80xf32, #tpu.memory_space<vmem>>
          %dma_wait3A_160 = tpu.memref_squeeze %dma_wait3A_159 : memref<1x80x80xf32, #tpu.memory_space<vmem>> -> memref<80x80xf32, #tpu.memory_space<vmem>>
          %dma_wait3A_161 = arith.constant 0 : i32
          %dma_wait3A_162 = arith.constant 0 : i32
          %dma_wait3A_163 = tpu.memref_slice %arg10[%dma_wait3A_161, %dma_wait3A_162] : memref<10240x80xf32, #tpu.memory_space<vmem_shared>> -> memref<80x80xf32, #tpu.memory_space<vmem_shared>>
          %dma_wait3A_164 = arith.constant 0 : i32
          %dma_wait3A_165 = arith.constant 0 : i32
          %dma_wait3A_166 = tpu.memref_slice %arg10[%dma_wait3A_164, %dma_wait3A_165] : memref<10240x80xf32, #tpu.memory_space<vmem_shared>> -> memref<80x80xf32, #tpu.memory_space<vmem_shared>>
          %dma_wait3A_167 = arith.constant 0 : i32
          %dma_wait3A_168 = arith.constant 0 : i32
          %dma_wait3A_169 = tpu.memref_slice %arg8[%dma_wait3A_156, %dma_wait3A_167, %dma_wait3A_168] : memref<3x80x80xf32, #tpu.memory_space<vmem>> -> memref<1x80x80xf32, #tpu.memory_space<vmem>>
          %dma_wait3A_170 = tpu.memref_squeeze %dma_wait3A_169 : memref<1x80x80xf32, #tpu.memory_space<vmem>> -> memref<80x80xf32, #tpu.memory_space<vmem>>
          tpu.wait_dma2 semaphore(%arg13 : memref<!tpu.dma_semaphore, #tpu.memory_space<semaphore_mem>>) src(%dma_wait3A_170 : memref<80x80xf32, #tpu.memory_space<vmem>>) dst(%dma_wait3A_166 : memref<80x80xf32, #tpu.memory_space<vmem_shared>>)
        } else {
        }
        %add3A_138 = arith.constant 2 : i32
        %add3A_139 = arith.addi %add3A_113, %add3A_138 : i32
        %lt3A_140 = arith.constant 125 : i32
        %lt3A_141 = arith.cmpi slt, %add3A_139, %lt3A_140 : i32
        %convert_element_type3A_142 = arith.extui %lt3A_141 : i1 to i32
        %cond3A_143 = arith.constant 0 : i32
        %cond3A_144 = arith.cmpi ne, %convert_element_type3A_142, %cond3A_143 : i32
        scf.if %cond3A_144 {
          %add3A_156 = arith.constant 2 : i32
          %add3A_157 = arith.addi %add3A_113, %add3A_156 : i32
          %dma_start3A_158 = arith.constant 1 : i32
          %dma_start3A_159 = arith.constant 0 : i32
          %dma_start3A_160 = arith.constant 0 : i32
          %dma_start3A_161 = tpu.memref_slice %arg8[%dma_start3A_158, %dma_start3A_159, %dma_start3A_160] : memref<3x80x80xf32, #tpu.memory_space<vmem>> -> memref<1x80x80xf32, #tpu.memory_space<vmem>>
          %dma_start3A_162 = tpu.memref_squeeze %dma_start3A_161 : memref<1x80x80xf32, #tpu.memory_space<vmem>> -> memref<80x80xf32, #tpu.memory_space<vmem>>
          %dma_start3A_163 = arith.constant 0 : i32
          %dma_start3A_164 = tpu.memref_slice %arg6[%add3A_157, %dma_start3A_163] : memref<125x80xi32, #tpu.memory_space<vmem>> -> memref<1x80xi32, #tpu.memory_space<vmem>>
          %dma_start3A_165 = tpu.memref_squeeze %dma_start3A_164 : memref<1x80xi32, #tpu.memory_space<vmem>> -> memref<80xi32, #tpu.memory_space<vmem>>
          %dma_start3A_166 = arith.constant 0 : i32
          %dma_start3A_167 = arith.constant 0 : i32
          %dma_start3A_168 = tpu.memref_slice %arg2[%dma_start3A_166, %dma_start3A_167] : memref<10000x80xf32, #tpu.memory_space<hbm>> -> memref<10000x80xf32, #tpu.memory_space<hbm>>
          tpu.enqueue_indirect_dma source(%dma_start3A_168 : memref<10000x80xf32, #tpu.memory_space<hbm>>) target(%dma_start3A_162 : memref<80x80xf32, #tpu.memory_space<vmem>>) offsets(%dma_start3A_165 : memref<80xi32, #tpu.memory_space<vmem>>) semaphore(%arg12 : memref<!tpu.dma_semaphore, #tpu.memory_space<semaphore_mem>>)
        } else {
        }
        %dma_start3A_145 = arith.constant 2 : i32
        %dma_start3A_146 = arith.constant 0 : i32
        %dma_start3A_147 = arith.constant 0 : i32
        %dma_start3A_148 = tpu.memref_slice %arg8[%dma_start3A_145, %dma_start3A_146, %dma_start3A_147] : memref<3x80x80xf32, #tpu.memory_space<vmem>> -> memref<1x80x80xf32, #tpu.memory_space<vmem>>
        %dma_start3A_149 = tpu.memref_squeeze %dma_start3A_148 : memref<1x80x80xf32, #tpu.memory_space<vmem>> -> memref<80x80xf32, #tpu.memory_space<vmem>>
        %dma_start3A_150 = arith.constant 0 : i32
        %dma_start3A_151 = tpu.memref_slice %arg7[%add3A_113, %dma_start3A_150] : memref<125x80xi32, #tpu.memory_space<vmem>> -> memref<1x80xi32, #tpu.memory_space<vmem>>
        %dma_start3A_152 = tpu.memref_squeeze %dma_start3A_151 : memref<1x80xi32, #tpu.memory_space<vmem>> -> memref<80xi32, #tpu.memory_space<vmem>>
        %dma_start3A_153 = arith.constant 0 : i32
        %dma_start3A_154 = arith.constant 0 : i32
        %dma_start3A_155 = tpu.memref_slice %arg10[%dma_start3A_153, %dma_start3A_154] : memref<10240x80xf32, #tpu.memory_space<vmem_shared>> -> memref<10240x80xf32, #tpu.memory_space<vmem_shared>>
        tpu.enqueue_indirect_dma source(%dma_start3A_149 : memref<80x80xf32, #tpu.memory_space<vmem>>) target(%dma_start3A_155 : memref<10240x80xf32, #tpu.memory_space<vmem_shared>>) offsets(%dma_start3A_152 : memref<80xi32, #tpu.memory_space<vmem>>) semaphore(%arg13 : memref<!tpu.dma_semaphore, #tpu.memory_space<semaphore_mem>>) {add = true}
      } else {
      }
    }
    %scan3A_77 = arith.constant 42 : i32
    %dma_wait3A_78 = arith.constant 0 : i32
    %dma_wait3A_79 = arith.constant 0 : i32
    %dma_wait3A_80 = arith.constant 0 : i32
    %dma_wait3A_81 = tpu.memref_slice %arg8[%dma_wait3A_78, %dma_wait3A_79, %dma_wait3A_80] : memref<3x80x80xf32, #tpu.memory_space<vmem>> -> memref<1x80x80xf32, #tpu.memory_space<vmem>>
    %dma_wait3A_82 = tpu.memref_squeeze %dma_wait3A_81 : memref<1x80x80xf32, #tpu.memory_space<vmem>> -> memref<80x80xf32, #tpu.memory_space<vmem>>
    %dma_wait3A_83 = arith.constant 0 : i32
    %dma_wait3A_84 = arith.constant 0 : i32
    %dma_wait3A_85 = tpu.memref_slice %arg10[%dma_wait3A_83, %dma_wait3A_84] : memref<10240x80xf32, #tpu.memory_space<vmem_shared>> -> memref<80x80xf32, #tpu.memory_space<vmem_shared>>
    %dma_wait3A_86 = arith.constant 0 : i32
    %dma_wait3A_87 = arith.constant 0 : i32
    %dma_wait3A_88 = tpu.memref_slice %arg10[%dma_wait3A_86, %dma_wait3A_87] : memref<10240x80xf32, #tpu.memory_space<vmem_shared>> -> memref<80x80xf32, #tpu.memory_space<vmem_shared>>
    %dma_wait3A_89 = arith.constant 0 : i32
    %dma_wait3A_90 = arith.constant 0 : i32
    %dma_wait3A_91 = tpu.memref_slice %arg8[%dma_wait3A_78, %dma_wait3A_89, %dma_wait3A_90] : memref<3x80x80xf32, #tpu.memory_space<vmem>> -> memref<1x80x80xf32, #tpu.memory_space<vmem>>
    %dma_wait3A_92 = tpu.memref_squeeze %dma_wait3A_91 : memref<1x80x80xf32, #tpu.memory_space<vmem>> -> memref<80x80xf32, #tpu.memory_space<vmem>>
    tpu.wait_dma2 semaphore(%arg13 : memref<!tpu.dma_semaphore, #tpu.memory_space<semaphore_mem>>) src(%dma_wait3A_92 : memref<80x80xf32, #tpu.memory_space<vmem>>) dst(%dma_wait3A_88 : memref<80x80xf32, #tpu.memory_space<vmem_shared>>)
    %barrier3A_93 = arith.constant 0 : index
    tpu.barrier barrier_id(%barrier3A_93)
    "tpu.region"() ({
      %run_scoped3A = tpu.sem_alloc : memref<!tpu.dma_semaphore, #tpu.memory_space<semaphore_mem>>
      %dma_start3A_94 = arith.constant 0 : i32
      %dma_start3A_95 = tpu.memref_slice %arg5[%arg0, %mul3A_22, %dma_start3A_94] : memref<2x10240x80xf32, #tpu.memory_space<hbm>> -> memref<1x640x80xf32, #tpu.memory_space<hbm>>
      %dma_start3A_96 = tpu.memref_squeeze %dma_start3A_95 : memref<1x640x80xf32, #tpu.memory_space<hbm>> -> memref<640x80xf32, #tpu.memory_space<hbm>>
      %dma_start3A_97 = arith.constant 0 : i32
      %dma_start3A_98 = tpu.memref_slice %arg10[%mul3A_22, %dma_start3A_97] : memref<10240x80xf32, #tpu.memory_space<vmem_shared>> -> memref<640x80xf32, #tpu.memory_space<vmem_shared>>
      tpu.enqueue_dma source(%dma_start3A_98 : memref<640x80xf32, #tpu.memory_space<vmem_shared>>) target(%dma_start3A_96 : memref<640x80xf32, #tpu.memory_space<hbm>>) target_semaphore(%run_scoped3A : memref<!tpu.dma_semaphore, #tpu.memory_space<semaphore_mem>>)
      %dma_wait3A_99 = arith.constant 0 : i32
      %dma_wait3A_100 = tpu.memref_slice %arg5[%arg0, %mul3A_22, %dma_wait3A_99] : memref<2x10240x80xf32, #tpu.memory_space<hbm>> -> memref<1x640x80xf32, #tpu.memory_space<hbm>>
      %dma_wait3A_101 = tpu.memref_squeeze %dma_wait3A_100 : memref<1x640x80xf32, #tpu.memory_space<hbm>> -> memref<640x80xf32, #tpu.memory_space<hbm>>
      %dma_wait3A_102 = arith.constant 0 : i32
      %dma_wait3A_103 = tpu.memref_slice %arg10[%mul3A_22, %dma_wait3A_102] : memref<10240x80xf32, #tpu.memory_space<vmem_shared>> -> memref<640x80xf32, #tpu.memory_space<vmem_shared>>
      tpu.wait_dma2 semaphore(%run_scoped3A : memref<!tpu.dma_semaphore, #tpu.memory_space<semaphore_mem>>) src(%dma_wait3A_103 : memref<640x80xf32, #tpu.memory_space<vmem_shared>>) dst(%dma_wait3A_101 : memref<640x80xf32, #tpu.memory_space<hbm>>)
      tpu.yield
    }) : () -> ()
    return
  }
}

#map = affine_map<(d0, d1) -> (0, 0)>
#map1 = affine_map<(d0, d1) -> (0, 0, 0)>
#map2 = affine_map<(d0, d1) -> (0)>
module attributes {stable_mosaic.version = 14 : i64} {
  func.func @body(%arg0: i32, %arg1: i32, %arg2: memref<10000x128xf32, #tpu.memory_space<hbm>>, %arg3: memref<32x125x80xi32, #tpu.memory_space<hbm>>, %arg4: memref<32x125x80xi32, #tpu.memory_space<hbm>>, %arg5: memref<2x64xf32, #tpu.memory_space<hbm>>, %arg6: memref<16xf32, #tpu.memory_space<hbm>>, %arg7: memref<320000x2xf32, #tpu.memory_space<hbm>>, %arg8: memref<125x80xi32, #tpu.memory_space<vmem>>, %arg9: memref<125x80xi32, #tpu.memory_space<vmem>>, %arg10: memref<3x80x128xf32, #tpu.memory_space<vmem>>, %arg11: memref<3x80x128xf32, #tpu.memory_space<vmem>>, %arg12: memref<3x80x2xf32, #tpu.memory_space<vmem>>, %arg13: memref<2x64xf32, #tpu.memory_space<vmem>>, %arg14: memref<16xf32, #tpu.memory_space<vmem>>, %arg15: memref<!tpu.dma_semaphore, #tpu.memory_space<semaphore_mem>>, %arg16: memref<!tpu.dma_semaphore, #tpu.memory_space<semaphore_mem>>) attributes {dimension_semantics = [#tpu.dimension_semantics<core_parallel>, #tpu.dimension_semantics<subcore_parallel>], iteration_bounds = array<i64: 2, 16>, scalar_prefetch = 0 : i64, scratch_operands = 9 : i64, tpu.core_type = #tpu.core_type<sc_vector_subcore>, window_params = [{transform_indices = #map}, {transform_indices = #map1}, {transform_indices = #map1}, {transform_indices = #map}, {transform_indices = #map2}, {transform_indices = #map}]} {
    %mul3A = arith.constant 16 : i32
    %mul3A_0 = arith.muli %arg0, %mul3A : i32
    %add3A = arith.addi %mul3A_0, %arg1 : i32
    "tpu.region"() ({
      %run_scoped3A = tpu.sem_alloc : memref<!tpu.dma_semaphore, #tpu.memory_space<semaphore_mem>>
      tpu.enqueue_dma source(%arg5 : memref<2x64xf32, #tpu.memory_space<hbm>>) target(%arg13 : memref<2x64xf32, #tpu.memory_space<vmem>>) target_semaphore(%run_scoped3A : memref<!tpu.dma_semaphore, #tpu.memory_space<semaphore_mem>>)
      tpu.wait_dma2 semaphore(%run_scoped3A : memref<!tpu.dma_semaphore, #tpu.memory_space<semaphore_mem>>) src(%arg5 : memref<2x64xf32, #tpu.memory_space<hbm>>) dst(%arg13 : memref<2x64xf32, #tpu.memory_space<vmem>>)
      tpu.yield
    }) : () -> ()
    "tpu.region"() ({
      %run_scoped3A = tpu.sem_alloc : memref<!tpu.dma_semaphore, #tpu.memory_space<semaphore_mem>>
      tpu.enqueue_dma source(%arg6 : memref<16xf32, #tpu.memory_space<hbm>>) target(%arg14 : memref<16xf32, #tpu.memory_space<vmem>>) target_semaphore(%run_scoped3A : memref<!tpu.dma_semaphore, #tpu.memory_space<semaphore_mem>>)
      tpu.wait_dma2 semaphore(%run_scoped3A : memref<!tpu.dma_semaphore, #tpu.memory_space<semaphore_mem>>) src(%arg6 : memref<16xf32, #tpu.memory_space<hbm>>) dst(%arg14 : memref<16xf32, #tpu.memory_space<vmem>>)
      tpu.yield
    }) : () -> ()
    "tpu.region"() ({
      %run_scoped3A = tpu.sem_alloc : memref<!tpu.dma_semaphore, #tpu.memory_space<semaphore_mem>>
      %dma_start3A_162 = arith.constant 0 : i32
      %dma_start3A_163 = arith.constant 0 : i32
      %dma_start3A_164 = tpu.memref_slice %arg3[%add3A, %dma_start3A_162, %dma_start3A_163] : memref<32x125x80xi32, #tpu.memory_space<hbm>> -> memref<1x125x80xi32, #tpu.memory_space<hbm>>
      %dma_start3A_165 = tpu.memref_squeeze %dma_start3A_164 : memref<1x125x80xi32, #tpu.memory_space<hbm>> -> memref<125x80xi32, #tpu.memory_space<hbm>>
      %dma_start3A_166 = arith.constant 0 : i32
      %dma_start3A_167 = arith.constant 0 : i32
      %dma_start3A_168 = tpu.memref_slice %arg3[%add3A, %dma_start3A_166, %dma_start3A_167] : memref<32x125x80xi32, #tpu.memory_space<hbm>> -> memref<1x125x80xi32, #tpu.memory_space<hbm>>
      %dma_start3A_169 = tpu.memref_squeeze %dma_start3A_168 : memref<1x125x80xi32, #tpu.memory_space<hbm>> -> memref<125x80xi32, #tpu.memory_space<hbm>>
      tpu.enqueue_dma source(%dma_start3A_169 : memref<125x80xi32, #tpu.memory_space<hbm>>) target(%arg8 : memref<125x80xi32, #tpu.memory_space<vmem>>) target_semaphore(%run_scoped3A : memref<!tpu.dma_semaphore, #tpu.memory_space<semaphore_mem>>)
      %dma_wait3A_170 = arith.constant 0 : i32
      %dma_wait3A_171 = arith.constant 0 : i32
      %dma_wait3A_172 = tpu.memref_slice %arg3[%add3A, %dma_wait3A_170, %dma_wait3A_171] : memref<32x125x80xi32, #tpu.memory_space<hbm>> -> memref<1x125x80xi32, #tpu.memory_space<hbm>>
      %dma_wait3A_173 = tpu.memref_squeeze %dma_wait3A_172 : memref<1x125x80xi32, #tpu.memory_space<hbm>> -> memref<125x80xi32, #tpu.memory_space<hbm>>
      %dma_wait3A_174 = arith.constant 0 : i32
      %dma_wait3A_175 = arith.constant 0 : i32
      %dma_wait3A_176 = tpu.memref_slice %arg3[%add3A, %dma_wait3A_174, %dma_wait3A_175] : memref<32x125x80xi32, #tpu.memory_space<hbm>> -> memref<1x125x80xi32, #tpu.memory_space<hbm>>
      %dma_wait3A_177 = tpu.memref_squeeze %dma_wait3A_176 : memref<1x125x80xi32, #tpu.memory_space<hbm>> -> memref<125x80xi32, #tpu.memory_space<hbm>>
      tpu.wait_dma2 semaphore(%run_scoped3A : memref<!tpu.dma_semaphore, #tpu.memory_space<semaphore_mem>>) src(%dma_wait3A_177 : memref<125x80xi32, #tpu.memory_space<hbm>>) dst(%arg8 : memref<125x80xi32, #tpu.memory_space<vmem>>)
      tpu.yield
    }) : () -> ()
    "tpu.region"() ({
      %run_scoped3A = tpu.sem_alloc : memref<!tpu.dma_semaphore, #tpu.memory_space<semaphore_mem>>
      %dma_start3A_162 = arith.constant 0 : i32
      %dma_start3A_163 = arith.constant 0 : i32
      %dma_start3A_164 = tpu.memref_slice %arg4[%add3A, %dma_start3A_162, %dma_start3A_163] : memref<32x125x80xi32, #tpu.memory_space<hbm>> -> memref<1x125x80xi32, #tpu.memory_space<hbm>>
      %dma_start3A_165 = tpu.memref_squeeze %dma_start3A_164 : memref<1x125x80xi32, #tpu.memory_space<hbm>> -> memref<125x80xi32, #tpu.memory_space<hbm>>
      %dma_start3A_166 = arith.constant 0 : i32
      %dma_start3A_167 = arith.constant 0 : i32
      %dma_start3A_168 = tpu.memref_slice %arg4[%add3A, %dma_start3A_166, %dma_start3A_167] : memref<32x125x80xi32, #tpu.memory_space<hbm>> -> memref<1x125x80xi32, #tpu.memory_space<hbm>>
      %dma_start3A_169 = tpu.memref_squeeze %dma_start3A_168 : memref<1x125x80xi32, #tpu.memory_space<hbm>> -> memref<125x80xi32, #tpu.memory_space<hbm>>
      tpu.enqueue_dma source(%dma_start3A_169 : memref<125x80xi32, #tpu.memory_space<hbm>>) target(%arg9 : memref<125x80xi32, #tpu.memory_space<vmem>>) target_semaphore(%run_scoped3A : memref<!tpu.dma_semaphore, #tpu.memory_space<semaphore_mem>>)
      %dma_wait3A_170 = arith.constant 0 : i32
      %dma_wait3A_171 = arith.constant 0 : i32
      %dma_wait3A_172 = tpu.memref_slice %arg4[%add3A, %dma_wait3A_170, %dma_wait3A_171] : memref<32x125x80xi32, #tpu.memory_space<hbm>> -> memref<1x125x80xi32, #tpu.memory_space<hbm>>
      %dma_wait3A_173 = tpu.memref_squeeze %dma_wait3A_172 : memref<1x125x80xi32, #tpu.memory_space<hbm>> -> memref<125x80xi32, #tpu.memory_space<hbm>>
      %dma_wait3A_174 = arith.constant 0 : i32
      %dma_wait3A_175 = arith.constant 0 : i32
      %dma_wait3A_176 = tpu.memref_slice %arg4[%add3A, %dma_wait3A_174, %dma_wait3A_175] : memref<32x125x80xi32, #tpu.memory_space<hbm>> -> memref<1x125x80xi32, #tpu.memory_space<hbm>>
      %dma_wait3A_177 = tpu.memref_squeeze %dma_wait3A_176 : memref<1x125x80xi32, #tpu.memory_space<hbm>> -> memref<125x80xi32, #tpu.memory_space<hbm>>
      tpu.wait_dma2 semaphore(%run_scoped3A : memref<!tpu.dma_semaphore, #tpu.memory_space<semaphore_mem>>) src(%dma_wait3A_177 : memref<125x80xi32, #tpu.memory_space<hbm>>) dst(%arg9 : memref<125x80xi32, #tpu.memory_space<vmem>>)
      tpu.yield
    }) : () -> ()
    %get3A = arith.constant 0 : i32
    %get3A_1 = arith.index_cast %get3A : i32 to index
    %get3A_2 = arith.constant 0 : index
    %get3A_3 = tpu.vector_load %arg13[%get3A_1, %get3A_2] {strides = array<i32>} : memref<2x64xf32, #tpu.memory_space<vmem>>, vector<16xf32>,
    %get3A_4 = arith.constant 0 : i32
    %get3A_5 = arith.index_cast %get3A_4 : i32 to index
    %get3A_6 = arith.constant 16 : index
    %get3A_7 = tpu.vector_load %arg13[%get3A_5, %get3A_6] {strides = array<i32>} : memref<2x64xf32, #tpu.memory_space<vmem>>, vector<16xf32>,
    %get3A_8 = arith.constant 0 : i32
    %get3A_9 = arith.index_cast %get3A_8 : i32 to index
    %get3A_10 = arith.constant 32 : index
    %get3A_11 = tpu.vector_load %arg13[%get3A_9, %get3A_10] {strides = array<i32>} : memref<2x64xf32, #tpu.memory_space<vmem>>, vector<16xf32>,
    %get3A_12 = arith.constant 0 : i32
    %get3A_13 = arith.index_cast %get3A_12 : i32 to index
    %get3A_14 = arith.constant 48 : index
    %get3A_15 = tpu.vector_load %arg13[%get3A_13, %get3A_14] {strides = array<i32>} : memref<2x64xf32, #tpu.memory_space<vmem>>, vector<16xf32>,
    %get3A_16 = arith.constant 1 : i32
    %get3A_17 = arith.index_cast %get3A_16 : i32 to index
    %get3A_18 = arith.constant 0 : index
    %get3A_19 = tpu.vector_load %arg13[%get3A_17, %get3A_18] {strides = array<i32>} : memref<2x64xf32, #tpu.memory_space<vmem>>, vector<16xf32>,
    %get3A_20 = arith.constant 1 : i32
    %get3A_21 = arith.index_cast %get3A_20 : i32 to index
    %get3A_22 = arith.constant 16 : index
    %get3A_23 = tpu.vector_load %arg13[%get3A_21, %get3A_22] {strides = array<i32>} : memref<2x64xf32, #tpu.memory_space<vmem>>, vector<16xf32>,
    %get3A_24 = arith.constant 1 : i32
    %get3A_25 = arith.index_cast %get3A_24 : i32 to index
    %get3A_26 = arith.constant 32 : index
    %get3A_27 = tpu.vector_load %arg13[%get3A_25, %get3A_26] {strides = array<i32>} : memref<2x64xf32, #tpu.memory_space<vmem>>, vector<16xf32>,
    %get3A_28 = arith.constant 1 : i32
    %get3A_29 = arith.index_cast %get3A_28 : i32 to index
    %get3A_30 = arith.constant 48 : index
    %get3A_31 = tpu.vector_load %arg13[%get3A_29, %get3A_30] {strides = array<i32>} : memref<2x64xf32, #tpu.memory_space<vmem>>, vector<16xf32>,
    %iota3A = tpu.iota {dimensions = array<i32: 0>} : vector<16xi32>
    %lt3A = arith.constant 8 : i32
    %lt3A_32 = vector.broadcast %lt3A : i32 to vector<16xi32>
    %lt3A_33 = arith.cmpi slt, %iota3A, %lt3A_32 : vector<16xi32>
    %xor3A = arith.constant 8 : i32
    %xor3A_34 = vector.broadcast %xor3A : i32 to vector<16xi32>
    %xor3A_35 = arith.xori %iota3A, %xor3A_34 : vector<16xi32>
    %xor3A_36 = arith.constant 4 : i32
    %xor3A_37 = vector.broadcast %xor3A_36 : i32 to vector<16xi32>
    %xor3A_38 = arith.xori %iota3A, %xor3A_37 : vector<16xi32>
    %xor3A_39 = arith.constant 2 : i32
    %xor3A_40 = vector.broadcast %xor3A_39 : i32 to vector<16xi32>
    %xor3A_41 = arith.xori %iota3A, %xor3A_40 : vector<16xi32>
    %xor3A_42 = arith.constant 1 : i32
    %xor3A_43 = vector.broadcast %xor3A_42 : i32 to vector<16xi32>
    %xor3A_44 = arith.xori %iota3A, %xor3A_43 : vector<16xi32>
    %and3A = arith.constant 4 : i32
    %and3A_45 = vector.broadcast %and3A : i32 to vector<16xi32>
    %and3A_46 = arith.andi %iota3A, %and3A_45 : vector<16xi32>
    %eq3A = arith.constant 0 : i32
    %eq3A_47 = vector.broadcast %eq3A : i32 to vector<16xi32>
    %eq3A_48 = arith.cmpi eq, %and3A_46, %eq3A_47 : vector<16xi32>
    %and3A_49 = arith.constant 3 : i32
    %and3A_50 = vector.broadcast %and3A_49 : i32 to vector<16xi32>
    %and3A_51 = arith.andi %iota3A, %and3A_50 : vector<16xi32>
    %eq3A_52 = arith.constant 0 : i32
    %eq3A_53 = vector.broadcast %eq3A_52 : i32 to vector<16xi32>
    %eq3A_54 = arith.cmpi eq, %and3A_51, %eq3A_53 : vector<16xi32>
    %shift_right_arithmetic3A = arith.constant 2 : i32
    %shift_right_arithmetic3A_55 = vector.broadcast %shift_right_arithmetic3A : i32 to vector<16xi32>
    %shift_right_arithmetic3A_56 = arith.shrsi %iota3A, %shift_right_arithmetic3A_55 : vector<16xi32>
    %and3A_57 = arith.constant 1 : i32
    %and3A_58 = vector.broadcast %and3A_57 : i32 to vector<16xi32>
    %and3A_59 = arith.andi %shift_right_arithmetic3A_56, %and3A_58 : vector<16xi32>
    %shift_right_arithmetic3A_60 = arith.constant 3 : i32
    %shift_right_arithmetic3A_61 = vector.broadcast %shift_right_arithmetic3A_60 : i32 to vector<16xi32>
    %shift_right_arithmetic3A_62 = arith.shrsi %iota3A, %shift_right_arithmetic3A_61 : vector<16xi32>
    %get3A_63 = arith.constant 0 : index
    %get3A_64 = tpu.vector_load %arg14[%get3A_63] {strides = array<i32>} : memref<16xf32, #tpu.memory_space<vmem>>, vector<16xf32>,
    %broadcast_in_dim3A = vector.shape_cast %shift_right_arithmetic3A_62 : vector<16xi32> to vector<16x1xi32>
    %gather3A = vector.shape_cast %broadcast_in_dim3A : vector<16x1xi32> to vector<16xi32>
    %gather3A_65 = tpu.dynamic_gather %get3A_64[%gather3A] in [0] : vector<16xf32>, vector<16xi32> -> vector<16xf32>
    %dma_start3A = arith.constant 0 : i32
    %dma_start3A_66 = arith.constant 0 : i32
    %dma_start3A_67 = arith.constant 0 : i32
    %dma_start3A_68 = arith.constant 0 : i32
    %dma_start3A_69 = tpu.memref_slice %arg10[%dma_start3A_66, %dma_start3A_67, %dma_start3A_68] : memref<3x80x128xf32, #tpu.memory_space<vmem>> -> memref<1x80x128xf32, #tpu.memory_space<vmem>>
    %dma_start3A_70 = tpu.memref_squeeze %dma_start3A_69 : memref<1x80x128xf32, #tpu.memory_space<vmem>> -> memref<80x128xf32, #tpu.memory_space<vmem>>
    %dma_start3A_71 = arith.constant 0 : i32
    %dma_start3A_72 = tpu.memref_slice %arg8[%dma_start3A, %dma_start3A_71] : memref<125x80xi32, #tpu.memory_space<vmem>> -> memref<1x80xi32, #tpu.memory_space<vmem>>
    %dma_start3A_73 = tpu.memref_squeeze %dma_start3A_72 : memref<1x80xi32, #tpu.memory_space<vmem>> -> memref<80xi32, #tpu.memory_space<vmem>>
    %dma_start3A_74 = arith.constant 0 : i32
    %dma_start3A_75 = arith.constant 0 : i32
    %dma_start3A_76 = tpu.memref_slice %arg2[%dma_start3A_74, %dma_start3A_75] : memref<10000x128xf32, #tpu.memory_space<hbm>> -> memref<10000x128xf32, #tpu.memory_space<hbm>>
    tpu.enqueue_indirect_dma source(%dma_start3A_76 : memref<10000x128xf32, #tpu.memory_space<hbm>>) target(%dma_start3A_70 : memref<80x128xf32, #tpu.memory_space<vmem>>) offsets(%dma_start3A_73 : memref<80xi32, #tpu.memory_space<vmem>>) semaphore(%arg15 : memref<!tpu.dma_semaphore, #tpu.memory_space<semaphore_mem>>)
    %dma_start3A_77 = arith.constant 0 : i32
    %dma_start3A_78 = arith.constant 0 : i32
    %dma_start3A_79 = arith.constant 0 : i32
    %dma_start3A_80 = arith.constant 0 : i32
    %dma_start3A_81 = tpu.memref_slice %arg11[%dma_start3A_78, %dma_start3A_79, %dma_start3A_80] : memref<3x80x128xf32, #tpu.memory_space<vmem>> -> memref<1x80x128xf32, #tpu.memory_space<vmem>>
    %dma_start3A_82 = tpu.memref_squeeze %dma_start3A_81 : memref<1x80x128xf32, #tpu.memory_space<vmem>> -> memref<80x128xf32, #tpu.memory_space<vmem>>
    %dma_start3A_83 = arith.constant 0 : i32
    %dma_start3A_84 = tpu.memref_slice %arg9[%dma_start3A_77, %dma_start3A_83] : memref<125x80xi32, #tpu.memory_space<vmem>> -> memref<1x80xi32, #tpu.memory_space<vmem>>
    %dma_start3A_85 = tpu.memref_squeeze %dma_start3A_84 : memref<1x80xi32, #tpu.memory_space<vmem>> -> memref<80xi32, #tpu.memory_space<vmem>>
    %dma_start3A_86 = arith.constant 0 : i32
    %dma_start3A_87 = arith.constant 0 : i32
    %dma_start3A_88 = tpu.memref_slice %arg2[%dma_start3A_86, %dma_start3A_87] : memref<10000x128xf32, #tpu.memory_space<hbm>> -> memref<10000x128xf32, #tpu.memory_space<hbm>>
    tpu.enqueue_indirect_dma source(%dma_start3A_88 : memref<10000x128xf32, #tpu.memory_space<hbm>>) target(%dma_start3A_82 : memref<80x128xf32, #tpu.memory_space<vmem>>) offsets(%dma_start3A_85 : memref<80xi32, #tpu.memory_space<vmem>>) semaphore(%arg15 : memref<!tpu.dma_semaphore, #tpu.memory_space<semaphore_mem>>)
    %dma_start3A_89 = arith.constant 1 : i32
    %dma_start3A_90 = arith.constant 1 : i32
    %dma_start3A_91 = arith.constant 0 : i32
    %dma_start3A_92 = arith.constant 0 : i32
    %dma_start3A_93 = tpu.memref_slice %arg10[%dma_start3A_90, %dma_start3A_91, %dma_start3A_92] : memref<3x80x128xf32, #tpu.memory_space<vmem>> -> memref<1x80x128xf32, #tpu.memory_space<vmem>>
    %dma_start3A_94 = tpu.memref_squeeze %dma_start3A_93 : memref<1x80x128xf32, #tpu.memory_space<vmem>> -> memref<80x128xf32, #tpu.memory_space<vmem>>
    %dma_start3A_95 = arith.constant 0 : i32
    %dma_start3A_96 = tpu.memref_slice %arg8[%dma_start3A_89, %dma_start3A_95] : memref<125x80xi32, #tpu.memory_space<vmem>> -> memref<1x80xi32, #tpu.memory_space<vmem>>
    %dma_start3A_97 = tpu.memref_squeeze %dma_start3A_96 : memref<1x80xi32, #tpu.memory_space<vmem>> -> memref<80xi32, #tpu.memory_space<vmem>>
    %dma_start3A_98 = arith.constant 0 : i32
    %dma_start3A_99 = arith.constant 0 : i32
    %dma_start3A_100 = tpu.memref_slice %arg2[%dma_start3A_98, %dma_start3A_99] : memref<10000x128xf32, #tpu.memory_space<hbm>> -> memref<10000x128xf32, #tpu.memory_space<hbm>>
    tpu.enqueue_indirect_dma source(%dma_start3A_100 : memref<10000x128xf32, #tpu.memory_space<hbm>>) target(%dma_start3A_94 : memref<80x128xf32, #tpu.memory_space<vmem>>) offsets(%dma_start3A_97 : memref<80xi32, #tpu.memory_space<vmem>>) semaphore(%arg15 : memref<!tpu.dma_semaphore, #tpu.memory_space<semaphore_mem>>)
    %dma_start3A_101 = arith.constant 1 : i32
    %dma_start3A_102 = arith.constant 1 : i32
    %dma_start3A_103 = arith.constant 0 : i32
    %dma_start3A_104 = arith.constant 0 : i32
    %dma_start3A_105 = tpu.memref_slice %arg11[%dma_start3A_102, %dma_start3A_103, %dma_start3A_104] : memref<3x80x128xf32, #tpu.memory_space<vmem>> -> memref<1x80x128xf32, #tpu.memory_space<vmem>>
    %dma_start3A_106 = tpu.memref_squeeze %dma_start3A_105 : memref<1x80x128xf32, #tpu.memory_space<vmem>> -> memref<80x128xf32, #tpu.memory_space<vmem>>
    %dma_start3A_107 = arith.constant 0 : i32
    %dma_start3A_108 = tpu.memref_slice %arg9[%dma_start3A_101, %dma_start3A_107] : memref<125x80xi32, #tpu.memory_space<vmem>> -> memref<1x80xi32, #tpu.memory_space<vmem>>
    %dma_start3A_109 = tpu.memref_squeeze %dma_start3A_108 : memref<1x80xi32, #tpu.memory_space<vmem>> -> memref<80xi32, #tpu.memory_space<vmem>>
    %dma_start3A_110 = arith.constant 0 : i32
    %dma_start3A_111 = arith.constant 0 : i32
    %dma_start3A_112 = tpu.memref_slice %arg2[%dma_start3A_110, %dma_start3A_111] : memref<10000x128xf32, #tpu.memory_space<hbm>> -> memref<10000x128xf32, #tpu.memory_space<hbm>>
    tpu.enqueue_indirect_dma source(%dma_start3A_112 : memref<10000x128xf32, #tpu.memory_space<hbm>>) target(%dma_start3A_106 : memref<80x128xf32, #tpu.memory_space<vmem>>) offsets(%dma_start3A_109 : memref<80xi32, #tpu.memory_space<vmem>>) semaphore(%arg15 : memref<!tpu.dma_semaphore, #tpu.memory_space<semaphore_mem>>)
    %scan3A = arith.constant 0 : i32
    %scan3A_113 = arith.constant 0 : i32
    %scan3A_114 = arith.constant 42 : i32
    %scan3A_115 = arith.addi %scan3A_113, %scan3A_114 : i32
    %scan3A_116 = arith.constant 1 : i32
    scf.for %scan3A_162 = %scan3A_113 to %scan3A_115 step %scan3A_116  : i32 {
      %mul3A_163 = arith.constant 3 : i32
      %mul3A_164 = arith.muli %mul3A_163, %scan3A_162 : i32
      %add3A_165 = arith.constant 0 : i32
      %add3A_166 = arith.addi %mul3A_164, %add3A_165 : i32
      %lt3A_167 = arith.constant 125 : i32
      %lt3A_168 = arith.cmpi slt, %add3A_166, %lt3A_167 : i32
      %convert_element_type3A = arith.extui %lt3A_168 : i1 to i32
      %cond3A = arith.constant 0 : i32
      %cond3A_169 = arith.cmpi ne, %convert_element_type3A, %cond3A : i32
      scf.if %cond3A_169 {
        %dma_wait3A_188 = arith.constant 0 : i32
        %dma_wait3A_189 = arith.constant 0 : i32
        %dma_wait3A_190 = arith.constant 0 : i32
        %dma_wait3A_191 = tpu.memref_slice %arg10[%dma_wait3A_188, %dma_wait3A_189, %dma_wait3A_190] : memref<3x80x128xf32, #tpu.memory_space<vmem>> -> memref<1x80x128xf32, #tpu.memory_space<vmem>>
        %dma_wait3A_192 = tpu.memref_squeeze %dma_wait3A_191 : memref<1x80x128xf32, #tpu.memory_space<vmem>> -> memref<80x128xf32, #tpu.memory_space<vmem>>
        %dma_wait3A_193 = arith.constant 0 : i32
        %dma_wait3A_194 = arith.constant 0 : i32
        %dma_wait3A_195 = tpu.memref_slice %arg2[%dma_wait3A_193, %dma_wait3A_194] : memref<10000x128xf32, #tpu.memory_space<hbm>> -> memref<80x128xf32, #tpu.memory_space<hbm>>
        %dma_wait3A_196 = arith.constant 0 : i32
        %dma_wait3A_197 = arith.constant 0 : i32
        %dma_wait3A_198 = tpu.memref_slice %arg10[%dma_wait3A_188, %dma_wait3A_196, %dma_wait3A_197] : memref<3x80x128xf32, #tpu.memory_space<vmem>> -> memref<1x80x128xf32, #tpu.memory_space<vmem>>
        %dma_wait3A_199 = tpu.memref_squeeze %dma_wait3A_198 : memref<1x80x128xf32, #tpu.memory_space<vmem>> -> memref<80x128xf32, #tpu.memory_space<vmem>>
        %dma_wait3A_200 = arith.constant 0 : i32
        %dma_wait3A_201 = arith.constant 0 : i32
        %dma_wait3A_202 = tpu.memref_slice %arg2[%dma_wait3A_200, %dma_wait3A_201] : memref<10000x128xf32, #tpu.memory_space<hbm>> -> memref<80x128xf32, #tpu.memory_space<hbm>>
        tpu.wait_dma2 semaphore(%arg15 : memref<!tpu.dma_semaphore, #tpu.memory_space<semaphore_mem>>) src(%dma_wait3A_202 : memref<80x128xf32, #tpu.memory_space<hbm>>) dst(%dma_wait3A_199 : memref<80x128xf32, #tpu.memory_space<vmem>>)
        %dma_wait3A_203 = arith.constant 0 : i32
        %dma_wait3A_204 = arith.constant 0 : i32
        %dma_wait3A_205 = arith.constant 0 : i32
        %dma_wait3A_206 = tpu.memref_slice %arg11[%dma_wait3A_203, %dma_wait3A_204, %dma_wait3A_205] : memref<3x80x128xf32, #tpu.memory_space<vmem>> -> memref<1x80x128xf32, #tpu.memory_space<vmem>>
        %dma_wait3A_207 = tpu.memref_squeeze %dma_wait3A_206 : memref<1x80x128xf32, #tpu.memory_space<vmem>> -> memref<80x128xf32, #tpu.memory_space<vmem>>
        %dma_wait3A_208 = arith.constant 0 : i32
        %dma_wait3A_209 = arith.constant 0 : i32
        %dma_wait3A_210 = tpu.memref_slice %arg2[%dma_wait3A_208, %dma_wait3A_209] : memref<10000x128xf32, #tpu.memory_space<hbm>> -> memref<80x128xf32, #tpu.memory_space<hbm>>
        %dma_wait3A_211 = arith.constant 0 : i32
        %dma_wait3A_212 = arith.constant 0 : i32
        %dma_wait3A_213 = tpu.memref_slice %arg11[%dma_wait3A_203, %dma_wait3A_211, %dma_wait3A_212] : memref<3x80x128xf32, #tpu.memory_space<vmem>> -> memref<1x80x128xf32, #tpu.memory_space<vmem>>
        %dma_wait3A_214 = tpu.memref_squeeze %dma_wait3A_213 : memref<1x80x128xf32, #tpu.memory_space<vmem>> -> memref<80x128xf32, #tpu.memory_space<vmem>>
        %dma_wait3A_215 = arith.constant 0 : i32
        %dma_wait3A_216 = arith.constant 0 : i32
        %dma_wait3A_217 = tpu.memref_slice %arg2[%dma_wait3A_215, %dma_wait3A_216] : memref<10000x128xf32, #tpu.memory_space<hbm>> -> memref<80x128xf32, #tpu.memory_space<hbm>>
        tpu.wait_dma2 semaphore(%arg15 : memref<!tpu.dma_semaphore, #tpu.memory_space<semaphore_mem>>) src(%dma_wait3A_217 : memref<80x128xf32, #tpu.memory_space<hbm>>) dst(%dma_wait3A_214 : memref<80x128xf32, #tpu.memory_space<vmem>>)
        %ge3A = arith.constant 3 : i32
        %ge3A_218 = arith.cmpi sge, %add3A_166, %ge3A : i32
        %convert_element_type3A_219 = arith.extui %ge3A_218 : i1 to i32
        %cond3A_220 = arith.constant 0 : i32
        %cond3A_221 = arith.cmpi ne, %convert_element_type3A_219, %cond3A_220 : i32
        scf.if %cond3A_221 {
          %dma_wait3A_256 = arith.constant 0 : i32
          %dma_wait3A_257 = arith.constant 0 : i32
          %dma_wait3A_258 = arith.constant 0 : i32
          %dma_wait3A_259 = tpu.memref_slice %arg12[%dma_wait3A_256, %dma_wait3A_257, %dma_wait3A_258] : memref<3x80x2xf32, #tpu.memory_space<vmem>> -> memref<1x80x2xf32, #tpu.memory_space<vmem>>
          %dma_wait3A_260 = tpu.memref_squeeze %dma_wait3A_259 : memref<1x80x2xf32, #tpu.memory_space<vmem>> -> memref<80x2xf32, #tpu.memory_space<vmem>>
          %dma_wait3A_261 = arith.constant 0 : i32
          %dma_wait3A_262 = arith.constant 0 : i32
          %dma_wait3A_263 = tpu.memref_slice %arg7[%dma_wait3A_261, %dma_wait3A_262] : memref<320000x2xf32, #tpu.memory_space<hbm>> -> memref<80x2xf32, #tpu.memory_space<hbm>>
          %dma_wait3A_264 = arith.constant 0 : i32
          %dma_wait3A_265 = arith.constant 0 : i32
          %dma_wait3A_266 = tpu.memref_slice %arg7[%dma_wait3A_264, %dma_wait3A_265] : memref<320000x2xf32, #tpu.memory_space<hbm>> -> memref<80x2xf32, #tpu.memory_space<hbm>>
          %dma_wait3A_267 = arith.constant 0 : i32
          %dma_wait3A_268 = arith.constant 0 : i32
          %dma_wait3A_269 = tpu.memref_slice %arg12[%dma_wait3A_256, %dma_wait3A_267, %dma_wait3A_268] : memref<3x80x2xf32, #tpu.memory_space<vmem>> -> memref<1x80x2xf32, #tpu.memory_space<vmem>>
          %dma_wait3A_270 = tpu.memref_squeeze %dma_wait3A_269 : memref<1x80x2xf32, #tpu.memory_space<vmem>> -> memref<80x2xf32, #tpu.memory_space<vmem>>
          tpu.wait_dma2 semaphore(%arg16 : memref<!tpu.dma_semaphore, #tpu.memory_space<semaphore_mem>>) src(%dma_wait3A_270 : memref<80x2xf32, #tpu.memory_space<vmem>>) dst(%dma_wait3A_266 : memref<80x2xf32, #tpu.memory_space<hbm>>)
        } else {
        }
        %add3A_222 = arith.constant 2 : i32
        %add3A_223 = arith.addi %add3A_166, %add3A_222 : i32
        %lt3A_224 = arith.constant 125 : i32
        %lt3A_225 = arith.cmpi slt, %add3A_223, %lt3A_224 : i32
        %convert_element_type3A_226 = arith.extui %lt3A_225 : i1 to i32
        %cond3A_227 = arith.constant 0 : i32
        %cond3A_228 = arith.cmpi ne, %convert_element_type3A_226, %cond3A_227 : i32
        scf.if %cond3A_228 {
          %add3A_256 = arith.constant 2 : i32
          %add3A_257 = arith.addi %add3A_166, %add3A_256 : i32
          %dma_start3A_258 = arith.constant 2 : i32
          %dma_start3A_259 = arith.constant 0 : i32
          %dma_start3A_260 = arith.constant 0 : i32
          %dma_start3A_261 = tpu.memref_slice %arg10[%dma_start3A_258, %dma_start3A_259, %dma_start3A_260] : memref<3x80x128xf32, #tpu.memory_space<vmem>> -> memref<1x80x128xf32, #tpu.memory_space<vmem>>
          %dma_start3A_262 = tpu.memref_squeeze %dma_start3A_261 : memref<1x80x128xf32, #tpu.memory_space<vmem>> -> memref<80x128xf32, #tpu.memory_space<vmem>>
          %dma_start3A_263 = arith.constant 0 : i32
          %dma_start3A_264 = tpu.memref_slice %arg8[%add3A_257, %dma_start3A_263] : memref<125x80xi32, #tpu.memory_space<vmem>> -> memref<1x80xi32, #tpu.memory_space<vmem>>
          %dma_start3A_265 = tpu.memref_squeeze %dma_start3A_264 : memref<1x80xi32, #tpu.memory_space<vmem>> -> memref<80xi32, #tpu.memory_space<vmem>>
          %dma_start3A_266 = arith.constant 0 : i32
          %dma_start3A_267 = arith.constant 0 : i32
          %dma_start3A_268 = tpu.memref_slice %arg2[%dma_start3A_266, %dma_start3A_267] : memref<10000x128xf32, #tpu.memory_space<hbm>> -> memref<10000x128xf32, #tpu.memory_space<hbm>>
          tpu.enqueue_indirect_dma source(%dma_start3A_268 : memref<10000x128xf32, #tpu.memory_space<hbm>>) target(%dma_start3A_262 : memref<80x128xf32, #tpu.memory_space<vmem>>) offsets(%dma_start3A_265 : memref<80xi32, #tpu.memory_space<vmem>>) semaphore(%arg15 : memref<!tpu.dma_semaphore, #tpu.memory_space<semaphore_mem>>)
          %add3A_269 = arith.constant 2 : i32
          %add3A_270 = arith.addi %add3A_166, %add3A_269 : i32
          %dma_start3A_271 = arith.constant 2 : i32
          %dma_start3A_272 = arith.constant 0 : i32
          %dma_start3A_273 = arith.constant 0 : i32
          %dma_start3A_274 = tpu.memref_slice %arg11[%dma_start3A_271, %dma_start3A_272, %dma_start3A_273] : memref<3x80x128xf32, #tpu.memory_space<vmem>> -> memref<1x80x128xf32, #tpu.memory_space<vmem>>
          %dma_start3A_275 = tpu.memref_squeeze %dma_start3A_274 : memref<1x80x128xf32, #tpu.memory_space<vmem>> -> memref<80x128xf32, #tpu.memory_space<vmem>>
          %dma_start3A_276 = arith.constant 0 : i32
          %dma_start3A_277 = tpu.memref_slice %arg9[%add3A_270, %dma_start3A_276] : memref<125x80xi32, #tpu.memory_space<vmem>> -> memref<1x80xi32, #tpu.memory_space<vmem>>
          %dma_start3A_278 = tpu.memref_squeeze %dma_start3A_277 : memref<1x80xi32, #tpu.memory_space<vmem>> -> memref<80xi32, #tpu.memory_space<vmem>>
          %dma_start3A_279 = arith.constant 0 : i32
          %dma_start3A_280 = arith.constant 0 : i32
          %dma_start3A_281 = tpu.memref_slice %arg2[%dma_start3A_279, %dma_start3A_280] : memref<10000x128xf32, #tpu.memory_space<hbm>> -> memref<10000x128xf32, #tpu.memory_space<hbm>>
          tpu.enqueue_indirect_dma source(%dma_start3A_281 : memref<10000x128xf32, #tpu.memory_space<hbm>>) target(%dma_start3A_275 : memref<80x128xf32, #tpu.memory_space<vmem>>) offsets(%dma_start3A_278 : memref<80xi32, #tpu.memory_space<vmem>>) semaphore(%arg15 : memref<!tpu.dma_semaphore, #tpu.memory_space<semaphore_mem>>)
        } else {
        }
        %scan3A_229 = arith.constant 0 : i32
        %scan3A_230 = arith.constant 0 : i32
        %scan3A_231 = arith.constant 0 : i32
        %scan3A_232 = arith.constant 0 : i32
        %scan3A_233 = arith.constant 0 : i32
        %scan3A_234 = arith.constant 40 : i32
        %scan3A_235 = arith.addi %scan3A_233, %scan3A_234 : i32
        %scan3A_236 = arith.constant 1 : i32
        scf.for %scan3A_256 = %scan3A_233 to %scan3A_235 step %scan3A_236  : i32 {
          %mul3A_257 = arith.constant 2 : i32
          %mul3A_258 = arith.muli %mul3A_257, %scan3A_256 : i32
          %add3A_259 = arith.constant 0 : i32
          %add3A_260 = arith.addi %mul3A_258, %add3A_259 : i32
          %get3A_261 = arith.constant 0 : i32
          %get3A_262 = arith.constant 0 : i32
          %get3A_263 = tpu.memref_slice %arg10[%scan3A_230, %get3A_261, %get3A_262] : memref<3x80x128xf32, #tpu.memory_space<vmem>> -> memref<1x80x128xf32, #tpu.memory_space<vmem>>
          %get3A_264 = tpu.memref_squeeze %get3A_263 : memref<1x80x128xf32, #tpu.memory_space<vmem>> -> memref<80x128xf32, #tpu.memory_space<vmem>>
          %get3A_265 = arith.index_cast %add3A_260 : i32 to index
          %get3A_266 = arith.constant 0 : index
          %get3A_267 = tpu.vector_load %get3A_264[%get3A_265, %get3A_266] {strides = array<i32>} : memref<80x128xf32, #tpu.memory_space<vmem>>, vector<16xf32>,
          %get3A_268 = arith.constant 0 : i32
          %get3A_269 = arith.constant 0 : i32
          %get3A_270 = tpu.memref_slice %arg11[%scan3A_231, %get3A_268, %get3A_269] : memref<3x80x128xf32, #tpu.memory_space<vmem>> -> memref<1x80x128xf32, #tpu.memory_space<vmem>>
          %get3A_271 = tpu.memref_squeeze %get3A_270 : memref<1x80x128xf32, #tpu.memory_space<vmem>> -> memref<80x128xf32, #tpu.memory_space<vmem>>
          %get3A_272 = arith.index_cast %add3A_260 : i32 to index
          %get3A_273 = arith.constant 64 : index
          %get3A_274 = tpu.vector_load %get3A_271[%get3A_272, %get3A_273] {strides = array<i32>} : memref<80x128xf32, #tpu.memory_space<vmem>>, vector<16xf32>,
          %add3A_275 = arith.addf %get3A_267, %get3A_274 : vector<16xf32>
          %max3A = arith.constant 0.000000e+00 : f32
          %max3A_276 = vector.broadcast %max3A : f32 to vector<16xf32>
          %max3A_277 = arith.maximumf %add3A_275, %max3A_276 : vector<16xf32>
          %get3A_278 = arith.constant 0 : i32
          %get3A_279 = arith.constant 0 : i32
          %get3A_280 = tpu.memref_slice %arg10[%scan3A_230, %get3A_278, %get3A_279] : memref<3x80x128xf32, #tpu.memory_space<vmem>> -> memref<1x80x128xf32, #tpu.memory_space<vmem>>
          %get3A_281 = tpu.memref_squeeze %get3A_280 : memref<1x80x128xf32, #tpu.memory_space<vmem>> -> memref<80x128xf32, #tpu.memory_space<vmem>>
          %get3A_282 = arith.index_cast %add3A_260 : i32 to index
          %get3A_283 = arith.constant 16 : index
          %get3A_284 = tpu.vector_load %get3A_281[%get3A_282, %get3A_283] {strides = array<i32>} : memref<80x128xf32, #tpu.memory_space<vmem>>, vector<16xf32>,
          %get3A_285 = arith.constant 0 : i32
          %get3A_286 = arith.constant 0 : i32
          %get3A_287 = tpu.memref_slice %arg11[%scan3A_231, %get3A_285, %get3A_286] : memref<3x80x128xf32, #tpu.memory_space<vmem>> -> memref<1x80x128xf32, #tpu.memory_space<vmem>>
          %get3A_288 = tpu.memref_squeeze %get3A_287 : memref<1x80x128xf32, #tpu.memory_space<vmem>> -> memref<80x128xf32, #tpu.memory_space<vmem>>
          %get3A_289 = arith.index_cast %add3A_260 : i32 to index
          %get3A_290 = arith.constant 80 : index
          %get3A_291 = tpu.vector_load %get3A_288[%get3A_289, %get3A_290] {strides = array<i32>} : memref<80x128xf32, #tpu.memory_space<vmem>>, vector<16xf32>,
          %add3A_292 = arith.addf %get3A_284, %get3A_291 : vector<16xf32>
          %max3A_293 = arith.constant 0.000000e+00 : f32
          %max3A_294 = vector.broadcast %max3A_293 : f32 to vector<16xf32>
          %max3A_295 = arith.maximumf %add3A_292, %max3A_294 : vector<16xf32>
          %get3A_296 = arith.constant 0 : i32
          %get3A_297 = arith.constant 0 : i32
          %get3A_298 = tpu.memref_slice %arg10[%scan3A_230, %get3A_296, %get3A_297] : memref<3x80x128xf32, #tpu.memory_space<vmem>> -> memref<1x80x128xf32, #tpu.memory_space<vmem>>
          %get3A_299 = tpu.memref_squeeze %get3A_298 : memref<1x80x128xf32, #tpu.memory_space<vmem>> -> memref<80x128xf32, #tpu.memory_space<vmem>>
          %get3A_300 = arith.index_cast %add3A_260 : i32 to index
          %get3A_301 = arith.constant 32 : index
          %get3A_302 = tpu.vector_load %get3A_299[%get3A_300, %get3A_301] {strides = array<i32>} : memref<80x128xf32, #tpu.memory_space<vmem>>, vector<16xf32>,
          %get3A_303 = arith.constant 0 : i32
          %get3A_304 = arith.constant 0 : i32
          %get3A_305 = tpu.memref_slice %arg11[%scan3A_231, %get3A_303, %get3A_304] : memref<3x80x128xf32, #tpu.memory_space<vmem>> -> memref<1x80x128xf32, #tpu.memory_space<vmem>>
          %get3A_306 = tpu.memref_squeeze %get3A_305 : memref<1x80x128xf32, #tpu.memory_space<vmem>> -> memref<80x128xf32, #tpu.memory_space<vmem>>
          %get3A_307 = arith.index_cast %add3A_260 : i32 to index
          %get3A_308 = arith.constant 96 : index
          %get3A_309 = tpu.vector_load %get3A_306[%get3A_307, %get3A_308] {strides = array<i32>} : memref<80x128xf32, #tpu.memory_space<vmem>>, vector<16xf32>,
          %add3A_310 = arith.addf %get3A_302, %get3A_309 : vector<16xf32>
          %max3A_311 = arith.constant 0.000000e+00 : f32
          %max3A_312 = vector.broadcast %max3A_311 : f32 to vector<16xf32>
          %max3A_313 = arith.maximumf %add3A_310, %max3A_312 : vector<16xf32>
          %get3A_314 = arith.constant 0 : i32
          %get3A_315 = arith.constant 0 : i32
          %get3A_316 = tpu.memref_slice %arg10[%scan3A_230, %get3A_314, %get3A_315] : memref<3x80x128xf32, #tpu.memory_space<vmem>> -> memref<1x80x128xf32, #tpu.memory_space<vmem>>
          %get3A_317 = tpu.memref_squeeze %get3A_316 : memref<1x80x128xf32, #tpu.memory_space<vmem>> -> memref<80x128xf32, #tpu.memory_space<vmem>>
          %get3A_318 = arith.index_cast %add3A_260 : i32 to index
          %get3A_319 = arith.constant 48 : index
          %get3A_320 = tpu.vector_load %get3A_317[%get3A_318, %get3A_319] {strides = array<i32>} : memref<80x128xf32, #tpu.memory_space<vmem>>, vector<16xf32>,
          %get3A_321 = arith.constant 0 : i32
          %get3A_322 = arith.constant 0 : i32
          %get3A_323 = tpu.memref_slice %arg11[%scan3A_231, %get3A_321, %get3A_322] : memref<3x80x128xf32, #tpu.memory_space<vmem>> -> memref<1x80x128xf32, #tpu.memory_space<vmem>>
          %get3A_324 = tpu.memref_squeeze %get3A_323 : memref<1x80x128xf32, #tpu.memory_space<vmem>> -> memref<80x128xf32, #tpu.memory_space<vmem>>
          %get3A_325 = arith.index_cast %add3A_260 : i32 to index
          %get3A_326 = arith.constant 112 : index
          %get3A_327 = tpu.vector_load %get3A_324[%get3A_325, %get3A_326] {strides = array<i32>} : memref<80x128xf32, #tpu.memory_space<vmem>>, vector<16xf32>,
          %add3A_328 = arith.addf %get3A_320, %get3A_327 : vector<16xf32>
          %max3A_329 = arith.constant 0.000000e+00 : f32
          %max3A_330 = vector.broadcast %max3A_329 : f32 to vector<16xf32>
          %max3A_331 = arith.maximumf %add3A_328, %max3A_330 : vector<16xf32>
          %mul3A_332 = arith.mulf %max3A_277, %get3A_3 : vector<16xf32>
          %mul3A_333 = arith.mulf %max3A_277, %get3A_19 : vector<16xf32>
          %mul3A_334 = arith.mulf %max3A_295, %get3A_7 : vector<16xf32>
          %add3A_335 = arith.addf %mul3A_332, %mul3A_334 : vector<16xf32>
          %mul3A_336 = arith.mulf %max3A_295, %get3A_23 : vector<16xf32>
          %add3A_337 = arith.addf %mul3A_333, %mul3A_336 : vector<16xf32>
          %mul3A_338 = arith.mulf %max3A_313, %get3A_11 : vector<16xf32>
          %add3A_339 = arith.addf %add3A_335, %mul3A_338 : vector<16xf32>
          %mul3A_340 = arith.mulf %max3A_313, %get3A_27 : vector<16xf32>
          %add3A_341 = arith.addf %add3A_337, %mul3A_340 : vector<16xf32>
          %mul3A_342 = arith.mulf %max3A_331, %get3A_15 : vector<16xf32>
          %add3A_343 = arith.addf %add3A_339, %mul3A_342 : vector<16xf32>
          %mul3A_344 = arith.mulf %max3A_331, %get3A_31 : vector<16xf32>
          %add3A_345 = arith.addf %add3A_341, %mul3A_344 : vector<16xf32>
          %broadcast_in_dim3A_346 = vector.shape_cast %xor3A_35 : vector<16xi32> to vector<16x1xi32>
          %gather3A_347 = vector.shape_cast %broadcast_in_dim3A_346 : vector<16x1xi32> to vector<16xi32>
          %gather3A_348 = tpu.dynamic_gather %add3A_343[%gather3A_347] in [0] : vector<16xf32>, vector<16xi32> -> vector<16xf32>
          %add3A_349 = arith.addf %add3A_343, %gather3A_348 : vector<16xf32>
          %broadcast_in_dim3A_350 = vector.shape_cast %xor3A_35 : vector<16xi32> to vector<16x1xi32>
          %gather3A_351 = vector.shape_cast %broadcast_in_dim3A_350 : vector<16x1xi32> to vector<16xi32>
          %gather3A_352 = tpu.dynamic_gather %add3A_345[%gather3A_351] in [0] : vector<16xf32>, vector<16xi32> -> vector<16xf32>
          %add3A_353 = arith.addf %add3A_345, %gather3A_352 : vector<16xf32>
          %broadcast_in_dim3A_354 = vector.shape_cast %xor3A_35 : vector<16xi32> to vector<16x1xi32>
          %gather3A_355 = vector.shape_cast %broadcast_in_dim3A_354 : vector<16x1xi32> to vector<16xi32>
          %gather3A_356 = tpu.dynamic_gather %add3A_353[%gather3A_355] in [0] : vector<16xf32>, vector<16xi32> -> vector<16xf32>
          %select_n3A = arith.select %lt3A_33, %add3A_349, %gather3A_356 : vector<16xi1>, vector<16xf32>
          %broadcast_in_dim3A_357 = vector.shape_cast %xor3A_38 : vector<16xi32> to vector<16x1xi32>
          %gather3A_358 = vector.shape_cast %broadcast_in_dim3A_357 : vector<16x1xi32> to vector<16xi32>
          %gather3A_359 = tpu.dynamic_gather %select_n3A[%gather3A_358] in [0] : vector<16xf32>, vector<16xi32> -> vector<16xf32>
          %add3A_360 = arith.addf %select_n3A, %gather3A_359 : vector<16xf32>
          %mul3A_361 = arith.constant 2 : i32
          %mul3A_362 = arith.muli %mul3A_361, %scan3A_256 : i32
          %add3A_363 = arith.constant 1 : i32
          %add3A_364 = arith.addi %mul3A_362, %add3A_363 : i32
          %get3A_365 = arith.constant 0 : i32
          %get3A_366 = arith.constant 0 : i32
          %get3A_367 = tpu.memref_slice %arg10[%scan3A_230, %get3A_365, %get3A_366] : memref<3x80x128xf32, #tpu.memory_space<vmem>> -> memref<1x80x128xf32, #tpu.memory_space<vmem>>
          %get3A_368 = tpu.memref_squeeze %get3A_367 : memref<1x80x128xf32, #tpu.memory_space<vmem>> -> memref<80x128xf32, #tpu.memory_space<vmem>>
          %get3A_369 = arith.index_cast %add3A_364 : i32 to index
          %get3A_370 = arith.constant 0 : index
          %get3A_371 = tpu.vector_load %get3A_368[%get3A_369, %get3A_370] {strides = array<i32>} : memref<80x128xf32, #tpu.memory_space<vmem>>, vector<16xf32>,
          %get3A_372 = arith.constant 0 : i32
          %get3A_373 = arith.constant 0 : i32
          %get3A_374 = tpu.memref_slice %arg11[%scan3A_231, %get3A_372, %get3A_373] : memref<3x80x128xf32, #tpu.memory_space<vmem>> -> memref<1x80x128xf32, #tpu.memory_space<vmem>>
          %get3A_375 = tpu.memref_squeeze %get3A_374 : memref<1x80x128xf32, #tpu.memory_space<vmem>> -> memref<80x128xf32, #tpu.memory_space<vmem>>
          %get3A_376 = arith.index_cast %add3A_364 : i32 to index
          %get3A_377 = arith.constant 64 : index
          %get3A_378 = tpu.vector_load %get3A_375[%get3A_376, %get3A_377] {strides = array<i32>} : memref<80x128xf32, #tpu.memory_space<vmem>>, vector<16xf32>,
          %add3A_379 = arith.addf %get3A_371, %get3A_378 : vector<16xf32>
          %max3A_380 = arith.constant 0.000000e+00 : f32
          %max3A_381 = vector.broadcast %max3A_380 : f32 to vector<16xf32>
          %max3A_382 = arith.maximumf %add3A_379, %max3A_381 : vector<16xf32>
          %get3A_383 = arith.constant 0 : i32
          %get3A_384 = arith.constant 0 : i32
          %get3A_385 = tpu.memref_slice %arg10[%scan3A_230, %get3A_383, %get3A_384] : memref<3x80x128xf32, #tpu.memory_space<vmem>> -> memref<1x80x128xf32, #tpu.memory_space<vmem>>
          %get3A_386 = tpu.memref_squeeze %get3A_385 : memref<1x80x128xf32, #tpu.memory_space<vmem>> -> memref<80x128xf32, #tpu.memory_space<vmem>>
          %get3A_387 = arith.index_cast %add3A_364 : i32 to index
          %get3A_388 = arith.constant 16 : index
          %get3A_389 = tpu.vector_load %get3A_386[%get3A_387, %get3A_388] {strides = array<i32>} : memref<80x128xf32, #tpu.memory_space<vmem>>, vector<16xf32>,
          %get3A_390 = arith.constant 0 : i32
          %get3A_391 = arith.constant 0 : i32
          %get3A_392 = tpu.memref_slice %arg11[%scan3A_231, %get3A_390, %get3A_391] : memref<3x80x128xf32, #tpu.memory_space<vmem>> -> memref<1x80x128xf32, #tpu.memory_space<vmem>>
          %get3A_393 = tpu.memref_squeeze %get3A_392 : memref<1x80x128xf32, #tpu.memory_space<vmem>> -> memref<80x128xf32, #tpu.memory_space<vmem>>
          %get3A_394 = arith.index_cast %add3A_364 : i32 to index
          %get3A_395 = arith.constant 80 : index
          %get3A_396 = tpu.vector_load %get3A_393[%get3A_394, %get3A_395] {strides = array<i32>} : memref<80x128xf32, #tpu.memory_space<vmem>>, vector<16xf32>,
          %add3A_397 = arith.addf %get3A_389, %get3A_396 : vector<16xf32>
          %max3A_398 = arith.constant 0.000000e+00 : f32
          %max3A_399 = vector.broadcast %max3A_398 : f32 to vector<16xf32>
          %max3A_400 = arith.maximumf %add3A_397, %max3A_399 : vector<16xf32>
          %get3A_401 = arith.constant 0 : i32
          %get3A_402 = arith.constant 0 : i32
          %get3A_403 = tpu.memref_slice %arg10[%scan3A_230, %get3A_401, %get3A_402] : memref<3x80x128xf32, #tpu.memory_space<vmem>> -> memref<1x80x128xf32, #tpu.memory_space<vmem>>
          %get3A_404 = tpu.memref_squeeze %get3A_403 : memref<1x80x128xf32, #tpu.memory_space<vmem>> -> memref<80x128xf32, #tpu.memory_space<vmem>>
          %get3A_405 = arith.index_cast %add3A_364 : i32 to index
          %get3A_406 = arith.constant 32 : index
          %get3A_407 = tpu.vector_load %get3A_404[%get3A_405, %get3A_406] {strides = array<i32>} : memref<80x128xf32, #tpu.memory_space<vmem>>, vector<16xf32>,
          %get3A_408 = arith.constant 0 : i32
          %get3A_409 = arith.constant 0 : i32
          %get3A_410 = tpu.memref_slice %arg11[%scan3A_231, %get3A_408, %get3A_409] : memref<3x80x128xf32, #tpu.memory_space<vmem>> -> memref<1x80x128xf32, #tpu.memory_space<vmem>>
          %get3A_411 = tpu.memref_squeeze %get3A_410 : memref<1x80x128xf32, #tpu.memory_space<vmem>> -> memref<80x128xf32, #tpu.memory_space<vmem>>
          %get3A_412 = arith.index_cast %add3A_364 : i32 to index
          %get3A_413 = arith.constant 96 : index
          %get3A_414 = tpu.vector_load %get3A_411[%get3A_412, %get3A_413] {strides = array<i32>} : memref<80x128xf32, #tpu.memory_space<vmem>>, vector<16xf32>,
          %add3A_415 = arith.addf %get3A_407, %get3A_414 : vector<16xf32>
          %max3A_416 = arith.constant 0.000000e+00 : f32
          %max3A_417 = vector.broadcast %max3A_416 : f32 to vector<16xf32>
          %max3A_418 = arith.maximumf %add3A_415, %max3A_417 : vector<16xf32>
          %get3A_419 = arith.constant 0 : i32
          %get3A_420 = arith.constant 0 : i32
          %get3A_421 = tpu.memref_slice %arg10[%scan3A_230, %get3A_419, %get3A_420] : memref<3x80x128xf32, #tpu.memory_space<vmem>> -> memref<1x80x128xf32, #tpu.memory_space<vmem>>
          %get3A_422 = tpu.memref_squeeze %get3A_421 : memref<1x80x128xf32, #tpu.memory_space<vmem>> -> memref<80x128xf32, #tpu.memory_space<vmem>>
          %get3A_423 = arith.index_cast %add3A_364 : i32 to index
          %get3A_424 = arith.constant 48 : index
          %get3A_425 = tpu.vector_load %get3A_422[%get3A_423, %get3A_424] {strides = array<i32>} : memref<80x128xf32, #tpu.memory_space<vmem>>, vector<16xf32>,
          %get3A_426 = arith.constant 0 : i32
          %get3A_427 = arith.constant 0 : i32
          %get3A_428 = tpu.memref_slice %arg11[%scan3A_231, %get3A_426, %get3A_427] : memref<3x80x128xf32, #tpu.memory_space<vmem>> -> memref<1x80x128xf32, #tpu.memory_space<vmem>>
          %get3A_429 = tpu.memref_squeeze %get3A_428 : memref<1x80x128xf32, #tpu.memory_space<vmem>> -> memref<80x128xf32, #tpu.memory_space<vmem>>
          %get3A_430 = arith.index_cast %add3A_364 : i32 to index
          %get3A_431 = arith.constant 112 : index
          %get3A_432 = tpu.vector_load %get3A_429[%get3A_430, %get3A_431] {strides = array<i32>} : memref<80x128xf32, #tpu.memory_space<vmem>>, vector<16xf32>,
          %add3A_433 = arith.addf %get3A_425, %get3A_432 : vector<16xf32>
          %max3A_434 = arith.constant 0.000000e+00 : f32
          %max3A_435 = vector.broadcast %max3A_434 : f32 to vector<16xf32>
          %max3A_436 = arith.maximumf %add3A_433, %max3A_435 : vector<16xf32>
          %mul3A_437 = arith.mulf %max3A_382, %get3A_3 : vector<16xf32>
          %mul3A_438 = arith.mulf %max3A_382, %get3A_19 : vector<16xf32>
          %mul3A_439 = arith.mulf %max3A_400, %get3A_7 : vector<16xf32>
          %add3A_440 = arith.addf %mul3A_437, %mul3A_439 : vector<16xf32>
          %mul3A_441 = arith.mulf %max3A_400, %get3A_23 : vector<16xf32>
          %add3A_442 = arith.addf %mul3A_438, %mul3A_441 : vector<16xf32>
          %mul3A_443 = arith.mulf %max3A_418, %get3A_11 : vector<16xf32>
          %add3A_444 = arith.addf %add3A_440, %mul3A_443 : vector<16xf32>
          %mul3A_445 = arith.mulf %max3A_418, %get3A_27 : vector<16xf32>
          %add3A_446 = arith.addf %add3A_442, %mul3A_445 : vector<16xf32>
          %mul3A_447 = arith.mulf %max3A_436, %get3A_15 : vector<16xf32>
          %add3A_448 = arith.addf %add3A_444, %mul3A_447 : vector<16xf32>
          %mul3A_449 = arith.mulf %max3A_436, %get3A_31 : vector<16xf32>
          %add3A_450 = arith.addf %add3A_446, %mul3A_449 : vector<16xf32>
          %broadcast_in_dim3A_451 = vector.shape_cast %xor3A_35 : vector<16xi32> to vector<16x1xi32>
          %gather3A_452 = vector.shape_cast %broadcast_in_dim3A_451 : vector<16x1xi32> to vector<16xi32>
          %gather3A_453 = tpu.dynamic_gather %add3A_448[%gather3A_452] in [0] : vector<16xf32>, vector<16xi32> -> vector<16xf32>
          %add3A_454 = arith.addf %add3A_448, %gather3A_453 : vector<16xf32>
          %broadcast_in_dim3A_455 = vector.shape_cast %xor3A_35 : vector<16xi32> to vector<16x1xi32>
          %gather3A_456 = vector.shape_cast %broadcast_in_dim3A_455 : vector<16x1xi32> to vector<16xi32>
          %gather3A_457 = tpu.dynamic_gather %add3A_450[%gather3A_456] in [0] : vector<16xf32>, vector<16xi32> -> vector<16xf32>
          %add3A_458 = arith.addf %add3A_450, %gather3A_457 : vector<16xf32>
          %broadcast_in_dim3A_459 = vector.shape_cast %xor3A_35 : vector<16xi32> to vector<16x1xi32>
          %gather3A_460 = vector.shape_cast %broadcast_in_dim3A_459 : vector<16x1xi32> to vector<16xi32>
          %gather3A_461 = tpu.dynamic_gather %add3A_458[%gather3A_460] in [0] : vector<16xf32>, vector<16xi32> -> vector<16xf32>
          %select_n3A_462 = arith.select %lt3A_33, %add3A_454, %gather3A_461 : vector<16xi1>, vector<16xf32>
          %broadcast_in_dim3A_463 = vector.shape_cast %xor3A_38 : vector<16xi32> to vector<16x1xi32>
          %gather3A_464 = vector.shape_cast %broadcast_in_dim3A_463 : vector<16x1xi32> to vector<16xi32>
          %gather3A_465 = tpu.dynamic_gather %select_n3A_462[%gather3A_464] in [0] : vector<16xf32>, vector<16xi32> -> vector<16xf32>
          %add3A_466 = arith.addf %select_n3A_462, %gather3A_465 : vector<16xf32>
          %broadcast_in_dim3A_467 = vector.shape_cast %xor3A_38 : vector<16xi32> to vector<16x1xi32>
          %gather3A_468 = vector.shape_cast %broadcast_in_dim3A_467 : vector<16x1xi32> to vector<16xi32>
          %gather3A_469 = tpu.dynamic_gather %add3A_466[%gather3A_468] in [0] : vector<16xf32>, vector<16xi32> -> vector<16xf32>
          %select_n3A_470 = arith.select %eq3A_48, %add3A_360, %gather3A_469 : vector<16xi1>, vector<16xf32>
          %broadcast_in_dim3A_471 = vector.shape_cast %xor3A_41 : vector<16xi32> to vector<16x1xi32>
          %gather3A_472 = vector.shape_cast %broadcast_in_dim3A_471 : vector<16x1xi32> to vector<16xi32>
          %gather3A_473 = tpu.dynamic_gather %select_n3A_470[%gather3A_472] in [0] : vector<16xf32>, vector<16xi32> -> vector<16xf32>
          %add3A_474 = arith.addf %select_n3A_470, %gather3A_473 : vector<16xf32>
          %broadcast_in_dim3A_475 = vector.shape_cast %xor3A_44 : vector<16xi32> to vector<16x1xi32>
          %gather3A_476 = vector.shape_cast %broadcast_in_dim3A_475 : vector<16x1xi32> to vector<16xi32>
          %gather3A_477 = tpu.dynamic_gather %add3A_474[%gather3A_476] in [0] : vector<16xf32>, vector<16xi32> -> vector<16xf32>
          %add3A_478 = arith.addf %add3A_474, %gather3A_477 : vector<16xf32>
          %add3A_479 = arith.addf %add3A_478, %gather3A_65 : vector<16xf32>
          %mul3A_480 = arith.constant 2 : i32
          %mul3A_481 = arith.muli %mul3A_480, %scan3A_256 : i32
          %add3A_482 = vector.broadcast %mul3A_481 : i32 to vector<16xi32>
          %add3A_483 = arith.addi %add3A_482, %and3A_59 : vector<16xi32>
          %scatter3A = arith.constant 0 : i32
          %scatter3A_484 = arith.constant 0 : i32
          %scatter3A_485 = tpu.memref_slice %arg12[%scan3A_232, %scatter3A, %scatter3A_484] : memref<3x80x2xf32, #tpu.memory_space<vmem>> -> memref<1x80x2xf32, #tpu.memory_space<vmem>>
          %scatter3A_486 = tpu.memref_squeeze %scatter3A_485 : memref<1x80x2xf32, #tpu.memory_space<vmem>> -> memref<80x2xf32, #tpu.memory_space<vmem>>
          tpu.vector_store_idx %scatter3A_486[%add3A_483, %shift_right_arithmetic3A_62], %add3A_479 masked %eq3A_54 : memref<80x2xf32, #tpu.memory_space<vmem>>[vector<16xi32>, vector<16xi32>], vector<16xf32>, vector<16xi1>
        }
        %scan3A_237 = arith.constant 40 : i32
        %mul3A_238 = arith.constant 10000 : i32
        %mul3A_239 = arith.muli %add3A, %mul3A_238 : i32
        %mul3A_240 = arith.constant 80 : i32
        %mul3A_241 = arith.muli %add3A_166, %mul3A_240 : i32
        %add3A_242 = arith.addi %mul3A_239, %mul3A_241 : i32
        %dma_start3A_243 = arith.constant 0 : i32
        %dma_start3A_244 = arith.constant 0 : i32
        %dma_start3A_245 = arith.constant 0 : i32
        %dma_start3A_246 = tpu.memref_slice %arg12[%dma_start3A_243, %dma_start3A_244, %dma_start3A_245] : memref<3x80x2xf32, #tpu.memory_space<vmem>> -> memref<1x80x2xf32, #tpu.memory_space<vmem>>
        %dma_start3A_247 = tpu.memref_squeeze %dma_start3A_246 : memref<1x80x2xf32, #tpu.memory_space<vmem>> -> memref<80x2xf32, #tpu.memory_space<vmem>>
        %dma_start3A_248 = arith.constant 0 : i32
        %dma_start3A_249 = tpu.memref_slice %arg7[%add3A_242, %dma_start3A_248] : memref<320000x2xf32, #tpu.memory_space<hbm>> -> memref<80x2xf32, #tpu.memory_space<hbm>>
        %dma_start3A_250 = arith.constant 0 : i32
        %dma_start3A_251 = tpu.memref_slice %arg7[%add3A_242, %dma_start3A_250] : memref<320000x2xf32, #tpu.memory_space<hbm>> -> memref<80x2xf32, #tpu.memory_space<hbm>>
        %dma_start3A_252 = arith.constant 0 : i32
        %dma_start3A_253 = arith.constant 0 : i32
        %dma_start3A_254 = tpu.memref_slice %arg12[%dma_start3A_243, %dma_start3A_252, %dma_start3A_253] : memref<3x80x2xf32, #tpu.memory_space<vmem>> -> memref<1x80x2xf32, #tpu.memory_space<vmem>>
        %dma_start3A_255 = tpu.memref_squeeze %dma_start3A_254 : memref<1x80x2xf32, #tpu.memory_space<vmem>> -> memref<80x2xf32, #tpu.memory_space<vmem>>
        tpu.enqueue_dma source(%dma_start3A_255 : memref<80x2xf32, #tpu.memory_space<vmem>>) target(%dma_start3A_251 : memref<80x2xf32, #tpu.memory_space<hbm>>) target_semaphore(%arg16 : memref<!tpu.dma_semaphore, #tpu.memory_space<semaphore_mem>>)
      } else {
      }
      %mul3A_170 = arith.constant 3 : i32
      %mul3A_171 = arith.muli %mul3A_170, %scan3A_162 : i32
      %add3A_172 = arith.constant 1 : i32
      %add3A_173 = arith.addi %mul3A_171, %add3A_172 : i32
      %lt3A_174 = arith.constant 125 : i32
      %lt3A_175 = arith.cmpi slt, %add3A_173, %lt3A_174 : i32
      %convert_element_type3A_176 = arith.extui %lt3A_175 : i1 to i32
      %cond3A_177 = arith.constant 0 : i32
      %cond3A_178 = arith.cmpi ne, %convert_element_type3A_176, %cond3A_177 : i32
      scf.if %cond3A_178 {
        %dma_wait3A_188 = arith.constant 1 : i32
        %dma_wait3A_189 = arith.constant 0 : i32
        %dma_wait3A_190 = arith.constant 0 : i32
        %dma_wait3A_191 = tpu.memref_slice %arg10[%dma_wait3A_188, %dma_wait3A_189, %dma_wait3A_190] : memref<3x80x128xf32, #tpu.memory_space<vmem>> -> memref<1x80x128xf32, #tpu.memory_space<vmem>>
        %dma_wait3A_192 = tpu.memref_squeeze %dma_wait3A_191 : memref<1x80x128xf32, #tpu.memory_space<vmem>> -> memref<80x128xf32, #tpu.memory_space<vmem>>
        %dma_wait3A_193 = arith.constant 0 : i32
        %dma_wait3A_194 = arith.constant 0 : i32
        %dma_wait3A_195 = tpu.memref_slice %arg2[%dma_wait3A_193, %dma_wait3A_194] : memref<10000x128xf32, #tpu.memory_space<hbm>> -> memref<80x128xf32, #tpu.memory_space<hbm>>
        %dma_wait3A_196 = arith.constant 0 : i32
        %dma_wait3A_197 = arith.constant 0 : i32
        %dma_wait3A_198 = tpu.memref_slice %arg10[%dma_wait3A_188, %dma_wait3A_196, %dma_wait3A_197] : memref<3x80x128xf32, #tpu.memory_space<vmem>> -> memref<1x80x128xf32, #tpu.memory_space<vmem>>
        %dma_wait3A_199 = tpu.memref_squeeze %dma_wait3A_198 : memref<1x80x128xf32, #tpu.memory_space<vmem>> -> memref<80x128xf32, #tpu.memory_space<vmem>>
        %dma_wait3A_200 = arith.constant 0 : i32
        %dma_wait3A_201 = arith.constant 0 : i32
        %dma_wait3A_202 = tpu.memref_slice %arg2[%dma_wait3A_200, %dma_wait3A_201] : memref<10000x128xf32, #tpu.memory_space<hbm>> -> memref<80x128xf32, #tpu.memory_space<hbm>>
        tpu.wait_dma2 semaphore(%arg15 : memref<!tpu.dma_semaphore, #tpu.memory_space<semaphore_mem>>) src(%dma_wait3A_202 : memref<80x128xf32, #tpu.memory_space<hbm>>) dst(%dma_wait3A_199 : memref<80x128xf32, #tpu.memory_space<vmem>>)
        %dma_wait3A_203 = arith.constant 1 : i32
        %dma_wait3A_204 = arith.constant 0 : i32
        %dma_wait3A_205 = arith.constant 0 : i32
        %dma_wait3A_206 = tpu.memref_slice %arg11[%dma_wait3A_203, %dma_wait3A_204, %dma_wait3A_205] : memref<3x80x128xf32, #tpu.memory_space<vmem>> -> memref<1x80x128xf32, #tpu.memory_space<vmem>>
        %dma_wait3A_207 = tpu.memref_squeeze %dma_wait3A_206 : memref<1x80x128xf32, #tpu.memory_space<vmem>> -> memref<80x128xf32, #tpu.memory_space<vmem>>
        %dma_wait3A_208 = arith.constant 0 : i32
        %dma_wait3A_209 = arith.constant 0 : i32
        %dma_wait3A_210 = tpu.memref_slice %arg2[%dma_wait3A_208, %dma_wait3A_209] : memref<10000x128xf32, #tpu.memory_space<hbm>> -> memref<80x128xf32, #tpu.memory_space<hbm>>
        %dma_wait3A_211 = arith.constant 0 : i32
        %dma_wait3A_212 = arith.constant 0 : i32
        %dma_wait3A_213 = tpu.memref_slice %arg11[%dma_wait3A_203, %dma_wait3A_211, %dma_wait3A_212] : memref<3x80x128xf32, #tpu.memory_space<vmem>> -> memref<1x80x128xf32, #tpu.memory_space<vmem>>
        %dma_wait3A_214 = tpu.memref_squeeze %dma_wait3A_213 : memref<1x80x128xf32, #tpu.memory_space<vmem>> -> memref<80x128xf32, #tpu.memory_space<vmem>>
        %dma_wait3A_215 = arith.constant 0 : i32
        %dma_wait3A_216 = arith.constant 0 : i32
        %dma_wait3A_217 = tpu.memref_slice %arg2[%dma_wait3A_215, %dma_wait3A_216] : memref<10000x128xf32, #tpu.memory_space<hbm>> -> memref<80x128xf32, #tpu.memory_space<hbm>>
        tpu.wait_dma2 semaphore(%arg15 : memref<!tpu.dma_semaphore, #tpu.memory_space<semaphore_mem>>) src(%dma_wait3A_217 : memref<80x128xf32, #tpu.memory_space<hbm>>) dst(%dma_wait3A_214 : memref<80x128xf32, #tpu.memory_space<vmem>>)
        %ge3A = arith.constant 3 : i32
        %ge3A_218 = arith.cmpi sge, %add3A_173, %ge3A : i32
        %convert_element_type3A_219 = arith.extui %ge3A_218 : i1 to i32
        %cond3A_220 = arith.constant 0 : i32
        %cond3A_221 = arith.cmpi ne, %convert_element_type3A_219, %cond3A_220 : i32
        scf.if %cond3A_221 {
          %dma_wait3A_256 = arith.constant 1 : i32
          %dma_wait3A_257 = arith.constant 0 : i32
          %dma_wait3A_258 = arith.constant 0 : i32
          %dma_wait3A_259 = tpu.memref_slice %arg12[%dma_wait3A_256, %dma_wait3A_257, %dma_wait3A_258] : memref<3x80x2xf32, #tpu.memory_space<vmem>> -> memref<1x80x2xf32, #tpu.memory_space<vmem>>
          %dma_wait3A_260 = tpu.memref_squeeze %dma_wait3A_259 : memref<1x80x2xf32, #tpu.memory_space<vmem>> -> memref<80x2xf32, #tpu.memory_space<vmem>>
          %dma_wait3A_261 = arith.constant 0 : i32
          %dma_wait3A_262 = arith.constant 0 : i32
          %dma_wait3A_263 = tpu.memref_slice %arg7[%dma_wait3A_261, %dma_wait3A_262] : memref<320000x2xf32, #tpu.memory_space<hbm>> -> memref<80x2xf32, #tpu.memory_space<hbm>>
          %dma_wait3A_264 = arith.constant 0 : i32
          %dma_wait3A_265 = arith.constant 0 : i32
          %dma_wait3A_266 = tpu.memref_slice %arg7[%dma_wait3A_264, %dma_wait3A_265] : memref<320000x2xf32, #tpu.memory_space<hbm>> -> memref<80x2xf32, #tpu.memory_space<hbm>>
          %dma_wait3A_267 = arith.constant 0 : i32
          %dma_wait3A_268 = arith.constant 0 : i32
          %dma_wait3A_269 = tpu.memref_slice %arg12[%dma_wait3A_256, %dma_wait3A_267, %dma_wait3A_268] : memref<3x80x2xf32, #tpu.memory_space<vmem>> -> memref<1x80x2xf32, #tpu.memory_space<vmem>>
          %dma_wait3A_270 = tpu.memref_squeeze %dma_wait3A_269 : memref<1x80x2xf32, #tpu.memory_space<vmem>> -> memref<80x2xf32, #tpu.memory_space<vmem>>
          tpu.wait_dma2 semaphore(%arg16 : memref<!tpu.dma_semaphore, #tpu.memory_space<semaphore_mem>>) src(%dma_wait3A_270 : memref<80x2xf32, #tpu.memory_space<vmem>>) dst(%dma_wait3A_266 : memref<80x2xf32, #tpu.memory_space<hbm>>)
        } else {
        }
        %add3A_222 = arith.constant 2 : i32
        %add3A_223 = arith.addi %add3A_173, %add3A_222 : i32
        %lt3A_224 = arith.constant 125 : i32
        %lt3A_225 = arith.cmpi slt, %add3A_223, %lt3A_224 : i32
        %convert_element_type3A_226 = arith.extui %lt3A_225 : i1 to i32
        %cond3A_227 = arith.constant 0 : i32
        %cond3A_228 = arith.cmpi ne, %convert_element_type3A_226, %cond3A_227 : i32
        scf.if %cond3A_228 {
          %add3A_256 = arith.constant 2 : i32
          %add3A_257 = arith.addi %add3A_173, %add3A_256 : i32
          %dma_start3A_258 = arith.constant 0 : i32
          %dma_start3A_259 = arith.constant 0 : i32
          %dma_start3A_260 = arith.constant 0 : i32
          %dma_start3A_261 = tpu.memref_slice %arg10[%dma_start3A_258, %dma_start3A_259, %dma_start3A_260] : memref<3x80x128xf32, #tpu.memory_space<vmem>> -> memref<1x80x128xf32, #tpu.memory_space<vmem>>
          %dma_start3A_262 = tpu.memref_squeeze %dma_start3A_261 : memref<1x80x128xf32, #tpu.memory_space<vmem>> -> memref<80x128xf32, #tpu.memory_space<vmem>>
          %dma_start3A_263 = arith.constant 0 : i32
          %dma_start3A_264 = tpu.memref_slice %arg8[%add3A_257, %dma_start3A_263] : memref<125x80xi32, #tpu.memory_space<vmem>> -> memref<1x80xi32, #tpu.memory_space<vmem>>
          %dma_start3A_265 = tpu.memref_squeeze %dma_start3A_264 : memref<1x80xi32, #tpu.memory_space<vmem>> -> memref<80xi32, #tpu.memory_space<vmem>>
          %dma_start3A_266 = arith.constant 0 : i32
          %dma_start3A_267 = arith.constant 0 : i32
          %dma_start3A_268 = tpu.memref_slice %arg2[%dma_start3A_266, %dma_start3A_267] : memref<10000x128xf32, #tpu.memory_space<hbm>> -> memref<10000x128xf32, #tpu.memory_space<hbm>>
          tpu.enqueue_indirect_dma source(%dma_start3A_268 : memref<10000x128xf32, #tpu.memory_space<hbm>>) target(%dma_start3A_262 : memref<80x128xf32, #tpu.memory_space<vmem>>) offsets(%dma_start3A_265 : memref<80xi32, #tpu.memory_space<vmem>>) semaphore(%arg15 : memref<!tpu.dma_semaphore, #tpu.memory_space<semaphore_mem>>)
          %add3A_269 = arith.constant 2 : i32
          %add3A_270 = arith.addi %add3A_173, %add3A_269 : i32
          %dma_start3A_271 = arith.constant 0 : i32
          %dma_start3A_272 = arith.constant 0 : i32
          %dma_start3A_273 = arith.constant 0 : i32
          %dma_start3A_274 = tpu.memref_slice %arg11[%dma_start3A_271, %dma_start3A_272, %dma_start3A_273] : memref<3x80x128xf32, #tpu.memory_space<vmem>> -> memref<1x80x128xf32, #tpu.memory_space<vmem>>
          %dma_start3A_275 = tpu.memref_squeeze %dma_start3A_274 : memref<1x80x128xf32, #tpu.memory_space<vmem>> -> memref<80x128xf32, #tpu.memory_space<vmem>>
          %dma_start3A_276 = arith.constant 0 : i32
          %dma_start3A_277 = tpu.memref_slice %arg9[%add3A_270, %dma_start3A_276] : memref<125x80xi32, #tpu.memory_space<vmem>> -> memref<1x80xi32, #tpu.memory_space<vmem>>
          %dma_start3A_278 = tpu.memref_squeeze %dma_start3A_277 : memref<1x80xi32, #tpu.memory_space<vmem>> -> memref<80xi32, #tpu.memory_space<vmem>>
          %dma_start3A_279 = arith.constant 0 : i32
          %dma_start3A_280 = arith.constant 0 : i32
          %dma_start3A_281 = tpu.memref_slice %arg2[%dma_start3A_279, %dma_start3A_280] : memref<10000x128xf32, #tpu.memory_space<hbm>> -> memref<10000x128xf32, #tpu.memory_space<hbm>>
          tpu.enqueue_indirect_dma source(%dma_start3A_281 : memref<10000x128xf32, #tpu.memory_space<hbm>>) target(%dma_start3A_275 : memref<80x128xf32, #tpu.memory_space<vmem>>) offsets(%dma_start3A_278 : memref<80xi32, #tpu.memory_space<vmem>>) semaphore(%arg15 : memref<!tpu.dma_semaphore, #tpu.memory_space<semaphore_mem>>)
        } else {
        }
        %scan3A_229 = arith.constant 0 : i32
        %scan3A_230 = arith.constant 1 : i32
        %scan3A_231 = arith.constant 1 : i32
        %scan3A_232 = arith.constant 1 : i32
        %scan3A_233 = arith.constant 0 : i32
        %scan3A_234 = arith.constant 40 : i32
        %scan3A_235 = arith.addi %scan3A_233, %scan3A_234 : i32
        %scan3A_236 = arith.constant 1 : i32
        scf.for %scan3A_256 = %scan3A_233 to %scan3A_235 step %scan3A_236  : i32 {
          %mul3A_257 = arith.constant 2 : i32
          %mul3A_258 = arith.muli %mul3A_257, %scan3A_256 : i32
          %add3A_259 = arith.constant 0 : i32
          %add3A_260 = arith.addi %mul3A_258, %add3A_259 : i32
          %get3A_261 = arith.constant 0 : i32
          %get3A_262 = arith.constant 0 : i32
          %get3A_263 = tpu.memref_slice %arg10[%scan3A_230, %get3A_261, %get3A_262] : memref<3x80x128xf32, #tpu.memory_space<vmem>> -> memref<1x80x128xf32, #tpu.memory_space<vmem>>
          %get3A_264 = tpu.memref_squeeze %get3A_263 : memref<1x80x128xf32, #tpu.memory_space<vmem>> -> memref<80x128xf32, #tpu.memory_space<vmem>>
          %get3A_265 = arith.index_cast %add3A_260 : i32 to index
          %get3A_266 = arith.constant 0 : index
          %get3A_267 = tpu.vector_load %get3A_264[%get3A_265, %get3A_266] {strides = array<i32>} : memref<80x128xf32, #tpu.memory_space<vmem>>, vector<16xf32>,
          %get3A_268 = arith.constant 0 : i32
          %get3A_269 = arith.constant 0 : i32
          %get3A_270 = tpu.memref_slice %arg11[%scan3A_231, %get3A_268, %get3A_269] : memref<3x80x128xf32, #tpu.memory_space<vmem>> -> memref<1x80x128xf32, #tpu.memory_space<vmem>>
          %get3A_271 = tpu.memref_squeeze %get3A_270 : memref<1x80x128xf32, #tpu.memory_space<vmem>> -> memref<80x128xf32, #tpu.memory_space<vmem>>
          %get3A_272 = arith.index_cast %add3A_260 : i32 to index
          %get3A_273 = arith.constant 64 : index
          %get3A_274 = tpu.vector_load %get3A_271[%get3A_272, %get3A_273] {strides = array<i32>} : memref<80x128xf32, #tpu.memory_space<vmem>>, vector<16xf32>,
          %add3A_275 = arith.addf %get3A_267, %get3A_274 : vector<16xf32>
          %max3A = arith.constant 0.000000e+00 : f32
          %max3A_276 = vector.broadcast %max3A : f32 to vector<16xf32>
          %max3A_277 = arith.maximumf %add3A_275, %max3A_276 : vector<16xf32>
          %get3A_278 = arith.constant 0 : i32
          %get3A_279 = arith.constant 0 : i32
          %get3A_280 = tpu.memref_slice %arg10[%scan3A_230, %get3A_278, %get3A_279] : memref<3x80x128xf32, #tpu.memory_space<vmem>> -> memref<1x80x128xf32, #tpu.memory_space<vmem>>
          %get3A_281 = tpu.memref_squeeze %get3A_280 : memref<1x80x128xf32, #tpu.memory_space<vmem>> -> memref<80x128xf32, #tpu.memory_space<vmem>>
          %get3A_282 = arith.index_cast %add3A_260 : i32 to index
          %get3A_283 = arith.constant 16 : index
          %get3A_284 = tpu.vector_load %get3A_281[%get3A_282, %get3A_283] {strides = array<i32>} : memref<80x128xf32, #tpu.memory_space<vmem>>, vector<16xf32>,
          %get3A_285 = arith.constant 0 : i32
          %get3A_286 = arith.constant 0 : i32
          %get3A_287 = tpu.memref_slice %arg11[%scan3A_231, %get3A_285, %get3A_286] : memref<3x80x128xf32, #tpu.memory_space<vmem>> -> memref<1x80x128xf32, #tpu.memory_space<vmem>>
          %get3A_288 = tpu.memref_squeeze %get3A_287 : memref<1x80x128xf32, #tpu.memory_space<vmem>> -> memref<80x128xf32, #tpu.memory_space<vmem>>
          %get3A_289 = arith.index_cast %add3A_260 : i32 to index
          %get3A_290 = arith.constant 80 : index
          %get3A_291 = tpu.vector_load %get3A_288[%get3A_289, %get3A_290] {strides = array<i32>} : memref<80x128xf32, #tpu.memory_space<vmem>>, vector<16xf32>,
          %add3A_292 = arith.addf %get3A_284, %get3A_291 : vector<16xf32>
          %max3A_293 = arith.constant 0.000000e+00 : f32
          %max3A_294 = vector.broadcast %max3A_293 : f32 to vector<16xf32>
          %max3A_295 = arith.maximumf %add3A_292, %max3A_294 : vector<16xf32>
          %get3A_296 = arith.constant 0 : i32
          %get3A_297 = arith.constant 0 : i32
          %get3A_298 = tpu.memref_slice %arg10[%scan3A_230, %get3A_296, %get3A_297] : memref<3x80x128xf32, #tpu.memory_space<vmem>> -> memref<1x80x128xf32, #tpu.memory_space<vmem>>
          %get3A_299 = tpu.memref_squeeze %get3A_298 : memref<1x80x128xf32, #tpu.memory_space<vmem>> -> memref<80x128xf32, #tpu.memory_space<vmem>>
          %get3A_300 = arith.index_cast %add3A_260 : i32 to index
          %get3A_301 = arith.constant 32 : index
          %get3A_302 = tpu.vector_load %get3A_299[%get3A_300, %get3A_301] {strides = array<i32>} : memref<80x128xf32, #tpu.memory_space<vmem>>, vector<16xf32>,
          %get3A_303 = arith.constant 0 : i32
          %get3A_304 = arith.constant 0 : i32
          %get3A_305 = tpu.memref_slice %arg11[%scan3A_231, %get3A_303, %get3A_304] : memref<3x80x128xf32, #tpu.memory_space<vmem>> -> memref<1x80x128xf32, #tpu.memory_space<vmem>>
          %get3A_306 = tpu.memref_squeeze %get3A_305 : memref<1x80x128xf32, #tpu.memory_space<vmem>> -> memref<80x128xf32, #tpu.memory_space<vmem>>
          %get3A_307 = arith.index_cast %add3A_260 : i32 to index
          %get3A_308 = arith.constant 96 : index
          %get3A_309 = tpu.vector_load %get3A_306[%get3A_307, %get3A_308] {strides = array<i32>} : memref<80x128xf32, #tpu.memory_space<vmem>>, vector<16xf32>,
          %add3A_310 = arith.addf %get3A_302, %get3A_309 : vector<16xf32>
          %max3A_311 = arith.constant 0.000000e+00 : f32
          %max3A_312 = vector.broadcast %max3A_311 : f32 to vector<16xf32>
          %max3A_313 = arith.maximumf %add3A_310, %max3A_312 : vector<16xf32>
          %get3A_314 = arith.constant 0 : i32
          %get3A_315 = arith.constant 0 : i32
          %get3A_316 = tpu.memref_slice %arg10[%scan3A_230, %get3A_314, %get3A_315] : memref<3x80x128xf32, #tpu.memory_space<vmem>> -> memref<1x80x128xf32, #tpu.memory_space<vmem>>
          %get3A_317 = tpu.memref_squeeze %get3A_316 : memref<1x80x128xf32, #tpu.memory_space<vmem>> -> memref<80x128xf32, #tpu.memory_space<vmem>>
          %get3A_318 = arith.index_cast %add3A_260 : i32 to index
          %get3A_319 = arith.constant 48 : index
          %get3A_320 = tpu.vector_load %get3A_317[%get3A_318, %get3A_319] {strides = array<i32>} : memref<80x128xf32, #tpu.memory_space<vmem>>, vector<16xf32>,
          %get3A_321 = arith.constant 0 : i32
          %get3A_322 = arith.constant 0 : i32
          %get3A_323 = tpu.memref_slice %arg11[%scan3A_231, %get3A_321, %get3A_322] : memref<3x80x128xf32, #tpu.memory_space<vmem>> -> memref<1x80x128xf32, #tpu.memory_space<vmem>>
          %get3A_324 = tpu.memref_squeeze %get3A_323 : memref<1x80x128xf32, #tpu.memory_space<vmem>> -> memref<80x128xf32, #tpu.memory_space<vmem>>
          %get3A_325 = arith.index_cast %add3A_260 : i32 to index
          %get3A_326 = arith.constant 112 : index
          %get3A_327 = tpu.vector_load %get3A_324[%get3A_325, %get3A_326] {strides = array<i32>} : memref<80x128xf32, #tpu.memory_space<vmem>>, vector<16xf32>,
          %add3A_328 = arith.addf %get3A_320, %get3A_327 : vector<16xf32>
          %max3A_329 = arith.constant 0.000000e+00 : f32
          %max3A_330 = vector.broadcast %max3A_329 : f32 to vector<16xf32>
          %max3A_331 = arith.maximumf %add3A_328, %max3A_330 : vector<16xf32>
          %mul3A_332 = arith.mulf %max3A_277, %get3A_3 : vector<16xf32>
          %mul3A_333 = arith.mulf %max3A_277, %get3A_19 : vector<16xf32>
          %mul3A_334 = arith.mulf %max3A_295, %get3A_7 : vector<16xf32>
          %add3A_335 = arith.addf %mul3A_332, %mul3A_334 : vector<16xf32>
          %mul3A_336 = arith.mulf %max3A_295, %get3A_23 : vector<16xf32>
          %add3A_337 = arith.addf %mul3A_333, %mul3A_336 : vector<16xf32>
          %mul3A_338 = arith.mulf %max3A_313, %get3A_11 : vector<16xf32>
          %add3A_339 = arith.addf %add3A_335, %mul3A_338 : vector<16xf32>
          %mul3A_340 = arith.mulf %max3A_313, %get3A_27 : vector<16xf32>
          %add3A_341 = arith.addf %add3A_337, %mul3A_340 : vector<16xf32>
          %mul3A_342 = arith.mulf %max3A_331, %get3A_15 : vector<16xf32>
          %add3A_343 = arith.addf %add3A_339, %mul3A_342 : vector<16xf32>
          %mul3A_344 = arith.mulf %max3A_331, %get3A_31 : vector<16xf32>
          %add3A_345 = arith.addf %add3A_341, %mul3A_344 : vector<16xf32>
          %broadcast_in_dim3A_346 = vector.shape_cast %xor3A_35 : vector<16xi32> to vector<16x1xi32>
          %gather3A_347 = vector.shape_cast %broadcast_in_dim3A_346 : vector<16x1xi32> to vector<16xi32>
          %gather3A_348 = tpu.dynamic_gather %add3A_343[%gather3A_347] in [0] : vector<16xf32>, vector<16xi32> -> vector<16xf32>
          %add3A_349 = arith.addf %add3A_343, %gather3A_348 : vector<16xf32>
          %broadcast_in_dim3A_350 = vector.shape_cast %xor3A_35 : vector<16xi32> to vector<16x1xi32>
          %gather3A_351 = vector.shape_cast %broadcast_in_dim3A_350 : vector<16x1xi32> to vector<16xi32>
          %gather3A_352 = tpu.dynamic_gather %add3A_345[%gather3A_351] in [0] : vector<16xf32>, vector<16xi32> -> vector<16xf32>
          %add3A_353 = arith.addf %add3A_345, %gather3A_352 : vector<16xf32>
          %broadcast_in_dim3A_354 = vector.shape_cast %xor3A_35 : vector<16xi32> to vector<16x1xi32>
          %gather3A_355 = vector.shape_cast %broadcast_in_dim3A_354 : vector<16x1xi32> to vector<16xi32>
          %gather3A_356 = tpu.dynamic_gather %add3A_353[%gather3A_355] in [0] : vector<16xf32>, vector<16xi32> -> vector<16xf32>
          %select_n3A = arith.select %lt3A_33, %add3A_349, %gather3A_356 : vector<16xi1>, vector<16xf32>
          %broadcast_in_dim3A_357 = vector.shape_cast %xor3A_38 : vector<16xi32> to vector<16x1xi32>
          %gather3A_358 = vector.shape_cast %broadcast_in_dim3A_357 : vector<16x1xi32> to vector<16xi32>
          %gather3A_359 = tpu.dynamic_gather %select_n3A[%gather3A_358] in [0] : vector<16xf32>, vector<16xi32> -> vector<16xf32>
          %add3A_360 = arith.addf %select_n3A, %gather3A_359 : vector<16xf32>
          %mul3A_361 = arith.constant 2 : i32
          %mul3A_362 = arith.muli %mul3A_361, %scan3A_256 : i32
          %add3A_363 = arith.constant 1 : i32
          %add3A_364 = arith.addi %mul3A_362, %add3A_363 : i32
          %get3A_365 = arith.constant 0 : i32
          %get3A_366 = arith.constant 0 : i32
          %get3A_367 = tpu.memref_slice %arg10[%scan3A_230, %get3A_365, %get3A_366] : memref<3x80x128xf32, #tpu.memory_space<vmem>> -> memref<1x80x128xf32, #tpu.memory_space<vmem>>
          %get3A_368 = tpu.memref_squeeze %get3A_367 : memref<1x80x128xf32, #tpu.memory_space<vmem>> -> memref<80x128xf32, #tpu.memory_space<vmem>>
          %get3A_369 = arith.index_cast %add3A_364 : i32 to index
          %get3A_370 = arith.constant 0 : index
          %get3A_371 = tpu.vector_load %get3A_368[%get3A_369, %get3A_370] {strides = array<i32>} : memref<80x128xf32, #tpu.memory_space<vmem>>, vector<16xf32>,
          %get3A_372 = arith.constant 0 : i32
          %get3A_373 = arith.constant 0 : i32
          %get3A_374 = tpu.memref_slice %arg11[%scan3A_231, %get3A_372, %get3A_373] : memref<3x80x128xf32, #tpu.memory_space<vmem>> -> memref<1x80x128xf32, #tpu.memory_space<vmem>>
          %get3A_375 = tpu.memref_squeeze %get3A_374 : memref<1x80x128xf32, #tpu.memory_space<vmem>> -> memref<80x128xf32, #tpu.memory_space<vmem>>
          %get3A_376 = arith.index_cast %add3A_364 : i32 to index
          %get3A_377 = arith.constant 64 : index
          %get3A_378 = tpu.vector_load %get3A_375[%get3A_376, %get3A_377] {strides = array<i32>} : memref<80x128xf32, #tpu.memory_space<vmem>>, vector<16xf32>,
          %add3A_379 = arith.addf %get3A_371, %get3A_378 : vector<16xf32>
          %max3A_380 = arith.constant 0.000000e+00 : f32
          %max3A_381 = vector.broadcast %max3A_380 : f32 to vector<16xf32>
          %max3A_382 = arith.maximumf %add3A_379, %max3A_381 : vector<16xf32>
          %get3A_383 = arith.constant 0 : i32
          %get3A_384 = arith.constant 0 : i32
          %get3A_385 = tpu.memref_slice %arg10[%scan3A_230, %get3A_383, %get3A_384] : memref<3x80x128xf32, #tpu.memory_space<vmem>> -> memref<1x80x128xf32, #tpu.memory_space<vmem>>
          %get3A_386 = tpu.memref_squeeze %get3A_385 : memref<1x80x128xf32, #tpu.memory_space<vmem>> -> memref<80x128xf32, #tpu.memory_space<vmem>>
          %get3A_387 = arith.index_cast %add3A_364 : i32 to index
          %get3A_388 = arith.constant 16 : index
          %get3A_389 = tpu.vector_load %get3A_386[%get3A_387, %get3A_388] {strides = array<i32>} : memref<80x128xf32, #tpu.memory_space<vmem>>, vector<16xf32>,
          %get3A_390 = arith.constant 0 : i32
          %get3A_391 = arith.constant 0 : i32
          %get3A_392 = tpu.memref_slice %arg11[%scan3A_231, %get3A_390, %get3A_391] : memref<3x80x128xf32, #tpu.memory_space<vmem>> -> memref<1x80x128xf32, #tpu.memory_space<vmem>>
          %get3A_393 = tpu.memref_squeeze %get3A_392 : memref<1x80x128xf32, #tpu.memory_space<vmem>> -> memref<80x128xf32, #tpu.memory_space<vmem>>
          %get3A_394 = arith.index_cast %add3A_364 : i32 to index
          %get3A_395 = arith.constant 80 : index
          %get3A_396 = tpu.vector_load %get3A_393[%get3A_394, %get3A_395] {strides = array<i32>} : memref<80x128xf32, #tpu.memory_space<vmem>>, vector<16xf32>,
          %add3A_397 = arith.addf %get3A_389, %get3A_396 : vector<16xf32>
          %max3A_398 = arith.constant 0.000000e+00 : f32
          %max3A_399 = vector.broadcast %max3A_398 : f32 to vector<16xf32>
          %max3A_400 = arith.maximumf %add3A_397, %max3A_399 : vector<16xf32>
          %get3A_401 = arith.constant 0 : i32
          %get3A_402 = arith.constant 0 : i32
          %get3A_403 = tpu.memref_slice %arg10[%scan3A_230, %get3A_401, %get3A_402] : memref<3x80x128xf32, #tpu.memory_space<vmem>> -> memref<1x80x128xf32, #tpu.memory_space<vmem>>
          %get3A_404 = tpu.memref_squeeze %get3A_403 : memref<1x80x128xf32, #tpu.memory_space<vmem>> -> memref<80x128xf32, #tpu.memory_space<vmem>>
          %get3A_405 = arith.index_cast %add3A_364 : i32 to index
          %get3A_406 = arith.constant 32 : index
          %get3A_407 = tpu.vector_load %get3A_404[%get3A_405, %get3A_406] {strides = array<i32>} : memref<80x128xf32, #tpu.memory_space<vmem>>, vector<16xf32>,
          %get3A_408 = arith.constant 0 : i32
          %get3A_409 = arith.constant 0 : i32
          %get3A_410 = tpu.memref_slice %arg11[%scan3A_231, %get3A_408, %get3A_409] : memref<3x80x128xf32, #tpu.memory_space<vmem>> -> memref<1x80x128xf32, #tpu.memory_space<vmem>>
          %get3A_411 = tpu.memref_squeeze %get3A_410 : memref<1x80x128xf32, #tpu.memory_space<vmem>> -> memref<80x128xf32, #tpu.memory_space<vmem>>
          %get3A_412 = arith.index_cast %add3A_364 : i32 to index
          %get3A_413 = arith.constant 96 : index
          %get3A_414 = tpu.vector_load %get3A_411[%get3A_412, %get3A_413] {strides = array<i32>} : memref<80x128xf32, #tpu.memory_space<vmem>>, vector<16xf32>,
          %add3A_415 = arith.addf %get3A_407, %get3A_414 : vector<16xf32>
          %max3A_416 = arith.constant 0.000000e+00 : f32
          %max3A_417 = vector.broadcast %max3A_416 : f32 to vector<16xf32>
          %max3A_418 = arith.maximumf %add3A_415, %max3A_417 : vector<16xf32>
          %get3A_419 = arith.constant 0 : i32
          %get3A_420 = arith.constant 0 : i32
          %get3A_421 = tpu.memref_slice %arg10[%scan3A_230, %get3A_419, %get3A_420] : memref<3x80x128xf32, #tpu.memory_space<vmem>> -> memref<1x80x128xf32, #tpu.memory_space<vmem>>
          %get3A_422 = tpu.memref_squeeze %get3A_421 : memref<1x80x128xf32, #tpu.memory_space<vmem>> -> memref<80x128xf32, #tpu.memory_space<vmem>>
          %get3A_423 = arith.index_cast %add3A_364 : i32 to index
          %get3A_424 = arith.constant 48 : index
          %get3A_425 = tpu.vector_load %get3A_422[%get3A_423, %get3A_424] {strides = array<i32>} : memref<80x128xf32, #tpu.memory_space<vmem>>, vector<16xf32>,
          %get3A_426 = arith.constant 0 : i32
          %get3A_427 = arith.constant 0 : i32
          %get3A_428 = tpu.memref_slice %arg11[%scan3A_231, %get3A_426, %get3A_427] : memref<3x80x128xf32, #tpu.memory_space<vmem>> -> memref<1x80x128xf32, #tpu.memory_space<vmem>>
          %get3A_429 = tpu.memref_squeeze %get3A_428 : memref<1x80x128xf32, #tpu.memory_space<vmem>> -> memref<80x128xf32, #tpu.memory_space<vmem>>
          %get3A_430 = arith.index_cast %add3A_364 : i32 to index
          %get3A_431 = arith.constant 112 : index
          %get3A_432 = tpu.vector_load %get3A_429[%get3A_430, %get3A_431] {strides = array<i32>} : memref<80x128xf32, #tpu.memory_space<vmem>>, vector<16xf32>,
          %add3A_433 = arith.addf %get3A_425, %get3A_432 : vector<16xf32>
          %max3A_434 = arith.constant 0.000000e+00 : f32
          %max3A_435 = vector.broadcast %max3A_434 : f32 to vector<16xf32>
          %max3A_436 = arith.maximumf %add3A_433, %max3A_435 : vector<16xf32>
          %mul3A_437 = arith.mulf %max3A_382, %get3A_3 : vector<16xf32>
          %mul3A_438 = arith.mulf %max3A_382, %get3A_19 : vector<16xf32>
          %mul3A_439 = arith.mulf %max3A_400, %get3A_7 : vector<16xf32>
          %add3A_440 = arith.addf %mul3A_437, %mul3A_439 : vector<16xf32>
          %mul3A_441 = arith.mulf %max3A_400, %get3A_23 : vector<16xf32>
          %add3A_442 = arith.addf %mul3A_438, %mul3A_441 : vector<16xf32>
          %mul3A_443 = arith.mulf %max3A_418, %get3A_11 : vector<16xf32>
          %add3A_444 = arith.addf %add3A_440, %mul3A_443 : vector<16xf32>
          %mul3A_445 = arith.mulf %max3A_418, %get3A_27 : vector<16xf32>
          %add3A_446 = arith.addf %add3A_442, %mul3A_445 : vector<16xf32>
          %mul3A_447 = arith.mulf %max3A_436, %get3A_15 : vector<16xf32>
          %add3A_448 = arith.addf %add3A_444, %mul3A_447 : vector<16xf32>
          %mul3A_449 = arith.mulf %max3A_436, %get3A_31 : vector<16xf32>
          %add3A_450 = arith.addf %add3A_446, %mul3A_449 : vector<16xf32>
          %broadcast_in_dim3A_451 = vector.shape_cast %xor3A_35 : vector<16xi32> to vector<16x1xi32>
          %gather3A_452 = vector.shape_cast %broadcast_in_dim3A_451 : vector<16x1xi32> to vector<16xi32>
          %gather3A_453 = tpu.dynamic_gather %add3A_448[%gather3A_452] in [0] : vector<16xf32>, vector<16xi32> -> vector<16xf32>
          %add3A_454 = arith.addf %add3A_448, %gather3A_453 : vector<16xf32>
          %broadcast_in_dim3A_455 = vector.shape_cast %xor3A_35 : vector<16xi32> to vector<16x1xi32>
          %gather3A_456 = vector.shape_cast %broadcast_in_dim3A_455 : vector<16x1xi32> to vector<16xi32>
          %gather3A_457 = tpu.dynamic_gather %add3A_450[%gather3A_456] in [0] : vector<16xf32>, vector<16xi32> -> vector<16xf32>
          %add3A_458 = arith.addf %add3A_450, %gather3A_457 : vector<16xf32>
          %broadcast_in_dim3A_459 = vector.shape_cast %xor3A_35 : vector<16xi32> to vector<16x1xi32>
          %gather3A_460 = vector.shape_cast %broadcast_in_dim3A_459 : vector<16x1xi32> to vector<16xi32>
          %gather3A_461 = tpu.dynamic_gather %add3A_458[%gather3A_460] in [0] : vector<16xf32>, vector<16xi32> -> vector<16xf32>
          %select_n3A_462 = arith.select %lt3A_33, %add3A_454, %gather3A_461 : vector<16xi1>, vector<16xf32>
          %broadcast_in_dim3A_463 = vector.shape_cast %xor3A_38 : vector<16xi32> to vector<16x1xi32>
          %gather3A_464 = vector.shape_cast %broadcast_in_dim3A_463 : vector<16x1xi32> to vector<16xi32>
          %gather3A_465 = tpu.dynamic_gather %select_n3A_462[%gather3A_464] in [0] : vector<16xf32>, vector<16xi32> -> vector<16xf32>
          %add3A_466 = arith.addf %select_n3A_462, %gather3A_465 : vector<16xf32>
          %broadcast_in_dim3A_467 = vector.shape_cast %xor3A_38 : vector<16xi32> to vector<16x1xi32>
          %gather3A_468 = vector.shape_cast %broadcast_in_dim3A_467 : vector<16x1xi32> to vector<16xi32>
          %gather3A_469 = tpu.dynamic_gather %add3A_466[%gather3A_468] in [0] : vector<16xf32>, vector<16xi32> -> vector<16xf32>
          %select_n3A_470 = arith.select %eq3A_48, %add3A_360, %gather3A_469 : vector<16xi1>, vector<16xf32>
          %broadcast_in_dim3A_471 = vector.shape_cast %xor3A_41 : vector<16xi32> to vector<16x1xi32>
          %gather3A_472 = vector.shape_cast %broadcast_in_dim3A_471 : vector<16x1xi32> to vector<16xi32>
          %gather3A_473 = tpu.dynamic_gather %select_n3A_470[%gather3A_472] in [0] : vector<16xf32>, vector<16xi32> -> vector<16xf32>
          %add3A_474 = arith.addf %select_n3A_470, %gather3A_473 : vector<16xf32>
          %broadcast_in_dim3A_475 = vector.shape_cast %xor3A_44 : vector<16xi32> to vector<16x1xi32>
          %gather3A_476 = vector.shape_cast %broadcast_in_dim3A_475 : vector<16x1xi32> to vector<16xi32>
          %gather3A_477 = tpu.dynamic_gather %add3A_474[%gather3A_476] in [0] : vector<16xf32>, vector<16xi32> -> vector<16xf32>
          %add3A_478 = arith.addf %add3A_474, %gather3A_477 : vector<16xf32>
          %add3A_479 = arith.addf %add3A_478, %gather3A_65 : vector<16xf32>
          %mul3A_480 = arith.constant 2 : i32
          %mul3A_481 = arith.muli %mul3A_480, %scan3A_256 : i32
          %add3A_482 = vector.broadcast %mul3A_481 : i32 to vector<16xi32>
          %add3A_483 = arith.addi %add3A_482, %and3A_59 : vector<16xi32>
          %scatter3A = arith.constant 0 : i32
          %scatter3A_484 = arith.constant 0 : i32
          %scatter3A_485 = tpu.memref_slice %arg12[%scan3A_232, %scatter3A, %scatter3A_484] : memref<3x80x2xf32, #tpu.memory_space<vmem>> -> memref<1x80x2xf32, #tpu.memory_space<vmem>>
          %scatter3A_486 = tpu.memref_squeeze %scatter3A_485 : memref<1x80x2xf32, #tpu.memory_space<vmem>> -> memref<80x2xf32, #tpu.memory_space<vmem>>
          tpu.vector_store_idx %scatter3A_486[%add3A_483, %shift_right_arithmetic3A_62], %add3A_479 masked %eq3A_54 : memref<80x2xf32, #tpu.memory_space<vmem>>[vector<16xi32>, vector<16xi32>], vector<16xf32>, vector<16xi1>
        }
        %scan3A_237 = arith.constant 40 : i32
        %mul3A_238 = arith.constant 10000 : i32
        %mul3A_239 = arith.muli %add3A, %mul3A_238 : i32
        %mul3A_240 = arith.constant 80 : i32
        %mul3A_241 = arith.muli %add3A_173, %mul3A_240 : i32
        %add3A_242 = arith.addi %mul3A_239, %mul3A_241 : i32
        %dma_start3A_243 = arith.constant 1 : i32
        %dma_start3A_244 = arith.constant 0 : i32
        %dma_start3A_245 = arith.constant 0 : i32
        %dma_start3A_246 = tpu.memref_slice %arg12[%dma_start3A_243, %dma_start3A_244, %dma_start3A_245] : memref<3x80x2xf32, #tpu.memory_space<vmem>> -> memref<1x80x2xf32, #tpu.memory_space<vmem>>
        %dma_start3A_247 = tpu.memref_squeeze %dma_start3A_246 : memref<1x80x2xf32, #tpu.memory_space<vmem>> -> memref<80x2xf32, #tpu.memory_space<vmem>>
        %dma_start3A_248 = arith.constant 0 : i32
        %dma_start3A_249 = tpu.memref_slice %arg7[%add3A_242, %dma_start3A_248] : memref<320000x2xf32, #tpu.memory_space<hbm>> -> memref<80x2xf32, #tpu.memory_space<hbm>>
        %dma_start3A_250 = arith.constant 0 : i32
        %dma_start3A_251 = tpu.memref_slice %arg7[%add3A_242, %dma_start3A_250] : memref<320000x2xf32, #tpu.memory_space<hbm>> -> memref<80x2xf32, #tpu.memory_space<hbm>>
        %dma_start3A_252 = arith.constant 0 : i32
        %dma_start3A_253 = arith.constant 0 : i32
        %dma_start3A_254 = tpu.memref_slice %arg12[%dma_start3A_243, %dma_start3A_252, %dma_start3A_253] : memref<3x80x2xf32, #tpu.memory_space<vmem>> -> memref<1x80x2xf32, #tpu.memory_space<vmem>>
        %dma_start3A_255 = tpu.memref_squeeze %dma_start3A_254 : memref<1x80x2xf32, #tpu.memory_space<vmem>> -> memref<80x2xf32, #tpu.memory_space<vmem>>
        tpu.enqueue_dma source(%dma_start3A_255 : memref<80x2xf32, #tpu.memory_space<vmem>>) target(%dma_start3A_251 : memref<80x2xf32, #tpu.memory_space<hbm>>) target_semaphore(%arg16 : memref<!tpu.dma_semaphore, #tpu.memory_space<semaphore_mem>>)
      } else {
      }
      %mul3A_179 = arith.constant 3 : i32
      %mul3A_180 = arith.muli %mul3A_179, %scan3A_162 : i32
      %add3A_181 = arith.constant 2 : i32
      %add3A_182 = arith.addi %mul3A_180, %add3A_181 : i32
      %lt3A_183 = arith.constant 125 : i32
      %lt3A_184 = arith.cmpi slt, %add3A_182, %lt3A_183 : i32
      %convert_element_type3A_185 = arith.extui %lt3A_184 : i1 to i32
      %cond3A_186 = arith.constant 0 : i32
      %cond3A_187 = arith.cmpi ne, %convert_element_type3A_185, %cond3A_186 : i32
      scf.if %cond3A_187 {
        %dma_wait3A_188 = arith.constant 2 : i32
        %dma_wait3A_189 = arith.constant 0 : i32
        %dma_wait3A_190 = arith.constant 0 : i32
        %dma_wait3A_191 = tpu.memref_slice %arg10[%dma_wait3A_188, %dma_wait3A_189, %dma_wait3A_190] : memref<3x80x128xf32, #tpu.memory_space<vmem>> -> memref<1x80x128xf32, #tpu.memory_space<vmem>>
        %dma_wait3A_192 = tpu.memref_squeeze %dma_wait3A_191 : memref<1x80x128xf32, #tpu.memory_space<vmem>> -> memref<80x128xf32, #tpu.memory_space<vmem>>
        %dma_wait3A_193 = arith.constant 0 : i32
        %dma_wait3A_194 = arith.constant 0 : i32
        %dma_wait3A_195 = tpu.memref_slice %arg2[%dma_wait3A_193, %dma_wait3A_194] : memref<10000x128xf32, #tpu.memory_space<hbm>> -> memref<80x128xf32, #tpu.memory_space<hbm>>
        %dma_wait3A_196 = arith.constant 0 : i32
        %dma_wait3A_197 = arith.constant 0 : i32
        %dma_wait3A_198 = tpu.memref_slice %arg10[%dma_wait3A_188, %dma_wait3A_196, %dma_wait3A_197] : memref<3x80x128xf32, #tpu.memory_space<vmem>> -> memref<1x80x128xf32, #tpu.memory_space<vmem>>
        %dma_wait3A_199 = tpu.memref_squeeze %dma_wait3A_198 : memref<1x80x128xf32, #tpu.memory_space<vmem>> -> memref<80x128xf32, #tpu.memory_space<vmem>>
        %dma_wait3A_200 = arith.constant 0 : i32
        %dma_wait3A_201 = arith.constant 0 : i32
        %dma_wait3A_202 = tpu.memref_slice %arg2[%dma_wait3A_200, %dma_wait3A_201] : memref<10000x128xf32, #tpu.memory_space<hbm>> -> memref<80x128xf32, #tpu.memory_space<hbm>>
        tpu.wait_dma2 semaphore(%arg15 : memref<!tpu.dma_semaphore, #tpu.memory_space<semaphore_mem>>) src(%dma_wait3A_202 : memref<80x128xf32, #tpu.memory_space<hbm>>) dst(%dma_wait3A_199 : memref<80x128xf32, #tpu.memory_space<vmem>>)
        %dma_wait3A_203 = arith.constant 2 : i32
        %dma_wait3A_204 = arith.constant 0 : i32
        %dma_wait3A_205 = arith.constant 0 : i32
        %dma_wait3A_206 = tpu.memref_slice %arg11[%dma_wait3A_203, %dma_wait3A_204, %dma_wait3A_205] : memref<3x80x128xf32, #tpu.memory_space<vmem>> -> memref<1x80x128xf32, #tpu.memory_space<vmem>>
        %dma_wait3A_207 = tpu.memref_squeeze %dma_wait3A_206 : memref<1x80x128xf32, #tpu.memory_space<vmem>> -> memref<80x128xf32, #tpu.memory_space<vmem>>
        %dma_wait3A_208 = arith.constant 0 : i32
        %dma_wait3A_209 = arith.constant 0 : i32
        %dma_wait3A_210 = tpu.memref_slice %arg2[%dma_wait3A_208, %dma_wait3A_209] : memref<10000x128xf32, #tpu.memory_space<hbm>> -> memref<80x128xf32, #tpu.memory_space<hbm>>
        %dma_wait3A_211 = arith.constant 0 : i32
        %dma_wait3A_212 = arith.constant 0 : i32
        %dma_wait3A_213 = tpu.memref_slice %arg11[%dma_wait3A_203, %dma_wait3A_211, %dma_wait3A_212] : memref<3x80x128xf32, #tpu.memory_space<vmem>> -> memref<1x80x128xf32, #tpu.memory_space<vmem>>
        %dma_wait3A_214 = tpu.memref_squeeze %dma_wait3A_213 : memref<1x80x128xf32, #tpu.memory_space<vmem>> -> memref<80x128xf32, #tpu.memory_space<vmem>>
        %dma_wait3A_215 = arith.constant 0 : i32
        %dma_wait3A_216 = arith.constant 0 : i32
        %dma_wait3A_217 = tpu.memref_slice %arg2[%dma_wait3A_215, %dma_wait3A_216] : memref<10000x128xf32, #tpu.memory_space<hbm>> -> memref<80x128xf32, #tpu.memory_space<hbm>>
        tpu.wait_dma2 semaphore(%arg15 : memref<!tpu.dma_semaphore, #tpu.memory_space<semaphore_mem>>) src(%dma_wait3A_217 : memref<80x128xf32, #tpu.memory_space<hbm>>) dst(%dma_wait3A_214 : memref<80x128xf32, #tpu.memory_space<vmem>>)
        %ge3A = arith.constant 3 : i32
        %ge3A_218 = arith.cmpi sge, %add3A_182, %ge3A : i32
        %convert_element_type3A_219 = arith.extui %ge3A_218 : i1 to i32
        %cond3A_220 = arith.constant 0 : i32
        %cond3A_221 = arith.cmpi ne, %convert_element_type3A_219, %cond3A_220 : i32
        scf.if %cond3A_221 {
          %dma_wait3A_256 = arith.constant 2 : i32
          %dma_wait3A_257 = arith.constant 0 : i32
          %dma_wait3A_258 = arith.constant 0 : i32
          %dma_wait3A_259 = tpu.memref_slice %arg12[%dma_wait3A_256, %dma_wait3A_257, %dma_wait3A_258] : memref<3x80x2xf32, #tpu.memory_space<vmem>> -> memref<1x80x2xf32, #tpu.memory_space<vmem>>
          %dma_wait3A_260 = tpu.memref_squeeze %dma_wait3A_259 : memref<1x80x2xf32, #tpu.memory_space<vmem>> -> memref<80x2xf32, #tpu.memory_space<vmem>>
          %dma_wait3A_261 = arith.constant 0 : i32
          %dma_wait3A_262 = arith.constant 0 : i32
          %dma_wait3A_263 = tpu.memref_slice %arg7[%dma_wait3A_261, %dma_wait3A_262] : memref<320000x2xf32, #tpu.memory_space<hbm>> -> memref<80x2xf32, #tpu.memory_space<hbm>>
          %dma_wait3A_264 = arith.constant 0 : i32
          %dma_wait3A_265 = arith.constant 0 : i32
          %dma_wait3A_266 = tpu.memref_slice %arg7[%dma_wait3A_264, %dma_wait3A_265] : memref<320000x2xf32, #tpu.memory_space<hbm>> -> memref<80x2xf32, #tpu.memory_space<hbm>>
          %dma_wait3A_267 = arith.constant 0 : i32
          %dma_wait3A_268 = arith.constant 0 : i32
          %dma_wait3A_269 = tpu.memref_slice %arg12[%dma_wait3A_256, %dma_wait3A_267, %dma_wait3A_268] : memref<3x80x2xf32, #tpu.memory_space<vmem>> -> memref<1x80x2xf32, #tpu.memory_space<vmem>>
          %dma_wait3A_270 = tpu.memref_squeeze %dma_wait3A_269 : memref<1x80x2xf32, #tpu.memory_space<vmem>> -> memref<80x2xf32, #tpu.memory_space<vmem>>
          tpu.wait_dma2 semaphore(%arg16 : memref<!tpu.dma_semaphore, #tpu.memory_space<semaphore_mem>>) src(%dma_wait3A_270 : memref<80x2xf32, #tpu.memory_space<vmem>>) dst(%dma_wait3A_266 : memref<80x2xf32, #tpu.memory_space<hbm>>)
        } else {
        }
        %add3A_222 = arith.constant 2 : i32
        %add3A_223 = arith.addi %add3A_182, %add3A_222 : i32
        %lt3A_224 = arith.constant 125 : i32
        %lt3A_225 = arith.cmpi slt, %add3A_223, %lt3A_224 : i32
        %convert_element_type3A_226 = arith.extui %lt3A_225 : i1 to i32
        %cond3A_227 = arith.constant 0 : i32
        %cond3A_228 = arith.cmpi ne, %convert_element_type3A_226, %cond3A_227 : i32
        scf.if %cond3A_228 {
          %add3A_256 = arith.constant 2 : i32
          %add3A_257 = arith.addi %add3A_182, %add3A_256 : i32
          %dma_start3A_258 = arith.constant 1 : i32
          %dma_start3A_259 = arith.constant 0 : i32
          %dma_start3A_260 = arith.constant 0 : i32
          %dma_start3A_261 = tpu.memref_slice %arg10[%dma_start3A_258, %dma_start3A_259, %dma_start3A_260] : memref<3x80x128xf32, #tpu.memory_space<vmem>> -> memref<1x80x128xf32, #tpu.memory_space<vmem>>
          %dma_start3A_262 = tpu.memref_squeeze %dma_start3A_261 : memref<1x80x128xf32, #tpu.memory_space<vmem>> -> memref<80x128xf32, #tpu.memory_space<vmem>>
          %dma_start3A_263 = arith.constant 0 : i32
          %dma_start3A_264 = tpu.memref_slice %arg8[%add3A_257, %dma_start3A_263] : memref<125x80xi32, #tpu.memory_space<vmem>> -> memref<1x80xi32, #tpu.memory_space<vmem>>
          %dma_start3A_265 = tpu.memref_squeeze %dma_start3A_264 : memref<1x80xi32, #tpu.memory_space<vmem>> -> memref<80xi32, #tpu.memory_space<vmem>>
          %dma_start3A_266 = arith.constant 0 : i32
          %dma_start3A_267 = arith.constant 0 : i32
          %dma_start3A_268 = tpu.memref_slice %arg2[%dma_start3A_266, %dma_start3A_267] : memref<10000x128xf32, #tpu.memory_space<hbm>> -> memref<10000x128xf32, #tpu.memory_space<hbm>>
          tpu.enqueue_indirect_dma source(%dma_start3A_268 : memref<10000x128xf32, #tpu.memory_space<hbm>>) target(%dma_start3A_262 : memref<80x128xf32, #tpu.memory_space<vmem>>) offsets(%dma_start3A_265 : memref<80xi32, #tpu.memory_space<vmem>>) semaphore(%arg15 : memref<!tpu.dma_semaphore, #tpu.memory_space<semaphore_mem>>)
          %add3A_269 = arith.constant 2 : i32
          %add3A_270 = arith.addi %add3A_182, %add3A_269 : i32
          %dma_start3A_271 = arith.constant 1 : i32
          %dma_start3A_272 = arith.constant 0 : i32
          %dma_start3A_273 = arith.constant 0 : i32
          %dma_start3A_274 = tpu.memref_slice %arg11[%dma_start3A_271, %dma_start3A_272, %dma_start3A_273] : memref<3x80x128xf32, #tpu.memory_space<vmem>> -> memref<1x80x128xf32, #tpu.memory_space<vmem>>
          %dma_start3A_275 = tpu.memref_squeeze %dma_start3A_274 : memref<1x80x128xf32, #tpu.memory_space<vmem>> -> memref<80x128xf32, #tpu.memory_space<vmem>>
          %dma_start3A_276 = arith.constant 0 : i32
          %dma_start3A_277 = tpu.memref_slice %arg9[%add3A_270, %dma_start3A_276] : memref<125x80xi32, #tpu.memory_space<vmem>> -> memref<1x80xi32, #tpu.memory_space<vmem>>
          %dma_start3A_278 = tpu.memref_squeeze %dma_start3A_277 : memref<1x80xi32, #tpu.memory_space<vmem>> -> memref<80xi32, #tpu.memory_space<vmem>>
          %dma_start3A_279 = arith.constant 0 : i32
          %dma_start3A_280 = arith.constant 0 : i32
          %dma_start3A_281 = tpu.memref_slice %arg2[%dma_start3A_279, %dma_start3A_280] : memref<10000x128xf32, #tpu.memory_space<hbm>> -> memref<10000x128xf32, #tpu.memory_space<hbm>>
          tpu.enqueue_indirect_dma source(%dma_start3A_281 : memref<10000x128xf32, #tpu.memory_space<hbm>>) target(%dma_start3A_275 : memref<80x128xf32, #tpu.memory_space<vmem>>) offsets(%dma_start3A_278 : memref<80xi32, #tpu.memory_space<vmem>>) semaphore(%arg15 : memref<!tpu.dma_semaphore, #tpu.memory_space<semaphore_mem>>)
        } else {
        }
        %scan3A_229 = arith.constant 0 : i32
        %scan3A_230 = arith.constant 2 : i32
        %scan3A_231 = arith.constant 2 : i32
        %scan3A_232 = arith.constant 2 : i32
        %scan3A_233 = arith.constant 0 : i32
        %scan3A_234 = arith.constant 40 : i32
        %scan3A_235 = arith.addi %scan3A_233, %scan3A_234 : i32
        %scan3A_236 = arith.constant 1 : i32
        scf.for %scan3A_256 = %scan3A_233 to %scan3A_235 step %scan3A_236  : i32 {
          %mul3A_257 = arith.constant 2 : i32
          %mul3A_258 = arith.muli %mul3A_257, %scan3A_256 : i32
          %add3A_259 = arith.constant 0 : i32
          %add3A_260 = arith.addi %mul3A_258, %add3A_259 : i32
          %get3A_261 = arith.constant 0 : i32
          %get3A_262 = arith.constant 0 : i32
          %get3A_263 = tpu.memref_slice %arg10[%scan3A_230, %get3A_261, %get3A_262] : memref<3x80x128xf32, #tpu.memory_space<vmem>> -> memref<1x80x128xf32, #tpu.memory_space<vmem>>
          %get3A_264 = tpu.memref_squeeze %get3A_263 : memref<1x80x128xf32, #tpu.memory_space<vmem>> -> memref<80x128xf32, #tpu.memory_space<vmem>>
          %get3A_265 = arith.index_cast %add3A_260 : i32 to index
          %get3A_266 = arith.constant 0 : index
          %get3A_267 = tpu.vector_load %get3A_264[%get3A_265, %get3A_266] {strides = array<i32>} : memref<80x128xf32, #tpu.memory_space<vmem>>, vector<16xf32>,
          %get3A_268 = arith.constant 0 : i32
          %get3A_269 = arith.constant 0 : i32
          %get3A_270 = tpu.memref_slice %arg11[%scan3A_231, %get3A_268, %get3A_269] : memref<3x80x128xf32, #tpu.memory_space<vmem>> -> memref<1x80x128xf32, #tpu.memory_space<vmem>>
          %get3A_271 = tpu.memref_squeeze %get3A_270 : memref<1x80x128xf32, #tpu.memory_space<vmem>> -> memref<80x128xf32, #tpu.memory_space<vmem>>
          %get3A_272 = arith.index_cast %add3A_260 : i32 to index
          %get3A_273 = arith.constant 64 : index
          %get3A_274 = tpu.vector_load %get3A_271[%get3A_272, %get3A_273] {strides = array<i32>} : memref<80x128xf32, #tpu.memory_space<vmem>>, vector<16xf32>,
          %add3A_275 = arith.addf %get3A_267, %get3A_274 : vector<16xf32>
          %max3A = arith.constant 0.000000e+00 : f32
          %max3A_276 = vector.broadcast %max3A : f32 to vector<16xf32>
          %max3A_277 = arith.maximumf %add3A_275, %max3A_276 : vector<16xf32>
          %get3A_278 = arith.constant 0 : i32
          %get3A_279 = arith.constant 0 : i32
          %get3A_280 = tpu.memref_slice %arg10[%scan3A_230, %get3A_278, %get3A_279] : memref<3x80x128xf32, #tpu.memory_space<vmem>> -> memref<1x80x128xf32, #tpu.memory_space<vmem>>
          %get3A_281 = tpu.memref_squeeze %get3A_280 : memref<1x80x128xf32, #tpu.memory_space<vmem>> -> memref<80x128xf32, #tpu.memory_space<vmem>>
          %get3A_282 = arith.index_cast %add3A_260 : i32 to index
          %get3A_283 = arith.constant 16 : index
          %get3A_284 = tpu.vector_load %get3A_281[%get3A_282, %get3A_283] {strides = array<i32>} : memref<80x128xf32, #tpu.memory_space<vmem>>, vector<16xf32>,
          %get3A_285 = arith.constant 0 : i32
          %get3A_286 = arith.constant 0 : i32
          %get3A_287 = tpu.memref_slice %arg11[%scan3A_231, %get3A_285, %get3A_286] : memref<3x80x128xf32, #tpu.memory_space<vmem>> -> memref<1x80x128xf32, #tpu.memory_space<vmem>>
          %get3A_288 = tpu.memref_squeeze %get3A_287 : memref<1x80x128xf32, #tpu.memory_space<vmem>> -> memref<80x128xf32, #tpu.memory_space<vmem>>
          %get3A_289 = arith.index_cast %add3A_260 : i32 to index
          %get3A_290 = arith.constant 80 : index
          %get3A_291 = tpu.vector_load %get3A_288[%get3A_289, %get3A_290] {strides = array<i32>} : memref<80x128xf32, #tpu.memory_space<vmem>>, vector<16xf32>,
          %add3A_292 = arith.addf %get3A_284, %get3A_291 : vector<16xf32>
          %max3A_293 = arith.constant 0.000000e+00 : f32
          %max3A_294 = vector.broadcast %max3A_293 : f32 to vector<16xf32>
          %max3A_295 = arith.maximumf %add3A_292, %max3A_294 : vector<16xf32>
          %get3A_296 = arith.constant 0 : i32
          %get3A_297 = arith.constant 0 : i32
          %get3A_298 = tpu.memref_slice %arg10[%scan3A_230, %get3A_296, %get3A_297] : memref<3x80x128xf32, #tpu.memory_space<vmem>> -> memref<1x80x128xf32, #tpu.memory_space<vmem>>
          %get3A_299 = tpu.memref_squeeze %get3A_298 : memref<1x80x128xf32, #tpu.memory_space<vmem>> -> memref<80x128xf32, #tpu.memory_space<vmem>>
          %get3A_300 = arith.index_cast %add3A_260 : i32 to index
          %get3A_301 = arith.constant 32 : index
          %get3A_302 = tpu.vector_load %get3A_299[%get3A_300, %get3A_301] {strides = array<i32>} : memref<80x128xf32, #tpu.memory_space<vmem>>, vector<16xf32>,
          %get3A_303 = arith.constant 0 : i32
          %get3A_304 = arith.constant 0 : i32
          %get3A_305 = tpu.memref_slice %arg11[%scan3A_231, %get3A_303, %get3A_304] : memref<3x80x128xf32, #tpu.memory_space<vmem>> -> memref<1x80x128xf32, #tpu.memory_space<vmem>>
          %get3A_306 = tpu.memref_squeeze %get3A_305 : memref<1x80x128xf32, #tpu.memory_space<vmem>> -> memref<80x128xf32, #tpu.memory_space<vmem>>
          %get3A_307 = arith.index_cast %add3A_260 : i32 to index
          %get3A_308 = arith.constant 96 : index
          %get3A_309 = tpu.vector_load %get3A_306[%get3A_307, %get3A_308] {strides = array<i32>} : memref<80x128xf32, #tpu.memory_space<vmem>>, vector<16xf32>,
          %add3A_310 = arith.addf %get3A_302, %get3A_309 : vector<16xf32>
          %max3A_311 = arith.constant 0.000000e+00 : f32
          %max3A_312 = vector.broadcast %max3A_311 : f32 to vector<16xf32>
          %max3A_313 = arith.maximumf %add3A_310, %max3A_312 : vector<16xf32>
          %get3A_314 = arith.constant 0 : i32
          %get3A_315 = arith.constant 0 : i32
          %get3A_316 = tpu.memref_slice %arg10[%scan3A_230, %get3A_314, %get3A_315] : memref<3x80x128xf32, #tpu.memory_space<vmem>> -> memref<1x80x128xf32, #tpu.memory_space<vmem>>
          %get3A_317 = tpu.memref_squeeze %get3A_316 : memref<1x80x128xf32, #tpu.memory_space<vmem>> -> memref<80x128xf32, #tpu.memory_space<vmem>>
          %get3A_318 = arith.index_cast %add3A_260 : i32 to index
          %get3A_319 = arith.constant 48 : index
          %get3A_320 = tpu.vector_load %get3A_317[%get3A_318, %get3A_319] {strides = array<i32>} : memref<80x128xf32, #tpu.memory_space<vmem>>, vector<16xf32>,
          %get3A_321 = arith.constant 0 : i32
          %get3A_322 = arith.constant 0 : i32
          %get3A_323 = tpu.memref_slice %arg11[%scan3A_231, %get3A_321, %get3A_322] : memref<3x80x128xf32, #tpu.memory_space<vmem>> -> memref<1x80x128xf32, #tpu.memory_space<vmem>>
          %get3A_324 = tpu.memref_squeeze %get3A_323 : memref<1x80x128xf32, #tpu.memory_space<vmem>> -> memref<80x128xf32, #tpu.memory_space<vmem>>
          %get3A_325 = arith.index_cast %add3A_260 : i32 to index
          %get3A_326 = arith.constant 112 : index
          %get3A_327 = tpu.vector_load %get3A_324[%get3A_325, %get3A_326] {strides = array<i32>} : memref<80x128xf32, #tpu.memory_space<vmem>>, vector<16xf32>,
          %add3A_328 = arith.addf %get3A_320, %get3A_327 : vector<16xf32>
          %max3A_329 = arith.constant 0.000000e+00 : f32
          %max3A_330 = vector.broadcast %max3A_329 : f32 to vector<16xf32>
          %max3A_331 = arith.maximumf %add3A_328, %max3A_330 : vector<16xf32>
          %mul3A_332 = arith.mulf %max3A_277, %get3A_3 : vector<16xf32>
          %mul3A_333 = arith.mulf %max3A_277, %get3A_19 : vector<16xf32>
          %mul3A_334 = arith.mulf %max3A_295, %get3A_7 : vector<16xf32>
          %add3A_335 = arith.addf %mul3A_332, %mul3A_334 : vector<16xf32>
          %mul3A_336 = arith.mulf %max3A_295, %get3A_23 : vector<16xf32>
          %add3A_337 = arith.addf %mul3A_333, %mul3A_336 : vector<16xf32>
          %mul3A_338 = arith.mulf %max3A_313, %get3A_11 : vector<16xf32>
          %add3A_339 = arith.addf %add3A_335, %mul3A_338 : vector<16xf32>
          %mul3A_340 = arith.mulf %max3A_313, %get3A_27 : vector<16xf32>
          %add3A_341 = arith.addf %add3A_337, %mul3A_340 : vector<16xf32>
          %mul3A_342 = arith.mulf %max3A_331, %get3A_15 : vector<16xf32>
          %add3A_343 = arith.addf %add3A_339, %mul3A_342 : vector<16xf32>
          %mul3A_344 = arith.mulf %max3A_331, %get3A_31 : vector<16xf32>
          %add3A_345 = arith.addf %add3A_341, %mul3A_344 : vector<16xf32>
          %broadcast_in_dim3A_346 = vector.shape_cast %xor3A_35 : vector<16xi32> to vector<16x1xi32>
          %gather3A_347 = vector.shape_cast %broadcast_in_dim3A_346 : vector<16x1xi32> to vector<16xi32>
          %gather3A_348 = tpu.dynamic_gather %add3A_343[%gather3A_347] in [0] : vector<16xf32>, vector<16xi32> -> vector<16xf32>
          %add3A_349 = arith.addf %add3A_343, %gather3A_348 : vector<16xf32>
          %broadcast_in_dim3A_350 = vector.shape_cast %xor3A_35 : vector<16xi32> to vector<16x1xi32>
          %gather3A_351 = vector.shape_cast %broadcast_in_dim3A_350 : vector<16x1xi32> to vector<16xi32>
          %gather3A_352 = tpu.dynamic_gather %add3A_345[%gather3A_351] in [0] : vector<16xf32>, vector<16xi32> -> vector<16xf32>
          %add3A_353 = arith.addf %add3A_345, %gather3A_352 : vector<16xf32>
          %broadcast_in_dim3A_354 = vector.shape_cast %xor3A_35 : vector<16xi32> to vector<16x1xi32>
          %gather3A_355 = vector.shape_cast %broadcast_in_dim3A_354 : vector<16x1xi32> to vector<16xi32>
          %gather3A_356 = tpu.dynamic_gather %add3A_353[%gather3A_355] in [0] : vector<16xf32>, vector<16xi32> -> vector<16xf32>
          %select_n3A = arith.select %lt3A_33, %add3A_349, %gather3A_356 : vector<16xi1>, vector<16xf32>
          %broadcast_in_dim3A_357 = vector.shape_cast %xor3A_38 : vector<16xi32> to vector<16x1xi32>
          %gather3A_358 = vector.shape_cast %broadcast_in_dim3A_357 : vector<16x1xi32> to vector<16xi32>
          %gather3A_359 = tpu.dynamic_gather %select_n3A[%gather3A_358] in [0] : vector<16xf32>, vector<16xi32> -> vector<16xf32>
          %add3A_360 = arith.addf %select_n3A, %gather3A_359 : vector<16xf32>
          %mul3A_361 = arith.constant 2 : i32
          %mul3A_362 = arith.muli %mul3A_361, %scan3A_256 : i32
          %add3A_363 = arith.constant 1 : i32
          %add3A_364 = arith.addi %mul3A_362, %add3A_363 : i32
          %get3A_365 = arith.constant 0 : i32
          %get3A_366 = arith.constant 0 : i32
          %get3A_367 = tpu.memref_slice %arg10[%scan3A_230, %get3A_365, %get3A_366] : memref<3x80x128xf32, #tpu.memory_space<vmem>> -> memref<1x80x128xf32, #tpu.memory_space<vmem>>
          %get3A_368 = tpu.memref_squeeze %get3A_367 : memref<1x80x128xf32, #tpu.memory_space<vmem>> -> memref<80x128xf32, #tpu.memory_space<vmem>>
          %get3A_369 = arith.index_cast %add3A_364 : i32 to index
          %get3A_370 = arith.constant 0 : index
          %get3A_371 = tpu.vector_load %get3A_368[%get3A_369, %get3A_370] {strides = array<i32>} : memref<80x128xf32, #tpu.memory_space<vmem>>, vector<16xf32>,
          %get3A_372 = arith.constant 0 : i32
          %get3A_373 = arith.constant 0 : i32
          %get3A_374 = tpu.memref_slice %arg11[%scan3A_231, %get3A_372, %get3A_373] : memref<3x80x128xf32, #tpu.memory_space<vmem>> -> memref<1x80x128xf32, #tpu.memory_space<vmem>>
          %get3A_375 = tpu.memref_squeeze %get3A_374 : memref<1x80x128xf32, #tpu.memory_space<vmem>> -> memref<80x128xf32, #tpu.memory_space<vmem>>
          %get3A_376 = arith.index_cast %add3A_364 : i32 to index
          %get3A_377 = arith.constant 64 : index
          %get3A_378 = tpu.vector_load %get3A_375[%get3A_376, %get3A_377] {strides = array<i32>} : memref<80x128xf32, #tpu.memory_space<vmem>>, vector<16xf32>,
          %add3A_379 = arith.addf %get3A_371, %get3A_378 : vector<16xf32>
          %max3A_380 = arith.constant 0.000000e+00 : f32
          %max3A_381 = vector.broadcast %max3A_380 : f32 to vector<16xf32>
          %max3A_382 = arith.maximumf %add3A_379, %max3A_381 : vector<16xf32>
          %get3A_383 = arith.constant 0 : i32
          %get3A_384 = arith.constant 0 : i32
          %get3A_385 = tpu.memref_slice %arg10[%scan3A_230, %get3A_383, %get3A_384] : memref<3x80x128xf32, #tpu.memory_space<vmem>> -> memref<1x80x128xf32, #tpu.memory_space<vmem>>
          %get3A_386 = tpu.memref_squeeze %get3A_385 : memref<1x80x128xf32, #tpu.memory_space<vmem>> -> memref<80x128xf32, #tpu.memory_space<vmem>>
          %get3A_387 = arith.index_cast %add3A_364 : i32 to index
          %get3A_388 = arith.constant 16 : index
          %get3A_389 = tpu.vector_load %get3A_386[%get3A_387, %get3A_388] {strides = array<i32>} : memref<80x128xf32, #tpu.memory_space<vmem>>, vector<16xf32>,
          %get3A_390 = arith.constant 0 : i32
          %get3A_391 = arith.constant 0 : i32
          %get3A_392 = tpu.memref_slice %arg11[%scan3A_231, %get3A_390, %get3A_391] : memref<3x80x128xf32, #tpu.memory_space<vmem>> -> memref<1x80x128xf32, #tpu.memory_space<vmem>>
          %get3A_393 = tpu.memref_squeeze %get3A_392 : memref<1x80x128xf32, #tpu.memory_space<vmem>> -> memref<80x128xf32, #tpu.memory_space<vmem>>
          %get3A_394 = arith.index_cast %add3A_364 : i32 to index
          %get3A_395 = arith.constant 80 : index
          %get3A_396 = tpu.vector_load %get3A_393[%get3A_394, %get3A_395] {strides = array<i32>} : memref<80x128xf32, #tpu.memory_space<vmem>>, vector<16xf32>,
          %add3A_397 = arith.addf %get3A_389, %get3A_396 : vector<16xf32>
          %max3A_398 = arith.constant 0.000000e+00 : f32
          %max3A_399 = vector.broadcast %max3A_398 : f32 to vector<16xf32>
          %max3A_400 = arith.maximumf %add3A_397, %max3A_399 : vector<16xf32>
          %get3A_401 = arith.constant 0 : i32
          %get3A_402 = arith.constant 0 : i32
          %get3A_403 = tpu.memref_slice %arg10[%scan3A_230, %get3A_401, %get3A_402] : memref<3x80x128xf32, #tpu.memory_space<vmem>> -> memref<1x80x128xf32, #tpu.memory_space<vmem>>
          %get3A_404 = tpu.memref_squeeze %get3A_403 : memref<1x80x128xf32, #tpu.memory_space<vmem>> -> memref<80x128xf32, #tpu.memory_space<vmem>>
          %get3A_405 = arith.index_cast %add3A_364 : i32 to index
          %get3A_406 = arith.constant 32 : index
          %get3A_407 = tpu.vector_load %get3A_404[%get3A_405, %get3A_406] {strides = array<i32>} : memref<80x128xf32, #tpu.memory_space<vmem>>, vector<16xf32>,
          %get3A_408 = arith.constant 0 : i32
          %get3A_409 = arith.constant 0 : i32
          %get3A_410 = tpu.memref_slice %arg11[%scan3A_231, %get3A_408, %get3A_409] : memref<3x80x128xf32, #tpu.memory_space<vmem>> -> memref<1x80x128xf32, #tpu.memory_space<vmem>>
          %get3A_411 = tpu.memref_squeeze %get3A_410 : memref<1x80x128xf32, #tpu.memory_space<vmem>> -> memref<80x128xf32, #tpu.memory_space<vmem>>
          %get3A_412 = arith.index_cast %add3A_364 : i32 to index
          %get3A_413 = arith.constant 96 : index
          %get3A_414 = tpu.vector_load %get3A_411[%get3A_412, %get3A_413] {strides = array<i32>} : memref<80x128xf32, #tpu.memory_space<vmem>>, vector<16xf32>,
          %add3A_415 = arith.addf %get3A_407, %get3A_414 : vector<16xf32>
          %max3A_416 = arith.constant 0.000000e+00 : f32
          %max3A_417 = vector.broadcast %max3A_416 : f32 to vector<16xf32>
          %max3A_418 = arith.maximumf %add3A_415, %max3A_417 : vector<16xf32>
          %get3A_419 = arith.constant 0 : i32
          %get3A_420 = arith.constant 0 : i32
          %get3A_421 = tpu.memref_slice %arg10[%scan3A_230, %get3A_419, %get3A_420] : memref<3x80x128xf32, #tpu.memory_space<vmem>> -> memref<1x80x128xf32, #tpu.memory_space<vmem>>
          %get3A_422 = tpu.memref_squeeze %get3A_421 : memref<1x80x128xf32, #tpu.memory_space<vmem>> -> memref<80x128xf32, #tpu.memory_space<vmem>>
          %get3A_423 = arith.index_cast %add3A_364 : i32 to index
          %get3A_424 = arith.constant 48 : index
          %get3A_425 = tpu.vector_load %get3A_422[%get3A_423, %get3A_424] {strides = array<i32>} : memref<80x128xf32, #tpu.memory_space<vmem>>, vector<16xf32>,
          %get3A_426 = arith.constant 0 : i32
          %get3A_427 = arith.constant 0 : i32
          %get3A_428 = tpu.memref_slice %arg11[%scan3A_231, %get3A_426, %get3A_427] : memref<3x80x128xf32, #tpu.memory_space<vmem>> -> memref<1x80x128xf32, #tpu.memory_space<vmem>>
          %get3A_429 = tpu.memref_squeeze %get3A_428 : memref<1x80x128xf32, #tpu.memory_space<vmem>> -> memref<80x128xf32, #tpu.memory_space<vmem>>
          %get3A_430 = arith.index_cast %add3A_364 : i32 to index
          %get3A_431 = arith.constant 112 : index
          %get3A_432 = tpu.vector_load %get3A_429[%get3A_430, %get3A_431] {strides = array<i32>} : memref<80x128xf32, #tpu.memory_space<vmem>>, vector<16xf32>,
          %add3A_433 = arith.addf %get3A_425, %get3A_432 : vector<16xf32>
          %max3A_434 = arith.constant 0.000000e+00 : f32
          %max3A_435 = vector.broadcast %max3A_434 : f32 to vector<16xf32>
          %max3A_436 = arith.maximumf %add3A_433, %max3A_435 : vector<16xf32>
          %mul3A_437 = arith.mulf %max3A_382, %get3A_3 : vector<16xf32>
          %mul3A_438 = arith.mulf %max3A_382, %get3A_19 : vector<16xf32>
          %mul3A_439 = arith.mulf %max3A_400, %get3A_7 : vector<16xf32>
          %add3A_440 = arith.addf %mul3A_437, %mul3A_439 : vector<16xf32>
          %mul3A_441 = arith.mulf %max3A_400, %get3A_23 : vector<16xf32>
          %add3A_442 = arith.addf %mul3A_438, %mul3A_441 : vector<16xf32>
          %mul3A_443 = arith.mulf %max3A_418, %get3A_11 : vector<16xf32>
          %add3A_444 = arith.addf %add3A_440, %mul3A_443 : vector<16xf32>
          %mul3A_445 = arith.mulf %max3A_418, %get3A_27 : vector<16xf32>
          %add3A_446 = arith.addf %add3A_442, %mul3A_445 : vector<16xf32>
          %mul3A_447 = arith.mulf %max3A_436, %get3A_15 : vector<16xf32>
          %add3A_448 = arith.addf %add3A_444, %mul3A_447 : vector<16xf32>
          %mul3A_449 = arith.mulf %max3A_436, %get3A_31 : vector<16xf32>
          %add3A_450 = arith.addf %add3A_446, %mul3A_449 : vector<16xf32>
          %broadcast_in_dim3A_451 = vector.shape_cast %xor3A_35 : vector<16xi32> to vector<16x1xi32>
          %gather3A_452 = vector.shape_cast %broadcast_in_dim3A_451 : vector<16x1xi32> to vector<16xi32>
          %gather3A_453 = tpu.dynamic_gather %add3A_448[%gather3A_452] in [0] : vector<16xf32>, vector<16xi32> -> vector<16xf32>
          %add3A_454 = arith.addf %add3A_448, %gather3A_453 : vector<16xf32>
          %broadcast_in_dim3A_455 = vector.shape_cast %xor3A_35 : vector<16xi32> to vector<16x1xi32>
          %gather3A_456 = vector.shape_cast %broadcast_in_dim3A_455 : vector<16x1xi32> to vector<16xi32>
          %gather3A_457 = tpu.dynamic_gather %add3A_450[%gather3A_456] in [0] : vector<16xf32>, vector<16xi32> -> vector<16xf32>
          %add3A_458 = arith.addf %add3A_450, %gather3A_457 : vector<16xf32>
          %broadcast_in_dim3A_459 = vector.shape_cast %xor3A_35 : vector<16xi32> to vector<16x1xi32>
          %gather3A_460 = vector.shape_cast %broadcast_in_dim3A_459 : vector<16x1xi32> to vector<16xi32>
          %gather3A_461 = tpu.dynamic_gather %add3A_458[%gather3A_460] in [0] : vector<16xf32>, vector<16xi32> -> vector<16xf32>
          %select_n3A_462 = arith.select %lt3A_33, %add3A_454, %gather3A_461 : vector<16xi1>, vector<16xf32>
          %broadcast_in_dim3A_463 = vector.shape_cast %xor3A_38 : vector<16xi32> to vector<16x1xi32>
          %gather3A_464 = vector.shape_cast %broadcast_in_dim3A_463 : vector<16x1xi32> to vector<16xi32>
          %gather3A_465 = tpu.dynamic_gather %select_n3A_462[%gather3A_464] in [0] : vector<16xf32>, vector<16xi32> -> vector<16xf32>
          %add3A_466 = arith.addf %select_n3A_462, %gather3A_465 : vector<16xf32>
          %broadcast_in_dim3A_467 = vector.shape_cast %xor3A_38 : vector<16xi32> to vector<16x1xi32>
          %gather3A_468 = vector.shape_cast %broadcast_in_dim3A_467 : vector<16x1xi32> to vector<16xi32>
          %gather3A_469 = tpu.dynamic_gather %add3A_466[%gather3A_468] in [0] : vector<16xf32>, vector<16xi32> -> vector<16xf32>
          %select_n3A_470 = arith.select %eq3A_48, %add3A_360, %gather3A_469 : vector<16xi1>, vector<16xf32>
          %broadcast_in_dim3A_471 = vector.shape_cast %xor3A_41 : vector<16xi32> to vector<16x1xi32>
          %gather3A_472 = vector.shape_cast %broadcast_in_dim3A_471 : vector<16x1xi32> to vector<16xi32>
          %gather3A_473 = tpu.dynamic_gather %select_n3A_470[%gather3A_472] in [0] : vector<16xf32>, vector<16xi32> -> vector<16xf32>
          %add3A_474 = arith.addf %select_n3A_470, %gather3A_473 : vector<16xf32>
          %broadcast_in_dim3A_475 = vector.shape_cast %xor3A_44 : vector<16xi32> to vector<16x1xi32>
          %gather3A_476 = vector.shape_cast %broadcast_in_dim3A_475 : vector<16x1xi32> to vector<16xi32>
          %gather3A_477 = tpu.dynamic_gather %add3A_474[%gather3A_476] in [0] : vector<16xf32>, vector<16xi32> -> vector<16xf32>
          %add3A_478 = arith.addf %add3A_474, %gather3A_477 : vector<16xf32>
          %add3A_479 = arith.addf %add3A_478, %gather3A_65 : vector<16xf32>
          %mul3A_480 = arith.constant 2 : i32
          %mul3A_481 = arith.muli %mul3A_480, %scan3A_256 : i32
          %add3A_482 = vector.broadcast %mul3A_481 : i32 to vector<16xi32>
          %add3A_483 = arith.addi %add3A_482, %and3A_59 : vector<16xi32>
          %scatter3A = arith.constant 0 : i32
          %scatter3A_484 = arith.constant 0 : i32
          %scatter3A_485 = tpu.memref_slice %arg12[%scan3A_232, %scatter3A, %scatter3A_484] : memref<3x80x2xf32, #tpu.memory_space<vmem>> -> memref<1x80x2xf32, #tpu.memory_space<vmem>>
          %scatter3A_486 = tpu.memref_squeeze %scatter3A_485 : memref<1x80x2xf32, #tpu.memory_space<vmem>> -> memref<80x2xf32, #tpu.memory_space<vmem>>
          tpu.vector_store_idx %scatter3A_486[%add3A_483, %shift_right_arithmetic3A_62], %add3A_479 masked %eq3A_54 : memref<80x2xf32, #tpu.memory_space<vmem>>[vector<16xi32>, vector<16xi32>], vector<16xf32>, vector<16xi1>
        }
        %scan3A_237 = arith.constant 40 : i32
        %mul3A_238 = arith.constant 10000 : i32
        %mul3A_239 = arith.muli %add3A, %mul3A_238 : i32
        %mul3A_240 = arith.constant 80 : i32
        %mul3A_241 = arith.muli %add3A_182, %mul3A_240 : i32
        %add3A_242 = arith.addi %mul3A_239, %mul3A_241 : i32
        %dma_start3A_243 = arith.constant 2 : i32
        %dma_start3A_244 = arith.constant 0 : i32
        %dma_start3A_245 = arith.constant 0 : i32
        %dma_start3A_246 = tpu.memref_slice %arg12[%dma_start3A_243, %dma_start3A_244, %dma_start3A_245] : memref<3x80x2xf32, #tpu.memory_space<vmem>> -> memref<1x80x2xf32, #tpu.memory_space<vmem>>
        %dma_start3A_247 = tpu.memref_squeeze %dma_start3A_246 : memref<1x80x2xf32, #tpu.memory_space<vmem>> -> memref<80x2xf32, #tpu.memory_space<vmem>>
        %dma_start3A_248 = arith.constant 0 : i32
        %dma_start3A_249 = tpu.memref_slice %arg7[%add3A_242, %dma_start3A_248] : memref<320000x2xf32, #tpu.memory_space<hbm>> -> memref<80x2xf32, #tpu.memory_space<hbm>>
        %dma_start3A_250 = arith.constant 0 : i32
        %dma_start3A_251 = tpu.memref_slice %arg7[%add3A_242, %dma_start3A_250] : memref<320000x2xf32, #tpu.memory_space<hbm>> -> memref<80x2xf32, #tpu.memory_space<hbm>>
        %dma_start3A_252 = arith.constant 0 : i32
        %dma_start3A_253 = arith.constant 0 : i32
        %dma_start3A_254 = tpu.memref_slice %arg12[%dma_start3A_243, %dma_start3A_252, %dma_start3A_253] : memref<3x80x2xf32, #tpu.memory_space<vmem>> -> memref<1x80x2xf32, #tpu.memory_space<vmem>>
        %dma_start3A_255 = tpu.memref_squeeze %dma_start3A_254 : memref<1x80x2xf32, #tpu.memory_space<vmem>> -> memref<80x2xf32, #tpu.memory_space<vmem>>
        tpu.enqueue_dma source(%dma_start3A_255 : memref<80x2xf32, #tpu.memory_space<vmem>>) target(%dma_start3A_251 : memref<80x2xf32, #tpu.memory_space<hbm>>) target_semaphore(%arg16 : memref<!tpu.dma_semaphore, #tpu.memory_space<semaphore_mem>>)
      } else {
      }
    }
    %scan3A_117 = arith.constant 42 : i32
    %dma_wait3A = arith.constant 0 : i32
    %dma_wait3A_118 = arith.constant 0 : i32
    %dma_wait3A_119 = arith.constant 0 : i32
    %dma_wait3A_120 = tpu.memref_slice %arg12[%dma_wait3A, %dma_wait3A_118, %dma_wait3A_119] : memref<3x80x2xf32, #tpu.memory_space<vmem>> -> memref<1x80x2xf32, #tpu.memory_space<vmem>>
    %dma_wait3A_121 = tpu.memref_squeeze %dma_wait3A_120 : memref<1x80x2xf32, #tpu.memory_space<vmem>> -> memref<80x2xf32, #tpu.memory_space<vmem>>
    %dma_wait3A_122 = arith.constant 0 : i32
    %dma_wait3A_123 = arith.constant 0 : i32
    %dma_wait3A_124 = tpu.memref_slice %arg7[%dma_wait3A_122, %dma_wait3A_123] : memref<320000x2xf32, #tpu.memory_space<hbm>> -> memref<80x2xf32, #tpu.memory_space<hbm>>
    %dma_wait3A_125 = arith.constant 0 : i32
    %dma_wait3A_126 = arith.constant 0 : i32
    %dma_wait3A_127 = tpu.memref_slice %arg7[%dma_wait3A_125, %dma_wait3A_126] : memref<320000x2xf32, #tpu.memory_space<hbm>> -> memref<80x2xf32, #tpu.memory_space<hbm>>
    %dma_wait3A_128 = arith.constant 0 : i32
    %dma_wait3A_129 = arith.constant 0 : i32
    %dma_wait3A_130 = tpu.memref_slice %arg12[%dma_wait3A, %dma_wait3A_128, %dma_wait3A_129] : memref<3x80x2xf32, #tpu.memory_space<vmem>> -> memref<1x80x2xf32, #tpu.memory_space<vmem>>
    %dma_wait3A_131 = tpu.memref_squeeze %dma_wait3A_130 : memref<1x80x2xf32, #tpu.memory_space<vmem>> -> memref<80x2xf32, #tpu.memory_space<vmem>>
    tpu.wait_dma2 semaphore(%arg16 : memref<!tpu.dma_semaphore, #tpu.memory_space<semaphore_mem>>) src(%dma_wait3A_131 : memref<80x2xf32, #tpu.memory_space<vmem>>) dst(%dma_wait3A_127 : memref<80x2xf32, #tpu.memory_space<hbm>>)
    %dma_wait3A_132 = arith.constant 1 : i32
    %dma_wait3A_133 = arith.constant 0 : i32
    %dma_wait3A_134 = arith.constant 0 : i32
    %dma_wait3A_135 = tpu.memref_slice %arg12[%dma_wait3A_132, %dma_wait3A_133, %dma_wait3A_134] : memref<3x80x2xf32, #tpu.memory_space<vmem>> -> memref<1x80x2xf32, #tpu.memory_space<vmem>>
    %dma_wait3A_136 = tpu.memref_squeeze %dma_wait3A_135 : memref<1x80x2xf32, #tpu.memory_space<vmem>> -> memref<80x2xf32, #tpu.memory_space<vmem>>
    %dma_wait3A_137 = arith.constant 0 : i32
    %dma_wait3A_138 = arith.constant 0 : i32
    %dma_wait3A_139 = tpu.memref_slice %arg7[%dma_wait3A_137, %dma_wait3A_138] : memref<320000x2xf32, #tpu.memory_space<hbm>> -> memref<80x2xf32, #tpu.memory_space<hbm>>
    %dma_wait3A_140 = arith.constant 0 : i32
    %dma_wait3A_141 = arith.constant 0 : i32
    %dma_wait3A_142 = tpu.memref_slice %arg7[%dma_wait3A_140, %dma_wait3A_141] : memref<320000x2xf32, #tpu.memory_space<hbm>> -> memref<80x2xf32, #tpu.memory_space<hbm>>
    %dma_wait3A_143 = arith.constant 0 : i32
    %dma_wait3A_144 = arith.constant 0 : i32
    %dma_wait3A_145 = tpu.memref_slice %arg12[%dma_wait3A_132, %dma_wait3A_143, %dma_wait3A_144] : memref<3x80x2xf32, #tpu.memory_space<vmem>> -> memref<1x80x2xf32, #tpu.memory_space<vmem>>
    %dma_wait3A_146 = tpu.memref_squeeze %dma_wait3A_145 : memref<1x80x2xf32, #tpu.memory_space<vmem>> -> memref<80x2xf32, #tpu.memory_space<vmem>>
    tpu.wait_dma2 semaphore(%arg16 : memref<!tpu.dma_semaphore, #tpu.memory_space<semaphore_mem>>) src(%dma_wait3A_146 : memref<80x2xf32, #tpu.memory_space<vmem>>) dst(%dma_wait3A_142 : memref<80x2xf32, #tpu.memory_space<hbm>>)
    %dma_wait3A_147 = arith.constant 2 : i32
    %dma_wait3A_148 = arith.constant 0 : i32
    %dma_wait3A_149 = arith.constant 0 : i32
    %dma_wait3A_150 = tpu.memref_slice %arg12[%dma_wait3A_147, %dma_wait3A_148, %dma_wait3A_149] : memref<3x80x2xf32, #tpu.memory_space<vmem>> -> memref<1x80x2xf32, #tpu.memory_space<vmem>>
    %dma_wait3A_151 = tpu.memref_squeeze %dma_wait3A_150 : memref<1x80x2xf32, #tpu.memory_space<vmem>> -> memref<80x2xf32, #tpu.memory_space<vmem>>
    %dma_wait3A_152 = arith.constant 0 : i32
    %dma_wait3A_153 = arith.constant 0 : i32
    %dma_wait3A_154 = tpu.memref_slice %arg7[%dma_wait3A_152, %dma_wait3A_153] : memref<320000x2xf32, #tpu.memory_space<hbm>> -> memref<80x2xf32, #tpu.memory_space<hbm>>
    %dma_wait3A_155 = arith.constant 0 : i32
    %dma_wait3A_156 = arith.constant 0 : i32
    %dma_wait3A_157 = tpu.memref_slice %arg7[%dma_wait3A_155, %dma_wait3A_156] : memref<320000x2xf32, #tpu.memory_space<hbm>> -> memref<80x2xf32, #tpu.memory_space<hbm>>
    %dma_wait3A_158 = arith.constant 0 : i32
    %dma_wait3A_159 = arith.constant 0 : i32
    %dma_wait3A_160 = tpu.memref_slice %arg12[%dma_wait3A_147, %dma_wait3A_158, %dma_wait3A_159] : memref<3x80x2xf32, #tpu.memory_space<vmem>> -> memref<1x80x2xf32, #tpu.memory_space<vmem>>
    %dma_wait3A_161 = tpu.memref_squeeze %dma_wait3A_160 : memref<1x80x2xf32, #tpu.memory_space<vmem>> -> memref<80x2xf32, #tpu.memory_space<vmem>>
    tpu.wait_dma2 semaphore(%arg16 : memref<!tpu.dma_semaphore, #tpu.memory_space<semaphore_mem>>) src(%dma_wait3A_161 : memref<80x2xf32, #tpu.memory_space<vmem>>) dst(%dma_wait3A_157 : memref<80x2xf32, #tpu.memory_space<hbm>>)
    return
  }
}

module attributes {stable_mosaic.version = 14 : i64} {
  func.func @_t1_body(%arg0: i32, %arg1: memref<2000x128xf32, #tpu.memory_space<vmem>>, %arg2: memref<128x64xf32, #tpu.memory_space<vmem>>, %arg3: memref<128x64xf32, #tpu.memory_space<vmem>>, %arg4: memref<2000x80xf32, #tpu.memory_space<vmem>>, %arg5: memref<2000x64xf32, #tpu.memory_space<vmem>>) attributes {dimension_semantics = [#tpu.dimension_semantics<arbitrary>], iteration_bounds = array<i64: 5>, scalar_prefetch = 0 : i64, scratch_operands = 0 : i64, tpu.core_type = #tpu.core_type<tc>, window_params = [{transform_indices = @transform_0, window_bounds = array<i64: 2000, 128>}, {pipeline_mode = #tpu.pipeline_mode<synchronous>, transform_indices = @transform_1, window_bounds = array<i64: 128, 64>}, {pipeline_mode = #tpu.pipeline_mode<synchronous>, transform_indices = @transform_2, window_bounds = array<i64: 128, 64>}, {transform_indices = @transform_3, window_bounds = array<i64: 2000, 80>}, {transform_indices = @transform_4, window_bounds = array<i64: 2000, 64>}]} {
    %get3A = arith.constant 0 : index
    %get3A_0 = arith.constant 0 : index
    %get3A_1 = vector.load %arg1[%get3A, %get3A_0] : memref<2000x128xf32, #tpu.memory_space<vmem>>, vector<2000x128xf32>
    %get3A_2 = arith.constant 0 : index
    %get3A_3 = arith.constant 0 : index
    %get3A_4 = vector.load %arg2[%get3A_2, %get3A_3] : memref<128x64xf32, #tpu.memory_space<vmem>>, vector<128x64xf32>
    %dot_general3A = arith.constant dense<0.000000e+00> : vector<2000x64xf32>
    %dot_general3A_5 = tpu.matmul %get3A_1, %get3A_4, %dot_general3A {dimension_numbers = #tpu.dot_dimension_numbers<[1], [0], [0], [1], [0, 0, 1, 1], [], []>, transpose_lhs_hint = false} : vector<2000x128xf32>, vector<128x64xf32>, vector<2000x64xf32> -> vector<2000x64xf32>
    %broadcast_in_dim3A = arith.constant 1.000000e+00 : f32
    %broadcast_in_dim3A_6 = vector.broadcast %broadcast_in_dim3A : f32 to vector<2000x16xf32>
    %concatenate3A = tpu.concatenate %dot_general3A_5, %broadcast_in_dim3A_6 in 1 : vector<2000x64xf32>, vector<2000x16xf32> -> vector<2000x80xf32>
    %swap3A = arith.constant 0 : index
    %swap3A_7 = arith.constant 0 : index
    %swap3A_8 = vector.load %arg4[%swap3A, %swap3A_7] : memref<2000x80xf32, #tpu.memory_space<vmem>>, vector<2000x80xf32>
    tpu.vector_store %arg4[%swap3A, %swap3A_7], %concatenate3A {strides = array<i32>} : memref<2000x80xf32, #tpu.memory_space<vmem>>, vector<2000x80xf32>,
    %get3A_9 = arith.constant 0 : index
    %get3A_10 = arith.constant 0 : index
    %get3A_11 = vector.load %arg3[%get3A_9, %get3A_10] : memref<128x64xf32, #tpu.memory_space<vmem>>, vector<128x64xf32>
    %dot_general3A_12 = arith.constant dense<0.000000e+00> : vector<2000x64xf32>
    %dot_general3A_13 = tpu.matmul %get3A_1, %get3A_11, %dot_general3A_12 {dimension_numbers = #tpu.dot_dimension_numbers<[1], [0], [0], [1], [0, 0, 1, 1], [], []>, transpose_lhs_hint = false} : vector<2000x128xf32>, vector<128x64xf32>, vector<2000x64xf32> -> vector<2000x64xf32>
    %swap3A_14 = arith.constant 0 : index
    %swap3A_15 = arith.constant 0 : index
    %swap3A_16 = vector.load %arg5[%swap3A_14, %swap3A_15] : memref<2000x64xf32, #tpu.memory_space<vmem>>, vector<2000x64xf32>
    tpu.vector_store %arg5[%swap3A_14, %swap3A_15], %dot_general3A_13 {strides = array<i32>} : memref<2000x64xf32, #tpu.memory_space<vmem>>, vector<2000x64xf32>,
    return
  }
  func.func @transform_0(%arg0: i32) -> (i32, i32) {
    %c0_i32 = arith.constant 0 : i32
    %c0_i32_0 = arith.constant 0 : i32
    return %arg0, %c0_i32 : i32, i32
  }
  func.func @transform_1(%arg0: i32) -> (i32, i32) {
    %c0_i32 = arith.constant 0 : i32
    %c0_i32_0 = arith.constant 0 : i32
    %c0_i32_1 = arith.constant 0 : i32
    return %c0_i32, %c0_i32_0 : i32, i32
  }
  func.func @transform_2(%arg0: i32) -> (i32, i32) {
    %c0_i32 = arith.constant 0 : i32
    %c0_i32_0 = arith.constant 0 : i32
    %c0_i32_1 = arith.constant 0 : i32
    return %c0_i32, %c0_i32_0 : i32, i32
  }
  func.func @transform_3(%arg0: i32) -> (i32, i32) {
    %c0_i32 = arith.constant 0 : i32
    %c0_i32_0 = arith.constant 0 : i32
    return %arg0, %c0_i32 : i32, i32
  }
  func.func @transform_4(%arg0: i32) -> (i32, i32) {
    %c0_i32 = arith.constant 0 : i32
    %c0_i32_0 = arith.constant 0 : i32
    return %arg0, %c0_i32 : i32, i32
  }
}

module attributes {stable_mosaic.version = 14 : i64} {
  func.func @_t2_body(%arg0: i32, %arg1: memref<2x2000x80xf32, #tpu.memory_space<vmem>>, %arg2: memref<2000x64xf32, #tpu.memory_space<vmem>>, %arg3: memref<64xf32, #tpu.memory_space<vmem>>, %arg4: memref<64x64xf32, #tpu.memory_space<vmem>>, %arg5: memref<64x64xf32, #tpu.memory_space<vmem>>, %arg6: memref<2000x64xf32, #tpu.memory_space<vmem>>, %arg7: memref<2000x64xf32, #tpu.memory_space<vmem>>, %arg8: memref<2000x8xf32, #tpu.memory_space<vmem>>) attributes {dimension_semantics = [#tpu.dimension_semantics<arbitrary>], iteration_bounds = array<i64: 5>, scalar_prefetch = 0 : i64, scratch_operands = 0 : i64, tpu.core_type = #tpu.core_type<tc>, window_params = [{transform_indices = @transform_0, window_bounds = array<i64: 2, 2000, 80>}, {transform_indices = @transform_1, window_bounds = array<i64: 2000, 64>}, {pipeline_mode = #tpu.pipeline_mode<synchronous>, transform_indices = @transform_2, window_bounds = array<i64: 64>}, {pipeline_mode = #tpu.pipeline_mode<synchronous>, transform_indices = @transform_3, window_bounds = array<i64: 64, 64>}, {pipeline_mode = #tpu.pipeline_mode<synchronous>, transform_indices = @transform_4, window_bounds = array<i64: 64, 64>}, {transform_indices = @transform_5, window_bounds = array<i64: 2000, 64>}, {transform_indices = @transform_6, window_bounds = array<i64: 2000, 64>}, {transform_indices = @transform_7, window_bounds = array<i64: 2000, 8>}]} {
    %get3A = arith.constant 0 : index
    %get3A_0 = arith.constant 0 : index
    %get3A_1 = arith.constant 0 : index
    %get3A_2 = vector.load %arg1[%get3A, %get3A_0, %get3A_1] : memref<2x2000x80xf32, #tpu.memory_space<vmem>>, vector<2x2000x80xf32>
    %slice3A = vector.extract_strided_slice %get3A_2 {offsets = [0, 0, 0], sizes = [1, 2000, 64], strides = [1, 1, 1]} : vector<2x2000x80xf32> to vector<1x2000x64xf32>
    %squeeze3A = vector.shape_cast %slice3A : vector<1x2000x64xf32> to vector<2000x64xf32>
    %slice3A_3 = vector.extract_strided_slice %get3A_2 {offsets = [1, 0, 0], sizes = [1, 2000, 64], strides = [1, 1, 1]} : vector<2x2000x80xf32> to vector<1x2000x64xf32>
    %squeeze3A_4 = vector.shape_cast %slice3A_3 : vector<1x2000x64xf32> to vector<2000x64xf32>
    %add3A = arith.addf %squeeze3A, %squeeze3A_4 : vector<2000x64xf32>
    %slice3A_5 = vector.extract_strided_slice %get3A_2 {offsets = [0, 0, 64], sizes = [1, 2000, 1], strides = [1, 1, 1]} : vector<2x2000x80xf32> to vector<1x2000x1xf32>
    %squeeze3A_6 = vector.shape_cast %slice3A_5 : vector<1x2000x1xf32> to vector<2000x1xf32>
    %slice3A_7 = vector.extract_strided_slice %get3A_2 {offsets = [1, 0, 64], sizes = [1, 2000, 1], strides = [1, 1, 1]} : vector<2x2000x80xf32> to vector<1x2000x1xf32>
    %squeeze3A_8 = vector.shape_cast %slice3A_7 : vector<1x2000x1xf32> to vector<2000x1xf32>
    %add3A_9 = arith.addf %squeeze3A_6, %squeeze3A_8 : vector<2000x1xf32>
    %max3A = arith.constant 1.000000e+00 : f32
    %max3A_10 = vector.broadcast %max3A : f32 to vector<2000x1xf32>
    %max3A_11 = arith.maximumf %add3A_9, %max3A_10 : vector<2000x1xf32>
    %div3A = arith.constant 1.000000e+00 : f32
    %div3A_12 = vector.broadcast %div3A : f32 to vector<2000x1xf32>
    %div3A_13 = arith.divf %div3A_12, %max3A_11 : vector<2000x1xf32>
    %mul3A = vector.broadcast %div3A_13 : vector<2000x1xf32> to vector<2000x64xf32>
    %mul3A_14 = arith.mulf %add3A, %mul3A : vector<2000x64xf32>
    %get3A_15 = arith.constant 0 : index
    %get3A_16 = vector.load %arg3[%get3A_15] : memref<64xf32, #tpu.memory_space<vmem>>, vector<64xf32>
    %broadcast_in_dim3A = vector.shape_cast %get3A_16 : vector<64xf32> to vector<1x64xf32>
    %add3A_17 = vector.broadcast %broadcast_in_dim3A : vector<1x64xf32> to vector<2000x64xf32>
    %add3A_18 = arith.addf %mul3A_14, %add3A_17 : vector<2000x64xf32>
    %get3A_19 = arith.constant 0 : index
    %get3A_20 = arith.constant 0 : index
    %get3A_21 = vector.load %arg2[%get3A_19, %get3A_20] : memref<2000x64xf32, #tpu.memory_space<vmem>>, vector<2000x64xf32>
    %add3A_22 = arith.addf %add3A_18, %get3A_21 : vector<2000x64xf32>
    %max3A_23 = arith.constant 0.000000e+00 : f32
    %max3A_24 = vector.broadcast %max3A_23 : f32 to vector<2000x64xf32>
    %max3A_25 = arith.maximumf %add3A_22, %max3A_24 : vector<2000x64xf32>
    %get3A_26 = arith.constant 0 : index
    %get3A_27 = arith.constant 0 : index
    %get3A_28 = vector.load %arg4[%get3A_26, %get3A_27] : memref<64x64xf32, #tpu.memory_space<vmem>>, vector<64x64xf32>
    %dot_general3A = arith.constant dense<0.000000e+00> : vector<2000x64xf32>
    %dot_general3A_29 = tpu.matmul %max3A_25, %get3A_28, %dot_general3A {dimension_numbers = #tpu.dot_dimension_numbers<[1], [0], [0], [1], [0, 0, 1, 1], [], []>, transpose_lhs_hint = false} : vector<2000x64xf32>, vector<64x64xf32>, vector<2000x64xf32> -> vector<2000x64xf32>
    %swap3A = arith.constant 0 : index
    %swap3A_30 = arith.constant 0 : index
    %swap3A_31 = vector.load %arg6[%swap3A, %swap3A_30] : memref<2000x64xf32, #tpu.memory_space<vmem>>, vector<2000x64xf32>
    tpu.vector_store %arg6[%swap3A, %swap3A_30], %dot_general3A_29 {strides = array<i32>} : memref<2000x64xf32, #tpu.memory_space<vmem>>, vector<2000x64xf32>,
    %get3A_32 = arith.constant 0 : index
    %get3A_33 = arith.constant 0 : index
    %get3A_34 = vector.load %arg5[%get3A_32, %get3A_33] : memref<64x64xf32, #tpu.memory_space<vmem>>, vector<64x64xf32>
    %dot_general3A_35 = arith.constant dense<0.000000e+00> : vector<2000x64xf32>
    %dot_general3A_36 = tpu.matmul %max3A_25, %get3A_34, %dot_general3A_35 {dimension_numbers = #tpu.dot_dimension_numbers<[1], [0], [0], [1], [0, 0, 1, 1], [], []>, transpose_lhs_hint = false} : vector<2000x64xf32>, vector<64x64xf32>, vector<2000x64xf32> -> vector<2000x64xf32>
    %swap3A_37 = arith.constant 0 : index
    %swap3A_38 = arith.constant 0 : index
    %swap3A_39 = vector.load %arg7[%swap3A_37, %swap3A_38] : memref<2000x64xf32, #tpu.memory_space<vmem>>, vector<2000x64xf32>
    tpu.vector_store %arg7[%swap3A_37, %swap3A_38], %dot_general3A_36 {strides = array<i32>} : memref<2000x64xf32, #tpu.memory_space<vmem>>, vector<2000x64xf32>,
    %broadcast_in_dim3A_40 = vector.shape_cast %div3A_13 : vector<2000x1xf32> to vector<2000x1xf32>
    %broadcast_in_dim3A_41 = vector.broadcast %broadcast_in_dim3A_40 : vector<2000x1xf32> to vector<2000x8xf32>
    %swap3A_42 = arith.constant 0 : index
    %swap3A_43 = arith.constant 0 : index
    %swap3A_44 = vector.load %arg8[%swap3A_42, %swap3A_43] : memref<2000x8xf32, #tpu.memory_space<vmem>>, vector<2000x8xf32>
    tpu.vector_store %arg8[%swap3A_42, %swap3A_43], %broadcast_in_dim3A_41 {strides = array<i32>} : memref<2000x8xf32, #tpu.memory_space<vmem>>, vector<2000x8xf32>,
    return
  }
  func.func @transform_0(%arg0: i32) -> (i32, i32, i32) {
    %c0_i32 = arith.constant 0 : i32
    %c0_i32_0 = arith.constant 0 : i32
    %c0_i32_1 = arith.constant 0 : i32
    return %c0_i32, %arg0, %c0_i32_0 : i32, i32, i32
  }
  func.func @transform_1(%arg0: i32) -> (i32, i32) {
    %c0_i32 = arith.constant 0 : i32
    %c0_i32_0 = arith.constant 0 : i32
    return %arg0, %c0_i32 : i32, i32
  }
  func.func @transform_2(%arg0: i32) -> i32 {
    %c0_i32 = arith.constant 0 : i32
    %c0_i32_0 = arith.constant 0 : i32
    return %c0_i32 : i32
  }
  func.func @transform_3(%arg0: i32) -> (i32, i32) {
    %c0_i32 = arith.constant 0 : i32
    %c0_i32_0 = arith.constant 0 : i32
    %c0_i32_1 = arith.constant 0 : i32
    return %c0_i32, %c0_i32_0 : i32, i32
  }
  func.func @transform_4(%arg0: i32) -> (i32, i32) {
    %c0_i32 = arith.constant 0 : i32
    %c0_i32_0 = arith.constant 0 : i32
    %c0_i32_1 = arith.constant 0 : i32
    return %c0_i32, %c0_i32_0 : i32, i32
  }
  func.func @transform_5(%arg0: i32) -> (i32, i32) {
    %c0_i32 = arith.constant 0 : i32
    %c0_i32_0 = arith.constant 0 : i32
    return %arg0, %c0_i32 : i32, i32
  }
  func.func @transform_6(%arg0: i32) -> (i32, i32) {
    %c0_i32 = arith.constant 0 : i32
    %c0_i32_0 = arith.constant 0 : i32
    return %arg0, %c0_i32 : i32, i32
  }
  func.func @transform_7(%arg0: i32) -> (i32, i32) {
    %c0_i32 = arith.constant 0 : i32
    %c0_i32_0 = arith.constant 0 : i32
    return %arg0, %c0_i32 : i32, i32
  }
}

module attributes {stable_mosaic.version = 14 : i64} {
  func.func @_t3_body(%arg0: i32, %arg1: memref<2x2000x64xf32, #tpu.memory_space<vmem>>, %arg2: memref<2000x64xf32, #tpu.memory_space<vmem>>, %arg3: memref<2000x8xf32, #tpu.memory_space<vmem>>, %arg4: memref<64xf32, #tpu.memory_space<vmem>>, %arg5: memref<128x64xf32, #tpu.memory_space<vmem>>, %arg6: memref<64xf32, #tpu.memory_space<vmem>>, %arg7: memref<2000x128xf32, #tpu.memory_space<vmem>>) attributes {dimension_semantics = [#tpu.dimension_semantics<arbitrary>], iteration_bounds = array<i64: 5>, scalar_prefetch = 0 : i64, scratch_operands = 0 : i64, tpu.core_type = #tpu.core_type<tc>, window_params = [{transform_indices = @transform_0, window_bounds = array<i64: 2, 2000, 64>}, {transform_indices = @transform_1, window_bounds = array<i64: 2000, 64>}, {transform_indices = @transform_2, window_bounds = array<i64: 2000, 8>}, {pipeline_mode = #tpu.pipeline_mode<synchronous>, transform_indices = @transform_3, window_bounds = array<i64: 64>}, {pipeline_mode = #tpu.pipeline_mode<synchronous>, transform_indices = @transform_4, window_bounds = array<i64: 128, 64>}, {pipeline_mode = #tpu.pipeline_mode<synchronous>, transform_indices = @transform_5, window_bounds = array<i64: 64>}, {transform_indices = @transform_6, window_bounds = array<i64: 2000, 128>}]} {
    %get3A = arith.constant 0 : index
    %get3A_0 = arith.constant 0 : index
    %get3A_1 = arith.constant 0 : index
    %get3A_2 = vector.load %arg1[%get3A, %get3A_0, %get3A_1] : memref<2x2000x64xf32, #tpu.memory_space<vmem>>, vector<2x2000x64xf32>
    %slice3A = vector.extract_strided_slice %get3A_2 {offsets = [0, 0, 0], sizes = [1, 2000, 64], strides = [1, 1, 1]} : vector<2x2000x64xf32> to vector<1x2000x64xf32>
    %squeeze3A = vector.shape_cast %slice3A : vector<1x2000x64xf32> to vector<2000x64xf32>
    %slice3A_3 = vector.extract_strided_slice %get3A_2 {offsets = [1, 0, 0], sizes = [1, 2000, 64], strides = [1, 1, 1]} : vector<2x2000x64xf32> to vector<1x2000x64xf32>
    %squeeze3A_4 = vector.shape_cast %slice3A_3 : vector<1x2000x64xf32> to vector<2000x64xf32>
    %add3A = arith.addf %squeeze3A, %squeeze3A_4 : vector<2000x64xf32>
    %get3A_5 = arith.constant 0 : index
    %get3A_6 = arith.constant 0 : index
    %get3A_7 = vector.load %arg3[%get3A_5, %get3A_6] : memref<2000x8xf32, #tpu.memory_space<vmem>>, vector<2000x8xf32>
    %slice3A_8 = vector.extract_strided_slice %get3A_7 {offsets = [0, 0], sizes = [2000, 1], strides = [1, 1]} : vector<2000x8xf32> to vector<2000x1xf32>
    %mul3A = vector.broadcast %slice3A_8 : vector<2000x1xf32> to vector<2000x64xf32>
    %mul3A_9 = arith.mulf %add3A, %mul3A : vector<2000x64xf32>
    %get3A_10 = arith.constant 0 : index
    %get3A_11 = vector.load %arg4[%get3A_10] : memref<64xf32, #tpu.memory_space<vmem>>, vector<64xf32>
    %broadcast_in_dim3A = vector.shape_cast %get3A_11 : vector<64xf32> to vector<1x64xf32>
    %add3A_12 = vector.broadcast %broadcast_in_dim3A : vector<1x64xf32> to vector<2000x64xf32>
    %add3A_13 = arith.addf %mul3A_9, %add3A_12 : vector<2000x64xf32>
    %get3A_14 = arith.constant 0 : index
    %get3A_15 = arith.constant 0 : index
    %get3A_16 = vector.load %arg2[%get3A_14, %get3A_15] : memref<2000x64xf32, #tpu.memory_space<vmem>>, vector<2000x64xf32>
    %add3A_17 = arith.addf %add3A_13, %get3A_16 : vector<2000x64xf32>
    %max3A = arith.constant 0.000000e+00 : f32
    %max3A_18 = vector.broadcast %max3A : f32 to vector<2000x64xf32>
    %max3A_19 = arith.maximumf %add3A_17, %max3A_18 : vector<2000x64xf32>
    %get3A_20 = arith.constant 0 : index
    %get3A_21 = arith.constant 0 : index
    %get3A_22 = vector.load %arg5[%get3A_20, %get3A_21] : memref<128x64xf32, #tpu.memory_space<vmem>>, vector<128x64xf32>
    %slice3A_23 = vector.extract_strided_slice %get3A_22 {offsets = [0, 0], sizes = [64, 64], strides = [1, 1]} : vector<128x64xf32> to vector<64x64xf32>
    %dot_general3A = arith.constant dense<0.000000e+00> : vector<2000x64xf32>
    %dot_general3A_24 = tpu.matmul %max3A_19, %slice3A_23, %dot_general3A {dimension_numbers = #tpu.dot_dimension_numbers<[1], [0], [0], [1], [0, 0, 1, 1], [], []>, transpose_lhs_hint = false} : vector<2000x64xf32>, vector<64x64xf32>, vector<2000x64xf32> -> vector<2000x64xf32>
    %get3A_25 = arith.constant 0 : index
    %get3A_26 = vector.load %arg6[%get3A_25] : memref<64xf32, #tpu.memory_space<vmem>>, vector<64xf32>
    %broadcast_in_dim3A_27 = vector.shape_cast %get3A_26 : vector<64xf32> to vector<1x64xf32>
    %add3A_28 = vector.broadcast %broadcast_in_dim3A_27 : vector<1x64xf32> to vector<2000x64xf32>
    %add3A_29 = arith.addf %dot_general3A_24, %add3A_28 : vector<2000x64xf32>
    %slice3A_30 = vector.extract_strided_slice %get3A_22 {offsets = [64, 0], sizes = [64, 64], strides = [1, 1]} : vector<128x64xf32> to vector<64x64xf32>
    %dot_general3A_31 = arith.constant dense<0.000000e+00> : vector<2000x64xf32>
    %dot_general3A_32 = tpu.matmul %max3A_19, %slice3A_30, %dot_general3A_31 {dimension_numbers = #tpu.dot_dimension_numbers<[1], [0], [0], [1], [0, 0, 1, 1], [], []>, transpose_lhs_hint = false} : vector<2000x64xf32>, vector<64x64xf32>, vector<2000x64xf32> -> vector<2000x64xf32>
    %concatenate3A = tpu.concatenate %add3A_29, %dot_general3A_32 in 1 : vector<2000x64xf32>, vector<2000x64xf32> -> vector<2000x128xf32>
    %swap3A = arith.constant 0 : index
    %swap3A_33 = arith.constant 0 : index
    %swap3A_34 = vector.load %arg7[%swap3A, %swap3A_33] : memref<2000x128xf32, #tpu.memory_space<vmem>>, vector<2000x128xf32>
    tpu.vector_store %arg7[%swap3A, %swap3A_33], %concatenate3A {strides = array<i32>} : memref<2000x128xf32, #tpu.memory_space<vmem>>, vector<2000x128xf32>,
    return
  }
  func.func @transform_0(%arg0: i32) -> (i32, i32, i32) {
    %c0_i32 = arith.constant 0 : i32
    %c0_i32_0 = arith.constant 0 : i32
    %c0_i32_1 = arith.constant 0 : i32
    return %c0_i32, %arg0, %c0_i32_0 : i32, i32, i32
  }
  func.func @transform_1(%arg0: i32) -> (i32, i32) {
    %c0_i32 = arith.constant 0 : i32
    %c0_i32_0 = arith.constant 0 : i32
    return %arg0, %c0_i32 : i32, i32
  }
  func.func @transform_2(%arg0: i32) -> (i32, i32) {
    %c0_i32 = arith.constant 0 : i32
    %c0_i32_0 = arith.constant 0 : i32
    return %arg0, %c0_i32 : i32, i32
  }
  func.func @transform_3(%arg0: i32) -> i32 {
    %c0_i32 = arith.constant 0 : i32
    %c0_i32_0 = arith.constant 0 : i32
    return %c0_i32 : i32
  }
  func.func @transform_4(%arg0: i32) -> (i32, i32) {
    %c0_i32 = arith.constant 0 : i32
    %c0_i32_0 = arith.constant 0 : i32
    %c0_i32_1 = arith.constant 0 : i32
    return %c0_i32, %c0_i32_0 : i32, i32
  }
  func.func @transform_5(%arg0: i32) -> i32 {
    %c0_i32 = arith.constant 0 : i32
    %c0_i32_0 = arith.constant 0 : i32
    return %c0_i32 : i32
  }
  func.func @transform_6(%arg0: i32) -> (i32, i32) {
    %c0_i32 = arith.constant 0 : i32
    %c0_i32_0 = arith.constant 0 : i32
    return %arg0, %c0_i32 : i32, i32
  }
}

</mosaic_0001>

<sc_bundles>
// kernel: kernel.11.cloned.1.call-start
scs
__scs_entry_jumppad:
0x0: {  	(pc) =	sbr.rel $0x88, $3  }
0x1: {  	(tag) =	ssettag $0x0;
	lr =	simm.s32 $0x1  }
0x2: {  	[smem:$0x3F95] =	sst lr;
	_ =	strace $0xD0000000  }
0x3: {  	_ = 	snop  }
0x4: {  	_ = 	snop  }
0x5: {  	_ = 	snop  }
0x6: {  	_ = 	snop  }
0x7: {  	_ = 	snop  }
__scs_overlays_trampoline_lowered:
0x8: {  	[smem:$0x3FA4] =	sst s0  }
0x9: {  	[smem:$0x3FA5] =	sst s1  }
0xa: {  	[smem:$0x3FA6] =	sst s2  }
0xb: {  	[smem:$0x3FA7] =	sst s3  }
0xc: {  	[smem:$0x3FA8] =	sst s4  }
0xd: {  	[smem:$0x3FA9] =	sst s5  }
0xe: {  	[smem:$0x3FAA] =	sst s6  }
0xf: {  	[smem:$0x3FAB] =	sst s7  }
0x10: {  	[smem:$0x3FAC] =	sst s8  }
0x11: {  	[smem:$0x3FAD] =	sst s9;
	s0 =	simm.s32 @!p0 $0x0  }
0x12: {  	s1 =	sld [smem:$0x3F93];
	s0 =	simm.s32 @p0 $0x1  }
0x13: {  	[smem:$0x3FAE] =	sst s0;
	s0 =	simm.s32 @!p1 $0x0  }
0x14: {  	s2 =	sld [smem:$0x3F92];
	s0 =	simm.s32 @p1 $0x1  }
0x15: {  	[smem:$0x3FAF] =	sst s0;
	s0 =	simm.s32 @!p2 $0x0  }
0x16: {  	s3 =	sld [smem:$0x3FDB];
	s0 =	simm.s32 @p2 $0x1  }
0x17: {  	s4 =	simm.s32 $0x1BF5;
	[smem:$0x3FB1] =	sst s0  }
0x18: {  	s0 =	sld [smem:$0x3F94];
	_ =	swait.ge [sflag:s4], $0x0  }
0x19: {  	s7 =	sld [smem:$0x3F95]  }
0x1a: {  	s8 =	sadd.s32 $0xFFFFE003, lr  }
0x1b: {  	s9 =	sadd.s32 $0xFFFFFEF7, lr;
	s5 =	simm.s32 $0xFFFFFFFF;
	p2 =	slt.u32 s8, $0xFFFFF086  }
0x1c: {  	p1 =	slt.u32 s9, $0xF7A;
	s5 =	simm.s32 @!p2 $0x0  }
0x1d: {  	s5 =	simm.s32 @p1 $0x1;
	p0 =	seq.s32 s7, s2  }
0x1e: {  	s7 =	smul.u32 @!p0 $0xF7A, s2;
	p2 =	seq.s32 @!p0 s5, $0x0  }
0x1f: {  	s9 =	smul.u32 $0xF7A, s1;
	s8 =	simm.s32 @!p0 $0x1BF5;
	p2 =	por !p2, p0  }
0x20: {  	[sflag:s8] =	ssyncset.s32 @!p0 $0xFFFFF086;
	s6 =	sadd.s32 @!p0 s3, s7;
	s7 =	simm.s32 @!p0 $0x108  }
0x21: {  	s3 =	sadd.s32 s3, s9;
	s6 =	sadd.s32 @!p0 $0x88, s6;
	s7 =	simm.s32 @p2 $0x1082  }
0x22: {  	[simem:s7], [sflag:s8] =	dma.local @!p0 [hbm:s6], $0xF7A  }
0x23: {  	s9 =	sor.u32 $0xD0000000, s2;
	s6 =	simm.s32 $0x108;
	_ =	swait.ge @!p0 [sflag:s8], $0x0  }
0x24: {  	s3 =	sadd.s32 $0x88, s3;
	s6 =	simm.s32 @!p1 $0x1082;
	[sflag:s4] =	ssyncset.s32 $0xFFFFF086  }
0x25: {  	[simem:s6], [sflag:s4] =	dma.local [hbm:s3], $0xF7A  }
0x26: {  	[smem:$0x3F95] =	sst s1;
	(tag) =	ssettag s2;
	_ =	strace s9  }
0x27: {  	s1 =	sld [smem:$0x3FA5]  }
0x28: {  	s2 =	sld [smem:$0x3FA6]  }
0x29: {  	s4 =	sld [smem:$0x3FA8]  }
0x2a: {  	p0 =	seq.s32 s5, $0x0;
	s5 =	sld [smem:$0x3FA9]  }
0x2b: {  	s6 =	sld [smem:$0x3FAA]  }
0x2c: {  	s7 =	sld [smem:$0x3FAB]  }
0x2d: {  	s3 =	simm.s32 $0x108;
	s8 =	sld [smem:$0x3FAC]  }
0x2e: {  	s3 =	simm.s32 @!p0 $0x1082;
	s9 =	sld [smem:$0x3FAD]  }
0x2f: {  	lr =	sadd.s32 s0, s3;
	s0 =	sld [smem:$0x3FA4]  }
0x30: {  	s3 =	sld [smem:$0x3FA7]  }
0x31: {  	[smem:$0x3FB0] =	sst s10  }
0x32: {  	s10 =	sld [smem:$0x3FAE];
	_ =	sdelay $0x3  }
0x33: {  	p0 =	seq.s32 s10, $0x1;
	s10 =	sld [smem:$0x3FB0];
	_ =	sdelay $0x3  }
0x34: {  	[smem:$0x3FB0] =	sst s10  }
0x35: {  	s10 =	sld [smem:$0x3FAF];
	_ =	sdelay $0x3  }
0x36: {  	p1 =	seq.s32 s10, $0x1;
	s10 =	sld [smem:$0x3FB0];
	_ =	sdelay $0x3  }
0x37: {  	[smem:$0x3FB0] =	sst s10  }
0x38: {  	s10 =	sld [smem:$0x3FB1]  }
0x39: {  	_ = 	snop;
	(pc) =	sbr.ind lr, $3  }
0x3a: {  	_ = 	snop  }
0x3b: {  	_ = 	snop  }
0x3c: {  	p2 =	seq.s32 s10, $0x1;
	s10 =	sld [smem:$0x3FB0]  }
0x3d: {  	_ =	shalt  }
0x3e: {  	_ =	shalt  }
0x3f: {  	_ =	shalt  }
0x40: {  	_ =	shalt  }
0x41: {  	_ =	shalt  }
0x42: {  	_ =	shalt  }
0x43: {  	_ =	shalt  }
0x44: {  	_ =	shalt  }
0x45: {  	_ =	shalt  }
0x46: {  	_ =	shalt  }
0x47: {  	_ =	shalt  }
0x48: {  	_ =	shalt  }
0x49: {  	_ =	shalt  }
0x4a: {  	_ =	shalt  }
0x4b: {  	_ =	shalt  }
0x4c: {  	_ =	shalt  }
0x4d: {  	_ =	shalt  }
0x4e: {  	_ =	shalt  }
0x4f: {  	_ =	shalt  }
0x50: {  	_ =	shalt  }
0x51: {  	_ =	shalt  }
0x52: {  	_ =	shalt  }
0x53: {  	_ =	shalt  }
0x54: {  	_ =	shalt  }
0x55: {  	_ =	shalt  }
0x56: {  	_ =	shalt  }
0x57: {  	_ =	shalt  }
0x58: {  	_ =	shalt  }
0x59: {  	_ =	shalt  }
0x5a: {  	_ =	shalt  }
0x5b: {  	_ =	shalt  }
0x5c: {  	_ =	shalt  }
0x5d: {  	_ =	shalt  }
0x5e: {  	_ =	shalt  }
0x5f: {  	_ =	shalt  }
0x60: {  	_ =	shalt  }
0x61: {  	_ =	shalt  }
0x62: {  	_ =	shalt  }
0x63: {  	_ =	shalt  }
0x64: {  	_ =	shalt  }
0x65: {  	_ =	shalt  }
0x66: {  	_ =	shalt  }
0x67: {  	_ =	shalt  }
0x68: {  	_ =	shalt  }
0x69: {  	_ =	shalt  }
0x6a: {  	_ =	shalt  }
0x6b: {  	_ =	shalt  }
0x6c: {  	_ =	shalt  }
0x6d: {  	_ =	shalt  }
0x6e: {  	_ =	shalt  }
0x6f: {  	_ =	shalt  }
0x70: {  	_ =	shalt  }
0x71: {  	_ =	shalt  }
0x72: {  	_ =	shalt  }
0x73: {  	_ =	shalt  }
0x74: {  	_ =	shalt  }
0x75: {  	_ =	shalt  }
0x76: {  	_ =	shalt  }
0x77: {  	_ =	shalt  }
0x78: {  	_ =	shalt  }
0x79: {  	_ =	shalt  }
0x7a: {  	_ =	shalt  }
0x7b: {  	_ =	shalt  }
0x7c: {  	_ =	shalt  }
0x7d: {  	_ =	shalt  }
0x7e: {  	_ =	shalt  }
0x7f: {  	_ =	shalt  }
0x80: {  	_ =	shalt  }
0x81: {  	_ =	shalt  }
0x82: {  	_ =	shalt  }
0x83: {  	_ =	shalt  }
0x84: {  	_ =	shalt  }
0x85: {  	_ =	shalt  }
0x86: {  	_ =	shalt  }
0x87: {  	_ =	shalt  }
.Lfunc_end0:
.L_simem_size_0:
called_computation.1_lowered:
.L_overlay_start_0:
0x88: {  	s2 =	sld [smem:$0x3FD9]  }
0x89: {  	s3 =	sld [smem:$0x3FFE];
	_ =	sdelay $0x1  }
0x8a: {  	s1 =	srdreg.scid  }
0x8b: {  	s0 =	sand.u32 $0x1, s1  }
0x8c: {  	s17 =	sshll.u32 s0, $0xA;
	s2 =	sadd.s32 s3, s2  }
0x8d: {  	s2 =	sadd.s32 s2, s17  }
0x8e: {  	[smem:$0x3FBC] =	sst s2  }
0x8f: {  	_ = 	snop  }
0x90: {  	s2 =	sld [smem:$0x3FD0];
	(tm) =	ssettm $0x1  }
0x91: {  	s18 =	sld [smem:$0x3FFB];
	_ =	sdelay $0x3  }
0x92: {  	_ =	strace s18  }
0x93: {  	s3 =	sld [smem:$0x3FFC];
	_ =	sdelay $0x3  }
0x94: {  	_ =	strace s3  }
0x95: {  	s3 =	sld [smem:$0x3FFD];
	_ =	sdelay $0x3  }
0x96: {  	_ =	strace s3  }
0x97: {  	_ =	strace $0x8FFFFFFF  }
0x98: {  	s19 =	sld [smem:$0x3FDB];
	_ =	sdelay $0x1  }
0x99: {  	s4 =	simm.s32 $_scs_section_size  }
0x9a: {  	s5 =	simm.s32 $_size__tile_overlayer_lowered;
	s6 =	simm.s32 $_tile_overlayer_lowered  }
0x9b: {  	s22 =	simm.s32 $0x1BFF;
	s21 =	sshll.u32 s6, $0x1;
	s3 =	sadd.s32 s4, s19  }
0x9c: {  	s7 =	simm.s32 $0x0;
	s20 =	sshll.u32 s5, $0x1;
	s5 =	sadd.s32 s21, s3  }
0x9d: {  	[timem:s7], [sflag:s22] =	dma.local [hbm:s5], s20  }
0x9e: {  	_ =	swait.ge [sflag:s22], s20  }
0x9f: {  	s4 =	ssub.s32 $0x0, s20;
	[sflag:s22] =	ssyncset.done $0x0  }
0xa0: {  	[sflag:s22] =	ssyncadd.s32 s4;
	_ =	sdelay $0x1  }
0xa1: {  	s23 =	simm.s32 $0x1B8B  }
0xa2: {  	_ =	swait.ge [sflag:s23], $0x1  }
0xa3: {  	[sflag:s23] =	ssyncset.done $0x0  }
0xa4: {  	s25 =	simm.s32 $0x1B8E;
	s24 =	sld [smem:$0x3FFE];
	[sflag:s23] =	ssyncadd.s32 $0xFFFFFFFF  }
0xa5: {  	s26 =	simm.s32 $execute0_lowered;
	[smem:$0x3FD2] =	sst s25  }
0xa6: {  	s5 =	sshll.u32 s26, $0x1;
	_ =	strace $0x80000049;
	[dreg:$0x1] =	wrdreg $0xFFFFFFFF  }
0xa7: {  	s28 =	simm.s32 $_size_execute0_lowered;
	s3 =	sadd.s32 s3, s5;
	[dreg:$0x0] =	wrdreg $0x0  }
0xa8: {  	s5 =	sshll.u32 s28, $0x1;
	[dreg:$0x2] =	wrdreg s3  }
0xa9: {  	[dreg:$0x3] =	wrdreg s5  }
0xaa: {  	[dreg:$0x4] =	wrdreg $0xC0  }
0xab: {  	_ =	task [dreg:s7], $0x5FFFF  }
0xac: {  	[dreg:$0x1] =	wrdreg $0xFFFFFFFF  }
0xad: {  	[dreg:$0x0] =	wrdreg $0x60  }
0xae: {  	[dreg:$0x2] =	wrdreg s2  }
0xaf: {  	[dreg:$0x3] =	wrdreg s24  }
0xb0: {  	[dreg:$0x4] =	wrdreg $0xAA200  }
0xb1: {  	[dreg:$0x5] =	wrdreg $0x9  }
0xb2: {  	_ =	task.clear_ibuf [dreg:s7], $0x6FFFF;
	_ =	strace $0x90000049  }
0xb3: {  	s29 =	simm.s32 $0x9;
	_ =	strace $0x8000004B  }
0xb4: {  	_ =	swait.ge [sflag:s29], $0x1  }
0xb5: {  	[sflag:s29] =	ssyncadd.s32 $0xFFFFFFFF  }
0xb6: {  	_ =	strace $0x9000004B  }
0xb7: {  	_ =	sfence  }
0xb8: {  	s30 =	sld [smem:$0x0];
	_ =	sdelay $0x2  }
0xb9: {  	s31 =	sshll.u32 s1, $0xD;
	s1 =	sshrl.u32 s1, $0x2  }
0xba: {  	s3 =	sand.u32 $0x4000, s31;
	s1 =	sadd.s32 s1, s30  }
0xbb: {  	s0 =	sor.u32 s3, s0;
	s1 =	sshll.u32 s1, $0x11  }
0xbc: {  	s0 =	sor.u32 s1, s0  }
0xbd: {  	s0 =	sadd.s32 $0x8F2B, s0  }
0xbe: {  	[sflag:s0] =	ssyncadd.remote.s32 $0x1  }
0xbf: {  	_ =	sfence.sel $0xFFFF  }
0xc0: {  	[dreg:$0x0] =	wrdreg $0xFFFFFFFF;
	(pc) =	sbr.abs _section_cstart, $3  }
0xc1: {  	[dreg:$0x1] =	wrdreg $0xFFFFFFFF  }
0xc2: {  	_ =	task.clear_ibuf [dreg:s7], $0x2FFFF;
	_ =	strace $0x9FFFFFFF  }
0xc3: {  	(tm) =	ssettm $0x7FFFFFFF  }
tec
execute0_lowered:
.L_overlay_start_1:
0x0: {  	(tag) =	ssettag $0x1  }
0x1: {  	s2 =	rddreg [dreg:$0x0]  }
0x2: {  	s0 =	rddreg [dreg:$0x1];
	s1 =	srdreg.scid  }
0x3: {  	s3 =	rddreg [dreg:$0x2];
	s8 =	stileid.u32;
	s4 =	simm.s32 $0x0  }
0x4: {  	s14 =	simm.s32 $0x2710;
	s15 =	simm.s32 $0x8A20;
	s16 =	simm.s32 $0x4  }
0x5: {  	s17 =	simm.s32 $0x1;
	s18 =	simm.s32 $0x50;
	s19 =	simm.s32 $0x4E20  }
0x6: {  	s20 =	simm.s32 $0x6220;
	s21 =	simm.s32 $0x2;
	s23 =	simm.s32 $0x7620  }
0x7: {  	s24 =	simm.s32 $0x3;
	s28 =	simm.s32 $0x140;
	s29 =	simm.s32 $0x27B0  }
0x8: {  	s30 =	simm.s32 $0x0;
	s1 =	sand.u32 $0x1, s1;
	s7 =	smul.u32 $0xA000, s8  }
0x9: {  	[smem:$0x7FF] =	sst s4;
	s5 =	sshll.u32 s1, $0x4;
	s6 =	smul.u32 $0xA0000, s1  }
0xa: {  	s1 =	ssub.s32 $0x2, s1;
	s5 =	sor.u32 s8, s5;
	s8 =	smul.u32 $0x28000, s8  }
0xb: {  	_ =	strace $0x8000004A;
	s26 =	sshrl.u32 s1, $0x1;
	s5 =	smul.u32 $0x4E2, s5  }
0xc: {  	s6 =	sadd.s32 s7, s6;
	s1 =	ssub.s32 s1, s26;
	s7 =	sadd.s32 s7, s3  }
.Ltmp0:
0xd: {  	s26 =	simm.s32 $0x2760;
	s25 =	sshrl.u32 s6, $0x3;
	(pc) =	sbr.rel .LBB2_1-.Ltmp0, $4  }
0xe: {  	s31 =	sshrl.u32 s8, $0x2;
	s13 =	smax.u32 s1, $0x1;
	s9 =	sadd.s32 s5, s0  }
0xf: {  	s0 =	sadd.s32 s25, s0;
	s11 =	sadd.s32 s31, s3;
	s5 =	sadd.s32 $0xBC00, s9  }
0x10: {  	s6 =	sadd.s32 $0x1E00, s9;
	s8 =	sadd.s32 $0x2000, s11;
	s9 =	sadd.s32 $0x4000, s11  }
0x11: {  	v0 =	vimm.f32 $0.0e+00;
	s10 =	sadd.s32 $0x6000, s11;
	s11 =	sadd.s32 $0x8000, s11;
	s12 =	sadd.s32 $0x15A00, s0  }
.LBB2_6:
0x12: {  	[spmem:s3] =	stream.indirect.scatter.add.f32 [tilespmem:s20], [sflag:$0x3], $0x40, s1, s18, $0xb8;
	[tilespmem:$0x14A20] =	vst v63  }
0x13: {  	s0 =	stileid.u32;
	_ =	swait.ge [sflag:s24], $0x1400  }
0x14: {  	s31 =	sshrl.u32 s7, $0x3;
	s30 =	sadd.s32 $0x1, s30;
	[sflag:s24] =	ssyncset.done $0x0  }
0x15: {  	s0 =	sshll.u32 s0, $0x6;
	p0 =	sne.s32 s30, s13;
	[sflag:s24] =	ssyncadd.s32 $0xFFFFEC00  }
.Ltmp1:
0x16: {  	s0 =	sor.u32 $0x1C04, s0;
	[bflag:$0x0] =	sbarrier.arrive $0xFFFF;
	(pc) =	sbr.rel @!p0 .LBB2_7-.Ltmp1, $4  }
0x17: {  	[hbm:s12], [sflag:s0] =	dma.local [spmem:s31], $0x1400  }
0x18: {  	_ =	swait.ge [sflag:s16], $0x1400  }
0x19: {  	[sflag:s16] =	ssyncset.done $0x0  }
0x1a: {  	[sflag:s16] =	ssyncadd.s32 $0xFFFFEC00  }
.LBB2_1:
0x1b: {  	[tilespmem:s4], [sflag:$0x1] =	stream.linear.gather [hbm4b:s5+s4], $0x2710, $0x38;
	[tilespmem:$0x14A20] =	vst v63  }
0x1c: {  	s0 =	sand.u32 $0x7F00, s4  }
0x1d: {  	s1 =	sand.u32 $0x30, s4;
	s31 =	sshrl.u32 s0, $0x2  }
0x1e: {  	[tilespmem:s14], [sflag:$0x1] =	stream.linear.gather [hbm4b:s6+s4], $0x2710, $0x38;
	[tilespmem:$0x14A20] =	vst v63  }
0x1f: {  	s0 =	simm.s32 $0x40;
	s1 =	sor.u32 s1, s31;
	s31 =	simm.s32 $0x0  }
.LBB2_2:
0x20: {  	p0 =	sne.s32 s0, $0x7FC0  }
0x21: {  	[tilespmem:s1+$0x8A20] =	vst v0;
	s31 =	sadd.s32 $0x10, s31;
	s1 =	smov.u32 s0;
	s0 =	sadd.s32 $0x40, s0  }
.Ltmp2:
0x22: {  	(pc) =	sbr.rel @p0 .LBB2_2-.Ltmp2, $4  }
0x23: {  	_ = 	snop  }
0x24: {  	s1 =	sand.u32 $0x7F00, s1  }
0x25: {  	s22 =	sand.u32 $0x30, s31;
	s1 =	sshrl.u32 s1, $0x2  }
0x26: {  	s1 =	sor.u32 s22, s1  }
0x27: {  	[tilespmem:s1+$0x8A20] =	vst v0  }
0x28: {  	[spmem:s7] =	stream.linear.scatter [tilespmem:s15], [sflag:$0x4], $0x2000, $0x38;
	[tilespmem:$0x14A20] =	vst v63  }
0x29: {  	_ =	swait.ge [sflag:s16], $0x2000  }
0x2a: {  	[sflag:s16] =	ssyncset.done $0x0  }
0x2b: {  	[sflag:s16] =	ssyncadd.s32 $0xFFFFE000  }
0x2c: {  	[spmem:s8] =	stream.linear.scatter [tilespmem:s15], [sflag:$0x4], $0x2000, $0x38;
	[tilespmem:$0x14A20] =	vst v63  }
0x2d: {  	_ =	swait.ge [sflag:s16], $0x2000  }
0x2e: {  	[sflag:s16] =	ssyncset.done $0x0  }
0x2f: {  	[sflag:s16] =	ssyncadd.s32 $0xFFFFE000  }
0x30: {  	[spmem:s9] =	stream.linear.scatter [tilespmem:s15], [sflag:$0x4], $0x2000, $0x38;
	[tilespmem:$0x14A20] =	vst v63  }
0x31: {  	_ =	swait.ge [sflag:s16], $0x2000  }
0x32: {  	[sflag:s16] =	ssyncset.done $0x0  }
0x33: {  	[sflag:s16] =	ssyncadd.s32 $0xFFFFE000  }
0x34: {  	[spmem:s10] =	stream.linear.scatter [tilespmem:s15], [sflag:$0x4], $0x2000, $0x38;
	[tilespmem:$0x14A20] =	vst v63  }
0x35: {  	_ =	swait.ge [sflag:s16], $0x2000  }
0x36: {  	[sflag:s16] =	ssyncset.done $0x0  }
0x37: {  	[sflag:s16] =	ssyncadd.s32 $0xFFFFE000  }
0x38: {  	[spmem:s11] =	stream.linear.scatter [tilespmem:s15], [sflag:$0x4], $0x2000, $0x38;
	[tilespmem:$0x14A20] =	vst v63  }
0x39: {  	_ =	swait.ge [sflag:s16], $0x2000  }
0x3a: {  	[sflag:s16] =	ssyncset.done $0x0  }
0x3b: {  	[sflag:s16] =	ssyncadd.s32 $0xFFFFE000  }
0x3c: {  	_ =	swait.ge [sflag:s17], $0x2710  }
0x3d: {  	[sflag:s17] =	ssyncset.done $0x0  }
0x3e: {  	[sflag:s17] =	ssyncadd.s32 $0xFFFFD8F0  }
0x3f: {  	_ =	swait.ge [sflag:s17], $0x2710  }
0x40: {  	[sflag:s17] =	ssyncset.done $0x0  }
0x41: {  	[sflag:s17] =	ssyncadd.s32 $0xFFFFD8F0  }
0x42: {  	[bflag:$0x0] =	sbarrier.arrive $0xFFFF  }
0x43: {  	[tilespmem:s19], [sflag:$0x2] =	stream.indirect.gather [hbm4b:s2+s18], $0x40, s4, s18, $0xb8;
	[tilespmem:$0x14A20] =	vst v63  }
0x44: {  	_ = 	snop  }
0x45: {  	[tilespmem:s20], [sflag:$0x2] =	stream.indirect.gather [hbm4b:s2+s18], $0x40, s18, s18, $0xb8;
	[tilespmem:$0x14A20] =	vst v63  }
0x46: {  	_ =	swait.ge [sflag:s21], $0x1400  }
0x47: {  	[sflag:s21] =	ssyncset.done $0x0  }
0x48: {  	s0 =	simm.s32 $0xA0;
	[sflag:s21] =	ssyncadd.s32 $0xFFFFEC00  }
0x49: {  	[tilespmem:s23], [sflag:$0x2] =	stream.indirect.gather [hbm4b:s2+s18], $0x40, s0, s18, $0xb8;
	[tilespmem:$0x14A20] =	vst v63  }
0x4a: {  	_ = 	snop  }
0x4b: {  	[spmem:s3] =	stream.indirect.scatter.add.f32 [tilespmem:s19], [sflag:$0x3], $0x40, s14, s18, $0xb8;
	[tilespmem:$0x14A20] =	vst v63  }
0x4c: {  	_ =	swait.ge [sflag:s21], $0x1400  }
0x4d: {  	[sflag:s21] =	ssyncset.done $0x0  }
0x4e: {  	[sflag:s21] =	ssyncadd.s32 $0xFFFFEC00  }
0x4f: {  	_ =	swait.ge [sflag:s24], $0x1400  }
0x50: {  	[sflag:s24] =	ssyncset.done $0x0  }
0x51: {  	s25 =	simm.s32 $0xF0;
	[sflag:s24] =	ssyncadd.s32 $0xFFFFEC00  }
0x52: {  	[tilespmem:s19], [sflag:$0x2] =	stream.indirect.gather [hbm4b:s2+s18], $0x40, s25, s18, $0xb8;
	[tilespmem:$0x14A20] =	vst v63  }
0x53: {  	_ = 	snop  }
0x54: {  	[spmem:s3] =	stream.indirect.scatter.add.f32 [tilespmem:s20], [sflag:$0x3], $0x40, s26, s18, $0xb8;
	[tilespmem:$0x14A20] =	vst v63  }
0x55: {  	_ =	swait.ge [sflag:s21], $0x1400  }
0x56: {  	[sflag:s21] =	ssyncset.done $0x0  }
0x57: {  	[sflag:s21] =	ssyncadd.s32 $0xFFFFEC00  }
0x58: {  	_ =	swait.ge [sflag:s24], $0x1400  }
0x59: {  	[sflag:s24] =	ssyncset.done $0x0  }
0x5a: {  	[sflag:s24] =	ssyncadd.s32 $0xFFFFEC00  }
0x5b: {  	[tilespmem:s20], [sflag:$0x2] =	stream.indirect.gather [hbm4b:s2+s18], $0x40, s28, s18, $0xb8;
	[tilespmem:$0x14A20] =	vst v63  }
0x5c: {  	s31 =	simm.s32 $0x640  }
0x5d: {  	[spmem:s3] =	stream.indirect.scatter.add.f32 [tilespmem:s23], [sflag:$0x3], $0x40, s29, s18, $0xb8;
	[tilespmem:$0x14A20] =	vst v63  }
.LBB2_4:
0x5e: {  	_ =	swait.ge [sflag:s21], $0x1400  }
0x5f: {  	[sflag:s21] =	ssyncset.done $0x0  }
0x60: {  	p0 =	seq.s32 s31, $0x9C40;
	[sflag:s21] =	ssyncadd.s32 $0xFFFFEC00  }
0x61: {  	s0 =	sadd.s32 @!p0 $0xFFFFFD80, s31;
	s1 =	sshra.s32 @!p0 s31, $0x2;
	_ =	swait.ge [sflag:s24], $0x1400  }
0x62: {  	s22 =	simm.s32 @!p0 $0x50;
	s0 =	simm.s32 @p0 $0x99C0;
	[sflag:s24] =	ssyncset.done $0x0  }
0x63: {  	s25 =	simm.s32 @!p0 $0x7620;
	s0 =	sshra.s32 s0, $0x2;
	[sflag:s24] =	ssyncadd.s32 $0xFFFFEC00  }
0x64: {  	[tilespmem:s25], [sflag:$0x2] =	stream.indirect.gather @!p0 [hbm4b:s2+s22], $0x40, s1, s22, $0xb8;
	[tilespmem:$0x14A20] =	vst v63  }
0x65: {  	s25 =	sadd.s32 $0x2710, s0  }
0x66: {  	[spmem:s3] =	stream.indirect.scatter.add.f32 [tilespmem:s19], [sflag:$0x3], $0x40, s25, s18, $0xb8;
	[tilespmem:$0x14A20] =	vst v63  }
0x67: {  	_ =	swait.ge [sflag:s21], $0x1400  }
.Ltmp3:
0x68: {  	[sflag:s21] =	ssyncset.done $0x0;
	(pc) =	sbr.rel @p0 .LBB2_6-.Ltmp3, $4  }
0x69: {  	[sflag:s21] =	ssyncadd.s32 $0xFFFFEC00  }
0x6a: {  	_ =	swait.ge [sflag:s24], $0x1400  }
0x6b: {  	[sflag:s24] =	ssyncset.done $0x0  }
0x6c: {  	s1 =	sadd.s32 $0x2760, s0;
	[sflag:s24] =	ssyncadd.s32 $0xFFFFEC00  }
0x6d: {  	s22 =	sadd.s32 $0xF0, s0  }
0x6e: {  	[tilespmem:s19], [sflag:$0x2] =	stream.indirect.gather [hbm4b:s2+s18], $0x40, s22, s18, $0xb8;
	[tilespmem:$0x14A20] =	vst v63  }
0x6f: {  	_ = 	snop  }
0x70: {  	[spmem:s3] =	stream.indirect.scatter.add.f32 [tilespmem:s20], [sflag:$0x3], $0x40, s1, s18, $0xb8;
	[tilespmem:$0x14A20] =	vst v63  }
0x71: {  	_ =	swait.ge [sflag:s21], $0x1400  }
0x72: {  	[sflag:s21] =	ssyncset.done $0x0  }
0x73: {  	[sflag:s21] =	ssyncadd.s32 $0xFFFFEC00  }
0x74: {  	_ =	swait.ge [sflag:s24], $0x1400  }
.Ltmp4:
0x75: {  	[sflag:s24] =	ssyncset.done $0x0;
	(pc) =	sbr.rel .LBB2_4-.Ltmp4, $4  }
0x76: {  	s22 =	sadd.s32 $0x140, s0;
	[sflag:s24] =	ssyncadd.s32 $0xFFFFEC00  }
0x77: {  	[tilespmem:s20], [sflag:$0x2] =	stream.indirect.gather [hbm4b:s2+s18], $0x40, s22, s18, $0xb8;
	[tilespmem:$0x14A20] =	vst v63  }
0x78: {  	s25 =	sadd.s32 $0x27B0, s0;
	s31 =	sadd.s32 $0x3C0, s31  }
0x79: {  	[spmem:s3] =	stream.indirect.scatter.add.f32 [tilespmem:s23], [sflag:$0x3], $0x40, s25, s18, $0xb8;
	[tilespmem:$0x14A20] =	vst v63  }
.LBB2_7:
0x7a: {  	_ =	sfence.sel $0x180000  }
0x7b: {  	[bflag:$0x0] =	sbarrier.arrive $0xFFFF  }
0x7c: {  	_ =	strace $0x9000004A  }
0x7d: {  	s0 =	stileid.u32;
	[bflag:$0x2] =	sbarrier.arrive $0xFFFF  }
0x7e: {  	p0 =	sne.s32 s0, $0x0;
	s0 =	rddreg [dreg:$0x3]  }
0x7f: {  	s0 =	sadd.s32 @!p0 $0x100000, s0  }
0x80: {  	[sflag:s0] =	ssyncadd.tile.s32 @!p0 $0x1;
	_ =	shalt  }
.Lfunc_end2:
_tile_overlayer_lowered:
.L_overlay_start_2:
0x81: {  	(tag) =	ssettag $0x2  }
0x82: {  	s0 =	rddreg [dreg:$0x0];
	s2 =	stileid.u32  }
0x83: {  	s1 =	rddreg [dreg:$0x1];
	p0 =	sne.s32 s2, $0x0  }
0x84: {  	s3 =	rddreg [dreg:$0x2];
	[bflag:$0x3] =	sbarrier.arrive $0xFFFF;
	s2 =	simm.s32 @!p0 $0x1C04  }
0x85: {  	[timem:s3], [sflag:s2] =	dma.local @!p0 [hbm:s0], s1  }
0x86: {  	s0 =	simm.s32 @!p0 $0x4  }
0x87: {  	_ =	swait.ge @!p0 [sflag:s0], s1  }
0x88: {  	s1 =	ssub.s32 @!p0 $0x0, s1;
	[sflag:s0] =	ssyncset.done @!p0 $0x0  }
0x89: {  	[sflag:s0] =	ssyncadd.s32 @!p0 s1  }
0x8a: {  	[bflag:$0x3] =	sbarrier.arrive $0xFFFF  }
0x8b: {  	_ =	shalt  }

// kernel: kernel.14.cloned.1.call-start
scs
__scs_entry_jumppad:
0x0: {  	(pc) =	sbr.rel $0x88, $3  }
0x1: {  	(tag) =	ssettag $0x0;
	lr =	simm.s32 $0x1  }
0x2: {  	[smem:$0x3F95] =	sst lr;
	_ =	strace $0xD0000000  }
0x3: {  	_ = 	snop  }
0x4: {  	_ = 	snop  }
0x5: {  	_ = 	snop  }
0x6: {  	_ = 	snop  }
0x7: {  	_ = 	snop  }
__scs_overlays_trampoline_lowered:
0x8: {  	[smem:$0x3FA4] =	sst s0  }
0x9: {  	[smem:$0x3FA5] =	sst s1  }
0xa: {  	[smem:$0x3FA6] =	sst s2  }
0xb: {  	[smem:$0x3FA7] =	sst s3  }
0xc: {  	[smem:$0x3FA8] =	sst s4  }
0xd: {  	[smem:$0x3FA9] =	sst s5  }
0xe: {  	[smem:$0x3FAA] =	sst s6  }
0xf: {  	[smem:$0x3FAB] =	sst s7  }
0x10: {  	[smem:$0x3FAC] =	sst s8  }
0x11: {  	[smem:$0x3FAD] =	sst s9;
	s0 =	simm.s32 @!p0 $0x0  }
0x12: {  	s1 =	sld [smem:$0x3F93];
	s0 =	simm.s32 @p0 $0x1  }
0x13: {  	[smem:$0x3FAE] =	sst s0;
	s0 =	simm.s32 @!p1 $0x0  }
0x14: {  	s2 =	sld [smem:$0x3F92];
	s0 =	simm.s32 @p1 $0x1  }
0x15: {  	[smem:$0x3FAF] =	sst s0;
	s0 =	simm.s32 @!p2 $0x0  }
0x16: {  	s3 =	sld [smem:$0x3FDB];
	s0 =	simm.s32 @p2 $0x1  }
0x17: {  	s4 =	simm.s32 $0x1BF5;
	[smem:$0x3FB1] =	sst s0  }
0x18: {  	s0 =	sld [smem:$0x3F94];
	_ =	swait.ge [sflag:s4], $0x0  }
0x19: {  	s7 =	sld [smem:$0x3F95]  }
0x1a: {  	s8 =	sadd.s32 $0xFFFFE003, lr  }
0x1b: {  	s9 =	sadd.s32 $0xFFFFFEF7, lr;
	s5 =	simm.s32 $0xFFFFFFFF;
	p2 =	slt.u32 s8, $0xFFFFF086  }
0x1c: {  	p1 =	slt.u32 s9, $0xF7A;
	s5 =	simm.s32 @!p2 $0x0  }
0x1d: {  	s5 =	simm.s32 @p1 $0x1;
	p0 =	seq.s32 s7, s2  }
0x1e: {  	s7 =	smul.u32 @!p0 $0xF7A, s2;
	p2 =	seq.s32 @!p0 s5, $0x0  }
0x1f: {  	s9 =	smul.u32 $0xF7A, s1;
	s8 =	simm.s32 @!p0 $0x1BF5;
	p2 =	por !p2, p0  }
0x20: {  	[sflag:s8] =	ssyncset.s32 @!p0 $0xFFFFF086;
	s6 =	sadd.s32 @!p0 s3, s7;
	s7 =	simm.s32 @!p0 $0x108  }
0x21: {  	s3 =	sadd.s32 s3, s9;
	s6 =	sadd.s32 @!p0 $0x88, s6;
	s7 =	simm.s32 @p2 $0x1082  }
0x22: {  	[simem:s7], [sflag:s8] =	dma.local @!p0 [hbm:s6], $0xF7A  }
0x23: {  	s9 =	sor.u32 $0xD0000000, s2;
	s6 =	simm.s32 $0x108;
	_ =	swait.ge @!p0 [sflag:s8], $0x0  }
0x24: {  	s3 =	sadd.s32 $0x88, s3;
	s6 =	simm.s32 @!p1 $0x1082;
	[sflag:s4] =	ssyncset.s32 $0xFFFFF086  }
0x25: {  	[simem:s6], [sflag:s4] =	dma.local [hbm:s3], $0xF7A  }
0x26: {  	[smem:$0x3F95] =	sst s1;
	(tag) =	ssettag s2;
	_ =	strace s9  }
0x27: {  	s1 =	sld [smem:$0x3FA5]  }
0x28: {  	s2 =	sld [smem:$0x3FA6]  }
0x29: {  	s4 =	sld [smem:$0x3FA8]  }
0x2a: {  	p0 =	seq.s32 s5, $0x0;
	s5 =	sld [smem:$0x3FA9]  }
0x2b: {  	s6 =	sld [smem:$0x3FAA]  }
0x2c: {  	s7 =	sld [smem:$0x3FAB]  }
0x2d: {  	s3 =	simm.s32 $0x108;
	s8 =	sld [smem:$0x3FAC]  }
0x2e: {  	s3 =	simm.s32 @!p0 $0x1082;
	s9 =	sld [smem:$0x3FAD]  }
0x2f: {  	lr =	sadd.s32 s0, s3;
	s0 =	sld [smem:$0x3FA4]  }
0x30: {  	s3 =	sld [smem:$0x3FA7]  }
0x31: {  	[smem:$0x3FB0] =	sst s10  }
0x32: {  	s10 =	sld [smem:$0x3FAE];
	_ =	sdelay $0x3  }
0x33: {  	p0 =	seq.s32 s10, $0x1;
	s10 =	sld [smem:$0x3FB0];
	_ =	sdelay $0x3  }
0x34: {  	[smem:$0x3FB0] =	sst s10  }
0x35: {  	s10 =	sld [smem:$0x3FAF];
	_ =	sdelay $0x3  }
0x36: {  	p1 =	seq.s32 s10, $0x1;
	s10 =	sld [smem:$0x3FB0];
	_ =	sdelay $0x3  }
0x37: {  	[smem:$0x3FB0] =	sst s10  }
0x38: {  	s10 =	sld [smem:$0x3FB1]  }
0x39: {  	_ = 	snop;
	(pc) =	sbr.ind lr, $3  }
0x3a: {  	_ = 	snop  }
0x3b: {  	_ = 	snop  }
0x3c: {  	p2 =	seq.s32 s10, $0x1;
	s10 =	sld [smem:$0x3FB0]  }
0x3d: {  	_ =	shalt  }
0x3e: {  	_ =	shalt  }
0x3f: {  	_ =	shalt  }
0x40: {  	_ =	shalt  }
0x41: {  	_ =	shalt  }
0x42: {  	_ =	shalt  }
0x43: {  	_ =	shalt  }
0x44: {  	_ =	shalt  }
0x45: {  	_ =	shalt  }
0x46: {  	_ =	shalt  }
0x47: {  	_ =	shalt  }
0x48: {  	_ =	shalt  }
0x49: {  	_ =	shalt  }
0x4a: {  	_ =	shalt  }
0x4b: {  	_ =	shalt  }
0x4c: {  	_ =	shalt  }
0x4d: {  	_ =	shalt  }
0x4e: {  	_ =	shalt  }
0x4f: {  	_ =	shalt  }
0x50: {  	_ =	shalt  }
0x51: {  	_ =	shalt  }
0x52: {  	_ =	shalt  }
0x53: {  	_ =	shalt  }
0x54: {  	_ =	shalt  }
0x55: {  	_ =	shalt  }
0x56: {  	_ =	shalt  }
0x57: {  	_ =	shalt  }
0x58: {  	_ =	shalt  }
0x59: {  	_ =	shalt  }
0x5a: {  	_ =	shalt  }
0x5b: {  	_ =	shalt  }
0x5c: {  	_ =	shalt  }
0x5d: {  	_ =	shalt  }
0x5e: {  	_ =	shalt  }
0x5f: {  	_ =	shalt  }
0x60: {  	_ =	shalt  }
0x61: {  	_ =	shalt  }
0x62: {  	_ =	shalt  }
0x63: {  	_ =	shalt  }
0x64: {  	_ =	shalt  }
0x65: {  	_ =	shalt  }
0x66: {  	_ =	shalt  }
0x67: {  	_ =	shalt  }
0x68: {  	_ =	shalt  }
0x69: {  	_ =	shalt  }
0x6a: {  	_ =	shalt  }
0x6b: {  	_ =	shalt  }
0x6c: {  	_ =	shalt  }
0x6d: {  	_ =	shalt  }
0x6e: {  	_ =	shalt  }
0x6f: {  	_ =	shalt  }
0x70: {  	_ =	shalt  }
0x71: {  	_ =	shalt  }
0x72: {  	_ =	shalt  }
0x73: {  	_ =	shalt  }
0x74: {  	_ =	shalt  }
0x75: {  	_ =	shalt  }
0x76: {  	_ =	shalt  }
0x77: {  	_ =	shalt  }
0x78: {  	_ =	shalt  }
0x79: {  	_ =	shalt  }
0x7a: {  	_ =	shalt  }
0x7b: {  	_ =	shalt  }
0x7c: {  	_ =	shalt  }
0x7d: {  	_ =	shalt  }
0x7e: {  	_ =	shalt  }
0x7f: {  	_ =	shalt  }
0x80: {  	_ =	shalt  }
0x81: {  	_ =	shalt  }
0x82: {  	_ =	shalt  }
0x83: {  	_ =	shalt  }
0x84: {  	_ =	shalt  }
0x85: {  	_ =	shalt  }
0x86: {  	_ =	shalt  }
0x87: {  	_ =	shalt  }
.Lfunc_end0:
.L_simem_size_0:
called_computation.2_lowered:
.L_overlay_start_0:
0x88: {  	s2 =	sld [smem:$0x3FD9]  }
0x89: {  	s3 =	sld [smem:$0x3FFE];
	_ =	sdelay $0x1  }
0x8a: {  	s1 =	srdreg.scid  }
0x8b: {  	s0 =	sand.u32 $0x1, s1  }
0x8c: {  	s17 =	sshll.u32 s0, $0xA;
	s2 =	sadd.s32 s3, s2  }
0x8d: {  	s2 =	sadd.s32 s2, s17  }
0x8e: {  	[smem:$0x3FBC] =	sst s2  }
0x8f: {  	_ = 	snop  }
0x90: {  	s2 =	sld [smem:$0x3FBF];
	(tm) =	ssettm $0x1  }
0x91: {  	s18 =	sld [smem:$0x3FFB];
	_ =	sdelay $0x3  }
0x92: {  	_ =	strace s18  }
0x93: {  	s3 =	sld [smem:$0x3FFC];
	_ =	sdelay $0x3  }
0x94: {  	_ =	strace s3  }
0x95: {  	s3 =	sld [smem:$0x3FFD];
	_ =	sdelay $0x3  }
0x96: {  	_ =	strace s3  }
0x97: {  	_ =	strace $0x8FFFFFFF  }
0x98: {  	s19 =	sld [smem:$0x3FDB];
	_ =	sdelay $0x1  }
0x99: {  	s4 =	simm.s32 $_scs_section_size  }
0x9a: {  	s5 =	simm.s32 $_size__tile_overlayer_lowered;
	s6 =	simm.s32 $_tile_overlayer_lowered  }
0x9b: {  	s22 =	simm.s32 $0x1BFF;
	s21 =	sshll.u32 s6, $0x1;
	s3 =	sadd.s32 s4, s19  }
0x9c: {  	s7 =	simm.s32 $0x0;
	s20 =	sshll.u32 s5, $0x1;
	s5 =	sadd.s32 s21, s3  }
0x9d: {  	[timem:s7], [sflag:s22] =	dma.local [hbm:s5], s20  }
0x9e: {  	_ =	swait.ge [sflag:s22], s20  }
0x9f: {  	s4 =	ssub.s32 $0x0, s20;
	[sflag:s22] =	ssyncset.done $0x0  }
0xa0: {  	[sflag:s22] =	ssyncadd.s32 s4;
	_ =	sdelay $0x1  }
0xa1: {  	s23 =	simm.s32 $0x1B8B  }
0xa2: {  	_ =	swait.ge [sflag:s23], $0x1  }
0xa3: {  	[sflag:s23] =	ssyncset.done $0x0  }
0xa4: {  	s25 =	simm.s32 $0x1B8E;
	s24 =	sld [smem:$0x3FFE];
	[sflag:s23] =	ssyncadd.s32 $0xFFFFFFFF  }
0xa5: {  	s26 =	simm.s32 $execute0_lowered;
	[smem:$0x3FD2] =	sst s25  }
0xa6: {  	s5 =	sshll.u32 s26, $0x1;
	_ =	strace $0x8000004C;
	[dreg:$0x1] =	wrdreg $0xFFFFFFFF  }
0xa7: {  	s28 =	simm.s32 $_size_execute0_lowered;
	s3 =	sadd.s32 s3, s5;
	[dreg:$0x0] =	wrdreg $0x0  }
0xa8: {  	s5 =	sshll.u32 s28, $0x1;
	[dreg:$0x2] =	wrdreg s3  }
0xa9: {  	[dreg:$0x3] =	wrdreg s5  }
0xaa: {  	[dreg:$0x4] =	wrdreg $0xC0  }
0xab: {  	_ =	task [dreg:s7], $0x5FFFF  }
0xac: {  	[dreg:$0x1] =	wrdreg $0xFFFFFFFF  }
0xad: {  	[dreg:$0x0] =	wrdreg $0x60  }
0xae: {  	[dreg:$0x2] =	wrdreg s24  }
0xaf: {  	[dreg:$0x3] =	wrdreg s2  }
0xb0: {  	[dreg:$0x4] =	wrdreg $0x9  }
0xb1: {  	_ =	task.clear_ibuf [dreg:s7], $0x5FFFF;
	_ =	strace $0x9000004C  }
0xb2: {  	s29 =	simm.s32 $0x9;
	_ =	strace $0x8000004E  }
0xb3: {  	_ =	swait.ge [sflag:s29], $0x1  }
0xb4: {  	[sflag:s29] =	ssyncadd.s32 $0xFFFFFFFF  }
0xb5: {  	_ =	strace $0x9000004E  }
0xb6: {  	_ =	sfence  }
0xb7: {  	s30 =	sld [smem:$0x0];
	_ =	sdelay $0x2  }
0xb8: {  	s31 =	sshll.u32 s1, $0xD;
	s1 =	sshrl.u32 s1, $0x2  }
0xb9: {  	s3 =	sand.u32 $0x4000, s31;
	s1 =	sadd.s32 s1, s30  }
0xba: {  	s0 =	sor.u32 s3, s0;
	s1 =	sshll.u32 s1, $0x11  }
0xbb: {  	s0 =	sor.u32 s1, s0  }
0xbc: {  	s0 =	sadd.s32 $0x8F2B, s0  }
0xbd: {  	[sflag:s0] =	ssyncadd.remote.s32 $0x1  }
0xbe: {  	_ =	sfence.sel $0xFFFF  }
0xbf: {  	[dreg:$0x0] =	wrdreg $0xFFFFFFFF;
	(pc) =	sbr.abs _section_cstart, $3  }
0xc0: {  	[dreg:$0x1] =	wrdreg $0xFFFFFFFF  }
0xc1: {  	_ =	task.clear_ibuf [dreg:s7], $0x2FFFF;
	_ =	strace $0x9FFFFFFF  }
0xc2: {  	(tm) =	ssettm $0x7FFFFFFF  }
0xc3: {  	_ =	shalt  }
tec
execute0_lowered:
.L_overlay_start_1:
0x0: {  	(tag) =	ssettag $0x1  }
0x1: {  	v0 =	vimm.s32 $0x76543210;
	v1 =	vimm.s32 $0xFEDCBA98;
	v2 =	vimm.s32 $0xBA98FEDC  }
0x2: {  	v3 =	vimm.s32 $0x32107654;
	v4 =	vimm.s32 $0xDCFE98BA;
	v5 =	vimm.s32 $0x54761032  }
0x3: {  	vm1 =	vcmask $0x2F20;
	vm2 =	vcmask $0xF00;
	vm3 =	vcmask $0x300  }
0x4: {  	s0 =	rddreg [dreg:$0x0];
	s1 =	srdreg.scid;
	s2 =	simm.s32 $0x0;
	v0 =	vunpack.c.l.s4.s8 v0;
	v2 =	vunpack.c.l.s4.s8 v2;
	v3 =	vunpack.c.l.s4.s8 v3  }
0x5: {  	s4 =	stileid.u32;
	s14 =	simm.s32 $0x3;
	s16 =	simm.s32 $0x4000;
	v1 =	vunpack.c.l.s4.s8 v1;
	v4 =	vunpack.c.l.s4.s8 v4;
	vm1 =	vmor vm2, vm1  }
0x6: {  	s17 =	simm.s32 $0x50;
	s18 =	simm.s32 $0x8000;
	s19 =	simm.s32 $0xF800;
	vm2 =	vcmask $0x1310;
	v2 =	vunpack.c.0.s8.s32 v2;
	v3 =	vunpack.c.0.s8.s32 v3  }
0x7: {  	s21 =	simm.s32 $0xA800;
	s23 =	simm.s32 $0x12000;
	s24 =	simm.s32 $0x1;
	vm2 =	vmor vm3, vm2;
	vm3 =	vcmask $0x2320;
	v0 =	vunpack.c.0.s8.s32 v0  }
0x8: {  	s25 =	simm.s32 $0x17000;
	s28 =	simm.s32 $0x2;
	s29 =	simm.s32 $0x1C000;
	v1 =	vunpack.c.0.s8.s32 v1;
	vm2 =	vmor vm2, vm3;
	v6 =	vcombine.low v3, v2  }
0x9: {  	s30 =	simm.s32 $0xD000;
	s31 =	simm.s32 $0x14800;
	s1 =	sand.u32 $0x1, s1;
	v2 =	vunpack.c.0.s8.s32 v4;
	v3 =	vimm.s32 $0xEFCDAB89;
	v4 =	vimm.s32 $0x67452301  }
0xa: {  	[smem:$0x7FF] =	sst s2;
	s6 =	sadd.s32 $0x5DA00, s0;
	s7 =	sadd.s32 $0x5DC00, s0;
	v1 =	vand.u32 $0xF, v1;
	v3 =	vunpack.c.l.s4.s8 v3;
	v4 =	vunpack.c.l.s4.s8 v4  }
0xb: {  	s3 =	sshll.u32 s1, $0x4;
	_ =	strace $0x8000004D;
	s1 =	ssub.s32 $0x2, s1;
	vm3 =	vcmask $0x3330;
	v0 =	vcombine.low v1, v0;
	v1 =	vunpack.c.l.s4.s8 v5  }
.Ltmp0:
0xc: {  	s3 =	sor.u32 s4, s3;
	s8 =	sshrl.u32 s1, $0x1;
	vm2 =	vmor vm2, vm3;
	v3 =	vunpack.c.0.s8.s32 v3;
	v4 =	vunpack.c.0.s8.s32 v4;
	(pc) =	sbr.rel .LBB2_1-.Ltmp0, $4  }
0xd: {  	s4 =	sadd.s32 $0x1E00, s0;
	s5 =	sshll.u32 s3, $0xB;
	s26 =	ssub.s32 s1, s8;
	v5 =	vlaneseq.u32;
	v1 =	vunpack.c.0.s8.s32 v1  }
0xe: {  	s9 =	sadd.s32 s5, s0;
	s5 =	smul.u32 $0x2710, s3;
	s12 =	smax.u32 s26, $0x1;
	v3 =	vcombine.low v4, v3;
	v4 =	vshrl.u32 v5, $0x2  }
0xf: {  	s26 =	simm.s32 $0x19800;
	s0 =	simm.s32 $0x0;
	s8 =	sadd.s32 $0x4DA00, s9;
	v1 =	vcombine.low v1, v2;
	v2 =	vshrl.u32 v5, $0x3;
	v5 =	vand.u32 $0x1, v4  }
0x10: {  	vm0 =	vmmov $0xff;
	s9 =	sadd.s32 $0x3DA00, s9;
	s10 =	sadd.s32 $0x50, s5;
	s11 =	sadd.s32 $0xA0, s5;
	v4 =	vand.u32 $0xF, v6;
	v5 =	vmul.u32 $0x80, v5  }
.LBB2_10:
0x11: {  	_ =	swait.ge [sflag:s28], $0x2800  }
0x12: {  	[sflag:s28] =	ssyncset.done $0x0  }
0x13: {  	s0 =	sadd.s32 $0x1, s0;
	[sflag:s28] =	ssyncadd.s32 $0xFFFFD800  }
0x14: {  	p0 =	sne.s32 s0, s12;
	_ =	swait.ge [sflag:s28], $0x2800  }
.Ltmp1:
0x15: {  	[sflag:s28] =	ssyncset.done $0x0;
	(pc) =	sbr.rel @!p0 .LBB2_11-.Ltmp1, $4  }
0x16: {  	[sflag:s28] =	ssyncadd.s32 $0xFFFFD800  }
0x17: {  	_ =	swait.ge [sflag:s28], $0x2800  }
0x18: {  	[sflag:s28] =	ssyncset.done $0x0  }
0x19: {  	[sflag:s28] =	ssyncadd.s32 $0xFFFFD800  }
.LBB2_1:
0x1a: {  	s1 =	rddreg [dreg:$0x1];
	s3 =	simm.s32 $0x1E800  }
0x1b: {  	[tilespmem:s3], [sflag:$0x3] =	stream.linear.gather [hbm4b:s1+s2], $0x100, $0x38;
	[tilespmem:$0x1E980] =	vst v63  }
0x1c: {  	_ =	swait.ge [sflag:s14], $0x100  }
0x1d: {  	[sflag:s14] =	ssyncset.done $0x0  }
0x1e: {  	s15 =	simm.s32 $0x1E900;
	[sflag:s14] =	ssyncadd.s32 $0xFFFFFF00  }
0x1f: {  	[tilespmem:s15], [sflag:$0x3] =	stream.linear.gather [hbm4b:s6+s2], $0x80, $0x38;
	[tilespmem:$0x1E980] =	vst v63  }
0x20: {  	_ =	swait.ge [sflag:s14], $0x80  }
0x21: {  	[sflag:s14] =	ssyncset.done $0x0  }
0x22: {  	[sflag:s14] =	ssyncadd.s32 $0xFFFFFF80  }
0x23: {  	[tilespmem:s2], [sflag:$0x3] =	stream.linear.gather [hbm4b:s8+s2], $0x3E80, $0x38;
	[tilespmem:$0x1E980] =	vst v63  }
0x24: {  	_ =	swait.ge [sflag:s14], $0x3E80  }
0x25: {  	[sflag:s14] =	ssyncset.done $0x0  }
0x26: {  	[sflag:s14] =	ssyncadd.s32 $0xFFFFC180  }
0x27: {  	[tilespmem:s16], [sflag:$0x3] =	stream.linear.gather [hbm4b:s9+s2], $0x3E80, $0x38;
	[tilespmem:$0x1E980] =	vst v63  }
0x28: {  	_ =	swait.ge [sflag:s14], $0x3E80  }
0x29: {  	[sflag:s14] =	ssyncset.done $0x0  }
0x2a: {  	[sflag:s14] =	ssyncadd.s32 $0xFFFFC180  }
0x2b: {  	v6 =	vld [tilespmem:$0x1E800]  }
0x2c: {  	v7 =	vld [tilespmem:$0x1E810]  }
0x2d: {  	v8 =	vld [tilespmem:$0x1E820]  }
0x2e: {  	v9 =	vld [tilespmem:$0x1E830]  }
0x2f: {  	v10 =	vld [tilespmem:$0x1E880]  }
0x30: {  	v11 =	vld [tilespmem:$0x1E890]  }
0x31: {  	v12 =	vld [tilespmem:$0x1E8A0]  }
0x32: {  	v13 =	vld [tilespmem:$0x1E8B0]  }
0x33: {  	v14 =	vld [tilespmem:$0x1E900];
	[tilespmem:s18], [sflag:$0x1] =	stream.indirect.gather [hbm4b:s4+s17], $0x80, s2, s17, $0xb8  }
0x34: {  	_ = 	snop  }
0x35: {  	[tilespmem:s19], [sflag:$0x1] =	stream.indirect.gather [hbm4b:s4+s17], $0x80, s16, s17, $0xb8;
	[tilespmem:$0x1E980] =	vst v63  }
0x36: {  	s20 =	simm.s32 $0x80  }
0x37: {  	[tilespmem:s21], [sflag:$0x1] =	stream.indirect.gather [hbm4b:s4+s17], $0x80, s20, s17, $0xb8;
	[tilespmem:$0x1E980] =	vst v63  }
0x38: {  	s22 =	simm.s32 $0x4080;
	s3 =	simm.s32 $0x0  }
0x39: {  	v14 =	vperm.xlane v14, v2;
	[tilespmem:s23], [sflag:$0x1] =	stream.indirect.gather [hbm4b:s4+s17], $0x80, s22, s17, $0xb8;
	[tilespmem:$0x1E980] =	vst v63  }
.LBB2_2:
0x3a: {  	_ =	swait.ge [sflag:s24], $0x2800  }
0x3b: {  	[sflag:s24] =	ssyncset.done $0x0  }
0x3c: {  	[sflag:s24] =	ssyncadd.s32 $0xFFFFD800  }
0x3d: {  	_ =	swait.ge [sflag:s24], $0x2800  }
0x3e: {  	p0 =	seq.s32 s3, $0x0;
	[sflag:s24] =	ssyncset.done $0x0  }
0x3f: {  	s1 =	simm.s32 @!p0 $0x2;
	[sflag:s24] =	ssyncadd.s32 $0xFFFFD800  }
0x40: {  	p1 =	seq.s32 @!p0 s3, $0x29;
	_ =	swait.ge @!p0 [sflag:s1], $0x2800  }
0x41: {  	p1 =	por p0, !p1;
	[sflag:s1] =	ssyncset.done @!p0 $0x0  }
0x42: {  	[sflag:s1] =	ssyncadd.s32 @!p0 $0xFFFFD800;
	s1 =	smul.u32 @p1 $0x180, s3;
	_ =	sdelay $0x1  }
0x43: {  	s13 =	sadd.s32 @p1 $0x100, s1  }
0x44: {  	[tilespmem:s30], [sflag:$0x1] =	stream.indirect.gather @p1 [hbm4b:s4+s17], $0x80, s13, s17, $0xb8;
	[tilespmem:$0x1E980] =	vst v63  }
0x45: {  	s1 =	sadd.s32 @p1 $0x4100, s1  }
0x46: {  	[tilespmem:s31], [sflag:$0x1] =	stream.indirect.gather @p1 [hbm4b:s4+s17], $0x80, s1, s17, $0xb8;
	[tilespmem:$0x1E980] =	vst v63  }
0x47: {  	s1 =	simm.s32 $0xF8C0  }
0x48: {  	s13 =	simm.s32 $0x8080;
	v15 =	vld [tilespmem:s1+$0x30]  }
0x49: {  	v16 =	vld [tilespmem:s13+$0x10]  }
0x4a: {  	v17 =	vld [tilespmem:s1+$0x10]  }
0x4b: {  	v18 =	vld [tilespmem:s13+$0x30]  }
0x4c: {  	v19 =	vld [tilespmem:s13+$0xFFFFFF80]  }
0x4d: {  	v20 =	vld [tilespmem:s1+$0x20]  }
0x4e: {  	v21 =	vld [tilespmem:s13+$0x20]  }
0x4f: {  	v23 =	vld [tilespmem:s1+$0x0]  }
0x50: {  	v24 =	vld [tilespmem:s13+$0x0]  }
0x51: {  	v55 =	vld [tilespmem:s1+$0xFFFFFFA0]  }
0x52: {  	v25 =	vld [tilespmem:s13+$0xFFFFFFA0]  }
0x53: {  	v22 =	vld [tilespmem:s1+$0xFFFFFF90]  }
0x54: {  	v16 =	vadd.f32 v17, v16;
	v17 =	vld [tilespmem:s13+$0xFFFFFF90]  }
0x55: {  	v15 =	vadd.f32 v15, v18;
	v18 =	vld [tilespmem:s1+$0xFFFFFF80]  }
0x56: {  	v20 =	vadd.f32 v20, v21  }
0x57: {  	v23 =	vadd.f32 v23, v24;
	v21 =	vadd.f32 v55, v25;
	v15 =	vmax.f32 v15, $0.0e+00  }
0x58: {  	v16 =	vmax.f32 v16, $0.0e+00;
	v20 =	vmax.f32 v20, $0.0e+00;
	v56 =	vmul.f32 v15, v9  }
0x59: {  	v57 =	vld [tilespmem:s1+$0xFFFFFFB0];
	v23 =	vmax.f32 v23, $0.0e+00;
	v26 =	vmul.f32 v20, v8;
	v20 =	vmul.f32 v20, v12  }
0x5a: {  	v27 =	vmul.f32 v16, v11;
	v17 =	vadd.f32 v22, v17;
	v18 =	vadd.f32 v18, v19;
	v19 =	vld [tilespmem:s13+$0xFFFFFFB0]  }
0x5b: {  	v21 =	vmax.f32 v21, $0.0e+00;
	v28 =	vmul.f32 v23, v6;
	v23 =	vmul.f32 v23, v10  }
0x5c: {  	v16 =	vmul.f32 v16, v7;
	v17 =	vmax.f32 v17, $0.0e+00;
	v18 =	vmax.f32 v18, $0.0e+00  }
0x5d: {  	v23 =	vadd.f32 v27, v23;
	v29 =	vmul.f32 v17, v11;
	v58 =	vmul.f32 v18, v10  }
0x5e: {  	v16 =	vadd.f32 v16, v28;
	v18 =	vmul.f32 v18, v6;
	v17 =	vmul.f32 v17, v7  }
0x5f: {  	v15 =	vmul.f32 v15, v13;
	v20 =	vadd.f32 v20, v23;
	v19 =	vadd.f32 v57, v19  }
0x60: {  	v59 =	vmul.f32 v21, v12;
	v17 =	vadd.f32 v17, v18;
	v18 =	vadd.f32 v29, v58  }
0x61: {  	v16 =	vadd.f32 v26, v16;
	v15 =	vadd.f32 v15, v20;
	v19 =	vmax.f32 v19, $0.0e+00  }
0x62: {  	v21 =	vmul.f32 v21, v8;
	v18 =	vadd.f32 v59, v18;
	v60 =	vmul.f32 v19, v13  }
0x63: {  	v16 =	vadd.f32 v56, v16;
	v61 =	vperm.xlane v15, v0  }
0x64: {  	v17 =	vadd.f32 v21, v17;
	v19 =	vmul.f32 v19, v9;
	v18 =	vadd.f32 v60, v18  }
0x65: {  	v62 =	vperm.xlane v16, v0  }
0x66: {  	v15 =	vadd.f32 v15, v61;
	v17 =	vadd.f32 v19, v17;
	v19 =	vperm.xlane v18, v0  }
0x67: {  	v16 =	vadd.f32 v16, v62  }
0x68: {  	v15 =	vperm.xlane v15, v0;
	v63 =	vperm.xlane v17, v0;
	v18 =	vadd.f32 v18, v19;
	_ =	sdelay $0x1  }
0x69: {  	v15 =	vsel vm0, v16, v15;
	v17 =	vadd.f32 v17, v63;
	v18 =	vperm.xlane v18, v0  }
0x6a: {  	v16 =	vperm.xlane v15, v4  }
0x6b: {  	v17 =	vsel vm0, v17, v18  }
0x6c: {  	v15 =	vadd.f32 v15, v16;
	v18 =	vperm.xlane v17, v4;
	_ =	sdelay $0x1  }
0x6d: {  	v15 =	vperm.xlane v15, v4;
	v16 =	vadd.f32 v17, v18;
	_ =	sdelay $0x1  }
0x6e: {  	v15 =	vsel vm1, v16, v15  }
0x6f: {  	v16 =	vperm.xlane v15, v1;
	_ =	sdelay $0x1  }
0x70: {  	v15 =	vadd.f32 v16, v15  }
0x71: {  	s15 =	simm.s32 $0x0  }
0x72: {  	v17 =	vmov s15;
	v16 =	vperm.xlane v15, v3  }
0x73: {  	v17 =	vshll.u32 v17, $0x7  }
0x74: {  	v16 =	vadd.f32 v16, v15;
	v15 =	vor.u32 v5, v17  }
0x75: {  	v15 =	vor.u32 v2, v15;
	_ =	sdelay $0x2  }
0x76: {  	s15 =	simm.s32 $0x2;
	v16 =	vadd.f32 v16, v14  }
.LBB2_3:
0x77: {  	p2 =	sne.s32 s15, $0x4E;
	s13 =	sadd.s32 $0x100, s13;
	s1 =	sadd.s32 $0x100, s1  }
0x78: {  	s20 =	smov.u32 s15;
	s15 =	sadd.s32 $0x2, s15;
	[tilespmem:v15+s25+$0x0] =	vst.idx.msk vm2, v16  }
0x79: {  	v15 =	vld [tilespmem:s1+$0x30]  }
0x7a: {  	v16 =	vld [tilespmem:s13+$0x10]  }
0x7b: {  	v17 =	vld [tilespmem:s1+$0x10]  }
0x7c: {  	v18 =	vld [tilespmem:s13+$0x30]  }
0x7d: {  	v19 =	vld [tilespmem:s13+$0xFFFFFF80]  }
0x7e: {  	v20 =	vld [tilespmem:s1+$0x20]  }
0x7f: {  	v21 =	vld [tilespmem:s13+$0x20]  }
0x80: {  	v22 =	vld [tilespmem:s1+$0xFFFFFF90];
	v16 =	vadd.f32 v17, v16  }
0x81: {  	v17 =	vld [tilespmem:s1+$0x0];
	v15 =	vadd.f32 v15, v18  }
0x82: {  	v18 =	vld [tilespmem:s13+$0x0];
	v16 =	vmax.f32 v16, $0.0e+00  }
0x83: {  	v23 =	vld [tilespmem:s13+$0xFFFFFF90];
	v15 =	vmax.f32 v15, $0.0e+00  }
0x84: {  	v24 =	vld [tilespmem:s1+$0xFFFFFF80];
	v20 =	vadd.f32 v20, v21  }
0x85: {  	v21 =	vld [tilespmem:s1+$0xFFFFFFA0]  }
0x86: {  	v25 =	vld [tilespmem:s13+$0xFFFFFFA0];
	v20 =	vmax.f32 v20, $0.0e+00  }
0x87: {  	v17 =	vadd.f32 v17, v18;
	v18 =	vmul.f32 v15, v9;
	v15 =	vmul.f32 v15, v13  }
0x88: {  	v26 =	vmul.f32 v20, v8;
	v20 =	vmul.f32 v20, v12;
	v22 =	vadd.f32 v22, v23;
	v23 =	vld [tilespmem:s1+$0xFFFFFFB0]  }
0x89: {  	v27 =	vmul.f32 v16, v11;
	v19 =	vadd.f32 v24, v19;
	v24 =	vld [tilespmem:s13+$0xFFFFFFB0];
	v17 =	vmax.f32 v17, $0.0e+00  }
0x8a: {  	v22 =	vmax.f32 v22, $0.0e+00;
	v28 =	vmul.f32 v17, v6;
	v17 =	vmul.f32 v17, v10  }
0x8b: {  	v16 =	vmul.f32 v16, v7;
	v19 =	vmax.f32 v19, $0.0e+00;
	v29 =	vmul.f32 v22, v11  }
0x8c: {  	v21 =	vadd.f32 v21, v25;
	v25 =	vmul.f32 v19, v10;
	v17 =	vadd.f32 v27, v17  }
0x8d: {  	v22 =	vmul.f32 v22, v7;
	v19 =	vmul.f32 v19, v6;
	v16 =	vadd.f32 v16, v28  }
0x8e: {  	v21 =	vmax.f32 v21, $0.0e+00;
	v23 =	vadd.f32 v23, v24;
	v17 =	vadd.f32 v20, v17  }
0x8f: {  	v19 =	vadd.f32 v22, v19;
	v20 =	vadd.f32 v29, v25;
	v22 =	vmul.f32 v21, v12  }
0x90: {  	v21 =	vmul.f32 v21, v8;
	v23 =	vmax.f32 v23, $0.0e+00;
	v15 =	vadd.f32 v15, v17  }
0x91: {  	v16 =	vadd.f32 v26, v16;
	v17 =	vadd.f32 v22, v20;
	v20 =	vmul.f32 v23, v13  }
0x92: {  	v19 =	vadd.f32 v21, v19;
	v21 =	vmul.f32 v23, v9;
	v22 =	vperm.xlane v15, v0  }
0x93: {  	v16 =	vadd.f32 v18, v16;
	v17 =	vadd.f32 v20, v17  }
0x94: {  	v18 =	vadd.f32 v21, v19;
	v15 =	vadd.f32 v15, v22  }
0x95: {  	v20 =	vperm.xlane v16, v0;
	v19 =	vperm.xlane v17, v0  }
0x96: {  	v21 =	vperm.xlane v18, v0;
	v15 =	vperm.xlane v15, v0  }
0x97: {  	v16 =	vadd.f32 v16, v20;
	v17 =	vadd.f32 v17, v19  }
0x98: {  	v18 =	vadd.f32 v18, v21  }
0x99: {  	v15 =	vsel vm0, v16, v15;
	v17 =	vperm.xlane v17, v0  }
0x9a: {  	v16 =	vperm.xlane v15, v4  }
0x9b: {  	v17 =	vsel vm0, v18, v17  }
0x9c: {  	v15 =	vadd.f32 v15, v16;
	v18 =	vperm.xlane v17, v4;
	_ =	sdelay $0x1  }
0x9d: {  	v15 =	vperm.xlane v15, v4;
	v16 =	vadd.f32 v17, v18;
	_ =	sdelay $0x1  }
0x9e: {  	v15 =	vsel vm1, v16, v15  }
0x9f: {  	v16 =	vperm.xlane v15, v1;
	_ =	sdelay $0x1  }
0xa0: {  	v16 =	vadd.f32 v16, v15;
	v15 =	vmov s20  }
0xa1: {  	v15 =	vshll.u32 v15, $0x7  }
.Ltmp2:
0xa2: {  	v17 =	vperm.xlane v16, v3;
	v15 =	vor.u32 v5, v15;
	(pc) =	sbr.rel @p2 .LBB2_3-.Ltmp2, $3  }
0xa3: {  	v15 =	vor.u32 v2, v15  }
0xa4: {  	v16 =	vadd.f32 v17, v16;
	_ =	sdelay $0x1  }
0xa5: {  	v16 =	vadd.f32 v16, v14  }
0xa6: {  	_ = 	snop  }
0xa7: {  	s1 =	smul.u32 $0xF0, s3;
	_ =	sdelay $0x1  }
0xa8: {  	s13 =	sadd.s32 s5, s1  }
0xa9: {  	s13 =	sshll.u32 s13, $0x4  }
0xaa: {  	[tilespmem:v15+s25+$0x0] =	vst.idx.msk vm2, v16;
	s13 =	sadd.s32 s7, s13  }
0xab: {  	[hbm4b:s13+s2] =	stream.linear.scatter [tilespmem:s25], [sflag:$0x2], $0x2800, $0x38;
	[tilespmem:$0x1E980] =	vst v63  }
0xac: {  	_ =	swait.ge [sflag:s24], $0x2800  }
0xad: {  	[sflag:s24] =	ssyncset.done $0x0  }
0xae: {  	[sflag:s24] =	ssyncadd.s32 $0xFFFFD800  }
0xaf: {  	_ =	swait.ge [sflag:s24], $0x2800  }
0xb0: {  	[sflag:s24] =	ssyncset.done $0x0  }
0xb1: {  	s13 =	simm.s32 @!p0 $0x2;
	[sflag:s24] =	ssyncadd.s32 $0xFFFFD800  }
0xb2: {  	_ =	swait.ge @!p0 [sflag:s13], $0x2800  }
0xb3: {  	[sflag:s13] =	ssyncset.done @!p0 $0x0  }
0xb4: {  	[sflag:s13] =	ssyncadd.s32 @!p0 $0xFFFFD800;
	s13 =	smul.u32 @p1 $0x180, s3;
	_ =	sdelay $0x1  }
0xb5: {  	s15 =	sadd.s32 @p1 $0x180, s13  }
0xb6: {  	[tilespmem:s18], [sflag:$0x1] =	stream.indirect.gather @p1 [hbm4b:s4+s17], $0x80, s15, s17, $0xb8;
	[tilespmem:$0x1E980] =	vst v63  }
0xb7: {  	s13 =	sadd.s32 @p1 $0x4180, s13  }
0xb8: {  	[tilespmem:s19], [sflag:$0x1] =	stream.indirect.gather @p1 [hbm4b:s4+s17], $0x80, s13, s17, $0xb8;
	[tilespmem:$0x1E980] =	vst v63  }
0xb9: {  	s13 =	simm.s32 $0x120F0  }
0xba: {  	s15 =	simm.s32 $0xA8B0;
	v15 =	vld [tilespmem:s13+$0x0]  }
0xbb: {  	v16 =	vld [tilespmem:s15+$0xFFFFFFE0]  }
0xbc: {  	v17 =	vld [tilespmem:s13+$0xFFFFFFE0]  }
0xbd: {  	v18 =	vld [tilespmem:s15+$0x0]  }
0xbe: {  	v19 =	vld [tilespmem:s15+$0xFFFFFF50]  }
0xbf: {  	v20 =	vld [tilespmem:s13+$0xFFFFFFF0]  }
0xc0: {  	v21 =	vld [tilespmem:s15+$0xFFFFFFF0]  }
0xc1: {  	v23 =	vld [tilespmem:s13+$0xFFFFFFD0]  }
0xc2: {  	v24 =	vld [tilespmem:s15+$0xFFFFFFD0]  }
0xc3: {  	v55 =	vld [tilespmem:s13+$0xFFFFFF70]  }
0xc4: {  	v25 =	vld [tilespmem:s15+$0xFFFFFF70]  }
0xc5: {  	v22 =	vld [tilespmem:s13+$0xFFFFFF60]  }
0xc6: {  	v16 =	vadd.f32 v17, v16;
	v17 =	vld [tilespmem:s15+$0xFFFFFF60]  }
0xc7: {  	v15 =	vadd.f32 v15, v18;
	v18 =	vld [tilespmem:s13+$0xFFFFFF50]  }
0xc8: {  	v20 =	vadd.f32 v20, v21  }
0xc9: {  	v23 =	vadd.f32 v23, v24;
	v21 =	vadd.f32 v55, v25;
	v15 =	vmax.f32 v15, $0.0e+00  }
0xca: {  	v16 =	vmax.f32 v16, $0.0e+00;
	v20 =	vmax.f32 v20, $0.0e+00;
	v56 =	vmul.f32 v15, v9  }
0xcb: {  	v57 =	vld [tilespmem:s13+$0xFFFFFF80];
	v23 =	vmax.f32 v23, $0.0e+00;
	v26 =	vmul.f32 v20, v8;
	v20 =	vmul.f32 v20, v12  }
0xcc: {  	v27 =	vmul.f32 v16, v11;
	v17 =	vadd.f32 v22, v17;
	v18 =	vadd.f32 v18, v19;
	v19 =	vld [tilespmem:s15+$0xFFFFFF80]  }
0xcd: {  	v21 =	vmax.f32 v21, $0.0e+00;
	v28 =	vmul.f32 v23, v6;
	v23 =	vmul.f32 v23, v10  }
0xce: {  	v16 =	vmul.f32 v16, v7;
	v17 =	vmax.f32 v17, $0.0e+00;
	v18 =	vmax.f32 v18, $0.0e+00  }
0xcf: {  	v23 =	vadd.f32 v27, v23;
	v29 =	vmul.f32 v17, v11;
	v58 =	vmul.f32 v18, v10  }
0xd0: {  	v16 =	vadd.f32 v16, v28;
	v18 =	vmul.f32 v18, v6;
	v17 =	vmul.f32 v17, v7  }
0xd1: {  	v15 =	vmul.f32 v15, v13;
	v20 =	vadd.f32 v20, v23;
	v19 =	vadd.f32 v57, v19  }
0xd2: {  	v59 =	vmul.f32 v21, v12;
	v17 =	vadd.f32 v17, v18;
	v18 =	vadd.f32 v29, v58  }
0xd3: {  	v16 =	vadd.f32 v26, v16;
	v15 =	vadd.f32 v15, v20;
	v19 =	vmax.f32 v19, $0.0e+00  }
0xd4: {  	v21 =	vmul.f32 v21, v8;
	v18 =	vadd.f32 v59, v18;
	v60 =	vmul.f32 v19, v13  }
0xd5: {  	v16 =	vadd.f32 v56, v16;
	v61 =	vperm.xlane v15, v0  }
0xd6: {  	v17 =	vadd.f32 v21, v17;
	v19 =	vmul.f32 v19, v9;
	v18 =	vadd.f32 v60, v18  }
0xd7: {  	v62 =	vperm.xlane v16, v0  }
0xd8: {  	v15 =	vadd.f32 v15, v61;
	v17 =	vadd.f32 v19, v17;
	v19 =	vperm.xlane v18, v0  }
0xd9: {  	v16 =	vadd.f32 v16, v62  }
0xda: {  	v15 =	vperm.xlane v15, v0;
	v63 =	vperm.xlane v17, v0;
	v18 =	vadd.f32 v18, v19;
	_ =	sdelay $0x1  }
0xdb: {  	v15 =	vsel vm0, v16, v15;
	v17 =	vadd.f32 v17, v63;
	v18 =	vperm.xlane v18, v0  }
0xdc: {  	v16 =	vperm.xlane v15, v4  }
0xdd: {  	v17 =	vsel vm0, v17, v18  }
0xde: {  	v15 =	vadd.f32 v15, v16;
	v18 =	vperm.xlane v17, v4;
	_ =	sdelay $0x1  }
0xdf: {  	v15 =	vperm.xlane v15, v4;
	v16 =	vadd.f32 v17, v18;
	_ =	sdelay $0x1  }
0xe0: {  	v15 =	vsel vm1, v16, v15  }
0xe1: {  	v16 =	vperm.xlane v15, v1;
	_ =	sdelay $0x1  }
0xe2: {  	v15 =	vadd.f32 v16, v15  }
0xe3: {  	s20 =	simm.s32 $0x0  }
0xe4: {  	v17 =	vmov s20;
	v16 =	vperm.xlane v15, v3  }
0xe5: {  	v17 =	vshll.u32 v17, $0x7  }
0xe6: {  	v16 =	vadd.f32 v16, v15;
	v15 =	vor.u32 v5, v17  }
0xe7: {  	v15 =	vor.u32 v2, v15;
	_ =	sdelay $0x2  }
0xe8: {  	s20 =	simm.s32 $0x2;
	v16 =	vadd.f32 v16, v14  }
.LBB2_5:
0xe9: {  	p1 =	sne.s32 s20, $0x4E;
	s15 =	sadd.s32 $0x100, s15;
	s13 =	sadd.s32 $0x100, s13  }
0xea: {  	s22 =	smov.u32 s20;
	s20 =	sadd.s32 $0x2, s20;
	[tilespmem:v15+s26+$0x0] =	vst.idx.msk vm2, v16  }
0xeb: {  	v15 =	vld [tilespmem:s13+$0x0]  }
0xec: {  	v16 =	vld [tilespmem:s15+$0xFFFFFFE0]  }
0xed: {  	v17 =	vld [tilespmem:s13+$0xFFFFFFE0]  }
0xee: {  	v18 =	vld [tilespmem:s15+$0x0]  }
0xef: {  	v19 =	vld [tilespmem:s15+$0xFFFFFF50]  }
0xf0: {  	v20 =	vld [tilespmem:s13+$0xFFFFFFF0]  }
0xf1: {  	v21 =	vld [tilespmem:s15+$0xFFFFFFF0]  }
0xf2: {  	v22 =	vld [tilespmem:s13+$0xFFFFFF60];
	v16 =	vadd.f32 v17, v16  }
0xf3: {  	v17 =	vld [tilespmem:s13+$0xFFFFFFD0];
	v15 =	vadd.f32 v15, v18  }
0xf4: {  	v18 =	vld [tilespmem:s15+$0xFFFFFFD0];
	v16 =	vmax.f32 v16, $0.0e+00  }
0xf5: {  	v23 =	vld [tilespmem:s15+$0xFFFFFF60];
	v15 =	vmax.f32 v15, $0.0e+00  }
0xf6: {  	v24 =	vld [tilespmem:s13+$0xFFFFFF50];
	v20 =	vadd.f32 v20, v21  }
0xf7: {  	v21 =	vld [tilespmem:s13+$0xFFFFFF70]  }
0xf8: {  	v25 =	vld [tilespmem:s15+$0xFFFFFF70];
	v20 =	vmax.f32 v20, $0.0e+00  }
0xf9: {  	v17 =	vadd.f32 v17, v18;
	v18 =	vmul.f32 v15, v9;
	v15 =	vmul.f32 v15, v13  }
0xfa: {  	v26 =	vmul.f32 v20, v8;
	v20 =	vmul.f32 v20, v12;
	v22 =	vadd.f32 v22, v23;
	v23 =	vld [tilespmem:s13+$0xFFFFFF80]  }
0xfb: {  	v27 =	vmul.f32 v16, v11;
	v19 =	vadd.f32 v24, v19;
	v24 =	vld [tilespmem:s15+$0xFFFFFF80];
	v17 =	vmax.f32 v17, $0.0e+00  }
0xfc: {  	v22 =	vmax.f32 v22, $0.0e+00;
	v28 =	vmul.f32 v17, v6;
	v17 =	vmul.f32 v17, v10  }
0xfd: {  	v16 =	vmul.f32 v16, v7;
	v19 =	vmax.f32 v19, $0.0e+00;
	v29 =	vmul.f32 v22, v11  }
0xfe: {  	v21 =	vadd.f32 v21, v25;
	v25 =	vmul.f32 v19, v10;
	v17 =	vadd.f32 v27, v17  }
0xff: {  	v22 =	vmul.f32 v22, v7;
	v19 =	vmul.f32 v19, v6;
	v16 =	vadd.f32 v16, v28  }
0x100: {  	v21 =	vmax.f32 v21, $0.0e+00;
	v23 =	vadd.f32 v23, v24;
	v17 =	vadd.f32 v20, v17  }
0x101: {  	v19 =	vadd.f32 v22, v19;
	v20 =	vadd.f32 v29, v25;
	v22 =	vmul.f32 v21, v12  }
0x102: {  	v21 =	vmul.f32 v21, v8;
	v23 =	vmax.f32 v23, $0.0e+00;
	v15 =	vadd.f32 v15, v17  }
0x103: {  	v16 =	vadd.f32 v26, v16;
	v17 =	vadd.f32 v22, v20;
	v20 =	vmul.f32 v23, v13  }
0x104: {  	v19 =	vadd.f32 v21, v19;
	v21 =	vmul.f32 v23, v9;
	v22 =	vperm.xlane v15, v0  }
0x105: {  	v16 =	vadd.f32 v18, v16;
	v17 =	vadd.f32 v20, v17  }
0x106: {  	v18 =	vadd.f32 v21, v19;
	v15 =	vadd.f32 v15, v22  }
0x107: {  	v20 =	vperm.xlane v16, v0;
	v19 =	vperm.xlane v17, v0  }
0x108: {  	v21 =	vperm.xlane v18, v0;
	v15 =	vperm.xlane v15, v0  }
0x109: {  	v16 =	vadd.f32 v16, v20;
	v17 =	vadd.f32 v17, v19  }
0x10a: {  	v18 =	vadd.f32 v18, v21  }
0x10b: {  	v15 =	vsel vm0, v16, v15;
	v17 =	vperm.xlane v17, v0  }
0x10c: {  	v16 =	vperm.xlane v15, v4  }
0x10d: {  	v17 =	vsel vm0, v18, v17  }
0x10e: {  	v15 =	vadd.f32 v15, v16;
	v18 =	vperm.xlane v17, v4;
	_ =	sdelay $0x1  }
0x10f: {  	v15 =	vperm.xlane v15, v4;
	v16 =	vadd.f32 v17, v18;
	_ =	sdelay $0x1  }
0x110: {  	v15 =	vsel vm1, v16, v15  }
0x111: {  	v16 =	vperm.xlane v15, v1;
	_ =	sdelay $0x1  }
0x112: {  	v16 =	vadd.f32 v16, v15;
	v15 =	vmov s22  }
0x113: {  	v15 =	vshll.u32 v15, $0x7  }
.Ltmp3:
0x114: {  	v17 =	vperm.xlane v16, v3;
	v15 =	vor.u32 v5, v15;
	(pc) =	sbr.rel @p1 .LBB2_5-.Ltmp3, $3  }
0x115: {  	v15 =	vor.u32 v2, v15  }
0x116: {  	v16 =	vadd.f32 v17, v16;
	_ =	sdelay $0x1  }
0x117: {  	v16 =	vadd.f32 v16, v14  }
0x118: {  	_ = 	snop  }
0x119: {  	p1 =	seq.s32 s3, $0x29  }
.Ltmp4:
0x11a: {  	_ = 	snop;
	(pc) =	sbr.rel @p1 .LBB2_10-.Ltmp4, $4  }
0x11b: {  	s13 =	sadd.s32 s10, s1  }
0x11c: {  	s13 =	sshll.u32 s13, $0x4  }
0x11d: {  	[tilespmem:v15+s26+$0x0] =	vst.idx.msk vm2, v16;
	s13 =	sadd.s32 s7, s13  }
0x11e: {  	[hbm4b:s13+s2] =	stream.linear.scatter [tilespmem:s26], [sflag:$0x2], $0x2800, $0x38;
	[tilespmem:$0x1E980] =	vst v63  }
0x11f: {  	_ =	swait.ge [sflag:s24], $0x2800  }
0x120: {  	[sflag:s24] =	ssyncset.done $0x0  }
0x121: {  	[sflag:s24] =	ssyncadd.s32 $0xFFFFD800  }
0x122: {  	_ =	swait.ge [sflag:s24], $0x2800  }
0x123: {  	[sflag:s24] =	ssyncset.done $0x0  }
0x124: {  	s13 =	simm.s32 @!p0 $0x2;
	[sflag:s24] =	ssyncadd.s32 $0xFFFFD800  }
0x125: {  	s15 =	smul.u32 $0x180, s3;
	_ =	swait.ge @!p0 [sflag:s13], $0x2800  }
0x126: {  	[sflag:s13] =	ssyncset.done @!p0 $0x0  }
0x127: {  	s20 =	sadd.s32 $0x200, s15;
	[sflag:s13] =	ssyncadd.s32 @!p0 $0xFFFFD800  }
0x128: {  	[tilespmem:s21], [sflag:$0x1] =	stream.indirect.gather [hbm4b:s4+s17], $0x80, s20, s17, $0xb8;
	[tilespmem:$0x1E980] =	vst v63  }
0x129: {  	s22 =	sadd.s32 $0x4200, s15;
	s15 =	simm.s32 $0x0;
	s13 =	simm.s32 $0x0  }
0x12a: {  	v15 =	vmov s15;
	[tilespmem:s23], [sflag:$0x1] =	stream.indirect.gather [hbm4b:s4+s17], $0x80, s22, s17, $0xb8;
	[tilespmem:$0x1E980] =	vst v63  }
0x12b: {  	v15 =	vshll.u32 v15, $0x7;
	v16 =	vld [tilespmem:s13+$0xD080]  }
0x12c: {  	v15 =	vor.u32 v5, v15;
	s20 =	simm.s32 $0x400;
	v17 =	vld [tilespmem:s13+$0xD000]  }
.LBB2_8:
0x12d: {  	p0 =	sne.s32 s20, $0x9C00  }
0x12e: {  	v18 =	vld [tilespmem:s13+$0x148E0];
	s15 =	sadd.s32 $0x2, s15;
	s22 =	smov.u32 s20;
	s20 =	sadd.s32 $0x400, s20  }
0x12f: {  	v19 =	vmov s15;
	v20 =	vld [tilespmem:s13+$0xD0A0]  }
0x130: {  	v19 =	vshll.u32 v19, $0x7;
	v21 =	vld [tilespmem:s13+$0x148D0]  }
0x131: {  	v19 =	vor.u32 v5, v19;
	v22 =	vld [tilespmem:s13+$0x14850]  }
0x132: {  	v23 =	vld [tilespmem:s13+$0x14840]  }
0x133: {  	v24 =	vld [tilespmem:s13+$0xD010]  }
0x134: {  	v25 =	vld [tilespmem:s13+$0xD090]  }
0x135: {  	v18 =	vadd.f32 v18, v20;
	v26 =	vld [tilespmem:s13+$0x148C0]  }
0x136: {  	v20 =	vld [tilespmem:s13+$0x148F0]  }
0x137: {  	v18 =	vmax.f32 v18, $0.0e+00;
	v17 =	vadd.f32 v23, v17;
	v23 =	vld [tilespmem:s13+$0xD020]  }
0x138: {  	v28 =	vmul.f32 v18, v8;
	v27 =	vld [tilespmem:s13+$0x14860]  }
0x139: {  	v18 =	vmul.f32 v18, v12;
	v22 =	vadd.f32 v22, v24;
	v24 =	vld [tilespmem:s13+$0xD0B0]  }
0x13a: {  	s22 =	sshra.s32 s22, $0x2;
	v17 =	vmax.f32 v17, $0.0e+00;
	v21 =	vadd.f32 v21, v25;
	v29 =	vld [tilespmem:s13+$0x14870];
	v16 =	vadd.f32 v26, v16  }
0x13b: {  	v22 =	vmax.f32 v22, $0.0e+00;
	v25 =	vld [tilespmem:s13+$0xD030];
	s13 =	smov.u32 s22  }
0x13c: {  	v26 =	vmul.f32 v17, v10;
	v30 =	vmul.f32 v22, v11;
	v16 =	vmax.f32 v16, $0.0e+00  }
0x13d: {  	v17 =	vmul.f32 v17, v6;
	v22 =	vmul.f32 v22, v7;
	v21 =	vmax.f32 v21, $0.0e+00  }
0x13e: {  	v23 =	vadd.f32 v27, v23;
	v26 =	vadd.f32 v30, v26;
	v27 =	vmul.f32 v21, v7  }
0x13f: {  	v17 =	vadd.f32 v22, v17;
	v22 =	vmul.f32 v16, v6;
	v20 =	vadd.f32 v20, v24  }
0x140: {  	v16 =	vmul.f32 v16, v10;
	v21 =	vmul.f32 v21, v11;
	v24 =	vadd.f32 v29, v25  }
0x141: {  	v23 =	vmax.f32 v23, $0.0e+00;
	v22 =	vadd.f32 v27, v22  }
0x142: {  	v16 =	vadd.f32 v21, v16;
	v20 =	vmax.f32 v20, $0.0e+00;
	v24 =	vmax.f32 v24, $0.0e+00  }
0x143: {  	v21 =	vmul.f32 v23, v12;
	v22 =	vadd.f32 v28, v22;
	v25 =	vmul.f32 v24, v9  }
0x144: {  	v16 =	vadd.f32 v18, v16;
	v18 =	vmul.f32 v20, v13;
	v24 =	vmul.f32 v24, v13  }
0x145: {  	v23 =	vmul.f32 v23, v8;
	v20 =	vmul.f32 v20, v9;
	v21 =	vadd.f32 v21, v26  }
0x146: {  	v16 =	vadd.f32 v18, v16  }
0x147: {  	v20 =	vadd.f32 v20, v22;
	v18 =	vadd.f32 v24, v21  }
0x148: {  	v17 =	vadd.f32 v23, v17;
	v21 =	vperm.xlane v16, v0  }
0x149: {  	v23 =	vperm.xlane v20, v0;
	v22 =	vperm.xlane v18, v0  }
0x14a: {  	v17 =	vadd.f32 v25, v17;
	v16 =	vadd.f32 v16, v21  }
0x14b: {  	v20 =	vadd.f32 v20, v23;
	v18 =	vadd.f32 v18, v22  }
0x14c: {  	v21 =	vperm.xlane v17, v0;
	v16 =	vperm.xlane v16, v0  }
0x14d: {  	v18 =	vperm.xlane v18, v0  }
0x14e: {  	v17 =	vadd.f32 v17, v21;
	v16 =	vsel vm0, v20, v16  }
0x14f: {  	v20 =	vperm.xlane v16, v4  }
0x150: {  	v17 =	vsel vm0, v17, v18  }
0x151: {  	v18 =	vperm.xlane v17, v4;
	v16 =	vadd.f32 v16, v20;
	_ =	sdelay $0x1  }
0x152: {  	v17 =	vadd.f32 v17, v18;
	v16 =	vperm.xlane v16, v4;
	_ =	sdelay $0x1  }
0x153: {  	v16 =	vsel vm1, v17, v16  }
0x154: {  	v17 =	vperm.xlane v16, v1;
	_ =	sdelay $0x1  }
0x155: {  	v16 =	vadd.f32 v17, v16;
	_ =	sdelay $0x1  }
0x156: {  	v17 =	vperm.xlane v16, v3  }
0x157: {  	v18 =	vor.u32 v2, v15;
	v15 =	vmov v19  }
0x158: {  	v16 =	vadd.f32 v17, v16;
	_ =	sdelay $0x1  }
.Ltmp5:
0x159: {  	v16 =	vadd.f32 v16, v14;
	(pc) =	sbr.rel @p0 .LBB2_8-.Ltmp5, $4  }
0x15a: {  	_ = 	snop  }
0x15b: {  	[tilespmem:v18+s29+$0x0] =	vst.idx.msk vm2, v16  }
0x15c: {  	v16 =	vld [tilespmem:s13+$0xD080]  }
0x15d: {  	v17 =	vld [tilespmem:s13+$0xD000]  }
0x15e: {  	v18 =	vld [tilespmem:s13+$0x148E0]  }
0x15f: {  	v19 =	vld [tilespmem:s13+$0xD0A0]  }
0x160: {  	v20 =	vld [tilespmem:s13+$0x148D0]  }
0x161: {  	v21 =	vld [tilespmem:s13+$0x14850]  }
0x162: {  	v22 =	vld [tilespmem:s13+$0x14840]  }
0x163: {  	v23 =	vld [tilespmem:s13+$0xD010]  }
0x164: {  	v24 =	vld [tilespmem:s13+$0xD090]  }
0x165: {  	v25 =	vld [tilespmem:s13+$0x148C0]  }
0x166: {  	v47 =	vld [tilespmem:s13+$0x148F0]  }
0x167: {  	v48 =	vld [tilespmem:s13+$0xD020]  }
0x168: {  	v26 =	vld [tilespmem:s13+$0x14860]  }
0x169: {  	v27 =	vld [tilespmem:s13+$0xD0B0]  }
0x16a: {  	v28 =	vld [tilespmem:s13+$0x14870]  }
0x16b: {  	v50 =	vld [tilespmem:s13+$0xD030];
	_ =	sdelay $0x1  }
0x16c: {  	v18 =	vadd.f32 v18, v19;
	v17 =	vadd.f32 v22, v17  }
0x16d: {  	v21 =	vadd.f32 v21, v23;
	v16 =	vadd.f32 v25, v16  }
0x16e: {  	v20 =	vadd.f32 v20, v24;
	v22 =	vadd.f32 v26, v48  }
0x16f: {  	v19 =	vadd.f32 v47, v27;
	v54 =	vadd.f32 v28, v50;
	v18 =	vmax.f32 v18, $0.0e+00  }
0x170: {  	v17 =	vmax.f32 v17, $0.0e+00;
	v21 =	vmax.f32 v21, $0.0e+00;
	v49 =	vmul.f32 v18, v8  }
0x171: {  	v20 =	vmax.f32 v20, $0.0e+00;
	v18 =	vmul.f32 v18, v12;
	v51 =	vmul.f32 v17, v10  }
0x172: {  	v16 =	vmax.f32 v16, $0.0e+00;
	v29 =	vmul.f32 v21, v11;
	v52 =	vmul.f32 v20, v7  }
0x173: {  	v22 =	vmax.f32 v22, $0.0e+00;
	v53 =	vmul.f32 v16, v10;
	v20 =	vmul.f32 v20, v11  }
0x174: {  	v19 =	vmax.f32 v19, $0.0e+00;
	v17 =	vmul.f32 v17, v6;
	v16 =	vmul.f32 v16, v6  }
0x175: {  	v21 =	vmul.f32 v21, v7;
	v55 =	vmul.f32 v22, v12;
	v20 =	vadd.f32 v20, v53  }
0x176: {  	v56 =	vmul.f32 v19, v13;
	v22 =	vmul.f32 v22, v8;
	v16 =	vadd.f32 v52, v16  }
0x177: {  	v19 =	vmul.f32 v19, v9;
	v25 =	vadd.f32 v29, v51;
	v18 =	vadd.f32 v18, v20  }
0x178: {  	v17 =	vadd.f32 v21, v17;
	v21 =	vmax.f32 v54, $0.0e+00;
	v16 =	vadd.f32 v49, v16  }
0x179: {  	v57 =	vmul.f32 v21, v13;
	v24 =	vadd.f32 v55, v25;
	v18 =	vadd.f32 v56, v18  }
0x17a: {  	v58 =	vmul.f32 v21, v9;
	v17 =	vadd.f32 v22, v17  }
0x17b: {  	v59 =	vadd.f32 v57, v24;
	v16 =	vadd.f32 v19, v16;
	v60 =	vperm.xlane v18, v0  }
0x17c: {  	v17 =	vadd.f32 v58, v17  }
0x17d: {  	v61 =	vperm.xlane v59, v0;
	v62 =	vperm.xlane v16, v0;
	v18 =	vadd.f32 v18, v60  }
0x17e: {  	v20 =	vperm.xlane v17, v0  }
0x17f: {  	v63 =	vadd.f32 v59, v61;
	v16 =	vadd.f32 v16, v62;
	v18 =	vperm.xlane v18, v0;
	_ =	sdelay $0x1  }
0x180: {  	v17 =	vadd.f32 v17, v20;
	v19 =	vperm.xlane v63, v0;
	v16 =	vsel vm0, v16, v18  }
0x181: {  	v18 =	vperm.xlane v16, v4  }
0x182: {  	v17 =	vsel vm0, v17, v19  }
0x183: {  	v19 =	vperm.xlane v17, v4;
	v16 =	vadd.f32 v16, v18;
	_ =	sdelay $0x1  }
0x184: {  	v17 =	vadd.f32 v17, v19;
	v16 =	vperm.xlane v16, v4;
	_ =	sdelay $0x1  }
0x185: {  	v16 =	vsel vm1, v17, v16  }
0x186: {  	v17 =	vperm.xlane v16, v1;
	_ =	sdelay $0x1  }
0x187: {  	v16 =	vadd.f32 v17, v16;
	_ =	sdelay $0x1  }
0x188: {  	v17 =	vperm.xlane v16, v3  }
0x189: {  	v15 =	vor.u32 v2, v15  }
0x18a: {  	v16 =	vadd.f32 v17, v16  }
.Ltmp6:
0x18b: {  	_ = 	snop;
	(pc) =	sbr.rel .LBB2_2-.Ltmp6, $4  }
0x18c: {  	s1 =	sadd.s32 s11, s1;
	v16 =	vadd.f32 v16, v14  }
0x18d: {  	s1 =	sshll.u32 s1, $0x4  }
0x18e: {  	s3 =	sadd.s32 $0x1, s3;
	s1 =	sadd.s32 s7, s1;
	[tilespmem:v15+s29+$0x0] =	vst.idx.msk vm2, v16  }
0x18f: {  	[hbm4b:s1+s2] =	stream.linear.scatter [tilespmem:s29], [sflag:$0x2], $0x2800, $0x38;
	[tilespmem:$0x1E980] =	vst v63  }
.LBB2_11:
0x190: {  	_ =	sfence.sel $0x180000  }
0x191: {  	[bflag:$0x0] =	sbarrier.arrive $0xFFFF  }
0x192: {  	_ =	strace $0x9000004D  }
0x193: {  	s0 =	stileid.u32;
	[bflag:$0x2] =	sbarrier.arrive $0xFFFF  }
0x194: {  	p0 =	sne.s32 s0, $0x0;
	s0 =	rddreg [dreg:$0x2]  }
0x195: {  	s0 =	sadd.s32 @!p0 $0x100000, s0  }
0x196: {  	[sflag:s0] =	ssyncadd.tile.s32 @!p0 $0x1;
	_ =	shalt  }
.Lfunc_end2:
_tile_overlayer_lowered:
.L_overlay_start_2:
0x197: {  	(tag) =	ssettag $0x2  }
0x198: {  	s0 =	rddreg [dreg:$0x0];
	s2 =	stileid.u32  }
0x199: {  	s1 =	rddreg [dreg:$0x1];
	p0 =	sne.s32 s2, $0x0  }
0x19a: {  	s3 =	rddreg [dreg:$0x2];
	[bflag:$0x3] =	sbarrier.arrive $0xFFFF;
	s2 =	simm.s32 @!p0 $0x1C03  }
0x19b: {  	[timem:s3], [sflag:s2] =	dma.local @!p0 [hbm:s0], s1  }
0x19c: {  	s0 =	simm.s32 @!p0 $0x3  }
0x19d: {  	_ =	swait.ge @!p0 [sflag:s0], s1  }
0x19e: {  	s1 =	ssub.s32 @!p0 $0x0, s1;
	[sflag:s0] =	ssyncset.done @!p0 $0x0  }
0x19f: {  	[sflag:s0] =	ssyncadd.s32 @!p0 s1  }
0x1a0: {  	[bflag:$0x3] =	sbarrier.arrive $0xFFFF  }
0x1a1: {  	_ =	shalt  }

// kernel: kernel.8.cloned.1.call-start
scs
__scs_entry_jumppad:
0x0: {  	(pc) =	sbr.rel $0x88, $3  }
0x1: {  	(tag) =	ssettag $0x0;
	lr =	simm.s32 $0x1  }
0x2: {  	[smem:$0x3F95] =	sst lr;
	_ =	strace $0xD0000000  }
0x3: {  	_ = 	snop  }
0x4: {  	_ = 	snop  }
0x5: {  	_ = 	snop  }
0x6: {  	_ = 	snop  }
0x7: {  	_ = 	snop  }
__scs_overlays_trampoline_lowered:
0x8: {  	[smem:$0x3FA4] =	sst s0  }
0x9: {  	[smem:$0x3FA5] =	sst s1  }
0xa: {  	[smem:$0x3FA6] =	sst s2  }
0xb: {  	[smem:$0x3FA7] =	sst s3  }
0xc: {  	[smem:$0x3FA8] =	sst s4  }
0xd: {  	[smem:$0x3FA9] =	sst s5  }
0xe: {  	[smem:$0x3FAA] =	sst s6  }
0xf: {  	[smem:$0x3FAB] =	sst s7  }
0x10: {  	[smem:$0x3FAC] =	sst s8  }
0x11: {  	[smem:$0x3FAD] =	sst s9;
	s0 =	simm.s32 @!p0 $0x0  }
0x12: {  	s1 =	sld [smem:$0x3F93];
	s0 =	simm.s32 @p0 $0x1  }
0x13: {  	[smem:$0x3FAE] =	sst s0;
	s0 =	simm.s32 @!p1 $0x0  }
0x14: {  	s2 =	sld [smem:$0x3F92];
	s0 =	simm.s32 @p1 $0x1  }
0x15: {  	[smem:$0x3FAF] =	sst s0;
	s0 =	simm.s32 @!p2 $0x0  }
0x16: {  	s3 =	sld [smem:$0x3FDB];
	s0 =	simm.s32 @p2 $0x1  }
0x17: {  	s4 =	simm.s32 $0x1BF5;
	[smem:$0x3FB1] =	sst s0  }
0x18: {  	s0 =	sld [smem:$0x3F94];
	_ =	swait.ge [sflag:s4], $0x0  }
0x19: {  	s7 =	sld [smem:$0x3F95]  }
0x1a: {  	s8 =	sadd.s32 $0xFFFFE003, lr  }
0x1b: {  	s9 =	sadd.s32 $0xFFFFFEF7, lr;
	s5 =	simm.s32 $0xFFFFFFFF;
	p2 =	slt.u32 s8, $0xFFFFF086  }
0x1c: {  	p1 =	slt.u32 s9, $0xF7A;
	s5 =	simm.s32 @!p2 $0x0  }
0x1d: {  	s5 =	simm.s32 @p1 $0x1;
	p0 =	seq.s32 s7, s2  }
0x1e: {  	s7 =	smul.u32 @!p0 $0xF7A, s2;
	p2 =	seq.s32 @!p0 s5, $0x0  }
0x1f: {  	s9 =	smul.u32 $0xF7A, s1;
	s8 =	simm.s32 @!p0 $0x1BF5;
	p2 =	por !p2, p0  }
0x20: {  	[sflag:s8] =	ssyncset.s32 @!p0 $0xFFFFF086;
	s6 =	sadd.s32 @!p0 s3, s7;
	s7 =	simm.s32 @!p0 $0x108  }
0x21: {  	s3 =	sadd.s32 s3, s9;
	s6 =	sadd.s32 @!p0 $0x88, s6;
	s7 =	simm.s32 @p2 $0x1082  }
0x22: {  	[simem:s7], [sflag:s8] =	dma.local @!p0 [hbm:s6], $0xF7A  }
0x23: {  	s9 =	sor.u32 $0xD0000000, s2;
	s6 =	simm.s32 $0x108;
	_ =	swait.ge @!p0 [sflag:s8], $0x0  }
0x24: {  	s3 =	sadd.s32 $0x88, s3;
	s6 =	simm.s32 @!p1 $0x1082;
	[sflag:s4] =	ssyncset.s32 $0xFFFFF086  }
0x25: {  	[simem:s6], [sflag:s4] =	dma.local [hbm:s3], $0xF7A  }
0x26: {  	[smem:$0x3F95] =	sst s1;
	(tag) =	ssettag s2;
	_ =	strace s9  }
0x27: {  	s1 =	sld [smem:$0x3FA5]  }
0x28: {  	s2 =	sld [smem:$0x3FA6]  }
0x29: {  	s4 =	sld [smem:$0x3FA8]  }
0x2a: {  	p0 =	seq.s32 s5, $0x0;
	s5 =	sld [smem:$0x3FA9]  }
0x2b: {  	s6 =	sld [smem:$0x3FAA]  }
0x2c: {  	s7 =	sld [smem:$0x3FAB]  }
0x2d: {  	s3 =	simm.s32 $0x108;
	s8 =	sld [smem:$0x3FAC]  }
0x2e: {  	s3 =	simm.s32 @!p0 $0x1082;
	s9 =	sld [smem:$0x3FAD]  }
0x2f: {  	lr =	sadd.s32 s0, s3;
	s0 =	sld [smem:$0x3FA4]  }
0x30: {  	s3 =	sld [smem:$0x3FA7]  }
0x31: {  	[smem:$0x3FB0] =	sst s10  }
0x32: {  	s10 =	sld [smem:$0x3FAE];
	_ =	sdelay $0x3  }
0x33: {  	p0 =	seq.s32 s10, $0x1;
	s10 =	sld [smem:$0x3FB0];
	_ =	sdelay $0x3  }
0x34: {  	[smem:$0x3FB0] =	sst s10  }
0x35: {  	s10 =	sld [smem:$0x3FAF];
	_ =	sdelay $0x3  }
0x36: {  	p1 =	seq.s32 s10, $0x1;
	s10 =	sld [smem:$0x3FB0];
	_ =	sdelay $0x3  }
0x37: {  	[smem:$0x3FB0] =	sst s10  }
0x38: {  	s10 =	sld [smem:$0x3FB1]  }
0x39: {  	_ = 	snop;
	(pc) =	sbr.ind lr, $3  }
0x3a: {  	_ = 	snop  }
0x3b: {  	_ = 	snop  }
0x3c: {  	p2 =	seq.s32 s10, $0x1;
	s10 =	sld [smem:$0x3FB0]  }
0x3d: {  	_ =	shalt  }
0x3e: {  	_ =	shalt  }
0x3f: {  	_ =	shalt  }
0x40: {  	_ =	shalt  }
0x41: {  	_ =	shalt  }
0x42: {  	_ =	shalt  }
0x43: {  	_ =	shalt  }
0x44: {  	_ =	shalt  }
0x45: {  	_ =	shalt  }
0x46: {  	_ =	shalt  }
0x47: {  	_ =	shalt  }
0x48: {  	_ =	shalt  }
0x49: {  	_ =	shalt  }
0x4a: {  	_ =	shalt  }
0x4b: {  	_ =	shalt  }
0x4c: {  	_ =	shalt  }
0x4d: {  	_ =	shalt  }
0x4e: {  	_ =	shalt  }
0x4f: {  	_ =	shalt  }
0x50: {  	_ =	shalt  }
0x51: {  	_ =	shalt  }
0x52: {  	_ =	shalt  }
0x53: {  	_ =	shalt  }
0x54: {  	_ =	shalt  }
0x55: {  	_ =	shalt  }
0x56: {  	_ =	shalt  }
0x57: {  	_ =	shalt  }
0x58: {  	_ =	shalt  }
0x59: {  	_ =	shalt  }
0x5a: {  	_ =	shalt  }
0x5b: {  	_ =	shalt  }
0x5c: {  	_ =	shalt  }
0x5d: {  	_ =	shalt  }
0x5e: {  	_ =	shalt  }
0x5f: {  	_ =	shalt  }
0x60: {  	_ =	shalt  }
0x61: {  	_ =	shalt  }
0x62: {  	_ =	shalt  }
0x63: {  	_ =	shalt  }
0x64: {  	_ =	shalt  }
0x65: {  	_ =	shalt  }
0x66: {  	_ =	shalt  }
0x67: {  	_ =	shalt  }
0x68: {  	_ =	shalt  }
0x69: {  	_ =	shalt  }
0x6a: {  	_ =	shalt  }
0x6b: {  	_ =	shalt  }
0x6c: {  	_ =	shalt  }
0x6d: {  	_ =	shalt  }
0x6e: {  	_ =	shalt  }
0x6f: {  	_ =	shalt  }
0x70: {  	_ =	shalt  }
0x71: {  	_ =	shalt  }
0x72: {  	_ =	shalt  }
0x73: {  	_ =	shalt  }
0x74: {  	_ =	shalt  }
0x75: {  	_ =	shalt  }
0x76: {  	_ =	shalt  }
0x77: {  	_ =	shalt  }
0x78: {  	_ =	shalt  }
0x79: {  	_ =	shalt  }
0x7a: {  	_ =	shalt  }
0x7b: {  	_ =	shalt  }
0x7c: {  	_ =	shalt  }
0x7d: {  	_ =	shalt  }
0x7e: {  	_ =	shalt  }
0x7f: {  	_ =	shalt  }
0x80: {  	_ =	shalt  }
0x81: {  	_ =	shalt  }
0x82: {  	_ =	shalt  }
0x83: {  	_ =	shalt  }
0x84: {  	_ =	shalt  }
0x85: {  	_ =	shalt  }
0x86: {  	_ =	shalt  }
0x87: {  	_ =	shalt  }
.Lfunc_end0:
.L_simem_size_0:
called_computation_lowered:
.L_overlay_start_0:
0x88: {  	s2 =	sld [smem:$0x3FD9]  }
0x89: {  	s3 =	sld [smem:$0x3FFE];
	_ =	sdelay $0x1  }
0x8a: {  	s1 =	srdreg.scid  }
0x8b: {  	s0 =	sand.u32 $0x1, s1  }
0x8c: {  	s16 =	sshll.u32 s0, $0xA;
	s2 =	sadd.s32 s3, s2  }
0x8d: {  	s2 =	sadd.s32 s2, s16  }
0x8e: {  	[smem:$0x3FBC] =	sst s2  }
0x8f: {  	_ = 	snop  }
0x90: {  	(tm) =	ssettm $0x1  }
0x91: {  	s17 =	sld [smem:$0x3FFB];
	_ =	sdelay $0x3  }
0x92: {  	_ =	strace s17  }
0x93: {  	s2 =	sld [smem:$0x3FFC];
	_ =	sdelay $0x3  }
0x94: {  	_ =	strace s2  }
0x95: {  	s2 =	sld [smem:$0x3FFD];
	_ =	sdelay $0x3  }
0x96: {  	_ =	strace s2  }
0x97: {  	_ =	strace $0x8FFFFFFF  }
0x98: {  	s18 =	sld [smem:$0x3FDB];
	_ =	sdelay $0x1  }
0x99: {  	s19 =	simm.s32 $_scs_section_size  }
0x9a: {  	s4 =	simm.s32 $_size__tile_overlayer_lowered;
	s5 =	simm.s32 $_tile_overlayer_lowered  }
0x9b: {  	s22 =	simm.s32 $0x1BFF;
	s21 =	sshll.u32 s5, $0x1;
	s2 =	sadd.s32 s19, s18  }
0x9c: {  	s6 =	simm.s32 $0x0;
	s20 =	sshll.u32 s4, $0x1;
	s4 =	sadd.s32 s21, s2  }
0x9d: {  	[timem:s6], [sflag:s22] =	dma.local [hbm:s4], s20  }
0x9e: {  	_ =	swait.ge [sflag:s22], s20  }
0x9f: {  	s3 =	ssub.s32 $0x0, s20;
	[sflag:s22] =	ssyncset.done $0x0  }
0xa0: {  	[sflag:s22] =	ssyncadd.s32 s3;
	_ =	sdelay $0x1  }
0xa1: {  	s23 =	simm.s32 $0x1B8B  }
0xa2: {  	_ =	swait.ge [sflag:s23], $0x1  }
0xa3: {  	[sflag:s23] =	ssyncset.done $0x0  }
0xa4: {  	s25 =	simm.s32 $0x1B8E;
	s24 =	sld [smem:$0x3FFE];
	[sflag:s23] =	ssyncadd.s32 $0xFFFFFFFF  }
0xa5: {  	s26 =	simm.s32 $execute0_lowered;
	[smem:$0x3FD2] =	sst s25  }
0xa6: {  	s4 =	sshll.u32 s26, $0x1;
	_ =	strace $0x80000046;
	[dreg:$0x1] =	wrdreg $0xFFFFFFFF  }
0xa7: {  	s28 =	simm.s32 $_size_execute0_lowered;
	s2 =	sadd.s32 s2, s4;
	[dreg:$0x0] =	wrdreg $0x0  }
0xa8: {  	s4 =	sshll.u32 s28, $0x1;
	[dreg:$0x2] =	wrdreg s2  }
0xa9: {  	[dreg:$0x3] =	wrdreg s4  }
0xaa: {  	[dreg:$0x4] =	wrdreg $0xC0  }
0xab: {  	_ =	task [dreg:s6], $0x5FFFF  }
0xac: {  	[dreg:$0x1] =	wrdreg $0xFFFFFFFF  }
0xad: {  	[dreg:$0x0] =	wrdreg $0x60  }
0xae: {  	[dreg:$0x2] =	wrdreg s24  }
0xaf: {  	[dreg:$0x3] =	wrdreg $0xC1200  }
0xb0: {  	[dreg:$0x4] =	wrdreg $0x9  }
0xb1: {  	_ =	task.clear_ibuf [dreg:s6], $0x5FFFF;
	_ =	strace $0x90000046  }
0xb2: {  	s29 =	simm.s32 $0x9;
	_ =	strace $0x80000048  }
0xb3: {  	_ =	swait.ge [sflag:s29], $0x1  }
0xb4: {  	[sflag:s29] =	ssyncadd.s32 $0xFFFFFFFF  }
0xb5: {  	_ =	strace $0x90000048  }
0xb6: {  	_ =	sfence  }
0xb7: {  	s30 =	sld [smem:$0x0];
	_ =	sdelay $0x2  }
0xb8: {  	s31 =	sshll.u32 s1, $0xD;
	s1 =	sshrl.u32 s1, $0x2  }
0xb9: {  	s3 =	sand.u32 $0x4000, s31;
	s1 =	sadd.s32 s1, s30  }
0xba: {  	s0 =	sor.u32 s3, s0;
	s1 =	sshll.u32 s1, $0x11  }
0xbb: {  	s0 =	sor.u32 s1, s0  }
0xbc: {  	s0 =	sadd.s32 $0x8F2B, s0  }
0xbd: {  	[sflag:s0] =	ssyncadd.remote.s32 $0x1  }
0xbe: {  	_ =	sfence.sel $0xFFFF  }
0xbf: {  	[dreg:$0x0] =	wrdreg $0xFFFFFFFF;
	(pc) =	sbr.abs _section_cstart, $3  }
0xc0: {  	[dreg:$0x1] =	wrdreg $0xFFFFFFFF  }
0xc1: {  	_ =	task.clear_ibuf [dreg:s6], $0x2FFFF;
	_ =	strace $0x9FFFFFFF  }
0xc2: {  	(tm) =	ssettm $0x7FFFFFFF  }
0xc3: {  	_ =	shalt  }
tec
execute0_lowered:
.L_overlay_start_1:
0x0: {  	(tag) =	ssettag $0x1  }
0x1: {  	s0 =	rddreg [dreg:$0x0]  }
0x2: {  	s2 =	rddreg [dreg:$0x1]  }
0x3: {  	s1 =	srdreg.scid;
	s8 =	stileid.u32  }
0x4: {  	s3 =	simm.s32 $0x0;
	s14 =	simm.s32 $0x2710;
	s15 =	simm.s32 $0x9920  }
0x5: {  	s16 =	simm.s32 $0x4;
	s17 =	simm.s32 $0x1;
	s18 =	simm.s32 $0x50  }
0x6: {  	s19 =	simm.s32 $0x4E20;
	s20 =	simm.s32 $0x6720;
	s21 =	simm.s32 $0x2  }
0x7: {  	s23 =	simm.s32 $0x8020;
	s24 =	simm.s32 $0x3;
	s29 =	simm.s32 $0x27B0  }
0x8: {  	s30 =	simm.s32 $0x0;
	s1 =	sand.u32 $0x1, s1;
	s7 =	smul.u32 $0xC800, s8  }
0x9: {  	[smem:$0x7FF] =	sst s3;
	s4 =	sshll.u32 s1, $0x4;
	s5 =	smul.u32 $0xC8000, s1  }
0xa: {  	s1 =	ssub.s32 $0x2, s1;
	s4 =	sor.u32 s8, s4;
	s8 =	smul.u32 $0x32000, s8  }
0xb: {  	_ =	strace $0x80000047;
	s31 =	sshrl.u32 s1, $0x1;
	s6 =	smul.u32 $0x4E2, s4  }
0xc: {  	s4 =	sadd.s32 $0x15A00, s0;
	s5 =	sadd.s32 s7, s5;
	s1 =	ssub.s32 s1, s31  }
.Ltmp0:
0xd: {  	s7 =	sadd.s32 s7, s2;
	s5 =	sshrl.u32 s5, $0x3;
	(pc) =	sbr.rel .LBB2_1-.Ltmp0, $4  }
0xe: {  	s8 =	sshrl.u32 s8, $0x2;
	s13 =	smax.u32 s1, $0x1;
	s6 =	sadd.s32 s6, s0  }
0xf: {  	s0 =	sadd.s32 s5, s0;
	s11 =	sadd.s32 s8, s2;
	s5 =	sadd.s32 $0xBC00, s6  }
0x10: {  	s6 =	sadd.s32 $0x1E00, s6;
	s8 =	sadd.s32 $0x2800, s11;
	s9 =	sadd.s32 $0x5000, s11  }
0x11: {  	v0 =	vimm.f32 $0.0e+00;
	s10 =	sadd.s32 $0x7800, s11;
	s11 =	sadd.s32 $0xA000, s11;
	s12 =	sadd.s32 $0x2E200, s0  }
.LBB2_6:
0x12: {  	[spmem:s2] =	stream.indirect.scatter.add.f32 [tilespmem:s20], [sflag:$0x3], $0x50, s1, s18, $0xb8;
	[tilespmem:$0x18920] =	vst v63  }
0x13: {  	s0 =	stileid.u32;
	_ =	swait.ge [sflag:s24], $0x1900  }
0x14: {  	s31 =	sshrl.u32 s7, $0x3;
	s30 =	sadd.s32 $0x1, s30;
	[sflag:s24] =	ssyncset.done $0x0  }
0x15: {  	s0 =	sshll.u32 s0, $0x6;
	p0 =	sne.s32 s30, s13;
	[sflag:s24] =	ssyncadd.s32 $0xFFFFE700  }
.Ltmp1:
0x16: {  	s0 =	sor.u32 $0x1C04, s0;
	[bflag:$0x0] =	sbarrier.arrive $0xFFFF;
	(pc) =	sbr.rel @!p0 .LBB2_7-.Ltmp1, $4  }
0x17: {  	[hbm:s12], [sflag:s0] =	dma.local [spmem:s31], $0x1900  }
0x18: {  	_ =	swait.ge [sflag:s16], $0x1900  }
0x19: {  	[sflag:s16] =	ssyncset.done $0x0  }
0x1a: {  	[sflag:s16] =	ssyncadd.s32 $0xFFFFE700  }
.LBB2_1:
0x1b: {  	[tilespmem:s3], [sflag:$0x1] =	stream.linear.gather [hbm4b:s5+s3], $0x2710, $0x38;
	[tilespmem:$0x18920] =	vst v63  }
0x1c: {  	s0 =	smul.u32 $0xCCCD, s3  }
0x1d: {  	[tilespmem:s14], [sflag:$0x1] =	stream.linear.gather [hbm4b:s6+s3], $0x2710, $0x38;
	[tilespmem:$0x18920] =	vst v63  }
0x1e: {  	s0 =	sshrl.u32 s0, $0x12  }
0x1f: {  	s31 =	simm.s32 $0x1;
	s1 =	simm.s32 $0x0;
	s22 =	smul.u32 $0x5, s0  }
.LBB2_2:
0x20: {  	s25 =	smul.u32 $0xCCCD, s31  }
0x21: {  	s26 =	smov.u32 s31;
	s0 =	smul.u32 $0x140, s0;
	p0 =	sne.s32 s31, $0x27F  }
.Ltmp2:
0x22: {  	s1 =	ssub.s32 s1, s22;
	(pc) =	sbr.rel @p0 .LBB2_2-.Ltmp2, $4  }
0x23: {  	s31 =	sadd.s32 $0x1, s31;
	s1 =	sand.u32 $0xFFFF, s1  }
0x24: {  	s22 =	sshrl.u32 s0, $0x2;
	s28 =	sshll.u32 s1, $0x4;
	s1 =	smov.u32 s26  }
0x25: {  	s0 =	sshrl.u32 s25, $0x12;
	s25 =	sadd.s32 s28, s22  }
0x26: {  	s22 =	smul.u32 $0x5, s0;
	[tilespmem:s25+$0x9920] =	vst v0  }
0x27: {  	_ = 	snop  }
0x28: {  	s0 =	smul.u32 $0x140, s0;
	s1 =	ssub.s32 s1, s22  }
0x29: {  	s1 =	sand.u32 $0xFFFF, s1  }
0x2a: {  	s0 =	sshrl.u32 s0, $0x2;
	s1 =	sshll.u32 s1, $0x4  }
0x2b: {  	s0 =	sadd.s32 s1, s0  }
0x2c: {  	[tilespmem:s0+$0x9920] =	vst v0  }
0x2d: {  	[spmem:s7] =	stream.linear.scatter [tilespmem:s15], [sflag:$0x4], $0x2800, $0x38;
	[tilespmem:$0x18920] =	vst v63  }
0x2e: {  	_ =	swait.ge [sflag:s16], $0x2800  }
0x2f: {  	[sflag:s16] =	ssyncset.done $0x0  }
0x30: {  	[sflag:s16] =	ssyncadd.s32 $0xFFFFD800  }
0x31: {  	[spmem:s8] =	stream.linear.scatter [tilespmem:s15], [sflag:$0x4], $0x2800, $0x38;
	[tilespmem:$0x18920] =	vst v63  }
0x32: {  	_ =	swait.ge [sflag:s16], $0x2800  }
0x33: {  	[sflag:s16] =	ssyncset.done $0x0  }
0x34: {  	[sflag:s16] =	ssyncadd.s32 $0xFFFFD800  }
0x35: {  	[spmem:s9] =	stream.linear.scatter [tilespmem:s15], [sflag:$0x4], $0x2800, $0x38;
	[tilespmem:$0x18920] =	vst v63  }
0x36: {  	_ =	swait.ge [sflag:s16], $0x2800  }
0x37: {  	[sflag:s16] =	ssyncset.done $0x0  }
0x38: {  	[sflag:s16] =	ssyncadd.s32 $0xFFFFD800  }
0x39: {  	[spmem:s10] =	stream.linear.scatter [tilespmem:s15], [sflag:$0x4], $0x2800, $0x38;
	[tilespmem:$0x18920] =	vst v63  }
0x3a: {  	_ =	swait.ge [sflag:s16], $0x2800  }
0x3b: {  	[sflag:s16] =	ssyncset.done $0x0  }
0x3c: {  	[sflag:s16] =	ssyncadd.s32 $0xFFFFD800  }
0x3d: {  	[spmem:s11] =	stream.linear.scatter [tilespmem:s15], [sflag:$0x4], $0x2800, $0x38;
	[tilespmem:$0x18920] =	vst v63  }
0x3e: {  	_ =	swait.ge [sflag:s16], $0x2800  }
0x3f: {  	[sflag:s16] =	ssyncset.done $0x0  }
0x40: {  	[sflag:s16] =	ssyncadd.s32 $0xFFFFD800  }
0x41: {  	_ =	swait.ge [sflag:s17], $0x2710  }
0x42: {  	[sflag:s17] =	ssyncset.done $0x0  }
0x43: {  	[sflag:s17] =	ssyncadd.s32 $0xFFFFD8F0  }
0x44: {  	_ =	swait.ge [sflag:s17], $0x2710  }
0x45: {  	[sflag:s17] =	ssyncset.done $0x0  }
0x46: {  	[sflag:s17] =	ssyncadd.s32 $0xFFFFD8F0  }
0x47: {  	[bflag:$0x0] =	sbarrier.arrive $0xFFFF  }
0x48: {  	[tilespmem:s19], [sflag:$0x2] =	stream.indirect.gather [hbm4b:s4+s18], $0x50, s3, s18, $0xb8;
	[tilespmem:$0x18920] =	vst v63  }
0x49: {  	_ = 	snop  }
0x4a: {  	[tilespmem:s20], [sflag:$0x2] =	stream.indirect.gather [hbm4b:s4+s18], $0x50, s18, s18, $0xb8;
	[tilespmem:$0x18920] =	vst v63  }
0x4b: {  	_ =	swait.ge [sflag:s21], $0x1900  }
0x4c: {  	[sflag:s21] =	ssyncset.done $0x0  }
0x4d: {  	s22 =	simm.s32 $0xA0;
	[sflag:s21] =	ssyncadd.s32 $0xFFFFE700  }
0x4e: {  	[tilespmem:s23], [sflag:$0x2] =	stream.indirect.gather [hbm4b:s4+s18], $0x50, s22, s18, $0xb8;
	[tilespmem:$0x18920] =	vst v63  }
0x4f: {  	_ = 	snop  }
0x50: {  	[spmem:s2] =	stream.indirect.scatter.add.f32 [tilespmem:s19], [sflag:$0x3], $0x50, s14, s18, $0xb8;
	[tilespmem:$0x18920] =	vst v63  }
0x51: {  	_ =	swait.ge [sflag:s21], $0x1900  }
0x52: {  	[sflag:s21] =	ssyncset.done $0x0  }
0x53: {  	[sflag:s21] =	ssyncadd.s32 $0xFFFFE700  }
0x54: {  	_ =	swait.ge [sflag:s24], $0x1900  }
0x55: {  	[sflag:s24] =	ssyncset.done $0x0  }
0x56: {  	s25 =	simm.s32 $0xF0;
	[sflag:s24] =	ssyncadd.s32 $0xFFFFE700  }
0x57: {  	[tilespmem:s19], [sflag:$0x2] =	stream.indirect.gather [hbm4b:s4+s18], $0x50, s25, s18, $0xb8;
	[tilespmem:$0x18920] =	vst v63  }
0x58: {  	s26 =	simm.s32 $0x2760  }
0x59: {  	[spmem:s2] =	stream.indirect.scatter.add.f32 [tilespmem:s20], [sflag:$0x3], $0x50, s26, s18, $0xb8;
	[tilespmem:$0x18920] =	vst v63  }
0x5a: {  	_ =	swait.ge [sflag:s21], $0x1900  }
0x5b: {  	[sflag:s21] =	ssyncset.done $0x0  }
0x5c: {  	[sflag:s21] =	ssyncadd.s32 $0xFFFFE700  }
0x5d: {  	_ =	swait.ge [sflag:s24], $0x1900  }
0x5e: {  	[sflag:s24] =	ssyncset.done $0x0  }
0x5f: {  	s28 =	simm.s32 $0x140;
	[sflag:s24] =	ssyncadd.s32 $0xFFFFE700  }
0x60: {  	[tilespmem:s20], [sflag:$0x2] =	stream.indirect.gather [hbm4b:s4+s18], $0x50, s28, s18, $0xb8;
	[tilespmem:$0x18920] =	vst v63  }
0x61: {  	s31 =	simm.s32 $0x640  }
0x62: {  	[spmem:s2] =	stream.indirect.scatter.add.f32 [tilespmem:s23], [sflag:$0x3], $0x50, s29, s18, $0xb8;
	[tilespmem:$0x18920] =	vst v63  }
.LBB2_4:
0x63: {  	_ =	swait.ge [sflag:s21], $0x1900  }
0x64: {  	[sflag:s21] =	ssyncset.done $0x0  }
0x65: {  	p0 =	seq.s32 s31, $0x9C40;
	[sflag:s21] =	ssyncadd.s32 $0xFFFFE700  }
0x66: {  	s0 =	sadd.s32 @!p0 $0xFFFFFD80, s31;
	s1 =	sshra.s32 @!p0 s31, $0x2;
	_ =	swait.ge [sflag:s24], $0x1900  }
0x67: {  	s22 =	simm.s32 @!p0 $0x50;
	s0 =	simm.s32 @p0 $0x99C0;
	[sflag:s24] =	ssyncset.done $0x0  }
0x68: {  	s25 =	simm.s32 @!p0 $0x8020;
	s0 =	sshra.s32 s0, $0x2;
	[sflag:s24] =	ssyncadd.s32 $0xFFFFE700  }
0x69: {  	[tilespmem:s25], [sflag:$0x2] =	stream.indirect.gather @!p0 [hbm4b:s4+s22], $0x50, s1, s22, $0xb8;
	[tilespmem:$0x18920] =	vst v63  }
0x6a: {  	s28 =	sadd.s32 $0x2710, s0  }
0x6b: {  	[spmem:s2] =	stream.indirect.scatter.add.f32 [tilespmem:s19], [sflag:$0x3], $0x50, s28, s18, $0xb8;
	[tilespmem:$0x18920] =	vst v63  }
0x6c: {  	_ =	swait.ge [sflag:s21], $0x1900  }
.Ltmp3:
0x6d: {  	[sflag:s21] =	ssyncset.done $0x0;
	(pc) =	sbr.rel @p0 .LBB2_6-.Ltmp3, $4  }
0x6e: {  	[sflag:s21] =	ssyncadd.s32 $0xFFFFE700  }
0x6f: {  	_ =	swait.ge [sflag:s24], $0x1900  }
0x70: {  	[sflag:s24] =	ssyncset.done $0x0  }
0x71: {  	s1 =	sadd.s32 $0x2760, s0;
	[sflag:s24] =	ssyncadd.s32 $0xFFFFE700  }
0x72: {  	s22 =	sadd.s32 $0xF0, s0  }
0x73: {  	[tilespmem:s19], [sflag:$0x2] =	stream.indirect.gather [hbm4b:s4+s18], $0x50, s22, s18, $0xb8;
	[tilespmem:$0x18920] =	vst v63  }
0x74: {  	_ = 	snop  }
0x75: {  	[spmem:s2] =	stream.indirect.scatter.add.f32 [tilespmem:s20], [sflag:$0x3], $0x50, s1, s18, $0xb8;
	[tilespmem:$0x18920] =	vst v63  }
0x76: {  	_ =	swait.ge [sflag:s21], $0x1900  }
0x77: {  	[sflag:s21] =	ssyncset.done $0x0  }
0x78: {  	[sflag:s21] =	ssyncadd.s32 $0xFFFFE700  }
0x79: {  	_ =	swait.ge [sflag:s24], $0x1900  }
.Ltmp4:
0x7a: {  	[sflag:s24] =	ssyncset.done $0x0;
	(pc) =	sbr.rel .LBB2_4-.Ltmp4, $4  }
0x7b: {  	s26 =	sadd.s32 $0x140, s0;
	[sflag:s24] =	ssyncadd.s32 $0xFFFFE700  }
0x7c: {  	[tilespmem:s20], [sflag:$0x2] =	stream.indirect.gather [hbm4b:s4+s18], $0x50, s26, s18, $0xb8;
	[tilespmem:$0x18920] =	vst v63  }
0x7d: {  	s28 =	sadd.s32 $0x27B0, s0;
	s31 =	sadd.s32 $0x3C0, s31  }
0x7e: {  	[spmem:s2] =	stream.indirect.scatter.add.f32 [tilespmem:s23], [sflag:$0x3], $0x50, s28, s18, $0xb8;
	[tilespmem:$0x18920] =	vst v63  }
.LBB2_7:
0x7f: {  	_ =	sfence.sel $0x180000  }
0x80: {  	[bflag:$0x0] =	sbarrier.arrive $0xFFFF  }
0x81: {  	_ =	strace $0x90000047  }
0x82: {  	s0 =	stileid.u32;
	[bflag:$0x2] =	sbarrier.arrive $0xFFFF  }
0x83: {  	p0 =	sne.s32 s0, $0x0;
	s0 =	rddreg [dreg:$0x2]  }
0x84: {  	s0 =	sadd.s32 @!p0 $0x100000, s0  }
0x85: {  	[sflag:s0] =	ssyncadd.tile.s32 @!p0 $0x1;
	_ =	shalt  }
.Lfunc_end2:
_tile_overlayer_lowered:
.L_overlay_start_2:
0x86: {  	(tag) =	ssettag $0x2  }
0x87: {  	s0 =	rddreg [dreg:$0x0];
	s2 =	stileid.u32  }
0x88: {  	s1 =	rddreg [dreg:$0x1];
	p0 =	sne.s32 s2, $0x0  }
0x89: {  	s3 =	rddreg [dreg:$0x2];
	[bflag:$0x3] =	sbarrier.arrive $0xFFFF;
	s2 =	simm.s32 @!p0 $0x1C04  }
0x8a: {  	[timem:s3], [sflag:s2] =	dma.local @!p0 [hbm:s0], s1  }
0x8b: {  	s0 =	simm.s32 @!p0 $0x4  }
0x8c: {  	_ =	swait.ge @!p0 [sflag:s0], s1  }
0x8d: {  	s1 =	ssub.s32 @!p0 $0x0, s1;
	[sflag:s0] =	ssyncset.done @!p0 $0x0  }
0x8e: {  	[sflag:s0] =	ssyncadd.s32 @!p0 s1  }
0x8f: {  	[bflag:$0x3] =	sbarrier.arrive $0xFFFF  }
0x90: {  	_ =	shalt  }

</sc_bundles>
